<compile_context>
chip_gen: v7x
topology: tpu7x:2x2x1
jax: 0.10.2.dev20260603
libtpu: 0.0.44.dev20260713+nightly
codegen_flags: <defaults>
</compile_context>

<pallas_src>
import jax
import jax.numpy as jnp
from jax import lax
from jax.experimental import pallas as pl
from jax.experimental.pallas import tpu as pltpu
from jax.experimental.pallas import tpu_sc as plsc

N = 10000
E = 320000
D = 128
HD = D // 2
G = 64
C = 10

NT = 16
EPT = E // NT
K = 125
CH = EPT // K
HCH = CH // 2
NPAD = 10240
RPT = NPAD // NT
ZR = 32

BM = 1000


def _agg_body(with_deg):
    def body(table, edges_hbm, *refs):
        if with_deg:
            (out_acc, out_deg, src_v, dst_v, rows_v, zbuf, acc_sh, sems_g,
             sems_s, ones_v, zdeg, deg_sh) = refs
        else:
            (out_acc, src_v, dst_v, rows_v, zbuf, acc_sh, sems_g,
             sems_s) = refs
        cid = lax.axis_index("c")
        sid = lax.axis_index("s")

        pltpu.sync_copy(edges_hbm.at[0, sid], src_v)
        pltpu.sync_copy(edges_hbm.at[1, sid], dst_v)

        def fill(i, _):
            for j in range(HD // 16):
                zbuf[i, pl.ds(j * 16, 16)] = jnp.zeros((16,), jnp.float32)
            return 0
        lax.fori_loop(0, ZR, fill, 0)
        if with_deg:
            def fill1(i, _):
                zdeg[i, pl.ds(0, 16)] = jnp.zeros((16,), jnp.float32)
                return 0
            lax.fori_loop(0, ZR, fill1, 0)
            def fillo(i, _):
                ones_v[i, pl.ds(0, 16)] = jnp.ones((16,), jnp.float32)
                return 0
            lax.fori_loop(0, K, fillo, 0)

        for j in range(RPT // ZR):
            rows = pl.ds(sid * RPT + j * ZR, ZR)
            pltpu.sync_copy(zbuf, acc_sh.at[rows])
            if with_deg:
                pltpu.sync_copy(zdeg, deg_sh.at[rows])
        plsc.subcore_barrier()

        for b in range(2):
            pltpu.async_copy(table.at[cid].at[src_v.at[b]], rows_v.at[b],
                             sems_g.at[b])

        def chunk(c, _):
            for b in range(4):
                g = 4 * c + b
                if with_deg:
                    @pl.when(g // HCH == cid)
                    def _():
                        pltpu.sync_copy(ones_v, deg_sh.at[dst_v.at[g]],
                                        add=True)
                pltpu.make_async_copy(table.at[cid].at[src_v.at[g]],
                                      rows_v.at[b], sems_g.at[b]).wait()
                pltpu.async_copy(rows_v.at[b], acc_sh.at[dst_v.at[g]],
                                 sems_s.at[b], add=True)
                nxt = g + 2
                bn = (b + 2) % 4

                @pl.when(nxt < CH)
                def _():
                    @pl.when(g >= 2)
                    def _():
                        pltpu.make_async_copy(rows_v.at[bn],
                                              acc_sh.at[dst_v.at[g]],
                                              sems_s.at[bn]).wait()
                    pltpu.async_copy(table.at[cid].at[src_v.at[nxt]],
                                     rows_v.at[bn], sems_g.at[bn])
            return 0
        lax.fori_loop(0, CH // 4, chunk, 0)
        for b in range(4):
            pltpu.make_async_copy(rows_v.at[b], acc_sh.at[dst_v.at[b]],
                                  sems_s.at[b]).wait()
        plsc.subcore_barrier()

        rows = pl.ds(sid * RPT, RPT)
        pltpu.sync_copy(acc_sh.at[rows], out_acc.at[cid, rows])
        if with_deg:
            pltpu.sync_copy(deg_sh.at[rows], out_deg.at[cid, rows])
    return body


def _make_agg(with_deg):
    mesh = plsc.VectorSubcoreMesh(core_axis_name="c", subcore_axis_name="s")
    acc_t = jax.ShapeDtypeStruct((2, NPAD, HD), jnp.float32)
    out_type = acc_t
    scratch = [
        pltpu.VMEM((CH, K), jnp.int32),
        pltpu.VMEM((CH, K), jnp.int32),
        pltpu.VMEM((4, K, HD), jnp.float32),
        pltpu.VMEM((ZR, HD), jnp.float32),
        pltpu.VMEM_SHARED((NPAD, HD), jnp.float32),
        pltpu.SemaphoreType.DMA((4,)),
        pltpu.SemaphoreType.DMA((4,)),
    ]
    if with_deg:
        out_type = [acc_t, jax.ShapeDtypeStruct((2, NPAD, 16), jnp.float32)]
        scratch += [
            pltpu.VMEM((K, 16), jnp.float32),
            pltpu.VMEM((ZR, 16), jnp.float32),
            pltpu.VMEM_SHARED((NPAD, 16), jnp.float32),
        ]
    return pl.kernel(_agg_body(with_deg), out_type=out_type, mesh=mesh,
                     scratch_types=scratch,
                     compiler_params=pltpu.CompilerParams(
                         use_tc_tiling_on_sc=False))


_agg_deg = _make_agg(True)
_agg = _make_agg(False)


def _cp_body(e_ref, o_ref):
    o_ref[...] = e_ref[...]


_cp = pl.pallas_call(
    _cp_body,
    grid=(NT,),
    in_specs=[pl.BlockSpec((2, 1, CH, K), lambda i: (0, i, 0, 0))],
    out_specs=pl.BlockSpec((2, 1, CH, K), lambda i: (0, i, 0, 0)),
    out_shape=jax.ShapeDtypeStruct((2, NT, CH, K), jnp.int32),
)


def _dotT(a, b):
    return lax.dot_general(a, b, (((1,), (1,)), ((), ())),
                           preferred_element_type=jnp.float32)


def _mmT_body(x_ref, w_ref, o_ref):
    o_ref[0] = _dotT(x_ref[...], w_ref[0:HD, :])
    o_ref[1] = _dotT(x_ref[...], w_ref[HD:D, :])


_mmT = pl.pallas_call(
    _mmT_body,
    grid=(N // BM,),
    in_specs=[pl.BlockSpec((BM, D), lambda i: (i, 0)),
              pl.BlockSpec((D, D), lambda i: (0, 0))],
    out_specs=pl.BlockSpec((2, BM, HD), lambda i: (0, i, 0)),
    out_shape=jax.ShapeDtypeStruct((2, N, HD), jnp.float32),
)


def _mid_body(acc_ref, deg_ref, x_ref, wr1_ref, bl1_ref, wl2_ref, wr2_ref,
              xl2_ref, xr2_ref):
    acc = jnp.concatenate([acc_ref[0], acc_ref[1]], axis=1)
    deg = deg_ref[0, :, 0:1] + deg_ref[1, :, 0:1]
    mean = acc / jnp.maximum(deg, 1.0)
    h = jnp.maximum(mean + bl1_ref[...] + _dotT(x_ref[...], wr1_ref[...]), 0.0)
    xl2_ref[0] = _dotT(h, wl2_ref[0:HD, :])
    xl2_ref[1] = _dotT(h, wl2_ref[HD:D, :])
    xr2_ref[...] = _dotT(h, wr2_ref[...])


_mid = pl.pallas_call(
    _mid_body,
    grid=(N // BM,),
    in_specs=[pl.BlockSpec((2, BM, HD), lambda i: (0, i, 0)),
              pl.BlockSpec((2, BM, 16), lambda i: (0, i, 0)),
              pl.BlockSpec((BM, D), lambda i: (i, 0)),
              pl.BlockSpec((D, D), lambda i: (0, 0)),
              pl.BlockSpec((1, D), lambda i: (0, 0)),
              pl.BlockSpec((D, D), lambda i: (0, 0)),
              pl.BlockSpec((D, D), lambda i: (0, 0))],
    out_specs=[pl.BlockSpec((2, BM, HD), lambda i: (0, i, 0)),
               pl.BlockSpec((BM, D), lambda i: (i, 0))],
    out_shape=[jax.ShapeDtypeStruct((2, N, HD), jnp.float32),
               jax.ShapeDtypeStruct((N, D), jnp.float32)],
)


def _head_body(acc_ref, deg_ref, xr2_ref, bl2_ref, batch_ref, wc_ref, bc_ref,
               out_ref, pool_ref):
    i = pl.program_id(0)
    acc = jnp.concatenate([acc_ref[0], acc_ref[1]], axis=1)
    deg = deg_ref[0, :, 0:1] + deg_ref[1, :, 0:1]
    h = jnp.maximum(acc / jnp.maximum(deg, 1.0) + bl2_ref[...] + xr2_ref[...],
                    0.0)
    onehot = (batch_ref[...] ==
              lax.broadcasted_iota(jnp.int32, (BM, G), 1)).astype(jnp.float32)
    part = lax.dot_general(onehot, h, (((0,), (0,)), ((), ())),
                           preferred_element_type=jnp.float32,
                           precision=lax.Precision.HIGHEST)

    @pl.when(i == 0)
    def _():
        pool_ref[...] = part

    @pl.when(i > 0)
    def _():
        pool_ref[...] += part

    @pl.when(i == pl.num_programs(0) - 1)
    def _():
        out_ref[...] = jax.nn.sigmoid(_dotT(pool_ref[...], wc_ref[...])
                                      + bc_ref[...])


_head = pl.pallas_call(
    _head_body,
    grid=(N // BM,),
    in_specs=[pl.BlockSpec((2, BM, HD), lambda i: (0, i, 0)),
              pl.BlockSpec((2, BM, 16), lambda i: (0, i, 0)),
              pl.BlockSpec((BM, D), lambda i: (i, 0)),
              pl.BlockSpec((1, D), lambda i: (0, 0)),
              pl.BlockSpec((BM, 1), lambda i: (i, 0)),
              pl.BlockSpec((C, D), lambda i: (0, 0)),
              pl.BlockSpec((1, C), lambda i: (0, 0))],
    out_specs=pl.BlockSpec((G, C), lambda i: (0, 0)),
    out_shape=jax.ShapeDtypeStruct((G, C), jnp.float32),
    scratch_shapes=[pltpu.VMEM((G, D), jnp.float32)],
)


@jax.jit
def kernel(x, edge_index, batch, Wl1, bl1, Wr1, Wl2, bl2, Wr2, Wc, bc):
    edges = _cp(edge_index.reshape(2, NT, CH, K))

    xl1 = _mmT(x, Wl1)
    acc1, degp = _agg_deg(xl1, edges)
    xl2, xr2 = _mid(acc1, degp, x, Wr1, bl1.reshape(1, D), Wl2, Wr2)
    acc2 = _agg(xl2, edges)
    out = _head(acc2, degp, xr2, bl2.reshape(1, D), batch.reshape(N, 1),
                Wc, bc.reshape(1, C))
    return out

# --- scband reference (transcript-rebuilt; emitter-appended) ---
"""Pipeline reference for scband-gcn-30803505447557 (READ-ONLY COPY).

The authoritative reference and input builder live on the scoring server;
editing this copy changes nothing except your own understanding.
"""

import jax, jax.numpy as jnp
import numpy as np

N = 10000   # n_nodes
E = 320000  # n_edges
D = 128     # in_channels
H = 128     # hidden_channels
C = 10      # out_channels
G = 64      # num graphs in batch


def setup_inputs(seed: int = 0) -> dict:
    key = jax.random.key(seed)
    ks = jax.random.split(key, 12)
    x = jax.random.normal(ks[0], (N, D), dtype=jnp.float32)
    edge_index = jax.random.randint(ks[1], (2, E), 0, N, dtype=jnp.int32)
    batch = jnp.sort(jax.random.randint(ks[2], (N,), 0, G, dtype=jnp.int32))
    # SAGEConv params: lin_l (neighbor aggregate, with bias), lin_r (root, no bias)
    Wl1 = jax.random.normal(ks[3], (H, D), dtype=jnp.float32) * (1.0 / np.sqrt(D))
    bl1 = jnp.zeros((H,), dtype=jnp.float32)
    Wr1 = jax.random.normal(ks[4], (H, D), dtype=jnp.float32) * (1.0 / np.sqrt(D))
    Wl2 = jax.random.normal(ks[5], (H, H), dtype=jnp.float32) * (1.0 / np.sqrt(H))
    bl2 = jnp.zeros((H,), dtype=jnp.float32)
    Wr2 = jax.random.normal(ks[6], (H, H), dtype=jnp.float32) * (1.0 / np.sqrt(H))
    Wc = jax.random.normal(ks[7], (C, H), dtype=jnp.float32) * (1.0 / np.sqrt(H))
    bc = jnp.zeros((C,), dtype=jnp.float32)
    return {"x": x, "edge_index": edge_index, "batch": batch,
            "Wl1": Wl1, "bl1": bl1, "Wr1": Wr1,
            "Wl2": Wl2, "bl2": bl2, "Wr2": Wr2,
            "Wc": Wc, "bc": bc}


def _sage_conv(x, src, dst, Wl, bl, Wr, num_nodes):
    # message = x[src]; mean-aggregate at dst; out = lin_l(mean) + lin_r(x)
    msg = jnp.take(x, src, axis=0)
    agg = jax.ops.segment_sum(msg, dst, num_segments=num_nodes)
    deg = jax.ops.segment_sum(jnp.ones((msg.shape[0],), dtype=x.dtype), dst,
                              num_segments=num_nodes)
    mean = agg / jnp.clip(deg, 1.0, None)[:, None]
    return mean @ Wl.T + bl + x @ Wr.T


def reference(x, edge_index, batch, Wl1, bl1, Wr1, Wl2, bl2, Wr2, Wc, bc):
    src, dst = edge_index[0], edge_index[1]
    h = jax.nn.relu(_sage_conv(x, src, dst, Wl1, bl1, Wr1, N))
    h = jax.nn.relu(_sage_conv(h, src, dst, Wl2, bl2, Wr2, N))
    pooled = jax.ops.segment_sum(h, batch, num_segments=G)  # global_add_pool
    out = jax.nn.sigmoid(pooled @ Wc.T + bc)
    return out

if __name__ == "__main__":
    import jax
    _d = setup_inputs()
    print(jax.jit(kernel)(*tuple(_d.values())))

</pallas_src>

<mosaic_0001>
#map = affine_map<(d0, d1) -> (0, 0, 0)>
#map1 = affine_map<(d0, d1) -> (0, 0, 0, 0)>
module attributes {stable_mosaic.version = 14 : i64} {
  func.func @body(%arg0: i32, %arg1: i32, %arg2: memref<2x10000x64xf32, #tpu.memory_space<hbm>>, %arg3: memref<2x16x160x125xi32, #tpu.memory_space<hbm>>, %arg4: memref<2x10240x64xf32, #tpu.memory_space<hbm>>, %arg5: memref<160x125xi32, #tpu.memory_space<vmem>>, %arg6: memref<160x125xi32, #tpu.memory_space<vmem>>, %arg7: memref<4x125x64xf32, #tpu.memory_space<vmem>>, %arg8: memref<32x64xf32, #tpu.memory_space<vmem>>, %arg9: memref<10240x64xf32, #tpu.memory_space<vmem_shared>>, %arg10: memref<4x!tpu.dma_semaphore, #tpu.memory_space<semaphore_mem>>, %arg11: memref<4x!tpu.dma_semaphore, #tpu.memory_space<semaphore_mem>>) attributes {dimension_semantics = [#tpu.dimension_semantics<core_parallel>, #tpu.dimension_semantics<subcore_parallel>], iteration_bounds = array<i64: 2, 16>, scalar_prefetch = 0 : i64, scratch_operands = 7 : i64, tpu.core_type = #tpu.core_type<sc_vector_subcore>, window_params = [{transform_indices = #map}, {transform_indices = #map1}, {transform_indices = #map}]} {
    %run_scoped3A = arith.constant 0 : i32
    "tpu.region"() ({
      %run_scoped3A_191 = tpu.sem_alloc : memref<!tpu.dma_semaphore, #tpu.memory_space<semaphore_mem>>
      %dma_start3A_192 = arith.constant 0 : i32
      %dma_start3A_193 = arith.constant 0 : i32
      %dma_start3A_194 = tpu.memref_slice %arg3[%run_scoped3A, %arg1, %dma_start3A_192, %dma_start3A_193] : memref<2x16x160x125xi32, #tpu.memory_space<hbm>> -> memref<1x1x160x125xi32, #tpu.memory_space<hbm>>
      %dma_start3A_195 = tpu.memref_squeeze %dma_start3A_194 : memref<1x1x160x125xi32, #tpu.memory_space<hbm>> -> memref<160x125xi32, #tpu.memory_space<hbm>>
      %dma_start3A_196 = arith.constant 0 : i32
      %dma_start3A_197 = arith.constant 0 : i32
      %dma_start3A_198 = tpu.memref_slice %arg3[%run_scoped3A, %arg1, %dma_start3A_196, %dma_start3A_197] : memref<2x16x160x125xi32, #tpu.memory_space<hbm>> -> memref<1x1x160x125xi32, #tpu.memory_space<hbm>>
      %dma_start3A_199 = tpu.memref_squeeze %dma_start3A_198 : memref<1x1x160x125xi32, #tpu.memory_space<hbm>> -> memref<160x125xi32, #tpu.memory_space<hbm>>
      tpu.enqueue_dma source(%dma_start3A_199 : memref<160x125xi32, #tpu.memory_space<hbm>>) target(%arg5 : memref<160x125xi32, #tpu.memory_space<vmem>>) target_semaphore(%run_scoped3A_191 : memref<!tpu.dma_semaphore, #tpu.memory_space<semaphore_mem>>)
      %dma_wait3A_200 = arith.constant 0 : i32
      %dma_wait3A_201 = arith.constant 0 : i32
      %dma_wait3A_202 = tpu.memref_slice %arg3[%run_scoped3A, %arg1, %dma_wait3A_200, %dma_wait3A_201] : memref<2x16x160x125xi32, #tpu.memory_space<hbm>> -> memref<1x1x160x125xi32, #tpu.memory_space<hbm>>
      %dma_wait3A_203 = tpu.memref_squeeze %dma_wait3A_202 : memref<1x1x160x125xi32, #tpu.memory_space<hbm>> -> memref<160x125xi32, #tpu.memory_space<hbm>>
      %dma_wait3A_204 = arith.constant 0 : i32
      %dma_wait3A_205 = arith.constant 0 : i32
      %dma_wait3A_206 = tpu.memref_slice %arg3[%run_scoped3A, %arg1, %dma_wait3A_204, %dma_wait3A_205] : memref<2x16x160x125xi32, #tpu.memory_space<hbm>> -> memref<1x1x160x125xi32, #tpu.memory_space<hbm>>
      %dma_wait3A_207 = tpu.memref_squeeze %dma_wait3A_206 : memref<1x1x160x125xi32, #tpu.memory_space<hbm>> -> memref<160x125xi32, #tpu.memory_space<hbm>>
      tpu.wait_dma2 semaphore(%run_scoped3A_191 : memref<!tpu.dma_semaphore, #tpu.memory_space<semaphore_mem>>) src(%dma_wait3A_207 : memref<160x125xi32, #tpu.memory_space<hbm>>) dst(%arg5 : memref<160x125xi32, #tpu.memory_space<vmem>>)
      tpu.yield
    }) : () -> ()
    %run_scoped3A_0 = arith.constant 1 : i32
    "tpu.region"() ({
      %run_scoped3A_191 = tpu.sem_alloc : memref<!tpu.dma_semaphore, #tpu.memory_space<semaphore_mem>>
      %dma_start3A_192 = arith.constant 0 : i32
      %dma_start3A_193 = arith.constant 0 : i32
      %dma_start3A_194 = tpu.memref_slice %arg3[%run_scoped3A_0, %arg1, %dma_start3A_192, %dma_start3A_193] : memref<2x16x160x125xi32, #tpu.memory_space<hbm>> -> memref<1x1x160x125xi32, #tpu.memory_space<hbm>>
      %dma_start3A_195 = tpu.memref_squeeze %dma_start3A_194 : memref<1x1x160x125xi32, #tpu.memory_space<hbm>> -> memref<160x125xi32, #tpu.memory_space<hbm>>
      %dma_start3A_196 = arith.constant 0 : i32
      %dma_start3A_197 = arith.constant 0 : i32
      %dma_start3A_198 = tpu.memref_slice %arg3[%run_scoped3A_0, %arg1, %dma_start3A_196, %dma_start3A_197] : memref<2x16x160x125xi32, #tpu.memory_space<hbm>> -> memref<1x1x160x125xi32, #tpu.memory_space<hbm>>
      %dma_start3A_199 = tpu.memref_squeeze %dma_start3A_198 : memref<1x1x160x125xi32, #tpu.memory_space<hbm>> -> memref<160x125xi32, #tpu.memory_space<hbm>>
      tpu.enqueue_dma source(%dma_start3A_199 : memref<160x125xi32, #tpu.memory_space<hbm>>) target(%arg6 : memref<160x125xi32, #tpu.memory_space<vmem>>) target_semaphore(%run_scoped3A_191 : memref<!tpu.dma_semaphore, #tpu.memory_space<semaphore_mem>>)
      %dma_wait3A_200 = arith.constant 0 : i32
      %dma_wait3A_201 = arith.constant 0 : i32
      %dma_wait3A_202 = tpu.memref_slice %arg3[%run_scoped3A_0, %arg1, %dma_wait3A_200, %dma_wait3A_201] : memref<2x16x160x125xi32, #tpu.memory_space<hbm>> -> memref<1x1x160x125xi32, #tpu.memory_space<hbm>>
      %dma_wait3A_203 = tpu.memref_squeeze %dma_wait3A_202 : memref<1x1x160x125xi32, #tpu.memory_space<hbm>> -> memref<160x125xi32, #tpu.memory_space<hbm>>
      %dma_wait3A_204 = arith.constant 0 : i32
      %dma_wait3A_205 = arith.constant 0 : i32
      %dma_wait3A_206 = tpu.memref_slice %arg3[%run_scoped3A_0, %arg1, %dma_wait3A_204, %dma_wait3A_205] : memref<2x16x160x125xi32, #tpu.memory_space<hbm>> -> memref<1x1x160x125xi32, #tpu.memory_space<hbm>>
      %dma_wait3A_207 = tpu.memref_squeeze %dma_wait3A_206 : memref<1x1x160x125xi32, #tpu.memory_space<hbm>> -> memref<160x125xi32, #tpu.memory_space<hbm>>
      tpu.wait_dma2 semaphore(%run_scoped3A_191 : memref<!tpu.dma_semaphore, #tpu.memory_space<semaphore_mem>>) src(%dma_wait3A_207 : memref<160x125xi32, #tpu.memory_space<hbm>>) dst(%arg6 : memref<160x125xi32, #tpu.memory_space<vmem>>)
      tpu.yield
    }) : () -> ()
    %scan3A = arith.constant 0 : i32
    %scan3A_1 = arith.constant 0 : i32
    %scan3A_2 = arith.constant 32 : i32
    %scan3A_3 = arith.addi %scan3A_1, %scan3A_2 : i32
    %scan3A_4 = arith.constant 1 : i32
    %scan3A_5 = scf.for %scan3A_191 = %scan3A_1 to %scan3A_3 step %scan3A_4 iter_args(%scan3A_192 = %scan3A) -> (i32)  : i32 {
      %broadcast_in_dim3A = arith.constant 0.000000e+00 : f32
      %broadcast_in_dim3A_193 = vector.broadcast %broadcast_in_dim3A : f32 to vector<16xf32>
      %swap3A = arith.index_cast %scan3A_191 : i32 to index
      %swap3A_194 = arith.constant 0 : index
      %swap3A_195 = tpu.vector_load %arg8[%swap3A, %swap3A_194] {strides = array<i32>} : memref<32x64xf32, #tpu.memory_space<vmem>>, vector<1x16xf32>,
      %swap3A_196 = vector.shape_cast %swap3A_195 : vector<1x16xf32> to vector<16xf32>
      %swap3A_197 = vector.shape_cast %broadcast_in_dim3A_193 : vector<16xf32> to vector<1x16xf32>
      tpu.vector_store %arg8[%swap3A, %swap3A_194], %swap3A_197 {strides = array<i32>} : memref<32x64xf32, #tpu.memory_space<vmem>>, vector<1x16xf32>,
      %broadcast_in_dim3A_198 = arith.constant 0.000000e+00 : f32
      %broadcast_in_dim3A_199 = vector.broadcast %broadcast_in_dim3A_198 : f32 to vector<16xf32>
      %swap3A_200 = arith.index_cast %scan3A_191 : i32 to index
      %swap3A_201 = arith.constant 16 : index
      %swap3A_202 = tpu.vector_load %arg8[%swap3A_200, %swap3A_201] {strides = array<i32>} : memref<32x64xf32, #tpu.memory_space<vmem>>, vector<1x16xf32>,
      %swap3A_203 = vector.shape_cast %swap3A_202 : vector<1x16xf32> to vector<16xf32>
      %swap3A_204 = vector.shape_cast %broadcast_in_dim3A_199 : vector<16xf32> to vector<1x16xf32>
      tpu.vector_store %arg8[%swap3A_200, %swap3A_201], %swap3A_204 {strides = array<i32>} : memref<32x64xf32, #tpu.memory_space<vmem>>, vector<1x16xf32>,
      %broadcast_in_dim3A_205 = arith.constant 0.000000e+00 : f32
      %broadcast_in_dim3A_206 = vector.broadcast %broadcast_in_dim3A_205 : f32 to vector<16xf32>
      %swap3A_207 = arith.index_cast %scan3A_191 : i32 to index
      %swap3A_208 = arith.constant 32 : index
      %swap3A_209 = tpu.vector_load %arg8[%swap3A_207, %swap3A_208] {strides = array<i32>} : memref<32x64xf32, #tpu.memory_space<vmem>>, vector<1x16xf32>,
      %swap3A_210 = vector.shape_cast %swap3A_209 : vector<1x16xf32> to vector<16xf32>
      %swap3A_211 = vector.shape_cast %broadcast_in_dim3A_206 : vector<16xf32> to vector<1x16xf32>
      tpu.vector_store %arg8[%swap3A_207, %swap3A_208], %swap3A_211 {strides = array<i32>} : memref<32x64xf32, #tpu.memory_space<vmem>>, vector<1x16xf32>,
      %broadcast_in_dim3A_212 = arith.constant 0.000000e+00 : f32
      %broadcast_in_dim3A_213 = vector.broadcast %broadcast_in_dim3A_212 : f32 to vector<16xf32>
      %swap3A_214 = arith.index_cast %scan3A_191 : i32 to index
      %swap3A_215 = arith.constant 48 : index
      %swap3A_216 = tpu.vector_load %arg8[%swap3A_214, %swap3A_215] {strides = array<i32>} : memref<32x64xf32, #tpu.memory_space<vmem>>, vector<1x16xf32>,
      %swap3A_217 = vector.shape_cast %swap3A_216 : vector<1x16xf32> to vector<16xf32>
      %swap3A_218 = vector.shape_cast %broadcast_in_dim3A_213 : vector<16xf32> to vector<1x16xf32>
      tpu.vector_store %arg8[%swap3A_214, %swap3A_215], %swap3A_218 {strides = array<i32>} : memref<32x64xf32, #tpu.memory_space<vmem>>, vector<1x16xf32>,
      %scan3A_219 = arith.constant 0 : i32
      scf.yield %scan3A_219 : i32
    }
    %scan3A_6 = arith.constant 32 : i32
    %mul3A = arith.constant 640 : i32
    %mul3A_7 = arith.muli %arg1, %mul3A : i32
    %add3A = arith.constant 0 : i32
    %add3A_8 = arith.addi %mul3A_7, %add3A : i32
    "tpu.region"() ({
      %run_scoped3A_191 = tpu.sem_alloc : memref<!tpu.dma_semaphore, #tpu.memory_space<semaphore_mem>>
      %dma_start3A_192 = arith.constant 0 : i32
      %dma_start3A_193 = tpu.memref_slice %arg9[%add3A_8, %dma_start3A_192] : memref<10240x64xf32, #tpu.memory_space<vmem_shared>> -> memref<32x64xf32, #tpu.memory_space<vmem_shared>>
      %dma_start3A_194 = arith.constant 0 : i32
      %dma_start3A_195 = tpu.memref_slice %arg9[%add3A_8, %dma_start3A_194] : memref<10240x64xf32, #tpu.memory_space<vmem_shared>> -> memref<32x64xf32, #tpu.memory_space<vmem_shared>>
      tpu.enqueue_dma source(%arg8 : memref<32x64xf32, #tpu.memory_space<vmem>>) target(%dma_start3A_195 : memref<32x64xf32, #tpu.memory_space<vmem_shared>>) target_semaphore(%run_scoped3A_191 : memref<!tpu.dma_semaphore, #tpu.memory_space<semaphore_mem>>)
      %dma_wait3A_196 = arith.constant 0 : i32
      %dma_wait3A_197 = tpu.memref_slice %arg9[%add3A_8, %dma_wait3A_196] : memref<10240x64xf32, #tpu.memory_space<vmem_shared>> -> memref<32x64xf32, #tpu.memory_space<vmem_shared>>
      %dma_wait3A_198 = arith.constant 0 : i32
      %dma_wait3A_199 = tpu.memref_slice %arg9[%add3A_8, %dma_wait3A_198] : memref<10240x64xf32, #tpu.memory_space<vmem_shared>> -> memref<32x64xf32, #tpu.memory_space<vmem_shared>>
      tpu.wait_dma2 semaphore(%run_scoped3A_191 : memref<!tpu.dma_semaphore, #tpu.memory_space<semaphore_mem>>) src(%arg8 : memref<32x64xf32, #tpu.memory_space<vmem>>) dst(%dma_wait3A_199 : memref<32x64xf32, #tpu.memory_space<vmem_shared>>)
      tpu.yield
    }) : () -> ()
    %mul3A_9 = arith.constant 640 : i32
    %mul3A_10 = arith.muli %arg1, %mul3A_9 : i32
    %add3A_11 = arith.constant 32 : i32
    %add3A_12 = arith.addi %mul3A_10, %add3A_11 : i32
    "tpu.region"() ({
      %run_scoped3A_191 = tpu.sem_alloc : memref<!tpu.dma_semaphore, #tpu.memory_space<semaphore_mem>>
      %dma_start3A_192 = arith.constant 0 : i32
      %dma_start3A_193 = tpu.memref_slice %arg9[%add3A_12, %dma_start3A_192] : memref<10240x64xf32, #tpu.memory_space<vmem_shared>> -> memref<32x64xf32, #tpu.memory_space<vmem_shared>>
      %dma_start3A_194 = arith.constant 0 : i32
      %dma_start3A_195 = tpu.memref_slice %arg9[%add3A_12, %dma_start3A_194] : memref<10240x64xf32, #tpu.memory_space<vmem_shared>> -> memref<32x64xf32, #tpu.memory_space<vmem_shared>>
      tpu.enqueue_dma source(%arg8 : memref<32x64xf32, #tpu.memory_space<vmem>>) target(%dma_start3A_195 : memref<32x64xf32, #tpu.memory_space<vmem_shared>>) target_semaphore(%run_scoped3A_191 : memref<!tpu.dma_semaphore, #tpu.memory_space<semaphore_mem>>)
      %dma_wait3A_196 = arith.constant 0 : i32
      %dma_wait3A_197 = tpu.memref_slice %arg9[%add3A_12, %dma_wait3A_196] : memref<10240x64xf32, #tpu.memory_space<vmem_shared>> -> memref<32x64xf32, #tpu.memory_space<vmem_shared>>
      %dma_wait3A_198 = arith.constant 0 : i32
      %dma_wait3A_199 = tpu.memref_slice %arg9[%add3A_12, %dma_wait3A_198] : memref<10240x64xf32, #tpu.memory_space<vmem_shared>> -> memref<32x64xf32, #tpu.memory_space<vmem_shared>>
      tpu.wait_dma2 semaphore(%run_scoped3A_191 : memref<!tpu.dma_semaphore, #tpu.memory_space<semaphore_mem>>) src(%arg8 : memref<32x64xf32, #tpu.memory_space<vmem>>) dst(%dma_wait3A_199 : memref<32x64xf32, #tpu.memory_space<vmem_shared>>)
      tpu.yield
    }) : () -> ()
    %mul3A_13 = arith.constant 640 : i32
    %mul3A_14 = arith.muli %arg1, %mul3A_13 : i32
    %add3A_15 = arith.constant 64 : i32
    %add3A_16 = arith.addi %mul3A_14, %add3A_15 : i32
    "tpu.region"() ({
      %run_scoped3A_191 = tpu.sem_alloc : memref<!tpu.dma_semaphore, #tpu.memory_space<semaphore_mem>>
      %dma_start3A_192 = arith.constant 0 : i32
      %dma_start3A_193 = tpu.memref_slice %arg9[%add3A_16, %dma_start3A_192] : memref<10240x64xf32, #tpu.memory_space<vmem_shared>> -> memref<32x64xf32, #tpu.memory_space<vmem_shared>>
      %dma_start3A_194 = arith.constant 0 : i32
      %dma_start3A_195 = tpu.memref_slice %arg9[%add3A_16, %dma_start3A_194] : memref<10240x64xf32, #tpu.memory_space<vmem_shared>> -> memref<32x64xf32, #tpu.memory_space<vmem_shared>>
      tpu.enqueue_dma source(%arg8 : memref<32x64xf32, #tpu.memory_space<vmem>>) target(%dma_start3A_195 : memref<32x64xf32, #tpu.memory_space<vmem_shared>>) target_semaphore(%run_scoped3A_191 : memref<!tpu.dma_semaphore, #tpu.memory_space<semaphore_mem>>)
      %dma_wait3A_196 = arith.constant 0 : i32
      %dma_wait3A_197 = tpu.memref_slice %arg9[%add3A_16, %dma_wait3A_196] : memref<10240x64xf32, #tpu.memory_space<vmem_shared>> -> memref<32x64xf32, #tpu.memory_space<vmem_shared>>
      %dma_wait3A_198 = arith.constant 0 : i32
      %dma_wait3A_199 = tpu.memref_slice %arg9[%add3A_16, %dma_wait3A_198] : memref<10240x64xf32, #tpu.memory_space<vmem_shared>> -> memref<32x64xf32, #tpu.memory_space<vmem_shared>>
      tpu.wait_dma2 semaphore(%run_scoped3A_191 : memref<!tpu.dma_semaphore, #tpu.memory_space<semaphore_mem>>) src(%arg8 : memref<32x64xf32, #tpu.memory_space<vmem>>) dst(%dma_wait3A_199 : memref<32x64xf32, #tpu.memory_space<vmem_shared>>)
      tpu.yield
    }) : () -> ()
    %mul3A_17 = arith.constant 640 : i32
    %mul3A_18 = arith.muli %arg1, %mul3A_17 : i32
    %add3A_19 = arith.constant 96 : i32
    %add3A_20 = arith.addi %mul3A_18, %add3A_19 : i32
    "tpu.region"() ({
      %run_scoped3A_191 = tpu.sem_alloc : memref<!tpu.dma_semaphore, #tpu.memory_space<semaphore_mem>>
      %dma_start3A_192 = arith.constant 0 : i32
      %dma_start3A_193 = tpu.memref_slice %arg9[%add3A_20, %dma_start3A_192] : memref<10240x64xf32, #tpu.memory_space<vmem_shared>> -> memref<32x64xf32, #tpu.memory_space<vmem_shared>>
      %dma_start3A_194 = arith.constant 0 : i32
      %dma_start3A_195 = tpu.memref_slice %arg9[%add3A_20, %dma_start3A_194] : memref<10240x64xf32, #tpu.memory_space<vmem_shared>> -> memref<32x64xf32, #tpu.memory_space<vmem_shared>>
      tpu.enqueue_dma source(%arg8 : memref<32x64xf32, #tpu.memory_space<vmem>>) target(%dma_start3A_195 : memref<32x64xf32, #tpu.memory_space<vmem_shared>>) target_semaphore(%run_scoped3A_191 : memref<!tpu.dma_semaphore, #tpu.memory_space<semaphore_mem>>)
      %dma_wait3A_196 = arith.constant 0 : i32
      %dma_wait3A_197 = tpu.memref_slice %arg9[%add3A_20, %dma_wait3A_196] : memref<10240x64xf32, #tpu.memory_space<vmem_shared>> -> memref<32x64xf32, #tpu.memory_space<vmem_shared>>
      %dma_wait3A_198 = arith.constant 0 : i32
      %dma_wait3A_199 = tpu.memref_slice %arg9[%add3A_20, %dma_wait3A_198] : memref<10240x64xf32, #tpu.memory_space<vmem_shared>> -> memref<32x64xf32, #tpu.memory_space<vmem_shared>>
      tpu.wait_dma2 semaphore(%run_scoped3A_191 : memref<!tpu.dma_semaphore, #tpu.memory_space<semaphore_mem>>) src(%arg8 : memref<32x64xf32, #tpu.memory_space<vmem>>) dst(%dma_wait3A_199 : memref<32x64xf32, #tpu.memory_space<vmem_shared>>)
      tpu.yield
    }) : () -> ()
    %mul3A_21 = arith.constant 640 : i32
    %mul3A_22 = arith.muli %arg1, %mul3A_21 : i32
    %add3A_23 = arith.constant 128 : i32
    %add3A_24 = arith.addi %mul3A_22, %add3A_23 : i32
    "tpu.region"() ({
      %run_scoped3A_191 = tpu.sem_alloc : memref<!tpu.dma_semaphore, #tpu.memory_space<semaphore_mem>>
      %dma_start3A_192 = arith.constant 0 : i32
      %dma_start3A_193 = tpu.memref_slice %arg9[%add3A_24, %dma_start3A_192] : memref<10240x64xf32, #tpu.memory_space<vmem_shared>> -> memref<32x64xf32, #tpu.memory_space<vmem_shared>>
      %dma_start3A_194 = arith.constant 0 : i32
      %dma_start3A_195 = tpu.memref_slice %arg9[%add3A_24, %dma_start3A_194] : memref<10240x64xf32, #tpu.memory_space<vmem_shared>> -> memref<32x64xf32, #tpu.memory_space<vmem_shared>>
      tpu.enqueue_dma source(%arg8 : memref<32x64xf32, #tpu.memory_space<vmem>>) target(%dma_start3A_195 : memref<32x64xf32, #tpu.memory_space<vmem_shared>>) target_semaphore(%run_scoped3A_191 : memref<!tpu.dma_semaphore, #tpu.memory_space<semaphore_mem>>)
      %dma_wait3A_196 = arith.constant 0 : i32
      %dma_wait3A_197 = tpu.memref_slice %arg9[%add3A_24, %dma_wait3A_196] : memref<10240x64xf32, #tpu.memory_space<vmem_shared>> -> memref<32x64xf32, #tpu.memory_space<vmem_shared>>
      %dma_wait3A_198 = arith.constant 0 : i32
      %dma_wait3A_199 = tpu.memref_slice %arg9[%add3A_24, %dma_wait3A_198] : memref<10240x64xf32, #tpu.memory_space<vmem_shared>> -> memref<32x64xf32, #tpu.memory_space<vmem_shared>>
      tpu.wait_dma2 semaphore(%run_scoped3A_191 : memref<!tpu.dma_semaphore, #tpu.memory_space<semaphore_mem>>) src(%arg8 : memref<32x64xf32, #tpu.memory_space<vmem>>) dst(%dma_wait3A_199 : memref<32x64xf32, #tpu.memory_space<vmem_shared>>)
      tpu.yield
    }) : () -> ()
    %mul3A_25 = arith.constant 640 : i32
    %mul3A_26 = arith.muli %arg1, %mul3A_25 : i32
    %add3A_27 = arith.constant 160 : i32
    %add3A_28 = arith.addi %mul3A_26, %add3A_27 : i32
    "tpu.region"() ({
      %run_scoped3A_191 = tpu.sem_alloc : memref<!tpu.dma_semaphore, #tpu.memory_space<semaphore_mem>>
      %dma_start3A_192 = arith.constant 0 : i32
      %dma_start3A_193 = tpu.memref_slice %arg9[%add3A_28, %dma_start3A_192] : memref<10240x64xf32, #tpu.memory_space<vmem_shared>> -> memref<32x64xf32, #tpu.memory_space<vmem_shared>>
      %dma_start3A_194 = arith.constant 0 : i32
      %dma_start3A_195 = tpu.memref_slice %arg9[%add3A_28, %dma_start3A_194] : memref<10240x64xf32, #tpu.memory_space<vmem_shared>> -> memref<32x64xf32, #tpu.memory_space<vmem_shared>>
      tpu.enqueue_dma source(%arg8 : memref<32x64xf32, #tpu.memory_space<vmem>>) target(%dma_start3A_195 : memref<32x64xf32, #tpu.memory_space<vmem_shared>>) target_semaphore(%run_scoped3A_191 : memref<!tpu.dma_semaphore, #tpu.memory_space<semaphore_mem>>)
      %dma_wait3A_196 = arith.constant 0 : i32
      %dma_wait3A_197 = tpu.memref_slice %arg9[%add3A_28, %dma_wait3A_196] : memref<10240x64xf32, #tpu.memory_space<vmem_shared>> -> memref<32x64xf32, #tpu.memory_space<vmem_shared>>
      %dma_wait3A_198 = arith.constant 0 : i32
      %dma_wait3A_199 = tpu.memref_slice %arg9[%add3A_28, %dma_wait3A_198] : memref<10240x64xf32, #tpu.memory_space<vmem_shared>> -> memref<32x64xf32, #tpu.memory_space<vmem_shared>>
      tpu.wait_dma2 semaphore(%run_scoped3A_191 : memref<!tpu.dma_semaphore, #tpu.memory_space<semaphore_mem>>) src(%arg8 : memref<32x64xf32, #tpu.memory_space<vmem>>) dst(%dma_wait3A_199 : memref<32x64xf32, #tpu.memory_space<vmem_shared>>)
      tpu.yield
    }) : () -> ()
    %mul3A_29 = arith.constant 640 : i32
    %mul3A_30 = arith.muli %arg1, %mul3A_29 : i32
    %add3A_31 = arith.constant 192 : i32
    %add3A_32 = arith.addi %mul3A_30, %add3A_31 : i32
    "tpu.region"() ({
      %run_scoped3A_191 = tpu.sem_alloc : memref<!tpu.dma_semaphore, #tpu.memory_space<semaphore_mem>>
      %dma_start3A_192 = arith.constant 0 : i32
      %dma_start3A_193 = tpu.memref_slice %arg9[%add3A_32, %dma_start3A_192] : memref<10240x64xf32, #tpu.memory_space<vmem_shared>> -> memref<32x64xf32, #tpu.memory_space<vmem_shared>>
      %dma_start3A_194 = arith.constant 0 : i32
      %dma_start3A_195 = tpu.memref_slice %arg9[%add3A_32, %dma_start3A_194] : memref<10240x64xf32, #tpu.memory_space<vmem_shared>> -> memref<32x64xf32, #tpu.memory_space<vmem_shared>>
      tpu.enqueue_dma source(%arg8 : memref<32x64xf32, #tpu.memory_space<vmem>>) target(%dma_start3A_195 : memref<32x64xf32, #tpu.memory_space<vmem_shared>>) target_semaphore(%run_scoped3A_191 : memref<!tpu.dma_semaphore, #tpu.memory_space<semaphore_mem>>)
      %dma_wait3A_196 = arith.constant 0 : i32
      %dma_wait3A_197 = tpu.memref_slice %arg9[%add3A_32, %dma_wait3A_196] : memref<10240x64xf32, #tpu.memory_space<vmem_shared>> -> memref<32x64xf32, #tpu.memory_space<vmem_shared>>
      %dma_wait3A_198 = arith.constant 0 : i32
      %dma_wait3A_199 = tpu.memref_slice %arg9[%add3A_32, %dma_wait3A_198] : memref<10240x64xf32, #tpu.memory_space<vmem_shared>> -> memref<32x64xf32, #tpu.memory_space<vmem_shared>>
      tpu.wait_dma2 semaphore(%run_scoped3A_191 : memref<!tpu.dma_semaphore, #tpu.memory_space<semaphore_mem>>) src(%arg8 : memref<32x64xf32, #tpu.memory_space<vmem>>) dst(%dma_wait3A_199 : memref<32x64xf32, #tpu.memory_space<vmem_shared>>)
      tpu.yield
    }) : () -> ()
    %mul3A_33 = arith.constant 640 : i32
    %mul3A_34 = arith.muli %arg1, %mul3A_33 : i32
    %add3A_35 = arith.constant 224 : i32
    %add3A_36 = arith.addi %mul3A_34, %add3A_35 : i32
    "tpu.region"() ({
      %run_scoped3A_191 = tpu.sem_alloc : memref<!tpu.dma_semaphore, #tpu.memory_space<semaphore_mem>>
      %dma_start3A_192 = arith.constant 0 : i32
      %dma_start3A_193 = tpu.memref_slice %arg9[%add3A_36, %dma_start3A_192] : memref<10240x64xf32, #tpu.memory_space<vmem_shared>> -> memref<32x64xf32, #tpu.memory_space<vmem_shared>>
      %dma_start3A_194 = arith.constant 0 : i32
      %dma_start3A_195 = tpu.memref_slice %arg9[%add3A_36, %dma_start3A_194] : memref<10240x64xf32, #tpu.memory_space<vmem_shared>> -> memref<32x64xf32, #tpu.memory_space<vmem_shared>>
      tpu.enqueue_dma source(%arg8 : memref<32x64xf32, #tpu.memory_space<vmem>>) target(%dma_start3A_195 : memref<32x64xf32, #tpu.memory_space<vmem_shared>>) target_semaphore(%run_scoped3A_191 : memref<!tpu.dma_semaphore, #tpu.memory_space<semaphore_mem>>)
      %dma_wait3A_196 = arith.constant 0 : i32
      %dma_wait3A_197 = tpu.memref_slice %arg9[%add3A_36, %dma_wait3A_196] : memref<10240x64xf32, #tpu.memory_space<vmem_shared>> -> memref<32x64xf32, #tpu.memory_space<vmem_shared>>
      %dma_wait3A_198 = arith.constant 0 : i32
      %dma_wait3A_199 = tpu.memref_slice %arg9[%add3A_36, %dma_wait3A_198] : memref<10240x64xf32, #tpu.memory_space<vmem_shared>> -> memref<32x64xf32, #tpu.memory_space<vmem_shared>>
      tpu.wait_dma2 semaphore(%run_scoped3A_191 : memref<!tpu.dma_semaphore, #tpu.memory_space<semaphore_mem>>) src(%arg8 : memref<32x64xf32, #tpu.memory_space<vmem>>) dst(%dma_wait3A_199 : memref<32x64xf32, #tpu.memory_space<vmem_shared>>)
      tpu.yield
    }) : () -> ()
    %mul3A_37 = arith.constant 640 : i32
    %mul3A_38 = arith.muli %arg1, %mul3A_37 : i32
    %add3A_39 = arith.constant 256 : i32
    %add3A_40 = arith.addi %mul3A_38, %add3A_39 : i32
    "tpu.region"() ({
      %run_scoped3A_191 = tpu.sem_alloc : memref<!tpu.dma_semaphore, #tpu.memory_space<semaphore_mem>>
      %dma_start3A_192 = arith.constant 0 : i32
      %dma_start3A_193 = tpu.memref_slice %arg9[%add3A_40, %dma_start3A_192] : memref<10240x64xf32, #tpu.memory_space<vmem_shared>> -> memref<32x64xf32, #tpu.memory_space<vmem_shared>>
      %dma_start3A_194 = arith.constant 0 : i32
      %dma_start3A_195 = tpu.memref_slice %arg9[%add3A_40, %dma_start3A_194] : memref<10240x64xf32, #tpu.memory_space<vmem_shared>> -> memref<32x64xf32, #tpu.memory_space<vmem_shared>>
      tpu.enqueue_dma source(%arg8 : memref<32x64xf32, #tpu.memory_space<vmem>>) target(%dma_start3A_195 : memref<32x64xf32, #tpu.memory_space<vmem_shared>>) target_semaphore(%run_scoped3A_191 : memref<!tpu.dma_semaphore, #tpu.memory_space<semaphore_mem>>)
      %dma_wait3A_196 = arith.constant 0 : i32
      %dma_wait3A_197 = tpu.memref_slice %arg9[%add3A_40, %dma_wait3A_196] : memref<10240x64xf32, #tpu.memory_space<vmem_shared>> -> memref<32x64xf32, #tpu.memory_space<vmem_shared>>
      %dma_wait3A_198 = arith.constant 0 : i32
      %dma_wait3A_199 = tpu.memref_slice %arg9[%add3A_40, %dma_wait3A_198] : memref<10240x64xf32, #tpu.memory_space<vmem_shared>> -> memref<32x64xf32, #tpu.memory_space<vmem_shared>>
      tpu.wait_dma2 semaphore(%run_scoped3A_191 : memref<!tpu.dma_semaphore, #tpu.memory_space<semaphore_mem>>) src(%arg8 : memref<32x64xf32, #tpu.memory_space<vmem>>) dst(%dma_wait3A_199 : memref<32x64xf32, #tpu.memory_space<vmem_shared>>)
      tpu.yield
    }) : () -> ()
    %mul3A_41 = arith.constant 640 : i32
    %mul3A_42 = arith.muli %arg1, %mul3A_41 : i32
    %add3A_43 = arith.constant 288 : i32
    %add3A_44 = arith.addi %mul3A_42, %add3A_43 : i32
    "tpu.region"() ({
      %run_scoped3A_191 = tpu.sem_alloc : memref<!tpu.dma_semaphore, #tpu.memory_space<semaphore_mem>>
      %dma_start3A_192 = arith.constant 0 : i32
      %dma_start3A_193 = tpu.memref_slice %arg9[%add3A_44, %dma_start3A_192] : memref<10240x64xf32, #tpu.memory_space<vmem_shared>> -> memref<32x64xf32, #tpu.memory_space<vmem_shared>>
      %dma_start3A_194 = arith.constant 0 : i32
      %dma_start3A_195 = tpu.memref_slice %arg9[%add3A_44, %dma_start3A_194] : memref<10240x64xf32, #tpu.memory_space<vmem_shared>> -> memref<32x64xf32, #tpu.memory_space<vmem_shared>>
      tpu.enqueue_dma source(%arg8 : memref<32x64xf32, #tpu.memory_space<vmem>>) target(%dma_start3A_195 : memref<32x64xf32, #tpu.memory_space<vmem_shared>>) target_semaphore(%run_scoped3A_191 : memref<!tpu.dma_semaphore, #tpu.memory_space<semaphore_mem>>)
      %dma_wait3A_196 = arith.constant 0 : i32
      %dma_wait3A_197 = tpu.memref_slice %arg9[%add3A_44, %dma_wait3A_196] : memref<10240x64xf32, #tpu.memory_space<vmem_shared>> -> memref<32x64xf32, #tpu.memory_space<vmem_shared>>
      %dma_wait3A_198 = arith.constant 0 : i32
      %dma_wait3A_199 = tpu.memref_slice %arg9[%add3A_44, %dma_wait3A_198] : memref<10240x64xf32, #tpu.memory_space<vmem_shared>> -> memref<32x64xf32, #tpu.memory_space<vmem_shared>>
      tpu.wait_dma2 semaphore(%run_scoped3A_191 : memref<!tpu.dma_semaphore, #tpu.memory_space<semaphore_mem>>) src(%arg8 : memref<32x64xf32, #tpu.memory_space<vmem>>) dst(%dma_wait3A_199 : memref<32x64xf32, #tpu.memory_space<vmem_shared>>)
      tpu.yield
    }) : () -> ()
    %mul3A_45 = arith.constant 640 : i32
    %mul3A_46 = arith.muli %arg1, %mul3A_45 : i32
    %add3A_47 = arith.constant 320 : i32
    %add3A_48 = arith.addi %mul3A_46, %add3A_47 : i32
    "tpu.region"() ({
      %run_scoped3A_191 = tpu.sem_alloc : memref<!tpu.dma_semaphore, #tpu.memory_space<semaphore_mem>>
      %dma_start3A_192 = arith.constant 0 : i32
      %dma_start3A_193 = tpu.memref_slice %arg9[%add3A_48, %dma_start3A_192] : memref<10240x64xf32, #tpu.memory_space<vmem_shared>> -> memref<32x64xf32, #tpu.memory_space<vmem_shared>>
      %dma_start3A_194 = arith.constant 0 : i32
      %dma_start3A_195 = tpu.memref_slice %arg9[%add3A_48, %dma_start3A_194] : memref<10240x64xf32, #tpu.memory_space<vmem_shared>> -> memref<32x64xf32, #tpu.memory_space<vmem_shared>>
      tpu.enqueue_dma source(%arg8 : memref<32x64xf32, #tpu.memory_space<vmem>>) target(%dma_start3A_195 : memref<32x64xf32, #tpu.memory_space<vmem_shared>>) target_semaphore(%run_scoped3A_191 : memref<!tpu.dma_semaphore, #tpu.memory_space<semaphore_mem>>)
      %dma_wait3A_196 = arith.constant 0 : i32
      %dma_wait3A_197 = tpu.memref_slice %arg9[%add3A_48, %dma_wait3A_196] : memref<10240x64xf32, #tpu.memory_space<vmem_shared>> -> memref<32x64xf32, #tpu.memory_space<vmem_shared>>
      %dma_wait3A_198 = arith.constant 0 : i32
      %dma_wait3A_199 = tpu.memref_slice %arg9[%add3A_48, %dma_wait3A_198] : memref<10240x64xf32, #tpu.memory_space<vmem_shared>> -> memref<32x64xf32, #tpu.memory_space<vmem_shared>>
      tpu.wait_dma2 semaphore(%run_scoped3A_191 : memref<!tpu.dma_semaphore, #tpu.memory_space<semaphore_mem>>) src(%arg8 : memref<32x64xf32, #tpu.memory_space<vmem>>) dst(%dma_wait3A_199 : memref<32x64xf32, #tpu.memory_space<vmem_shared>>)
      tpu.yield
    }) : () -> ()
    %mul3A_49 = arith.constant 640 : i32
    %mul3A_50 = arith.muli %arg1, %mul3A_49 : i32
    %add3A_51 = arith.constant 352 : i32
    %add3A_52 = arith.addi %mul3A_50, %add3A_51 : i32
    "tpu.region"() ({
      %run_scoped3A_191 = tpu.sem_alloc : memref<!tpu.dma_semaphore, #tpu.memory_space<semaphore_mem>>
      %dma_start3A_192 = arith.constant 0 : i32
      %dma_start3A_193 = tpu.memref_slice %arg9[%add3A_52, %dma_start3A_192] : memref<10240x64xf32, #tpu.memory_space<vmem_shared>> -> memref<32x64xf32, #tpu.memory_space<vmem_shared>>
      %dma_start3A_194 = arith.constant 0 : i32
      %dma_start3A_195 = tpu.memref_slice %arg9[%add3A_52, %dma_start3A_194] : memref<10240x64xf32, #tpu.memory_space<vmem_shared>> -> memref<32x64xf32, #tpu.memory_space<vmem_shared>>
      tpu.enqueue_dma source(%arg8 : memref<32x64xf32, #tpu.memory_space<vmem>>) target(%dma_start3A_195 : memref<32x64xf32, #tpu.memory_space<vmem_shared>>) target_semaphore(%run_scoped3A_191 : memref<!tpu.dma_semaphore, #tpu.memory_space<semaphore_mem>>)
      %dma_wait3A_196 = arith.constant 0 : i32
      %dma_wait3A_197 = tpu.memref_slice %arg9[%add3A_52, %dma_wait3A_196] : memref<10240x64xf32, #tpu.memory_space<vmem_shared>> -> memref<32x64xf32, #tpu.memory_space<vmem_shared>>
      %dma_wait3A_198 = arith.constant 0 : i32
      %dma_wait3A_199 = tpu.memref_slice %arg9[%add3A_52, %dma_wait3A_198] : memref<10240x64xf32, #tpu.memory_space<vmem_shared>> -> memref<32x64xf32, #tpu.memory_space<vmem_shared>>
      tpu.wait_dma2 semaphore(%run_scoped3A_191 : memref<!tpu.dma_semaphore, #tpu.memory_space<semaphore_mem>>) src(%arg8 : memref<32x64xf32, #tpu.memory_space<vmem>>) dst(%dma_wait3A_199 : memref<32x64xf32, #tpu.memory_space<vmem_shared>>)
      tpu.yield
    }) : () -> ()
    %mul3A_53 = arith.constant 640 : i32
    %mul3A_54 = arith.muli %arg1, %mul3A_53 : i32
    %add3A_55 = arith.constant 384 : i32
    %add3A_56 = arith.addi %mul3A_54, %add3A_55 : i32
    "tpu.region"() ({
      %run_scoped3A_191 = tpu.sem_alloc : memref<!tpu.dma_semaphore, #tpu.memory_space<semaphore_mem>>
      %dma_start3A_192 = arith.constant 0 : i32
      %dma_start3A_193 = tpu.memref_slice %arg9[%add3A_56, %dma_start3A_192] : memref<10240x64xf32, #tpu.memory_space<vmem_shared>> -> memref<32x64xf32, #tpu.memory_space<vmem_shared>>
      %dma_start3A_194 = arith.constant 0 : i32
      %dma_start3A_195 = tpu.memref_slice %arg9[%add3A_56, %dma_start3A_194] : memref<10240x64xf32, #tpu.memory_space<vmem_shared>> -> memref<32x64xf32, #tpu.memory_space<vmem_shared>>
      tpu.enqueue_dma source(%arg8 : memref<32x64xf32, #tpu.memory_space<vmem>>) target(%dma_start3A_195 : memref<32x64xf32, #tpu.memory_space<vmem_shared>>) target_semaphore(%run_scoped3A_191 : memref<!tpu.dma_semaphore, #tpu.memory_space<semaphore_mem>>)
      %dma_wait3A_196 = arith.constant 0 : i32
      %dma_wait3A_197 = tpu.memref_slice %arg9[%add3A_56, %dma_wait3A_196] : memref<10240x64xf32, #tpu.memory_space<vmem_shared>> -> memref<32x64xf32, #tpu.memory_space<vmem_shared>>
      %dma_wait3A_198 = arith.constant 0 : i32
      %dma_wait3A_199 = tpu.memref_slice %arg9[%add3A_56, %dma_wait3A_198] : memref<10240x64xf32, #tpu.memory_space<vmem_shared>> -> memref<32x64xf32, #tpu.memory_space<vmem_shared>>
      tpu.wait_dma2 semaphore(%run_scoped3A_191 : memref<!tpu.dma_semaphore, #tpu.memory_space<semaphore_mem>>) src(%arg8 : memref<32x64xf32, #tpu.memory_space<vmem>>) dst(%dma_wait3A_199 : memref<32x64xf32, #tpu.memory_space<vmem_shared>>)
      tpu.yield
    }) : () -> ()
    %mul3A_57 = arith.constant 640 : i32
    %mul3A_58 = arith.muli %arg1, %mul3A_57 : i32
    %add3A_59 = arith.constant 416 : i32
    %add3A_60 = arith.addi %mul3A_58, %add3A_59 : i32
    "tpu.region"() ({
      %run_scoped3A_191 = tpu.sem_alloc : memref<!tpu.dma_semaphore, #tpu.memory_space<semaphore_mem>>
      %dma_start3A_192 = arith.constant 0 : i32
      %dma_start3A_193 = tpu.memref_slice %arg9[%add3A_60, %dma_start3A_192] : memref<10240x64xf32, #tpu.memory_space<vmem_shared>> -> memref<32x64xf32, #tpu.memory_space<vmem_shared>>
      %dma_start3A_194 = arith.constant 0 : i32
      %dma_start3A_195 = tpu.memref_slice %arg9[%add3A_60, %dma_start3A_194] : memref<10240x64xf32, #tpu.memory_space<vmem_shared>> -> memref<32x64xf32, #tpu.memory_space<vmem_shared>>
      tpu.enqueue_dma source(%arg8 : memref<32x64xf32, #tpu.memory_space<vmem>>) target(%dma_start3A_195 : memref<32x64xf32, #tpu.memory_space<vmem_shared>>) target_semaphore(%run_scoped3A_191 : memref<!tpu.dma_semaphore, #tpu.memory_space<semaphore_mem>>)
      %dma_wait3A_196 = arith.constant 0 : i32
      %dma_wait3A_197 = tpu.memref_slice %arg9[%add3A_60, %dma_wait3A_196] : memref<10240x64xf32, #tpu.memory_space<vmem_shared>> -> memref<32x64xf32, #tpu.memory_space<vmem_shared>>
      %dma_wait3A_198 = arith.constant 0 : i32
      %dma_wait3A_199 = tpu.memref_slice %arg9[%add3A_60, %dma_wait3A_198] : memref<10240x64xf32, #tpu.memory_space<vmem_shared>> -> memref<32x64xf32, #tpu.memory_space<vmem_shared>>
      tpu.wait_dma2 semaphore(%run_scoped3A_191 : memref<!tpu.dma_semaphore, #tpu.memory_space<semaphore_mem>>) src(%arg8 : memref<32x64xf32, #tpu.memory_space<vmem>>) dst(%dma_wait3A_199 : memref<32x64xf32, #tpu.memory_space<vmem_shared>>)
      tpu.yield
    }) : () -> ()
    %mul3A_61 = arith.constant 640 : i32
    %mul3A_62 = arith.muli %arg1, %mul3A_61 : i32
    %add3A_63 = arith.constant 448 : i32
    %add3A_64 = arith.addi %mul3A_62, %add3A_63 : i32
    "tpu.region"() ({
      %run_scoped3A_191 = tpu.sem_alloc : memref<!tpu.dma_semaphore, #tpu.memory_space<semaphore_mem>>
      %dma_start3A_192 = arith.constant 0 : i32
      %dma_start3A_193 = tpu.memref_slice %arg9[%add3A_64, %dma_start3A_192] : memref<10240x64xf32, #tpu.memory_space<vmem_shared>> -> memref<32x64xf32, #tpu.memory_space<vmem_shared>>
      %dma_start3A_194 = arith.constant 0 : i32
      %dma_start3A_195 = tpu.memref_slice %arg9[%add3A_64, %dma_start3A_194] : memref<10240x64xf32, #tpu.memory_space<vmem_shared>> -> memref<32x64xf32, #tpu.memory_space<vmem_shared>>
      tpu.enqueue_dma source(%arg8 : memref<32x64xf32, #tpu.memory_space<vmem>>) target(%dma_start3A_195 : memref<32x64xf32, #tpu.memory_space<vmem_shared>>) target_semaphore(%run_scoped3A_191 : memref<!tpu.dma_semaphore, #tpu.memory_space<semaphore_mem>>)
      %dma_wait3A_196 = arith.constant 0 : i32
      %dma_wait3A_197 = tpu.memref_slice %arg9[%add3A_64, %dma_wait3A_196] : memref<10240x64xf32, #tpu.memory_space<vmem_shared>> -> memref<32x64xf32, #tpu.memory_space<vmem_shared>>
      %dma_wait3A_198 = arith.constant 0 : i32
      %dma_wait3A_199 = tpu.memref_slice %arg9[%add3A_64, %dma_wait3A_198] : memref<10240x64xf32, #tpu.memory_space<vmem_shared>> -> memref<32x64xf32, #tpu.memory_space<vmem_shared>>
      tpu.wait_dma2 semaphore(%run_scoped3A_191 : memref<!tpu.dma_semaphore, #tpu.memory_space<semaphore_mem>>) src(%arg8 : memref<32x64xf32, #tpu.memory_space<vmem>>) dst(%dma_wait3A_199 : memref<32x64xf32, #tpu.memory_space<vmem_shared>>)
      tpu.yield
    }) : () -> ()
    %mul3A_65 = arith.constant 640 : i32
    %mul3A_66 = arith.muli %arg1, %mul3A_65 : i32
    %add3A_67 = arith.constant 480 : i32
    %add3A_68 = arith.addi %mul3A_66, %add3A_67 : i32
    "tpu.region"() ({
      %run_scoped3A_191 = tpu.sem_alloc : memref<!tpu.dma_semaphore, #tpu.memory_space<semaphore_mem>>
      %dma_start3A_192 = arith.constant 0 : i32
      %dma_start3A_193 = tpu.memref_slice %arg9[%add3A_68, %dma_start3A_192] : memref<10240x64xf32, #tpu.memory_space<vmem_shared>> -> memref<32x64xf32, #tpu.memory_space<vmem_shared>>
      %dma_start3A_194 = arith.constant 0 : i32
      %dma_start3A_195 = tpu.memref_slice %arg9[%add3A_68, %dma_start3A_194] : memref<10240x64xf32, #tpu.memory_space<vmem_shared>> -> memref<32x64xf32, #tpu.memory_space<vmem_shared>>
      tpu.enqueue_dma source(%arg8 : memref<32x64xf32, #tpu.memory_space<vmem>>) target(%dma_start3A_195 : memref<32x64xf32, #tpu.memory_space<vmem_shared>>) target_semaphore(%run_scoped3A_191 : memref<!tpu.dma_semaphore, #tpu.memory_space<semaphore_mem>>)
      %dma_wait3A_196 = arith.constant 0 : i32
      %dma_wait3A_197 = tpu.memref_slice %arg9[%add3A_68, %dma_wait3A_196] : memref<10240x64xf32, #tpu.memory_space<vmem_shared>> -> memref<32x64xf32, #tpu.memory_space<vmem_shared>>
      %dma_wait3A_198 = arith.constant 0 : i32
      %dma_wait3A_199 = tpu.memref_slice %arg9[%add3A_68, %dma_wait3A_198] : memref<10240x64xf32, #tpu.memory_space<vmem_shared>> -> memref<32x64xf32, #tpu.memory_space<vmem_shared>>
      tpu.wait_dma2 semaphore(%run_scoped3A_191 : memref<!tpu.dma_semaphore, #tpu.memory_space<semaphore_mem>>) src(%arg8 : memref<32x64xf32, #tpu.memory_space<vmem>>) dst(%dma_wait3A_199 : memref<32x64xf32, #tpu.memory_space<vmem_shared>>)
      tpu.yield
    }) : () -> ()
    %mul3A_69 = arith.constant 640 : i32
    %mul3A_70 = arith.muli %arg1, %mul3A_69 : i32
    %add3A_71 = arith.constant 512 : i32
    %add3A_72 = arith.addi %mul3A_70, %add3A_71 : i32
    "tpu.region"() ({
      %run_scoped3A_191 = tpu.sem_alloc : memref<!tpu.dma_semaphore, #tpu.memory_space<semaphore_mem>>
      %dma_start3A_192 = arith.constant 0 : i32
      %dma_start3A_193 = tpu.memref_slice %arg9[%add3A_72, %dma_start3A_192] : memref<10240x64xf32, #tpu.memory_space<vmem_shared>> -> memref<32x64xf32, #tpu.memory_space<vmem_shared>>
      %dma_start3A_194 = arith.constant 0 : i32
      %dma_start3A_195 = tpu.memref_slice %arg9[%add3A_72, %dma_start3A_194] : memref<10240x64xf32, #tpu.memory_space<vmem_shared>> -> memref<32x64xf32, #tpu.memory_space<vmem_shared>>
      tpu.enqueue_dma source(%arg8 : memref<32x64xf32, #tpu.memory_space<vmem>>) target(%dma_start3A_195 : memref<32x64xf32, #tpu.memory_space<vmem_shared>>) target_semaphore(%run_scoped3A_191 : memref<!tpu.dma_semaphore, #tpu.memory_space<semaphore_mem>>)
      %dma_wait3A_196 = arith.constant 0 : i32
      %dma_wait3A_197 = tpu.memref_slice %arg9[%add3A_72, %dma_wait3A_196] : memref<10240x64xf32, #tpu.memory_space<vmem_shared>> -> memref<32x64xf32, #tpu.memory_space<vmem_shared>>
      %dma_wait3A_198 = arith.constant 0 : i32
      %dma_wait3A_199 = tpu.memref_slice %arg9[%add3A_72, %dma_wait3A_198] : memref<10240x64xf32, #tpu.memory_space<vmem_shared>> -> memref<32x64xf32, #tpu.memory_space<vmem_shared>>
      tpu.wait_dma2 semaphore(%run_scoped3A_191 : memref<!tpu.dma_semaphore, #tpu.memory_space<semaphore_mem>>) src(%arg8 : memref<32x64xf32, #tpu.memory_space<vmem>>) dst(%dma_wait3A_199 : memref<32x64xf32, #tpu.memory_space<vmem_shared>>)
      tpu.yield
    }) : () -> ()
    %mul3A_73 = arith.constant 640 : i32
    %mul3A_74 = arith.muli %arg1, %mul3A_73 : i32
    %add3A_75 = arith.constant 544 : i32
    %add3A_76 = arith.addi %mul3A_74, %add3A_75 : i32
    "tpu.region"() ({
      %run_scoped3A_191 = tpu.sem_alloc : memref<!tpu.dma_semaphore, #tpu.memory_space<semaphore_mem>>
      %dma_start3A_192 = arith.constant 0 : i32
      %dma_start3A_193 = tpu.memref_slice %arg9[%add3A_76, %dma_start3A_192] : memref<10240x64xf32, #tpu.memory_space<vmem_shared>> -> memref<32x64xf32, #tpu.memory_space<vmem_shared>>
      %dma_start3A_194 = arith.constant 0 : i32
      %dma_start3A_195 = tpu.memref_slice %arg9[%add3A_76, %dma_start3A_194] : memref<10240x64xf32, #tpu.memory_space<vmem_shared>> -> memref<32x64xf32, #tpu.memory_space<vmem_shared>>
      tpu.enqueue_dma source(%arg8 : memref<32x64xf32, #tpu.memory_space<vmem>>) target(%dma_start3A_195 : memref<32x64xf32, #tpu.memory_space<vmem_shared>>) target_semaphore(%run_scoped3A_191 : memref<!tpu.dma_semaphore, #tpu.memory_space<semaphore_mem>>)
      %dma_wait3A_196 = arith.constant 0 : i32
      %dma_wait3A_197 = tpu.memref_slice %arg9[%add3A_76, %dma_wait3A_196] : memref<10240x64xf32, #tpu.memory_space<vmem_shared>> -> memref<32x64xf32, #tpu.memory_space<vmem_shared>>
      %dma_wait3A_198 = arith.constant 0 : i32
      %dma_wait3A_199 = tpu.memref_slice %arg9[%add3A_76, %dma_wait3A_198] : memref<10240x64xf32, #tpu.memory_space<vmem_shared>> -> memref<32x64xf32, #tpu.memory_space<vmem_shared>>
      tpu.wait_dma2 semaphore(%run_scoped3A_191 : memref<!tpu.dma_semaphore, #tpu.memory_space<semaphore_mem>>) src(%arg8 : memref<32x64xf32, #tpu.memory_space<vmem>>) dst(%dma_wait3A_199 : memref<32x64xf32, #tpu.memory_space<vmem_shared>>)
      tpu.yield
    }) : () -> ()
    %mul3A_77 = arith.constant 640 : i32
    %mul3A_78 = arith.muli %arg1, %mul3A_77 : i32
    %add3A_79 = arith.constant 576 : i32
    %add3A_80 = arith.addi %mul3A_78, %add3A_79 : i32
    "tpu.region"() ({
      %run_scoped3A_191 = tpu.sem_alloc : memref<!tpu.dma_semaphore, #tpu.memory_space<semaphore_mem>>
      %dma_start3A_192 = arith.constant 0 : i32
      %dma_start3A_193 = tpu.memref_slice %arg9[%add3A_80, %dma_start3A_192] : memref<10240x64xf32, #tpu.memory_space<vmem_shared>> -> memref<32x64xf32, #tpu.memory_space<vmem_shared>>
      %dma_start3A_194 = arith.constant 0 : i32
      %dma_start3A_195 = tpu.memref_slice %arg9[%add3A_80, %dma_start3A_194] : memref<10240x64xf32, #tpu.memory_space<vmem_shared>> -> memref<32x64xf32, #tpu.memory_space<vmem_shared>>
      tpu.enqueue_dma source(%arg8 : memref<32x64xf32, #tpu.memory_space<vmem>>) target(%dma_start3A_195 : memref<32x64xf32, #tpu.memory_space<vmem_shared>>) target_semaphore(%run_scoped3A_191 : memref<!tpu.dma_semaphore, #tpu.memory_space<semaphore_mem>>)
      %dma_wait3A_196 = arith.constant 0 : i32
      %dma_wait3A_197 = tpu.memref_slice %arg9[%add3A_80, %dma_wait3A_196] : memref<10240x64xf32, #tpu.memory_space<vmem_shared>> -> memref<32x64xf32, #tpu.memory_space<vmem_shared>>
      %dma_wait3A_198 = arith.constant 0 : i32
      %dma_wait3A_199 = tpu.memref_slice %arg9[%add3A_80, %dma_wait3A_198] : memref<10240x64xf32, #tpu.memory_space<vmem_shared>> -> memref<32x64xf32, #tpu.memory_space<vmem_shared>>
      tpu.wait_dma2 semaphore(%run_scoped3A_191 : memref<!tpu.dma_semaphore, #tpu.memory_space<semaphore_mem>>) src(%arg8 : memref<32x64xf32, #tpu.memory_space<vmem>>) dst(%dma_wait3A_199 : memref<32x64xf32, #tpu.memory_space<vmem_shared>>)
      tpu.yield
    }) : () -> ()
    %mul3A_81 = arith.constant 640 : i32
    %mul3A_82 = arith.muli %arg1, %mul3A_81 : i32
    %add3A_83 = arith.constant 608 : i32
    %add3A_84 = arith.addi %mul3A_82, %add3A_83 : i32
    "tpu.region"() ({
      %run_scoped3A_191 = tpu.sem_alloc : memref<!tpu.dma_semaphore, #tpu.memory_space<semaphore_mem>>
      %dma_start3A_192 = arith.constant 0 : i32
      %dma_start3A_193 = tpu.memref_slice %arg9[%add3A_84, %dma_start3A_192] : memref<10240x64xf32, #tpu.memory_space<vmem_shared>> -> memref<32x64xf32, #tpu.memory_space<vmem_shared>>
      %dma_start3A_194 = arith.constant 0 : i32
      %dma_start3A_195 = tpu.memref_slice %arg9[%add3A_84, %dma_start3A_194] : memref<10240x64xf32, #tpu.memory_space<vmem_shared>> -> memref<32x64xf32, #tpu.memory_space<vmem_shared>>
      tpu.enqueue_dma source(%arg8 : memref<32x64xf32, #tpu.memory_space<vmem>>) target(%dma_start3A_195 : memref<32x64xf32, #tpu.memory_space<vmem_shared>>) target_semaphore(%run_scoped3A_191 : memref<!tpu.dma_semaphore, #tpu.memory_space<semaphore_mem>>)
      %dma_wait3A_196 = arith.constant 0 : i32
      %dma_wait3A_197 = tpu.memref_slice %arg9[%add3A_84, %dma_wait3A_196] : memref<10240x64xf32, #tpu.memory_space<vmem_shared>> -> memref<32x64xf32, #tpu.memory_space<vmem_shared>>
      %dma_wait3A_198 = arith.constant 0 : i32
      %dma_wait3A_199 = tpu.memref_slice %arg9[%add3A_84, %dma_wait3A_198] : memref<10240x64xf32, #tpu.memory_space<vmem_shared>> -> memref<32x64xf32, #tpu.memory_space<vmem_shared>>
      tpu.wait_dma2 semaphore(%run_scoped3A_191 : memref<!tpu.dma_semaphore, #tpu.memory_space<semaphore_mem>>) src(%arg8 : memref<32x64xf32, #tpu.memory_space<vmem>>) dst(%dma_wait3A_199 : memref<32x64xf32, #tpu.memory_space<vmem_shared>>)
      tpu.yield
    }) : () -> ()
    %barrier3A = arith.constant 0 : index
    tpu.barrier barrier_id(%barrier3A)
    %dma_start3A = arith.constant 0 : i32
    %dma_start3A_85 = arith.constant 0 : i32
    %dma_start3A_86 = arith.constant 0 : i32
    %dma_start3A_87 = arith.constant 0 : i32
    %dma_start3A_88 = arith.constant 0 : i32
    %dma_start3A_89 = tpu.memref_slice %arg7[%dma_start3A_85, %dma_start3A_87, %dma_start3A_88] : memref<4x125x64xf32, #tpu.memory_space<vmem>> -> memref<1x125x64xf32, #tpu.memory_space<vmem>>
    %dma_start3A_90 = tpu.memref_squeeze %dma_start3A_89 : memref<1x125x64xf32, #tpu.memory_space<vmem>> -> memref<125x64xf32, #tpu.memory_space<vmem>>
    %dma_start3A_91 = arith.constant 0 : i32
    %dma_start3A_92 = tpu.memref_slice %arg5[%dma_start3A, %dma_start3A_91] : memref<160x125xi32, #tpu.memory_space<vmem>> -> memref<1x125xi32, #tpu.memory_space<vmem>>
    %dma_start3A_93 = tpu.memref_squeeze %dma_start3A_92 : memref<1x125xi32, #tpu.memory_space<vmem>> -> memref<125xi32, #tpu.memory_space<vmem>>
    %dma_start3A_94 = arith.constant 0 : i32
    %dma_start3A_95 = arith.constant 0 : i32
    %dma_start3A_96 = tpu.memref_slice %arg2[%arg0, %dma_start3A_94, %dma_start3A_95] : memref<2x10000x64xf32, #tpu.memory_space<hbm>> -> memref<1x10000x64xf32, #tpu.memory_space<hbm>>
    %dma_start3A_97 = tpu.memref_squeeze %dma_start3A_96 : memref<1x10000x64xf32, #tpu.memory_space<hbm>> -> memref<10000x64xf32, #tpu.memory_space<hbm>>
    %dma_start3A_98 = arith.constant 0 : i32
    %dma_start3A_99 = arith.constant 0 : i32
    %dma_start3A_100 = tpu.memref_slice %dma_start3A_97[%dma_start3A_98, %dma_start3A_99] : memref<10000x64xf32, #tpu.memory_space<hbm>> -> memref<10000x64xf32, #tpu.memory_space<hbm>>
    %dma_start3A_101 = tpu.memref_slice %arg10[%dma_start3A_86] : memref<4x!tpu.dma_semaphore, #tpu.memory_space<semaphore_mem>> -> memref<1x!tpu.dma_semaphore, #tpu.memory_space<semaphore_mem>>
    %dma_start3A_102 = tpu.memref_squeeze %dma_start3A_101 : memref<1x!tpu.dma_semaphore, #tpu.memory_space<semaphore_mem>> -> memref<!tpu.dma_semaphore, #tpu.memory_space<semaphore_mem>>
    tpu.enqueue_indirect_dma source(%dma_start3A_100 : memref<10000x64xf32, #tpu.memory_space<hbm>>) target(%dma_start3A_90 : memref<125x64xf32, #tpu.memory_space<vmem>>) offsets(%dma_start3A_93 : memref<125xi32, #tpu.memory_space<vmem>>) semaphore(%dma_start3A_102 : memref<!tpu.dma_semaphore, #tpu.memory_space<semaphore_mem>>)
    %dma_start3A_103 = arith.constant 1 : i32
    %dma_start3A_104 = arith.constant 1 : i32
    %dma_start3A_105 = arith.constant 1 : i32
    %dma_start3A_106 = arith.constant 0 : i32
    %dma_start3A_107 = arith.constant 0 : i32
    %dma_start3A_108 = tpu.memref_slice %arg7[%dma_start3A_104, %dma_start3A_106, %dma_start3A_107] : memref<4x125x64xf32, #tpu.memory_space<vmem>> -> memref<1x125x64xf32, #tpu.memory_space<vmem>>
    %dma_start3A_109 = tpu.memref_squeeze %dma_start3A_108 : memref<1x125x64xf32, #tpu.memory_space<vmem>> -> memref<125x64xf32, #tpu.memory_space<vmem>>
    %dma_start3A_110 = arith.constant 0 : i32
    %dma_start3A_111 = tpu.memref_slice %arg5[%dma_start3A_103, %dma_start3A_110] : memref<160x125xi32, #tpu.memory_space<vmem>> -> memref<1x125xi32, #tpu.memory_space<vmem>>
    %dma_start3A_112 = tpu.memref_squeeze %dma_start3A_111 : memref<1x125xi32, #tpu.memory_space<vmem>> -> memref<125xi32, #tpu.memory_space<vmem>>
    %dma_start3A_113 = arith.constant 0 : i32
    %dma_start3A_114 = arith.constant 0 : i32
    %dma_start3A_115 = tpu.memref_slice %arg2[%arg0, %dma_start3A_113, %dma_start3A_114] : memref<2x10000x64xf32, #tpu.memory_space<hbm>> -> memref<1x10000x64xf32, #tpu.memory_space<hbm>>
    %dma_start3A_116 = tpu.memref_squeeze %dma_start3A_115 : memref<1x10000x64xf32, #tpu.memory_space<hbm>> -> memref<10000x64xf32, #tpu.memory_space<hbm>>
    %dma_start3A_117 = arith.constant 0 : i32
    %dma_start3A_118 = arith.constant 0 : i32
    %dma_start3A_119 = tpu.memref_slice %dma_start3A_116[%dma_start3A_117, %dma_start3A_118] : memref<10000x64xf32, #tpu.memory_space<hbm>> -> memref<10000x64xf32, #tpu.memory_space<hbm>>
    %dma_start3A_120 = tpu.memref_slice %arg10[%dma_start3A_105] : memref<4x!tpu.dma_semaphore, #tpu.memory_space<semaphore_mem>> -> memref<1x!tpu.dma_semaphore, #tpu.memory_space<semaphore_mem>>
    %dma_start3A_121 = tpu.memref_squeeze %dma_start3A_120 : memref<1x!tpu.dma_semaphore, #tpu.memory_space<semaphore_mem>> -> memref<!tpu.dma_semaphore, #tpu.memory_space<semaphore_mem>>
    tpu.enqueue_indirect_dma source(%dma_start3A_119 : memref<10000x64xf32, #tpu.memory_space<hbm>>) target(%dma_start3A_109 : memref<125x64xf32, #tpu.memory_space<vmem>>) offsets(%dma_start3A_112 : memref<125xi32, #tpu.memory_space<vmem>>) semaphore(%dma_start3A_121 : memref<!tpu.dma_semaphore, #tpu.memory_space<semaphore_mem>>)
    %scan3A_122 = arith.constant 0 : i32
    %scan3A_123 = arith.constant 0 : i32
    %scan3A_124 = arith.constant 40 : i32
    %scan3A_125 = arith.addi %scan3A_123, %scan3A_124 : i32
    %scan3A_126 = arith.constant 1 : i32
    %scan3A_127 = scf.for %scan3A_191 = %scan3A_123 to %scan3A_125 step %scan3A_126 iter_args(%scan3A_192 = %scan3A_122) -> (i32)  : i32 {
      %mul3A_193 = arith.constant 4 : i32
      %mul3A_194 = arith.muli %mul3A_193, %scan3A_191 : i32
      %add3A_195 = arith.constant 0 : i32
      %add3A_196 = arith.addi %mul3A_194, %add3A_195 : i32
      %dma_wait3A_197 = arith.constant 0 : i32
      %dma_wait3A_198 = arith.constant 0 : i32
      %dma_wait3A_199 = arith.constant 0 : i32
      %dma_wait3A_200 = arith.constant 0 : i32
      %dma_wait3A_201 = tpu.memref_slice %arg7[%dma_wait3A_197, %dma_wait3A_199, %dma_wait3A_200] : memref<4x125x64xf32, #tpu.memory_space<vmem>> -> memref<1x125x64xf32, #tpu.memory_space<vmem>>
      %dma_wait3A_202 = tpu.memref_squeeze %dma_wait3A_201 : memref<1x125x64xf32, #tpu.memory_space<vmem>> -> memref<125x64xf32, #tpu.memory_space<vmem>>
      %dma_wait3A_203 = arith.constant 0 : i32
      %dma_wait3A_204 = tpu.memref_slice %arg5[%add3A_196, %dma_wait3A_203] : memref<160x125xi32, #tpu.memory_space<vmem>> -> memref<1x125xi32, #tpu.memory_space<vmem>>
      %dma_wait3A_205 = tpu.memref_squeeze %dma_wait3A_204 : memref<1x125xi32, #tpu.memory_space<vmem>> -> memref<125xi32, #tpu.memory_space<vmem>>
      %dma_wait3A_206 = arith.constant 0 : i32
      %dma_wait3A_207 = arith.constant 0 : i32
      %dma_wait3A_208 = tpu.memref_slice %arg2[%arg0, %dma_wait3A_206, %dma_wait3A_207] : memref<2x10000x64xf32, #tpu.memory_space<hbm>> -> memref<1x10000x64xf32, #tpu.memory_space<hbm>>
      %dma_wait3A_209 = tpu.memref_squeeze %dma_wait3A_208 : memref<1x10000x64xf32, #tpu.memory_space<hbm>> -> memref<10000x64xf32, #tpu.memory_space<hbm>>
      %dma_wait3A_210 = arith.constant 0 : i32
      %dma_wait3A_211 = arith.constant 0 : i32
      %dma_wait3A_212 = tpu.memref_slice %dma_wait3A_209[%dma_wait3A_210, %dma_wait3A_211] : memref<10000x64xf32, #tpu.memory_space<hbm>> -> memref<10000x64xf32, #tpu.memory_space<hbm>>
      %dma_wait3A_213 = tpu.memref_slice %arg10[%dma_wait3A_198] : memref<4x!tpu.dma_semaphore, #tpu.memory_space<semaphore_mem>> -> memref<1x!tpu.dma_semaphore, #tpu.memory_space<semaphore_mem>>
      %dma_wait3A_214 = tpu.memref_squeeze %dma_wait3A_213 : memref<1x!tpu.dma_semaphore, #tpu.memory_space<semaphore_mem>> -> memref<!tpu.dma_semaphore, #tpu.memory_space<semaphore_mem>>
      tpu.wait_indirect_dma semaphore(%dma_wait3A_214 : memref<!tpu.dma_semaphore, #tpu.memory_space<semaphore_mem>>) src(%dma_wait3A_212 : memref<10000x64xf32, #tpu.memory_space<hbm>>) dst(%dma_wait3A_202 : memref<125x64xf32, #tpu.memory_space<vmem>>)
      %dma_start3A_215 = arith.constant 0 : i32
      %dma_start3A_216 = arith.constant 0 : i32
      %dma_start3A_217 = arith.constant 0 : i32
      %dma_start3A_218 = arith.constant 0 : i32
      %dma_start3A_219 = tpu.memref_slice %arg7[%dma_start3A_215, %dma_start3A_217, %dma_start3A_218] : memref<4x125x64xf32, #tpu.memory_space<vmem>> -> memref<1x125x64xf32, #tpu.memory_space<vmem>>
      %dma_start3A_220 = tpu.memref_squeeze %dma_start3A_219 : memref<1x125x64xf32, #tpu.memory_space<vmem>> -> memref<125x64xf32, #tpu.memory_space<vmem>>
      %dma_start3A_221 = arith.constant 0 : i32
      %dma_start3A_222 = tpu.memref_slice %arg6[%add3A_196, %dma_start3A_221] : memref<160x125xi32, #tpu.memory_space<vmem>> -> memref<1x125xi32, #tpu.memory_space<vmem>>
      %dma_start3A_223 = tpu.memref_squeeze %dma_start3A_222 : memref<1x125xi32, #tpu.memory_space<vmem>> -> memref<125xi32, #tpu.memory_space<vmem>>
      %dma_start3A_224 = arith.constant 0 : i32
      %dma_start3A_225 = arith.constant 0 : i32
      %dma_start3A_226 = tpu.memref_slice %arg9[%dma_start3A_224, %dma_start3A_225] : memref<10240x64xf32, #tpu.memory_space<vmem_shared>> -> memref<10240x64xf32, #tpu.memory_space<vmem_shared>>
      %dma_start3A_227 = tpu.memref_slice %arg11[%dma_start3A_216] : memref<4x!tpu.dma_semaphore, #tpu.memory_space<semaphore_mem>> -> memref<1x!tpu.dma_semaphore, #tpu.memory_space<semaphore_mem>>
      %dma_start3A_228 = tpu.memref_squeeze %dma_start3A_227 : memref<1x!tpu.dma_semaphore, #tpu.memory_space<semaphore_mem>> -> memref<!tpu.dma_semaphore, #tpu.memory_space<semaphore_mem>>
      tpu.enqueue_indirect_dma source(%dma_start3A_220 : memref<125x64xf32, #tpu.memory_space<vmem>>) target(%dma_start3A_226 : memref<10240x64xf32, #tpu.memory_space<vmem_shared>>) offsets(%dma_start3A_223 : memref<125xi32, #tpu.memory_space<vmem>>) semaphore(%dma_start3A_228 : memref<!tpu.dma_semaphore, #tpu.memory_space<semaphore_mem>>) {add = true}
      %add3A_229 = arith.constant 2 : i32
      %add3A_230 = arith.addi %add3A_196, %add3A_229 : i32
      %lt3A = arith.constant 160 : i32
      %lt3A_231 = arith.cmpi slt, %add3A_230, %lt3A : i32
      %convert_element_type3A = arith.extui %lt3A_231 : i1 to i32
      %cond3A = arith.constant 0 : i32
      %cond3A_232 = arith.cmpi ne, %convert_element_type3A, %cond3A : i32
      scf.if %cond3A_232 {
        %ge3A = arith.constant 2 : i32
        %ge3A_363 = arith.cmpi sge, %add3A_196, %ge3A : i32
        %convert_element_type3A_364 = arith.extui %ge3A_363 : i1 to i32
        %cond3A_365 = arith.constant 0 : i32
        %cond3A_366 = arith.cmpi ne, %convert_element_type3A_364, %cond3A_365 : i32
        scf.if %cond3A_366 {
          %dma_wait3A_385 = arith.constant 2 : i32
          %dma_wait3A_386 = arith.constant 2 : i32
          %dma_wait3A_387 = arith.constant 0 : i32
          %dma_wait3A_388 = arith.constant 0 : i32
          %dma_wait3A_389 = tpu.memref_slice %arg7[%dma_wait3A_385, %dma_wait3A_387, %dma_wait3A_388] : memref<4x125x64xf32, #tpu.memory_space<vmem>> -> memref<1x125x64xf32, #tpu.memory_space<vmem>>
          %dma_wait3A_390 = tpu.memref_squeeze %dma_wait3A_389 : memref<1x125x64xf32, #tpu.memory_space<vmem>> -> memref<125x64xf32, #tpu.memory_space<vmem>>
          %dma_wait3A_391 = arith.constant 0 : i32
          %dma_wait3A_392 = tpu.memref_slice %arg6[%add3A_196, %dma_wait3A_391] : memref<160x125xi32, #tpu.memory_space<vmem>> -> memref<1x125xi32, #tpu.memory_space<vmem>>
          %dma_wait3A_393 = tpu.memref_squeeze %dma_wait3A_392 : memref<1x125xi32, #tpu.memory_space<vmem>> -> memref<125xi32, #tpu.memory_space<vmem>>
          %dma_wait3A_394 = arith.constant 0 : i32
          %dma_wait3A_395 = arith.constant 0 : i32
          %dma_wait3A_396 = tpu.memref_slice %arg9[%dma_wait3A_394, %dma_wait3A_395] : memref<10240x64xf32, #tpu.memory_space<vmem_shared>> -> memref<10240x64xf32, #tpu.memory_space<vmem_shared>>
          %dma_wait3A_397 = tpu.memref_slice %arg11[%dma_wait3A_386] : memref<4x!tpu.dma_semaphore, #tpu.memory_space<semaphore_mem>> -> memref<1x!tpu.dma_semaphore, #tpu.memory_space<semaphore_mem>>
          %dma_wait3A_398 = tpu.memref_squeeze %dma_wait3A_397 : memref<1x!tpu.dma_semaphore, #tpu.memory_space<semaphore_mem>> -> memref<!tpu.dma_semaphore, #tpu.memory_space<semaphore_mem>>
          tpu.wait_indirect_dma semaphore(%dma_wait3A_398 : memref<!tpu.dma_semaphore, #tpu.memory_space<semaphore_mem>>) src(%dma_wait3A_390 : memref<125x64xf32, #tpu.memory_space<vmem>>) dst(%dma_wait3A_396 : memref<10240x64xf32, #tpu.memory_space<vmem_shared>>)
        } else {
        }
        %dma_start3A_367 = arith.constant 2 : i32
        %dma_start3A_368 = arith.constant 2 : i32
        %dma_start3A_369 = arith.constant 0 : i32
        %dma_start3A_370 = arith.constant 0 : i32
        %dma_start3A_371 = tpu.memref_slice %arg7[%dma_start3A_367, %dma_start3A_369, %dma_start3A_370] : memref<4x125x64xf32, #tpu.memory_space<vmem>> -> memref<1x125x64xf32, #tpu.memory_space<vmem>>
        %dma_start3A_372 = tpu.memref_squeeze %dma_start3A_371 : memref<1x125x64xf32, #tpu.memory_space<vmem>> -> memref<125x64xf32, #tpu.memory_space<vmem>>
        %dma_start3A_373 = arith.constant 0 : i32
        %dma_start3A_374 = tpu.memref_slice %arg5[%add3A_230, %dma_start3A_373] : memref<160x125xi32, #tpu.memory_space<vmem>> -> memref<1x125xi32, #tpu.memory_space<vmem>>
        %dma_start3A_375 = tpu.memref_squeeze %dma_start3A_374 : memref<1x125xi32, #tpu.memory_space<vmem>> -> memref<125xi32, #tpu.memory_space<vmem>>
        %dma_start3A_376 = arith.constant 0 : i32
        %dma_start3A_377 = arith.constant 0 : i32
        %dma_start3A_378 = tpu.memref_slice %arg2[%arg0, %dma_start3A_376, %dma_start3A_377] : memref<2x10000x64xf32, #tpu.memory_space<hbm>> -> memref<1x10000x64xf32, #tpu.memory_space<hbm>>
        %dma_start3A_379 = tpu.memref_squeeze %dma_start3A_378 : memref<1x10000x64xf32, #tpu.memory_space<hbm>> -> memref<10000x64xf32, #tpu.memory_space<hbm>>
        %dma_start3A_380 = arith.constant 0 : i32
        %dma_start3A_381 = arith.constant 0 : i32
        %dma_start3A_382 = tpu.memref_slice %dma_start3A_379[%dma_start3A_380, %dma_start3A_381] : memref<10000x64xf32, #tpu.memory_space<hbm>> -> memref<10000x64xf32, #tpu.memory_space<hbm>>
        %dma_start3A_383 = tpu.memref_slice %arg10[%dma_start3A_368] : memref<4x!tpu.dma_semaphore, #tpu.memory_space<semaphore_mem>> -> memref<1x!tpu.dma_semaphore, #tpu.memory_space<semaphore_mem>>
        %dma_start3A_384 = tpu.memref_squeeze %dma_start3A_383 : memref<1x!tpu.dma_semaphore, #tpu.memory_space<semaphore_mem>> -> memref<!tpu.dma_semaphore, #tpu.memory_space<semaphore_mem>>
        tpu.enqueue_indirect_dma source(%dma_start3A_382 : memref<10000x64xf32, #tpu.memory_space<hbm>>) target(%dma_start3A_372 : memref<125x64xf32, #tpu.memory_space<vmem>>) offsets(%dma_start3A_375 : memref<125xi32, #tpu.memory_space<vmem>>) semaphore(%dma_start3A_384 : memref<!tpu.dma_semaphore, #tpu.memory_space<semaphore_mem>>)
      } else {
      }
      %mul3A_233 = arith.constant 4 : i32
      %mul3A_234 = arith.muli %mul3A_233, %scan3A_191 : i32
      %add3A_235 = arith.constant 1 : i32
      %add3A_236 = arith.addi %mul3A_234, %add3A_235 : i32
      %dma_wait3A_237 = arith.constant 1 : i32
      %dma_wait3A_238 = arith.constant 1 : i32
      %dma_wait3A_239 = arith.constant 0 : i32
      %dma_wait3A_240 = arith.constant 0 : i32
      %dma_wait3A_241 = tpu.memref_slice %arg7[%dma_wait3A_237, %dma_wait3A_239, %dma_wait3A_240] : memref<4x125x64xf32, #tpu.memory_space<vmem>> -> memref<1x125x64xf32, #tpu.memory_space<vmem>>
      %dma_wait3A_242 = tpu.memref_squeeze %dma_wait3A_241 : memref<1x125x64xf32, #tpu.memory_space<vmem>> -> memref<125x64xf32, #tpu.memory_space<vmem>>
      %dma_wait3A_243 = arith.constant 0 : i32
      %dma_wait3A_244 = tpu.memref_slice %arg5[%add3A_236, %dma_wait3A_243] : memref<160x125xi32, #tpu.memory_space<vmem>> -> memref<1x125xi32, #tpu.memory_space<vmem>>
      %dma_wait3A_245 = tpu.memref_squeeze %dma_wait3A_244 : memref<1x125xi32, #tpu.memory_space<vmem>> -> memref<125xi32, #tpu.memory_space<vmem>>
      %dma_wait3A_246 = arith.constant 0 : i32
      %dma_wait3A_247 = arith.constant 0 : i32
      %dma_wait3A_248 = tpu.memref_slice %arg2[%arg0, %dma_wait3A_246, %dma_wait3A_247] : memref<2x10000x64xf32, #tpu.memory_space<hbm>> -> memref<1x10000x64xf32, #tpu.memory_space<hbm>>
      %dma_wait3A_249 = tpu.memref_squeeze %dma_wait3A_248 : memref<1x10000x64xf32, #tpu.memory_space<hbm>> -> memref<10000x64xf32, #tpu.memory_space<hbm>>
      %dma_wait3A_250 = arith.constant 0 : i32
      %dma_wait3A_251 = arith.constant 0 : i32
      %dma_wait3A_252 = tpu.memref_slice %dma_wait3A_249[%dma_wait3A_250, %dma_wait3A_251] : memref<10000x64xf32, #tpu.memory_space<hbm>> -> memref<10000x64xf32, #tpu.memory_space<hbm>>
      %dma_wait3A_253 = tpu.memref_slice %arg10[%dma_wait3A_238] : memref<4x!tpu.dma_semaphore, #tpu.memory_space<semaphore_mem>> -> memref<1x!tpu.dma_semaphore, #tpu.memory_space<semaphore_mem>>
      %dma_wait3A_254 = tpu.memref_squeeze %dma_wait3A_253 : memref<1x!tpu.dma_semaphore, #tpu.memory_space<semaphore_mem>> -> memref<!tpu.dma_semaphore, #tpu.memory_space<semaphore_mem>>
      tpu.wait_indirect_dma semaphore(%dma_wait3A_254 : memref<!tpu.dma_semaphore, #tpu.memory_space<semaphore_mem>>) src(%dma_wait3A_252 : memref<10000x64xf32, #tpu.memory_space<hbm>>) dst(%dma_wait3A_242 : memref<125x64xf32, #tpu.memory_space<vmem>>)
      %dma_start3A_255 = arith.constant 1 : i32
      %dma_start3A_256 = arith.constant 1 : i32
      %dma_start3A_257 = arith.constant 0 : i32
      %dma_start3A_258 = arith.constant 0 : i32
      %dma_start3A_259 = tpu.memref_slice %arg7[%dma_start3A_255, %dma_start3A_257, %dma_start3A_258] : memref<4x125x64xf32, #tpu.memory_space<vmem>> -> memref<1x125x64xf32, #tpu.memory_space<vmem>>
      %dma_start3A_260 = tpu.memref_squeeze %dma_start3A_259 : memref<1x125x64xf32, #tpu.memory_space<vmem>> -> memref<125x64xf32, #tpu.memory_space<vmem>>
      %dma_start3A_261 = arith.constant 0 : i32
      %dma_start3A_262 = tpu.memref_slice %arg6[%add3A_236, %dma_start3A_261] : memref<160x125xi32, #tpu.memory_space<vmem>> -> memref<1x125xi32, #tpu.memory_space<vmem>>
      %dma_start3A_263 = tpu.memref_squeeze %dma_start3A_262 : memref<1x125xi32, #tpu.memory_space<vmem>> -> memref<125xi32, #tpu.memory_space<vmem>>
      %dma_start3A_264 = arith.constant 0 : i32
      %dma_start3A_265 = arith.constant 0 : i32
      %dma_start3A_266 = tpu.memref_slice %arg9[%dma_start3A_264, %dma_start3A_265] : memref<10240x64xf32, #tpu.memory_space<vmem_shared>> -> memref<10240x64xf32, #tpu.memory_space<vmem_shared>>
      %dma_start3A_267 = tpu.memref_slice %arg11[%dma_start3A_256] : memref<4x!tpu.dma_semaphore, #tpu.memory_space<semaphore_mem>> -> memref<1x!tpu.dma_semaphore, #tpu.memory_space<semaphore_mem>>
      %dma_start3A_268 = tpu.memref_squeeze %dma_start3A_267 : memref<1x!tpu.dma_semaphore, #tpu.memory_space<semaphore_mem>> -> memref<!tpu.dma_semaphore, #tpu.memory_space<semaphore_mem>>
      tpu.enqueue_indirect_dma source(%dma_start3A_260 : memref<125x64xf32, #tpu.memory_space<vmem>>) target(%dma_start3A_266 : memref<10240x64xf32, #tpu.memory_space<vmem_shared>>) offsets(%dma_start3A_263 : memref<125xi32, #tpu.memory_space<vmem>>) semaphore(%dma_start3A_268 : memref<!tpu.dma_semaphore, #tpu.memory_space<semaphore_mem>>) {add = true}
      %add3A_269 = arith.constant 2 : i32
      %add3A_270 = arith.addi %add3A_236, %add3A_269 : i32
      %lt3A_271 = arith.constant 160 : i32
      %lt3A_272 = arith.cmpi slt, %add3A_270, %lt3A_271 : i32
      %convert_element_type3A_273 = arith.extui %lt3A_272 : i1 to i32
      %cond3A_274 = arith.constant 0 : i32
      %cond3A_275 = arith.cmpi ne, %convert_element_type3A_273, %cond3A_274 : i32
      scf.if %cond3A_275 {
        %ge3A = arith.constant 2 : i32
        %ge3A_363 = arith.cmpi sge, %add3A_236, %ge3A : i32
        %convert_element_type3A_364 = arith.extui %ge3A_363 : i1 to i32
        %cond3A_365 = arith.constant 0 : i32
        %cond3A_366 = arith.cmpi ne, %convert_element_type3A_364, %cond3A_365 : i32
        scf.if %cond3A_366 {
          %dma_wait3A_385 = arith.constant 3 : i32
          %dma_wait3A_386 = arith.constant 3 : i32
          %dma_wait3A_387 = arith.constant 0 : i32
          %dma_wait3A_388 = arith.constant 0 : i32
          %dma_wait3A_389 = tpu.memref_slice %arg7[%dma_wait3A_385, %dma_wait3A_387, %dma_wait3A_388] : memref<4x125x64xf32, #tpu.memory_space<vmem>> -> memref<1x125x64xf32, #tpu.memory_space<vmem>>
          %dma_wait3A_390 = tpu.memref_squeeze %dma_wait3A_389 : memref<1x125x64xf32, #tpu.memory_space<vmem>> -> memref<125x64xf32, #tpu.memory_space<vmem>>
          %dma_wait3A_391 = arith.constant 0 : i32
          %dma_wait3A_392 = tpu.memref_slice %arg6[%add3A_236, %dma_wait3A_391] : memref<160x125xi32, #tpu.memory_space<vmem>> -> memref<1x125xi32, #tpu.memory_space<vmem>>
          %dma_wait3A_393 = tpu.memref_squeeze %dma_wait3A_392 : memref<1x125xi32, #tpu.memory_space<vmem>> -> memref<125xi32, #tpu.memory_space<vmem>>
          %dma_wait3A_394 = arith.constant 0 : i32
          %dma_wait3A_395 = arith.constant 0 : i32
          %dma_wait3A_396 = tpu.memref_slice %arg9[%dma_wait3A_394, %dma_wait3A_395] : memref<10240x64xf32, #tpu.memory_space<vmem_shared>> -> memref<10240x64xf32, #tpu.memory_space<vmem_shared>>
          %dma_wait3A_397 = tpu.memref_slice %arg11[%dma_wait3A_386] : memref<4x!tpu.dma_semaphore, #tpu.memory_space<semaphore_mem>> -> memref<1x!tpu.dma_semaphore, #tpu.memory_space<semaphore_mem>>
          %dma_wait3A_398 = tpu.memref_squeeze %dma_wait3A_397 : memref<1x!tpu.dma_semaphore, #tpu.memory_space<semaphore_mem>> -> memref<!tpu.dma_semaphore, #tpu.memory_space<semaphore_mem>>
          tpu.wait_indirect_dma semaphore(%dma_wait3A_398 : memref<!tpu.dma_semaphore, #tpu.memory_space<semaphore_mem>>) src(%dma_wait3A_390 : memref<125x64xf32, #tpu.memory_space<vmem>>) dst(%dma_wait3A_396 : memref<10240x64xf32, #tpu.memory_space<vmem_shared>>)
        } else {
        }
        %dma_start3A_367 = arith.constant 3 : i32
        %dma_start3A_368 = arith.constant 3 : i32
        %dma_start3A_369 = arith.constant 0 : i32
        %dma_start3A_370 = arith.constant 0 : i32
        %dma_start3A_371 = tpu.memref_slice %arg7[%dma_start3A_367, %dma_start3A_369, %dma_start3A_370] : memref<4x125x64xf32, #tpu.memory_space<vmem>> -> memref<1x125x64xf32, #tpu.memory_space<vmem>>
        %dma_start3A_372 = tpu.memref_squeeze %dma_start3A_371 : memref<1x125x64xf32, #tpu.memory_space<vmem>> -> memref<125x64xf32, #tpu.memory_space<vmem>>
        %dma_start3A_373 = arith.constant 0 : i32
        %dma_start3A_374 = tpu.memref_slice %arg5[%add3A_270, %dma_start3A_373] : memref<160x125xi32, #tpu.memory_space<vmem>> -> memref<1x125xi32, #tpu.memory_space<vmem>>
        %dma_start3A_375 = tpu.memref_squeeze %dma_start3A_374 : memref<1x125xi32, #tpu.memory_space<vmem>> -> memref<125xi32, #tpu.memory_space<vmem>>
        %dma_start3A_376 = arith.constant 0 : i32
        %dma_start3A_377 = arith.constant 0 : i32
        %dma_start3A_378 = tpu.memref_slice %arg2[%arg0, %dma_start3A_376, %dma_start3A_377] : memref<2x10000x64xf32, #tpu.memory_space<hbm>> -> memref<1x10000x64xf32, #tpu.memory_space<hbm>>
        %dma_start3A_379 = tpu.memref_squeeze %dma_start3A_378 : memref<1x10000x64xf32, #tpu.memory_space<hbm>> -> memref<10000x64xf32, #tpu.memory_space<hbm>>
        %dma_start3A_380 = arith.constant 0 : i32
        %dma_start3A_381 = arith.constant 0 : i32
        %dma_start3A_382 = tpu.memref_slice %dma_start3A_379[%dma_start3A_380, %dma_start3A_381] : memref<10000x64xf32, #tpu.memory_space<hbm>> -> memref<10000x64xf32, #tpu.memory_space<hbm>>
        %dma_start3A_383 = tpu.memref_slice %arg10[%dma_start3A_368] : memref<4x!tpu.dma_semaphore, #tpu.memory_space<semaphore_mem>> -> memref<1x!tpu.dma_semaphore, #tpu.memory_space<semaphore_mem>>
        %dma_start3A_384 = tpu.memref_squeeze %dma_start3A_383 : memref<1x!tpu.dma_semaphore, #tpu.memory_space<semaphore_mem>> -> memref<!tpu.dma_semaphore, #tpu.memory_space<semaphore_mem>>
        tpu.enqueue_indirect_dma source(%dma_start3A_382 : memref<10000x64xf32, #tpu.memory_space<hbm>>) target(%dma_start3A_372 : memref<125x64xf32, #tpu.memory_space<vmem>>) offsets(%dma_start3A_375 : memref<125xi32, #tpu.memory_space<vmem>>) semaphore(%dma_start3A_384 : memref<!tpu.dma_semaphore, #tpu.memory_space<semaphore_mem>>)
      } else {
      }
      %mul3A_276 = arith.constant 4 : i32
      %mul3A_277 = arith.muli %mul3A_276, %scan3A_191 : i32
      %add3A_278 = arith.constant 2 : i32
      %add3A_279 = arith.addi %mul3A_277, %add3A_278 : i32
      %dma_wait3A_280 = arith.constant 2 : i32
      %dma_wait3A_281 = arith.constant 2 : i32
      %dma_wait3A_282 = arith.constant 0 : i32
      %dma_wait3A_283 = arith.constant 0 : i32
      %dma_wait3A_284 = tpu.memref_slice %arg7[%dma_wait3A_280, %dma_wait3A_282, %dma_wait3A_283] : memref<4x125x64xf32, #tpu.memory_space<vmem>> -> memref<1x125x64xf32, #tpu.memory_space<vmem>>
      %dma_wait3A_285 = tpu.memref_squeeze %dma_wait3A_284 : memref<1x125x64xf32, #tpu.memory_space<vmem>> -> memref<125x64xf32, #tpu.memory_space<vmem>>
      %dma_wait3A_286 = arith.constant 0 : i32
      %dma_wait3A_287 = tpu.memref_slice %arg5[%add3A_279, %dma_wait3A_286] : memref<160x125xi32, #tpu.memory_space<vmem>> -> memref<1x125xi32, #tpu.memory_space<vmem>>
      %dma_wait3A_288 = tpu.memref_squeeze %dma_wait3A_287 : memref<1x125xi32, #tpu.memory_space<vmem>> -> memref<125xi32, #tpu.memory_space<vmem>>
      %dma_wait3A_289 = arith.constant 0 : i32
      %dma_wait3A_290 = arith.constant 0 : i32
      %dma_wait3A_291 = tpu.memref_slice %arg2[%arg0, %dma_wait3A_289, %dma_wait3A_290] : memref<2x10000x64xf32, #tpu.memory_space<hbm>> -> memref<1x10000x64xf32, #tpu.memory_space<hbm>>
      %dma_wait3A_292 = tpu.memref_squeeze %dma_wait3A_291 : memref<1x10000x64xf32, #tpu.memory_space<hbm>> -> memref<10000x64xf32, #tpu.memory_space<hbm>>
      %dma_wait3A_293 = arith.constant 0 : i32
      %dma_wait3A_294 = arith.constant 0 : i32
      %dma_wait3A_295 = tpu.memref_slice %dma_wait3A_292[%dma_wait3A_293, %dma_wait3A_294] : memref<10000x64xf32, #tpu.memory_space<hbm>> -> memref<10000x64xf32, #tpu.memory_space<hbm>>
      %dma_wait3A_296 = tpu.memref_slice %arg10[%dma_wait3A_281] : memref<4x!tpu.dma_semaphore, #tpu.memory_space<semaphore_mem>> -> memref<1x!tpu.dma_semaphore, #tpu.memory_space<semaphore_mem>>
      %dma_wait3A_297 = tpu.memref_squeeze %dma_wait3A_296 : memref<1x!tpu.dma_semaphore, #tpu.memory_space<semaphore_mem>> -> memref<!tpu.dma_semaphore, #tpu.memory_space<semaphore_mem>>
      tpu.wait_indirect_dma semaphore(%dma_wait3A_297 : memref<!tpu.dma_semaphore, #tpu.memory_space<semaphore_mem>>) src(%dma_wait3A_295 : memref<10000x64xf32, #tpu.memory_space<hbm>>) dst(%dma_wait3A_285 : memref<125x64xf32, #tpu.memory_space<vmem>>)
      %dma_start3A_298 = arith.constant 2 : i32
      %dma_start3A_299 = arith.constant 2 : i32
      %dma_start3A_300 = arith.constant 0 : i32
      %dma_start3A_301 = arith.constant 0 : i32
      %dma_start3A_302 = tpu.memref_slice %arg7[%dma_start3A_298, %dma_start3A_300, %dma_start3A_301] : memref<4x125x64xf32, #tpu.memory_space<vmem>> -> memref<1x125x64xf32, #tpu.memory_space<vmem>>
      %dma_start3A_303 = tpu.memref_squeeze %dma_start3A_302 : memref<1x125x64xf32, #tpu.memory_space<vmem>> -> memref<125x64xf32, #tpu.memory_space<vmem>>
      %dma_start3A_304 = arith.constant 0 : i32
      %dma_start3A_305 = tpu.memref_slice %arg6[%add3A_279, %dma_start3A_304] : memref<160x125xi32, #tpu.memory_space<vmem>> -> memref<1x125xi32, #tpu.memory_space<vmem>>
      %dma_start3A_306 = tpu.memref_squeeze %dma_start3A_305 : memref<1x125xi32, #tpu.memory_space<vmem>> -> memref<125xi32, #tpu.memory_space<vmem>>
      %dma_start3A_307 = arith.constant 0 : i32
      %dma_start3A_308 = arith.constant 0 : i32
      %dma_start3A_309 = tpu.memref_slice %arg9[%dma_start3A_307, %dma_start3A_308] : memref<10240x64xf32, #tpu.memory_space<vmem_shared>> -> memref<10240x64xf32, #tpu.memory_space<vmem_shared>>
      %dma_start3A_310 = tpu.memref_slice %arg11[%dma_start3A_299] : memref<4x!tpu.dma_semaphore, #tpu.memory_space<semaphore_mem>> -> memref<1x!tpu.dma_semaphore, #tpu.memory_space<semaphore_mem>>
      %dma_start3A_311 = tpu.memref_squeeze %dma_start3A_310 : memref<1x!tpu.dma_semaphore, #tpu.memory_space<semaphore_mem>> -> memref<!tpu.dma_semaphore, #tpu.memory_space<semaphore_mem>>
      tpu.enqueue_indirect_dma source(%dma_start3A_303 : memref<125x64xf32, #tpu.memory_space<vmem>>) target(%dma_start3A_309 : memref<10240x64xf32, #tpu.memory_space<vmem_shared>>) offsets(%dma_start3A_306 : memref<125xi32, #tpu.memory_space<vmem>>) semaphore(%dma_start3A_311 : memref<!tpu.dma_semaphore, #tpu.memory_space<semaphore_mem>>) {add = true}
      %add3A_312 = arith.constant 2 : i32
      %add3A_313 = arith.addi %add3A_279, %add3A_312 : i32
      %lt3A_314 = arith.constant 160 : i32
      %lt3A_315 = arith.cmpi slt, %add3A_313, %lt3A_314 : i32
      %convert_element_type3A_316 = arith.extui %lt3A_315 : i1 to i32
      %cond3A_317 = arith.constant 0 : i32
      %cond3A_318 = arith.cmpi ne, %convert_element_type3A_316, %cond3A_317 : i32
      scf.if %cond3A_318 {
        %ge3A = arith.constant 2 : i32
        %ge3A_363 = arith.cmpi sge, %add3A_279, %ge3A : i32
        %convert_element_type3A_364 = arith.extui %ge3A_363 : i1 to i32
        %cond3A_365 = arith.constant 0 : i32
        %cond3A_366 = arith.cmpi ne, %convert_element_type3A_364, %cond3A_365 : i32
        scf.if %cond3A_366 {
          %dma_wait3A_385 = arith.constant 0 : i32
          %dma_wait3A_386 = arith.constant 0 : i32
          %dma_wait3A_387 = arith.constant 0 : i32
          %dma_wait3A_388 = arith.constant 0 : i32
          %dma_wait3A_389 = tpu.memref_slice %arg7[%dma_wait3A_385, %dma_wait3A_387, %dma_wait3A_388] : memref<4x125x64xf32, #tpu.memory_space<vmem>> -> memref<1x125x64xf32, #tpu.memory_space<vmem>>
          %dma_wait3A_390 = tpu.memref_squeeze %dma_wait3A_389 : memref<1x125x64xf32, #tpu.memory_space<vmem>> -> memref<125x64xf32, #tpu.memory_space<vmem>>
          %dma_wait3A_391 = arith.constant 0 : i32
          %dma_wait3A_392 = tpu.memref_slice %arg6[%add3A_279, %dma_wait3A_391] : memref<160x125xi32, #tpu.memory_space<vmem>> -> memref<1x125xi32, #tpu.memory_space<vmem>>
          %dma_wait3A_393 = tpu.memref_squeeze %dma_wait3A_392 : memref<1x125xi32, #tpu.memory_space<vmem>> -> memref<125xi32, #tpu.memory_space<vmem>>
          %dma_wait3A_394 = arith.constant 0 : i32
          %dma_wait3A_395 = arith.constant 0 : i32
          %dma_wait3A_396 = tpu.memref_slice %arg9[%dma_wait3A_394, %dma_wait3A_395] : memref<10240x64xf32, #tpu.memory_space<vmem_shared>> -> memref<10240x64xf32, #tpu.memory_space<vmem_shared>>
          %dma_wait3A_397 = tpu.memref_slice %arg11[%dma_wait3A_386] : memref<4x!tpu.dma_semaphore, #tpu.memory_space<semaphore_mem>> -> memref<1x!tpu.dma_semaphore, #tpu.memory_space<semaphore_mem>>
          %dma_wait3A_398 = tpu.memref_squeeze %dma_wait3A_397 : memref<1x!tpu.dma_semaphore, #tpu.memory_space<semaphore_mem>> -> memref<!tpu.dma_semaphore, #tpu.memory_space<semaphore_mem>>
          tpu.wait_indirect_dma semaphore(%dma_wait3A_398 : memref<!tpu.dma_semaphore, #tpu.memory_space<semaphore_mem>>) src(%dma_wait3A_390 : memref<125x64xf32, #tpu.memory_space<vmem>>) dst(%dma_wait3A_396 : memref<10240x64xf32, #tpu.memory_space<vmem_shared>>)
        } else {
        }
        %dma_start3A_367 = arith.constant 0 : i32
        %dma_start3A_368 = arith.constant 0 : i32
        %dma_start3A_369 = arith.constant 0 : i32
        %dma_start3A_370 = arith.constant 0 : i32
        %dma_start3A_371 = tpu.memref_slice %arg7[%dma_start3A_367, %dma_start3A_369, %dma_start3A_370] : memref<4x125x64xf32, #tpu.memory_space<vmem>> -> memref<1x125x64xf32, #tpu.memory_space<vmem>>
        %dma_start3A_372 = tpu.memref_squeeze %dma_start3A_371 : memref<1x125x64xf32, #tpu.memory_space<vmem>> -> memref<125x64xf32, #tpu.memory_space<vmem>>
        %dma_start3A_373 = arith.constant 0 : i32
        %dma_start3A_374 = tpu.memref_slice %arg5[%add3A_313, %dma_start3A_373] : memref<160x125xi32, #tpu.memory_space<vmem>> -> memref<1x125xi32, #tpu.memory_space<vmem>>
        %dma_start3A_375 = tpu.memref_squeeze %dma_start3A_374 : memref<1x125xi32, #tpu.memory_space<vmem>> -> memref<125xi32, #tpu.memory_space<vmem>>
        %dma_start3A_376 = arith.constant 0 : i32
        %dma_start3A_377 = arith.constant 0 : i32
        %dma_start3A_378 = tpu.memref_slice %arg2[%arg0, %dma_start3A_376, %dma_start3A_377] : memref<2x10000x64xf32, #tpu.memory_space<hbm>> -> memref<1x10000x64xf32, #tpu.memory_space<hbm>>
        %dma_start3A_379 = tpu.memref_squeeze %dma_start3A_378 : memref<1x10000x64xf32, #tpu.memory_space<hbm>> -> memref<10000x64xf32, #tpu.memory_space<hbm>>
        %dma_start3A_380 = arith.constant 0 : i32
        %dma_start3A_381 = arith.constant 0 : i32
        %dma_start3A_382 = tpu.memref_slice %dma_start3A_379[%dma_start3A_380, %dma_start3A_381] : memref<10000x64xf32, #tpu.memory_space<hbm>> -> memref<10000x64xf32, #tpu.memory_space<hbm>>
        %dma_start3A_383 = tpu.memref_slice %arg10[%dma_start3A_368] : memref<4x!tpu.dma_semaphore, #tpu.memory_space<semaphore_mem>> -> memref<1x!tpu.dma_semaphore, #tpu.memory_space<semaphore_mem>>
        %dma_start3A_384 = tpu.memref_squeeze %dma_start3A_383 : memref<1x!tpu.dma_semaphore, #tpu.memory_space<semaphore_mem>> -> memref<!tpu.dma_semaphore, #tpu.memory_space<semaphore_mem>>
        tpu.enqueue_indirect_dma source(%dma_start3A_382 : memref<10000x64xf32, #tpu.memory_space<hbm>>) target(%dma_start3A_372 : memref<125x64xf32, #tpu.memory_space<vmem>>) offsets(%dma_start3A_375 : memref<125xi32, #tpu.memory_space<vmem>>) semaphore(%dma_start3A_384 : memref<!tpu.dma_semaphore, #tpu.memory_space<semaphore_mem>>)
      } else {
      }
      %mul3A_319 = arith.constant 4 : i32
      %mul3A_320 = arith.muli %mul3A_319, %scan3A_191 : i32
      %add3A_321 = arith.constant 3 : i32
      %add3A_322 = arith.addi %mul3A_320, %add3A_321 : i32
      %dma_wait3A_323 = arith.constant 3 : i32
      %dma_wait3A_324 = arith.constant 3 : i32
      %dma_wait3A_325 = arith.constant 0 : i32
      %dma_wait3A_326 = arith.constant 0 : i32
      %dma_wait3A_327 = tpu.memref_slice %arg7[%dma_wait3A_323, %dma_wait3A_325, %dma_wait3A_326] : memref<4x125x64xf32, #tpu.memory_space<vmem>> -> memref<1x125x64xf32, #tpu.memory_space<vmem>>
      %dma_wait3A_328 = tpu.memref_squeeze %dma_wait3A_327 : memref<1x125x64xf32, #tpu.memory_space<vmem>> -> memref<125x64xf32, #tpu.memory_space<vmem>>
      %dma_wait3A_329 = arith.constant 0 : i32
      %dma_wait3A_330 = tpu.memref_slice %arg5[%add3A_322, %dma_wait3A_329] : memref<160x125xi32, #tpu.memory_space<vmem>> -> memref<1x125xi32, #tpu.memory_space<vmem>>
      %dma_wait3A_331 = tpu.memref_squeeze %dma_wait3A_330 : memref<1x125xi32, #tpu.memory_space<vmem>> -> memref<125xi32, #tpu.memory_space<vmem>>
      %dma_wait3A_332 = arith.constant 0 : i32
      %dma_wait3A_333 = arith.constant 0 : i32
      %dma_wait3A_334 = tpu.memref_slice %arg2[%arg0, %dma_wait3A_332, %dma_wait3A_333] : memref<2x10000x64xf32, #tpu.memory_space<hbm>> -> memref<1x10000x64xf32, #tpu.memory_space<hbm>>
      %dma_wait3A_335 = tpu.memref_squeeze %dma_wait3A_334 : memref<1x10000x64xf32, #tpu.memory_space<hbm>> -> memref<10000x64xf32, #tpu.memory_space<hbm>>
      %dma_wait3A_336 = arith.constant 0 : i32
      %dma_wait3A_337 = arith.constant 0 : i32
      %dma_wait3A_338 = tpu.memref_slice %dma_wait3A_335[%dma_wait3A_336, %dma_wait3A_337] : memref<10000x64xf32, #tpu.memory_space<hbm>> -> memref<10000x64xf32, #tpu.memory_space<hbm>>
      %dma_wait3A_339 = tpu.memref_slice %arg10[%dma_wait3A_324] : memref<4x!tpu.dma_semaphore, #tpu.memory_space<semaphore_mem>> -> memref<1x!tpu.dma_semaphore, #tpu.memory_space<semaphore_mem>>
      %dma_wait3A_340 = tpu.memref_squeeze %dma_wait3A_339 : memref<1x!tpu.dma_semaphore, #tpu.memory_space<semaphore_mem>> -> memref<!tpu.dma_semaphore, #tpu.memory_space<semaphore_mem>>
      tpu.wait_indirect_dma semaphore(%dma_wait3A_340 : memref<!tpu.dma_semaphore, #tpu.memory_space<semaphore_mem>>) src(%dma_wait3A_338 : memref<10000x64xf32, #tpu.memory_space<hbm>>) dst(%dma_wait3A_328 : memref<125x64xf32, #tpu.memory_space<vmem>>)
      %dma_start3A_341 = arith.constant 3 : i32
      %dma_start3A_342 = arith.constant 3 : i32
      %dma_start3A_343 = arith.constant 0 : i32
      %dma_start3A_344 = arith.constant 0 : i32
      %dma_start3A_345 = tpu.memref_slice %arg7[%dma_start3A_341, %dma_start3A_343, %dma_start3A_344] : memref<4x125x64xf32, #tpu.memory_space<vmem>> -> memref<1x125x64xf32, #tpu.memory_space<vmem>>
      %dma_start3A_346 = tpu.memref_squeeze %dma_start3A_345 : memref<1x125x64xf32, #tpu.memory_space<vmem>> -> memref<125x64xf32, #tpu.memory_space<vmem>>
      %dma_start3A_347 = arith.constant 0 : i32
      %dma_start3A_348 = tpu.memref_slice %arg6[%add3A_322, %dma_start3A_347] : memref<160x125xi32, #tpu.memory_space<vmem>> -> memref<1x125xi32, #tpu.memory_space<vmem>>
      %dma_start3A_349 = tpu.memref_squeeze %dma_start3A_348 : memref<1x125xi32, #tpu.memory_space<vmem>> -> memref<125xi32, #tpu.memory_space<vmem>>
      %dma_start3A_350 = arith.constant 0 : i32
      %dma_start3A_351 = arith.constant 0 : i32
      %dma_start3A_352 = tpu.memref_slice %arg9[%dma_start3A_350, %dma_start3A_351] : memref<10240x64xf32, #tpu.memory_space<vmem_shared>> -> memref<10240x64xf32, #tpu.memory_space<vmem_shared>>
      %dma_start3A_353 = tpu.memref_slice %arg11[%dma_start3A_342] : memref<4x!tpu.dma_semaphore, #tpu.memory_space<semaphore_mem>> -> memref<1x!tpu.dma_semaphore, #tpu.memory_space<semaphore_mem>>
      %dma_start3A_354 = tpu.memref_squeeze %dma_start3A_353 : memref<1x!tpu.dma_semaphore, #tpu.memory_space<semaphore_mem>> -> memref<!tpu.dma_semaphore, #tpu.memory_space<semaphore_mem>>
      tpu.enqueue_indirect_dma source(%dma_start3A_346 : memref<125x64xf32, #tpu.memory_space<vmem>>) target(%dma_start3A_352 : memref<10240x64xf32, #tpu.memory_space<vmem_shared>>) offsets(%dma_start3A_349 : memref<125xi32, #tpu.memory_space<vmem>>) semaphore(%dma_start3A_354 : memref<!tpu.dma_semaphore, #tpu.memory_space<semaphore_mem>>) {add = true}
      %add3A_355 = arith.constant 2 : i32
      %add3A_356 = arith.addi %add3A_322, %add3A_355 : i32
      %lt3A_357 = arith.constant 160 : i32
      %lt3A_358 = arith.cmpi slt, %add3A_356, %lt3A_357 : i32
      %convert_element_type3A_359 = arith.extui %lt3A_358 : i1 to i32
      %cond3A_360 = arith.constant 0 : i32
      %cond3A_361 = arith.cmpi ne, %convert_element_type3A_359, %cond3A_360 : i32
      scf.if %cond3A_361 {
        %ge3A = arith.constant 2 : i32
        %ge3A_363 = arith.cmpi sge, %add3A_322, %ge3A : i32
        %convert_element_type3A_364 = arith.extui %ge3A_363 : i1 to i32
        %cond3A_365 = arith.constant 0 : i32
        %cond3A_366 = arith.cmpi ne, %convert_element_type3A_364, %cond3A_365 : i32
        scf.if %cond3A_366 {
          %dma_wait3A_385 = arith.constant 1 : i32
          %dma_wait3A_386 = arith.constant 1 : i32
          %dma_wait3A_387 = arith.constant 0 : i32
          %dma_wait3A_388 = arith.constant 0 : i32
          %dma_wait3A_389 = tpu.memref_slice %arg7[%dma_wait3A_385, %dma_wait3A_387, %dma_wait3A_388] : memref<4x125x64xf32, #tpu.memory_space<vmem>> -> memref<1x125x64xf32, #tpu.memory_space<vmem>>
          %dma_wait3A_390 = tpu.memref_squeeze %dma_wait3A_389 : memref<1x125x64xf32, #tpu.memory_space<vmem>> -> memref<125x64xf32, #tpu.memory_space<vmem>>
          %dma_wait3A_391 = arith.constant 0 : i32
          %dma_wait3A_392 = tpu.memref_slice %arg6[%add3A_322, %dma_wait3A_391] : memref<160x125xi32, #tpu.memory_space<vmem>> -> memref<1x125xi32, #tpu.memory_space<vmem>>
          %dma_wait3A_393 = tpu.memref_squeeze %dma_wait3A_392 : memref<1x125xi32, #tpu.memory_space<vmem>> -> memref<125xi32, #tpu.memory_space<vmem>>
          %dma_wait3A_394 = arith.constant 0 : i32
          %dma_wait3A_395 = arith.constant 0 : i32
          %dma_wait3A_396 = tpu.memref_slice %arg9[%dma_wait3A_394, %dma_wait3A_395] : memref<10240x64xf32, #tpu.memory_space<vmem_shared>> -> memref<10240x64xf32, #tpu.memory_space<vmem_shared>>
          %dma_wait3A_397 = tpu.memref_slice %arg11[%dma_wait3A_386] : memref<4x!tpu.dma_semaphore, #tpu.memory_space<semaphore_mem>> -> memref<1x!tpu.dma_semaphore, #tpu.memory_space<semaphore_mem>>
          %dma_wait3A_398 = tpu.memref_squeeze %dma_wait3A_397 : memref<1x!tpu.dma_semaphore, #tpu.memory_space<semaphore_mem>> -> memref<!tpu.dma_semaphore, #tpu.memory_space<semaphore_mem>>
          tpu.wait_indirect_dma semaphore(%dma_wait3A_398 : memref<!tpu.dma_semaphore, #tpu.memory_space<semaphore_mem>>) src(%dma_wait3A_390 : memref<125x64xf32, #tpu.memory_space<vmem>>) dst(%dma_wait3A_396 : memref<10240x64xf32, #tpu.memory_space<vmem_shared>>)
        } else {
        }
        %dma_start3A_367 = arith.constant 1 : i32
        %dma_start3A_368 = arith.constant 1 : i32
        %dma_start3A_369 = arith.constant 0 : i32
        %dma_start3A_370 = arith.constant 0 : i32
        %dma_start3A_371 = tpu.memref_slice %arg7[%dma_start3A_367, %dma_start3A_369, %dma_start3A_370] : memref<4x125x64xf32, #tpu.memory_space<vmem>> -> memref<1x125x64xf32, #tpu.memory_space<vmem>>
        %dma_start3A_372 = tpu.memref_squeeze %dma_start3A_371 : memref<1x125x64xf32, #tpu.memory_space<vmem>> -> memref<125x64xf32, #tpu.memory_space<vmem>>
        %dma_start3A_373 = arith.constant 0 : i32
        %dma_start3A_374 = tpu.memref_slice %arg5[%add3A_356, %dma_start3A_373] : memref<160x125xi32, #tpu.memory_space<vmem>> -> memref<1x125xi32, #tpu.memory_space<vmem>>
        %dma_start3A_375 = tpu.memref_squeeze %dma_start3A_374 : memref<1x125xi32, #tpu.memory_space<vmem>> -> memref<125xi32, #tpu.memory_space<vmem>>
        %dma_start3A_376 = arith.constant 0 : i32
        %dma_start3A_377 = arith.constant 0 : i32
        %dma_start3A_378 = tpu.memref_slice %arg2[%arg0, %dma_start3A_376, %dma_start3A_377] : memref<2x10000x64xf32, #tpu.memory_space<hbm>> -> memref<1x10000x64xf32, #tpu.memory_space<hbm>>
        %dma_start3A_379 = tpu.memref_squeeze %dma_start3A_378 : memref<1x10000x64xf32, #tpu.memory_space<hbm>> -> memref<10000x64xf32, #tpu.memory_space<hbm>>
        %dma_start3A_380 = arith.constant 0 : i32
        %dma_start3A_381 = arith.constant 0 : i32
        %dma_start3A_382 = tpu.memref_slice %dma_start3A_379[%dma_start3A_380, %dma_start3A_381] : memref<10000x64xf32, #tpu.memory_space<hbm>> -> memref<10000x64xf32, #tpu.memory_space<hbm>>
        %dma_start3A_383 = tpu.memref_slice %arg10[%dma_start3A_368] : memref<4x!tpu.dma_semaphore, #tpu.memory_space<semaphore_mem>> -> memref<1x!tpu.dma_semaphore, #tpu.memory_space<semaphore_mem>>
        %dma_start3A_384 = tpu.memref_squeeze %dma_start3A_383 : memref<1x!tpu.dma_semaphore, #tpu.memory_space<semaphore_mem>> -> memref<!tpu.dma_semaphore, #tpu.memory_space<semaphore_mem>>
        tpu.enqueue_indirect_dma source(%dma_start3A_382 : memref<10000x64xf32, #tpu.memory_space<hbm>>) target(%dma_start3A_372 : memref<125x64xf32, #tpu.memory_space<vmem>>) offsets(%dma_start3A_375 : memref<125xi32, #tpu.memory_space<vmem>>) semaphore(%dma_start3A_384 : memref<!tpu.dma_semaphore, #tpu.memory_space<semaphore_mem>>)
      } else {
      }
      %scan3A_362 = arith.constant 0 : i32
      scf.yield %scan3A_362 : i32
    }
    %scan3A_128 = arith.constant 40 : i32
    %dma_wait3A = arith.constant 0 : i32
    %dma_wait3A_129 = arith.constant 0 : i32
    %dma_wait3A_130 = arith.constant 0 : i32
    %dma_wait3A_131 = arith.constant 0 : i32
    %dma_wait3A_132 = arith.constant 0 : i32
    %dma_wait3A_133 = tpu.memref_slice %arg7[%dma_wait3A, %dma_wait3A_131, %dma_wait3A_132] : memref<4x125x64xf32, #tpu.memory_space<vmem>> -> memref<1x125x64xf32, #tpu.memory_space<vmem>>
    %dma_wait3A_134 = tpu.memref_squeeze %dma_wait3A_133 : memref<1x125x64xf32, #tpu.memory_space<vmem>> -> memref<125x64xf32, #tpu.memory_space<vmem>>
    %dma_wait3A_135 = arith.constant 0 : i32
    %dma_wait3A_136 = tpu.memref_slice %arg6[%dma_wait3A_129, %dma_wait3A_135] : memref<160x125xi32, #tpu.memory_space<vmem>> -> memref<1x125xi32, #tpu.memory_space<vmem>>
    %dma_wait3A_137 = tpu.memref_squeeze %dma_wait3A_136 : memref<1x125xi32, #tpu.memory_space<vmem>> -> memref<125xi32, #tpu.memory_space<vmem>>
    %dma_wait3A_138 = arith.constant 0 : i32
    %dma_wait3A_139 = arith.constant 0 : i32
    %dma_wait3A_140 = tpu.memref_slice %arg9[%dma_wait3A_138, %dma_wait3A_139] : memref<10240x64xf32, #tpu.memory_space<vmem_shared>> -> memref<10240x64xf32, #tpu.memory_space<vmem_shared>>
    %dma_wait3A_141 = tpu.memref_slice %arg11[%dma_wait3A_130] : memref<4x!tpu.dma_semaphore, #tpu.memory_space<semaphore_mem>> -> memref<1x!tpu.dma_semaphore, #tpu.memory_space<semaphore_mem>>
    %dma_wait3A_142 = tpu.memref_squeeze %dma_wait3A_141 : memref<1x!tpu.dma_semaphore, #tpu.memory_space<semaphore_mem>> -> memref<!tpu.dma_semaphore, #tpu.memory_space<semaphore_mem>>
    tpu.wait_indirect_dma semaphore(%dma_wait3A_142 : memref<!tpu.dma_semaphore, #tpu.memory_space<semaphore_mem>>) src(%dma_wait3A_134 : memref<125x64xf32, #tpu.memory_space<vmem>>) dst(%dma_wait3A_140 : memref<10240x64xf32, #tpu.memory_space<vmem_shared>>)
    %dma_wait3A_143 = arith.constant 1 : i32
    %dma_wait3A_144 = arith.constant 1 : i32
    %dma_wait3A_145 = arith.constant 1 : i32
    %dma_wait3A_146 = arith.constant 0 : i32
    %dma_wait3A_147 = arith.constant 0 : i32
    %dma_wait3A_148 = tpu.memref_slice %arg7[%dma_wait3A_143, %dma_wait3A_146, %dma_wait3A_147] : memref<4x125x64xf32, #tpu.memory_space<vmem>> -> memref<1x125x64xf32, #tpu.memory_space<vmem>>
    %dma_wait3A_149 = tpu.memref_squeeze %dma_wait3A_148 : memref<1x125x64xf32, #tpu.memory_space<vmem>> -> memref<125x64xf32, #tpu.memory_space<vmem>>
    %dma_wait3A_150 = arith.constant 0 : i32
    %dma_wait3A_151 = tpu.memref_slice %arg6[%dma_wait3A_144, %dma_wait3A_150] : memref<160x125xi32, #tpu.memory_space<vmem>> -> memref<1x125xi32, #tpu.memory_space<vmem>>
    %dma_wait3A_152 = tpu.memref_squeeze %dma_wait3A_151 : memref<1x125xi32, #tpu.memory_space<vmem>> -> memref<125xi32, #tpu.memory_space<vmem>>
    %dma_wait3A_153 = arith.constant 0 : i32
    %dma_wait3A_154 = arith.constant 0 : i32
    %dma_wait3A_155 = tpu.memref_slice %arg9[%dma_wait3A_153, %dma_wait3A_154] : memref<10240x64xf32, #tpu.memory_space<vmem_shared>> -> memref<10240x64xf32, #tpu.memory_space<vmem_shared>>
    %dma_wait3A_156 = tpu.memref_slice %arg11[%dma_wait3A_145] : memref<4x!tpu.dma_semaphore, #tpu.memory_space<semaphore_mem>> -> memref<1x!tpu.dma_semaphore, #tpu.memory_space<semaphore_mem>>
    %dma_wait3A_157 = tpu.memref_squeeze %dma_wait3A_156 : memref<1x!tpu.dma_semaphore, #tpu.memory_space<semaphore_mem>> -> memref<!tpu.dma_semaphore, #tpu.memory_space<semaphore_mem>>
    tpu.wait_indirect_dma semaphore(%dma_wait3A_157 : memref<!tpu.dma_semaphore, #tpu.memory_space<semaphore_mem>>) src(%dma_wait3A_149 : memref<125x64xf32, #tpu.memory_space<vmem>>) dst(%dma_wait3A_155 : memref<10240x64xf32, #tpu.memory_space<vmem_shared>>)
    %dma_wait3A_158 = arith.constant 2 : i32
    %dma_wait3A_159 = arith.constant 2 : i32
    %dma_wait3A_160 = arith.constant 2 : i32
    %dma_wait3A_161 = arith.constant 0 : i32
    %dma_wait3A_162 = arith.constant 0 : i32
    %dma_wait3A_163 = tpu.memref_slice %arg7[%dma_wait3A_158, %dma_wait3A_161, %dma_wait3A_162] : memref<4x125x64xf32, #tpu.memory_space<vmem>> -> memref<1x125x64xf32, #tpu.memory_space<vmem>>
    %dma_wait3A_164 = tpu.memref_squeeze %dma_wait3A_163 : memref<1x125x64xf32, #tpu.memory_space<vmem>> -> memref<125x64xf32, #tpu.memory_space<vmem>>
    %dma_wait3A_165 = arith.constant 0 : i32
    %dma_wait3A_166 = tpu.memref_slice %arg6[%dma_wait3A_159, %dma_wait3A_165] : memref<160x125xi32, #tpu.memory_space<vmem>> -> memref<1x125xi32, #tpu.memory_space<vmem>>
    %dma_wait3A_167 = tpu.memref_squeeze %dma_wait3A_166 : memref<1x125xi32, #tpu.memory_space<vmem>> -> memref<125xi32, #tpu.memory_space<vmem>>
    %dma_wait3A_168 = arith.constant 0 : i32
    %dma_wait3A_169 = arith.constant 0 : i32
    %dma_wait3A_170 = tpu.memref_slice %arg9[%dma_wait3A_168, %dma_wait3A_169] : memref<10240x64xf32, #tpu.memory_space<vmem_shared>> -> memref<10240x64xf32, #tpu.memory_space<vmem_shared>>
    %dma_wait3A_171 = tpu.memref_slice %arg11[%dma_wait3A_160] : memref<4x!tpu.dma_semaphore, #tpu.memory_space<semaphore_mem>> -> memref<1x!tpu.dma_semaphore, #tpu.memory_space<semaphore_mem>>
    %dma_wait3A_172 = tpu.memref_squeeze %dma_wait3A_171 : memref<1x!tpu.dma_semaphore, #tpu.memory_space<semaphore_mem>> -> memref<!tpu.dma_semaphore, #tpu.memory_space<semaphore_mem>>
    tpu.wait_indirect_dma semaphore(%dma_wait3A_172 : memref<!tpu.dma_semaphore, #tpu.memory_space<semaphore_mem>>) src(%dma_wait3A_164 : memref<125x64xf32, #tpu.memory_space<vmem>>) dst(%dma_wait3A_170 : memref<10240x64xf32, #tpu.memory_space<vmem_shared>>)
    %dma_wait3A_173 = arith.constant 3 : i32
    %dma_wait3A_174 = arith.constant 3 : i32
    %dma_wait3A_175 = arith.constant 3 : i32
    %dma_wait3A_176 = arith.constant 0 : i32
    %dma_wait3A_177 = arith.constant 0 : i32
    %dma_wait3A_178 = tpu.memref_slice %arg7[%dma_wait3A_173, %dma_wait3A_176, %dma_wait3A_177] : memref<4x125x64xf32, #tpu.memory_space<vmem>> -> memref<1x125x64xf32, #tpu.memory_space<vmem>>
    %dma_wait3A_179 = tpu.memref_squeeze %dma_wait3A_178 : memref<1x125x64xf32, #tpu.memory_space<vmem>> -> memref<125x64xf32, #tpu.memory_space<vmem>>
    %dma_wait3A_180 = arith.constant 0 : i32
    %dma_wait3A_181 = tpu.memref_slice %arg6[%dma_wait3A_174, %dma_wait3A_180] : memref<160x125xi32, #tpu.memory_space<vmem>> -> memref<1x125xi32, #tpu.memory_space<vmem>>
    %dma_wait3A_182 = tpu.memref_squeeze %dma_wait3A_181 : memref<1x125xi32, #tpu.memory_space<vmem>> -> memref<125xi32, #tpu.memory_space<vmem>>
    %dma_wait3A_183 = arith.constant 0 : i32
    %dma_wait3A_184 = arith.constant 0 : i32
    %dma_wait3A_185 = tpu.memref_slice %arg9[%dma_wait3A_183, %dma_wait3A_184] : memref<10240x64xf32, #tpu.memory_space<vmem_shared>> -> memref<10240x64xf32, #tpu.memory_space<vmem_shared>>
    %dma_wait3A_186 = tpu.memref_slice %arg11[%dma_wait3A_175] : memref<4x!tpu.dma_semaphore, #tpu.memory_space<semaphore_mem>> -> memref<1x!tpu.dma_semaphore, #tpu.memory_space<semaphore_mem>>
    %dma_wait3A_187 = tpu.memref_squeeze %dma_wait3A_186 : memref<1x!tpu.dma_semaphore, #tpu.memory_space<semaphore_mem>> -> memref<!tpu.dma_semaphore, #tpu.memory_space<semaphore_mem>>
    tpu.wait_indirect_dma semaphore(%dma_wait3A_187 : memref<!tpu.dma_semaphore, #tpu.memory_space<semaphore_mem>>) src(%dma_wait3A_179 : memref<125x64xf32, #tpu.memory_space<vmem>>) dst(%dma_wait3A_185 : memref<10240x64xf32, #tpu.memory_space<vmem_shared>>)
    %barrier3A_188 = arith.constant 0 : index
    tpu.barrier barrier_id(%barrier3A_188)
    %mul3A_189 = arith.constant 640 : i32
    %mul3A_190 = arith.muli %arg1, %mul3A_189 : i32
    "tpu.region"() ({
      %run_scoped3A_191 = tpu.sem_alloc : memref<!tpu.dma_semaphore, #tpu.memory_space<semaphore_mem>>
      %dma_start3A_192 = arith.constant 0 : i32
      %dma_start3A_193 = tpu.memref_slice %arg4[%arg0, %mul3A_190, %dma_start3A_192] : memref<2x10240x64xf32, #tpu.memory_space<hbm>> -> memref<1x640x64xf32, #tpu.memory_space<hbm>>
      %dma_start3A_194 = tpu.memref_squeeze %dma_start3A_193 : memref<1x640x64xf32, #tpu.memory_space<hbm>> -> memref<640x64xf32, #tpu.memory_space<hbm>>
      %dma_start3A_195 = arith.constant 0 : i32
      %dma_start3A_196 = tpu.memref_slice %arg9[%mul3A_190, %dma_start3A_195] : memref<10240x64xf32, #tpu.memory_space<vmem_shared>> -> memref<640x64xf32, #tpu.memory_space<vmem_shared>>
      tpu.enqueue_dma source(%dma_start3A_196 : memref<640x64xf32, #tpu.memory_space<vmem_shared>>) target(%dma_start3A_194 : memref<640x64xf32, #tpu.memory_space<hbm>>) target_semaphore(%run_scoped3A_191 : memref<!tpu.dma_semaphore, #tpu.memory_space<semaphore_mem>>)
      %dma_wait3A_197 = arith.constant 0 : i32
      %dma_wait3A_198 = tpu.memref_slice %arg4[%arg0, %mul3A_190, %dma_wait3A_197] : memref<2x10240x64xf32, #tpu.memory_space<hbm>> -> memref<1x640x64xf32, #tpu.memory_space<hbm>>
      %dma_wait3A_199 = tpu.memref_squeeze %dma_wait3A_198 : memref<1x640x64xf32, #tpu.memory_space<hbm>> -> memref<640x64xf32, #tpu.memory_space<hbm>>
      %dma_wait3A_200 = arith.constant 0 : i32
      %dma_wait3A_201 = tpu.memref_slice %arg9[%mul3A_190, %dma_wait3A_200] : memref<10240x64xf32, #tpu.memory_space<vmem_shared>> -> memref<640x64xf32, #tpu.memory_space<vmem_shared>>
      tpu.wait_dma2 semaphore(%run_scoped3A_191 : memref<!tpu.dma_semaphore, #tpu.memory_space<semaphore_mem>>) src(%dma_wait3A_201 : memref<640x64xf32, #tpu.memory_space<vmem_shared>>) dst(%dma_wait3A_199 : memref<640x64xf32, #tpu.memory_space<hbm>>)
      tpu.yield
    }) : () -> ()
    return
  }
}

#map = affine_map<(d0, d1) -> (0, 0, 0)>
#map1 = affine_map<(d0, d1) -> (0, 0, 0, 0)>
module attributes {stable_mosaic.version = 14 : i64} {
  func.func @body(%arg0: i32, %arg1: i32, %arg2: memref<2x10000x64xf32, #tpu.memory_space<hbm>>, %arg3: memref<2x16x160x125xi32, #tpu.memory_space<hbm>>, %arg4: memref<2x10240x64xf32, #tpu.memory_space<hbm>>, %arg5: memref<2x10240x16xf32, #tpu.memory_space<hbm>>, %arg6: memref<160x125xi32, #tpu.memory_space<vmem>>, %arg7: memref<160x125xi32, #tpu.memory_space<vmem>>, %arg8: memref<4x125x64xf32, #tpu.memory_space<vmem>>, %arg9: memref<32x64xf32, #tpu.memory_space<vmem>>, %arg10: memref<10240x64xf32, #tpu.memory_space<vmem_shared>>, %arg11: memref<4x!tpu.dma_semaphore, #tpu.memory_space<semaphore_mem>>, %arg12: memref<4x!tpu.dma_semaphore, #tpu.memory_space<semaphore_mem>>, %arg13: memref<125x16xf32, #tpu.memory_space<vmem>>, %arg14: memref<32x16xf32, #tpu.memory_space<vmem>>, %arg15: memref<10240x16xf32, #tpu.memory_space<vmem_shared>>) attributes {dimension_semantics = [#tpu.dimension_semantics<core_parallel>, #tpu.dimension_semantics<subcore_parallel>], iteration_bounds = array<i64: 2, 16>, scalar_prefetch = 0 : i64, scratch_operands = 10 : i64, tpu.core_type = #tpu.core_type<sc_vector_subcore>, window_params = [{transform_indices = #map}, {transform_indices = #map1}, {transform_indices = #map}, {transform_indices = #map}]} {
    %run_scoped3A = arith.constant 0 : i32
    "tpu.region"() ({
      %run_scoped3A_205 = tpu.sem_alloc : memref<!tpu.dma_semaphore, #tpu.memory_space<semaphore_mem>>
      %dma_start3A_206 = arith.constant 0 : i32
      %dma_start3A_207 = arith.constant 0 : i32
      %dma_start3A_208 = tpu.memref_slice %arg3[%run_scoped3A, %arg1, %dma_start3A_206, %dma_start3A_207] : memref<2x16x160x125xi32, #tpu.memory_space<hbm>> -> memref<1x1x160x125xi32, #tpu.memory_space<hbm>>
      %dma_start3A_209 = tpu.memref_squeeze %dma_start3A_208 : memref<1x1x160x125xi32, #tpu.memory_space<hbm>> -> memref<160x125xi32, #tpu.memory_space<hbm>>
      %dma_start3A_210 = arith.constant 0 : i32
      %dma_start3A_211 = arith.constant 0 : i32
      %dma_start3A_212 = tpu.memref_slice %arg3[%run_scoped3A, %arg1, %dma_start3A_210, %dma_start3A_211] : memref<2x16x160x125xi32, #tpu.memory_space<hbm>> -> memref<1x1x160x125xi32, #tpu.memory_space<hbm>>
      %dma_start3A_213 = tpu.memref_squeeze %dma_start3A_212 : memref<1x1x160x125xi32, #tpu.memory_space<hbm>> -> memref<160x125xi32, #tpu.memory_space<hbm>>
      tpu.enqueue_dma source(%dma_start3A_213 : memref<160x125xi32, #tpu.memory_space<hbm>>) target(%arg6 : memref<160x125xi32, #tpu.memory_space<vmem>>) target_semaphore(%run_scoped3A_205 : memref<!tpu.dma_semaphore, #tpu.memory_space<semaphore_mem>>)
      %dma_wait3A_214 = arith.constant 0 : i32
      %dma_wait3A_215 = arith.constant 0 : i32
      %dma_wait3A_216 = tpu.memref_slice %arg3[%run_scoped3A, %arg1, %dma_wait3A_214, %dma_wait3A_215] : memref<2x16x160x125xi32, #tpu.memory_space<hbm>> -> memref<1x1x160x125xi32, #tpu.memory_space<hbm>>
      %dma_wait3A_217 = tpu.memref_squeeze %dma_wait3A_216 : memref<1x1x160x125xi32, #tpu.memory_space<hbm>> -> memref<160x125xi32, #tpu.memory_space<hbm>>
      %dma_wait3A_218 = arith.constant 0 : i32
      %dma_wait3A_219 = arith.constant 0 : i32
      %dma_wait3A_220 = tpu.memref_slice %arg3[%run_scoped3A, %arg1, %dma_wait3A_218, %dma_wait3A_219] : memref<2x16x160x125xi32, #tpu.memory_space<hbm>> -> memref<1x1x160x125xi32, #tpu.memory_space<hbm>>
      %dma_wait3A_221 = tpu.memref_squeeze %dma_wait3A_220 : memref<1x1x160x125xi32, #tpu.memory_space<hbm>> -> memref<160x125xi32, #tpu.memory_space<hbm>>
      tpu.wait_dma2 semaphore(%run_scoped3A_205 : memref<!tpu.dma_semaphore, #tpu.memory_space<semaphore_mem>>) src(%dma_wait3A_221 : memref<160x125xi32, #tpu.memory_space<hbm>>) dst(%arg6 : memref<160x125xi32, #tpu.memory_space<vmem>>)
      tpu.yield
    }) : () -> ()
    %run_scoped3A_0 = arith.constant 1 : i32
    "tpu.region"() ({
      %run_scoped3A_205 = tpu.sem_alloc : memref<!tpu.dma_semaphore, #tpu.memory_space<semaphore_mem>>
      %dma_start3A_206 = arith.constant 0 : i32
      %dma_start3A_207 = arith.constant 0 : i32
      %dma_start3A_208 = tpu.memref_slice %arg3[%run_scoped3A_0, %arg1, %dma_start3A_206, %dma_start3A_207] : memref<2x16x160x125xi32, #tpu.memory_space<hbm>> -> memref<1x1x160x125xi32, #tpu.memory_space<hbm>>
      %dma_start3A_209 = tpu.memref_squeeze %dma_start3A_208 : memref<1x1x160x125xi32, #tpu.memory_space<hbm>> -> memref<160x125xi32, #tpu.memory_space<hbm>>
      %dma_start3A_210 = arith.constant 0 : i32
      %dma_start3A_211 = arith.constant 0 : i32
      %dma_start3A_212 = tpu.memref_slice %arg3[%run_scoped3A_0, %arg1, %dma_start3A_210, %dma_start3A_211] : memref<2x16x160x125xi32, #tpu.memory_space<hbm>> -> memref<1x1x160x125xi32, #tpu.memory_space<hbm>>
      %dma_start3A_213 = tpu.memref_squeeze %dma_start3A_212 : memref<1x1x160x125xi32, #tpu.memory_space<hbm>> -> memref<160x125xi32, #tpu.memory_space<hbm>>
      tpu.enqueue_dma source(%dma_start3A_213 : memref<160x125xi32, #tpu.memory_space<hbm>>) target(%arg7 : memref<160x125xi32, #tpu.memory_space<vmem>>) target_semaphore(%run_scoped3A_205 : memref<!tpu.dma_semaphore, #tpu.memory_space<semaphore_mem>>)
      %dma_wait3A_214 = arith.constant 0 : i32
      %dma_wait3A_215 = arith.constant 0 : i32
      %dma_wait3A_216 = tpu.memref_slice %arg3[%run_scoped3A_0, %arg1, %dma_wait3A_214, %dma_wait3A_215] : memref<2x16x160x125xi32, #tpu.memory_space<hbm>> -> memref<1x1x160x125xi32, #tpu.memory_space<hbm>>
      %dma_wait3A_217 = tpu.memref_squeeze %dma_wait3A_216 : memref<1x1x160x125xi32, #tpu.memory_space<hbm>> -> memref<160x125xi32, #tpu.memory_space<hbm>>
      %dma_wait3A_218 = arith.constant 0 : i32
      %dma_wait3A_219 = arith.constant 0 : i32
      %dma_wait3A_220 = tpu.memref_slice %arg3[%run_scoped3A_0, %arg1, %dma_wait3A_218, %dma_wait3A_219] : memref<2x16x160x125xi32, #tpu.memory_space<hbm>> -> memref<1x1x160x125xi32, #tpu.memory_space<hbm>>
      %dma_wait3A_221 = tpu.memref_squeeze %dma_wait3A_220 : memref<1x1x160x125xi32, #tpu.memory_space<hbm>> -> memref<160x125xi32, #tpu.memory_space<hbm>>
      tpu.wait_dma2 semaphore(%run_scoped3A_205 : memref<!tpu.dma_semaphore, #tpu.memory_space<semaphore_mem>>) src(%dma_wait3A_221 : memref<160x125xi32, #tpu.memory_space<hbm>>) dst(%arg7 : memref<160x125xi32, #tpu.memory_space<vmem>>)
      tpu.yield
    }) : () -> ()
    %scan3A = arith.constant 0 : i32
    %scan3A_1 = arith.constant 0 : i32
    %scan3A_2 = arith.constant 32 : i32
    %scan3A_3 = arith.addi %scan3A_1, %scan3A_2 : i32
    %scan3A_4 = arith.constant 1 : i32
    %scan3A_5 = scf.for %scan3A_205 = %scan3A_1 to %scan3A_3 step %scan3A_4 iter_args(%scan3A_206 = %scan3A) -> (i32)  : i32 {
      %broadcast_in_dim3A = arith.constant 0.000000e+00 : f32
      %broadcast_in_dim3A_207 = vector.broadcast %broadcast_in_dim3A : f32 to vector<16xf32>
      %swap3A = arith.index_cast %scan3A_205 : i32 to index
      %swap3A_208 = arith.constant 0 : index
      %swap3A_209 = tpu.vector_load %arg9[%swap3A, %swap3A_208] {strides = array<i32>} : memref<32x64xf32, #tpu.memory_space<vmem>>, vector<1x16xf32>,
      %swap3A_210 = vector.shape_cast %swap3A_209 : vector<1x16xf32> to vector<16xf32>
      %swap3A_211 = vector.shape_cast %broadcast_in_dim3A_207 : vector<16xf32> to vector<1x16xf32>
      tpu.vector_store %arg9[%swap3A, %swap3A_208], %swap3A_211 {strides = array<i32>} : memref<32x64xf32, #tpu.memory_space<vmem>>, vector<1x16xf32>,
      %broadcast_in_dim3A_212 = arith.constant 0.000000e+00 : f32
      %broadcast_in_dim3A_213 = vector.broadcast %broadcast_in_dim3A_212 : f32 to vector<16xf32>
      %swap3A_214 = arith.index_cast %scan3A_205 : i32 to index
      %swap3A_215 = arith.constant 16 : index
      %swap3A_216 = tpu.vector_load %arg9[%swap3A_214, %swap3A_215] {strides = array<i32>} : memref<32x64xf32, #tpu.memory_space<vmem>>, vector<1x16xf32>,
      %swap3A_217 = vector.shape_cast %swap3A_216 : vector<1x16xf32> to vector<16xf32>
      %swap3A_218 = vector.shape_cast %broadcast_in_dim3A_213 : vector<16xf32> to vector<1x16xf32>
      tpu.vector_store %arg9[%swap3A_214, %swap3A_215], %swap3A_218 {strides = array<i32>} : memref<32x64xf32, #tpu.memory_space<vmem>>, vector<1x16xf32>,
      %broadcast_in_dim3A_219 = arith.constant 0.000000e+00 : f32
      %broadcast_in_dim3A_220 = vector.broadcast %broadcast_in_dim3A_219 : f32 to vector<16xf32>
      %swap3A_221 = arith.index_cast %scan3A_205 : i32 to index
      %swap3A_222 = arith.constant 32 : index
      %swap3A_223 = tpu.vector_load %arg9[%swap3A_221, %swap3A_222] {strides = array<i32>} : memref<32x64xf32, #tpu.memory_space<vmem>>, vector<1x16xf32>,
      %swap3A_224 = vector.shape_cast %swap3A_223 : vector<1x16xf32> to vector<16xf32>
      %swap3A_225 = vector.shape_cast %broadcast_in_dim3A_220 : vector<16xf32> to vector<1x16xf32>
      tpu.vector_store %arg9[%swap3A_221, %swap3A_222], %swap3A_225 {strides = array<i32>} : memref<32x64xf32, #tpu.memory_space<vmem>>, vector<1x16xf32>,
      %broadcast_in_dim3A_226 = arith.constant 0.000000e+00 : f32
      %broadcast_in_dim3A_227 = vector.broadcast %broadcast_in_dim3A_226 : f32 to vector<16xf32>
      %swap3A_228 = arith.index_cast %scan3A_205 : i32 to index
      %swap3A_229 = arith.constant 48 : index
      %swap3A_230 = tpu.vector_load %arg9[%swap3A_228, %swap3A_229] {strides = array<i32>} : memref<32x64xf32, #tpu.memory_space<vmem>>, vector<1x16xf32>,
      %swap3A_231 = vector.shape_cast %swap3A_230 : vector<1x16xf32> to vector<16xf32>
      %swap3A_232 = vector.shape_cast %broadcast_in_dim3A_227 : vector<16xf32> to vector<1x16xf32>
      tpu.vector_store %arg9[%swap3A_228, %swap3A_229], %swap3A_232 {strides = array<i32>} : memref<32x64xf32, #tpu.memory_space<vmem>>, vector<1x16xf32>,
      %scan3A_233 = arith.constant 0 : i32
      scf.yield %scan3A_233 : i32
    }
    %scan3A_6 = arith.constant 32 : i32
    %scan3A_7 = arith.constant 0 : i32
    %scan3A_8 = arith.constant 0 : i32
    %scan3A_9 = arith.constant 32 : i32
    %scan3A_10 = arith.addi %scan3A_8, %scan3A_9 : i32
    %scan3A_11 = arith.constant 1 : i32
    %scan3A_12 = scf.for %scan3A_205 = %scan3A_8 to %scan3A_10 step %scan3A_11 iter_args(%scan3A_206 = %scan3A_7) -> (i32)  : i32 {
      %broadcast_in_dim3A = arith.constant 0.000000e+00 : f32
      %broadcast_in_dim3A_207 = vector.broadcast %broadcast_in_dim3A : f32 to vector<16xf32>
      %swap3A = arith.index_cast %scan3A_205 : i32 to index
      %swap3A_208 = arith.constant 0 : index
      %swap3A_209 = tpu.vector_load %arg14[%swap3A, %swap3A_208] {strides = array<i32>} : memref<32x16xf32, #tpu.memory_space<vmem>>, vector<1x16xf32>,
      %swap3A_210 = vector.shape_cast %swap3A_209 : vector<1x16xf32> to vector<16xf32>
      %swap3A_211 = vector.shape_cast %broadcast_in_dim3A_207 : vector<16xf32> to vector<1x16xf32>
      tpu.vector_store %arg14[%swap3A, %swap3A_208], %swap3A_211 {strides = array<i32>} : memref<32x16xf32, #tpu.memory_space<vmem>>, vector<1x16xf32>,
      %scan3A_212 = arith.constant 0 : i32
      scf.yield %scan3A_212 : i32
    }
    %scan3A_13 = arith.constant 32 : i32
    %scan3A_14 = arith.constant 0 : i32
    %scan3A_15 = arith.constant 0 : i32
    %scan3A_16 = arith.constant 125 : i32
    %scan3A_17 = arith.addi %scan3A_15, %scan3A_16 : i32
    %scan3A_18 = arith.constant 1 : i32
    %scan3A_19 = scf.for %scan3A_205 = %scan3A_15 to %scan3A_17 step %scan3A_18 iter_args(%scan3A_206 = %scan3A_14) -> (i32)  : i32 {
      %broadcast_in_dim3A = arith.constant 1.000000e+00 : f32
      %broadcast_in_dim3A_207 = vector.broadcast %broadcast_in_dim3A : f32 to vector<16xf32>
      %swap3A = arith.index_cast %scan3A_205 : i32 to index
      %swap3A_208 = arith.constant 0 : index
      %swap3A_209 = tpu.vector_load %arg13[%swap3A, %swap3A_208] {strides = array<i32>} : memref<125x16xf32, #tpu.memory_space<vmem>>, vector<1x16xf32>,
      %swap3A_210 = vector.shape_cast %swap3A_209 : vector<1x16xf32> to vector<16xf32>
      %swap3A_211 = vector.shape_cast %broadcast_in_dim3A_207 : vector<16xf32> to vector<1x16xf32>
      tpu.vector_store %arg13[%swap3A, %swap3A_208], %swap3A_211 {strides = array<i32>} : memref<125x16xf32, #tpu.memory_space<vmem>>, vector<1x16xf32>,
      %scan3A_212 = arith.constant 0 : i32
      scf.yield %scan3A_212 : i32
    }
    %scan3A_20 = arith.constant 125 : i32
    %mul3A = arith.constant 640 : i32
    %mul3A_21 = arith.muli %arg1, %mul3A : i32
    %add3A = arith.constant 0 : i32
    %add3A_22 = arith.addi %mul3A_21, %add3A : i32
    "tpu.region"() ({
      %run_scoped3A_205 = tpu.sem_alloc : memref<!tpu.dma_semaphore, #tpu.memory_space<semaphore_mem>>
      %dma_start3A_206 = arith.constant 0 : i32
      %dma_start3A_207 = tpu.memref_slice %arg10[%add3A_22, %dma_start3A_206] : memref<10240x64xf32, #tpu.memory_space<vmem_shared>> -> memref<32x64xf32, #tpu.memory_space<vmem_shared>>
      %dma_start3A_208 = arith.constant 0 : i32
      %dma_start3A_209 = tpu.memref_slice %arg10[%add3A_22, %dma_start3A_208] : memref<10240x64xf32, #tpu.memory_space<vmem_shared>> -> memref<32x64xf32, #tpu.memory_space<vmem_shared>>
      tpu.enqueue_dma source(%arg9 : memref<32x64xf32, #tpu.memory_space<vmem>>) target(%dma_start3A_209 : memref<32x64xf32, #tpu.memory_space<vmem_shared>>) target_semaphore(%run_scoped3A_205 : memref<!tpu.dma_semaphore, #tpu.memory_space<semaphore_mem>>)
      %dma_wait3A_210 = arith.constant 0 : i32
      %dma_wait3A_211 = tpu.memref_slice %arg10[%add3A_22, %dma_wait3A_210] : memref<10240x64xf32, #tpu.memory_space<vmem_shared>> -> memref<32x64xf32, #tpu.memory_space<vmem_shared>>
      %dma_wait3A_212 = arith.constant 0 : i32
      %dma_wait3A_213 = tpu.memref_slice %arg10[%add3A_22, %dma_wait3A_212] : memref<10240x64xf32, #tpu.memory_space<vmem_shared>> -> memref<32x64xf32, #tpu.memory_space<vmem_shared>>
      tpu.wait_dma2 semaphore(%run_scoped3A_205 : memref<!tpu.dma_semaphore, #tpu.memory_space<semaphore_mem>>) src(%arg9 : memref<32x64xf32, #tpu.memory_space<vmem>>) dst(%dma_wait3A_213 : memref<32x64xf32, #tpu.memory_space<vmem_shared>>)
      tpu.yield
    }) : () -> ()
    "tpu.region"() ({
      %run_scoped3A_205 = tpu.sem_alloc : memref<!tpu.dma_semaphore, #tpu.memory_space<semaphore_mem>>
      %dma_start3A_206 = arith.constant 0 : i32
      %dma_start3A_207 = tpu.memref_slice %arg15[%add3A_22, %dma_start3A_206] : memref<10240x16xf32, #tpu.memory_space<vmem_shared>> -> memref<32x16xf32, #tpu.memory_space<vmem_shared>>
      %dma_start3A_208 = arith.constant 0 : i32
      %dma_start3A_209 = tpu.memref_slice %arg15[%add3A_22, %dma_start3A_208] : memref<10240x16xf32, #tpu.memory_space<vmem_shared>> -> memref<32x16xf32, #tpu.memory_space<vmem_shared>>
      tpu.enqueue_dma source(%arg14 : memref<32x16xf32, #tpu.memory_space<vmem>>) target(%dma_start3A_209 : memref<32x16xf32, #tpu.memory_space<vmem_shared>>) target_semaphore(%run_scoped3A_205 : memref<!tpu.dma_semaphore, #tpu.memory_space<semaphore_mem>>)
      %dma_wait3A_210 = arith.constant 0 : i32
      %dma_wait3A_211 = tpu.memref_slice %arg15[%add3A_22, %dma_wait3A_210] : memref<10240x16xf32, #tpu.memory_space<vmem_shared>> -> memref<32x16xf32, #tpu.memory_space<vmem_shared>>
      %dma_wait3A_212 = arith.constant 0 : i32
      %dma_wait3A_213 = tpu.memref_slice %arg15[%add3A_22, %dma_wait3A_212] : memref<10240x16xf32, #tpu.memory_space<vmem_shared>> -> memref<32x16xf32, #tpu.memory_space<vmem_shared>>
      tpu.wait_dma2 semaphore(%run_scoped3A_205 : memref<!tpu.dma_semaphore, #tpu.memory_space<semaphore_mem>>) src(%arg14 : memref<32x16xf32, #tpu.memory_space<vmem>>) dst(%dma_wait3A_213 : memref<32x16xf32, #tpu.memory_space<vmem_shared>>)
      tpu.yield
    }) : () -> ()
    %mul3A_23 = arith.constant 640 : i32
    %mul3A_24 = arith.muli %arg1, %mul3A_23 : i32
    %add3A_25 = arith.constant 32 : i32
    %add3A_26 = arith.addi %mul3A_24, %add3A_25 : i32
    "tpu.region"() ({
      %run_scoped3A_205 = tpu.sem_alloc : memref<!tpu.dma_semaphore, #tpu.memory_space<semaphore_mem>>
      %dma_start3A_206 = arith.constant 0 : i32
      %dma_start3A_207 = tpu.memref_slice %arg10[%add3A_26, %dma_start3A_206] : memref<10240x64xf32, #tpu.memory_space<vmem_shared>> -> memref<32x64xf32, #tpu.memory_space<vmem_shared>>
      %dma_start3A_208 = arith.constant 0 : i32
      %dma_start3A_209 = tpu.memref_slice %arg10[%add3A_26, %dma_start3A_208] : memref<10240x64xf32, #tpu.memory_space<vmem_shared>> -> memref<32x64xf32, #tpu.memory_space<vmem_shared>>
      tpu.enqueue_dma source(%arg9 : memref<32x64xf32, #tpu.memory_space<vmem>>) target(%dma_start3A_209 : memref<32x64xf32, #tpu.memory_space<vmem_shared>>) target_semaphore(%run_scoped3A_205 : memref<!tpu.dma_semaphore, #tpu.memory_space<semaphore_mem>>)
      %dma_wait3A_210 = arith.constant 0 : i32
      %dma_wait3A_211 = tpu.memref_slice %arg10[%add3A_26, %dma_wait3A_210] : memref<10240x64xf32, #tpu.memory_space<vmem_shared>> -> memref<32x64xf32, #tpu.memory_space<vmem_shared>>
      %dma_wait3A_212 = arith.constant 0 : i32
      %dma_wait3A_213 = tpu.memref_slice %arg10[%add3A_26, %dma_wait3A_212] : memref<10240x64xf32, #tpu.memory_space<vmem_shared>> -> memref<32x64xf32, #tpu.memory_space<vmem_shared>>
      tpu.wait_dma2 semaphore(%run_scoped3A_205 : memref<!tpu.dma_semaphore, #tpu.memory_space<semaphore_mem>>) src(%arg9 : memref<32x64xf32, #tpu.memory_space<vmem>>) dst(%dma_wait3A_213 : memref<32x64xf32, #tpu.memory_space<vmem_shared>>)
      tpu.yield
    }) : () -> ()
    "tpu.region"() ({
      %run_scoped3A_205 = tpu.sem_alloc : memref<!tpu.dma_semaphore, #tpu.memory_space<semaphore_mem>>
      %dma_start3A_206 = arith.constant 0 : i32
      %dma_start3A_207 = tpu.memref_slice %arg15[%add3A_26, %dma_start3A_206] : memref<10240x16xf32, #tpu.memory_space<vmem_shared>> -> memref<32x16xf32, #tpu.memory_space<vmem_shared>>
      %dma_start3A_208 = arith.constant 0 : i32
      %dma_start3A_209 = tpu.memref_slice %arg15[%add3A_26, %dma_start3A_208] : memref<10240x16xf32, #tpu.memory_space<vmem_shared>> -> memref<32x16xf32, #tpu.memory_space<vmem_shared>>
      tpu.enqueue_dma source(%arg14 : memref<32x16xf32, #tpu.memory_space<vmem>>) target(%dma_start3A_209 : memref<32x16xf32, #tpu.memory_space<vmem_shared>>) target_semaphore(%run_scoped3A_205 : memref<!tpu.dma_semaphore, #tpu.memory_space<semaphore_mem>>)
      %dma_wait3A_210 = arith.constant 0 : i32
      %dma_wait3A_211 = tpu.memref_slice %arg15[%add3A_26, %dma_wait3A_210] : memref<10240x16xf32, #tpu.memory_space<vmem_shared>> -> memref<32x16xf32, #tpu.memory_space<vmem_shared>>
      %dma_wait3A_212 = arith.constant 0 : i32
      %dma_wait3A_213 = tpu.memref_slice %arg15[%add3A_26, %dma_wait3A_212] : memref<10240x16xf32, #tpu.memory_space<vmem_shared>> -> memref<32x16xf32, #tpu.memory_space<vmem_shared>>
      tpu.wait_dma2 semaphore(%run_scoped3A_205 : memref<!tpu.dma_semaphore, #tpu.memory_space<semaphore_mem>>) src(%arg14 : memref<32x16xf32, #tpu.memory_space<vmem>>) dst(%dma_wait3A_213 : memref<32x16xf32, #tpu.memory_space<vmem_shared>>)
      tpu.yield
    }) : () -> ()
    %mul3A_27 = arith.constant 640 : i32
    %mul3A_28 = arith.muli %arg1, %mul3A_27 : i32
    %add3A_29 = arith.constant 64 : i32
    %add3A_30 = arith.addi %mul3A_28, %add3A_29 : i32
    "tpu.region"() ({
      %run_scoped3A_205 = tpu.sem_alloc : memref<!tpu.dma_semaphore, #tpu.memory_space<semaphore_mem>>
      %dma_start3A_206 = arith.constant 0 : i32
      %dma_start3A_207 = tpu.memref_slice %arg10[%add3A_30, %dma_start3A_206] : memref<10240x64xf32, #tpu.memory_space<vmem_shared>> -> memref<32x64xf32, #tpu.memory_space<vmem_shared>>
      %dma_start3A_208 = arith.constant 0 : i32
      %dma_start3A_209 = tpu.memref_slice %arg10[%add3A_30, %dma_start3A_208] : memref<10240x64xf32, #tpu.memory_space<vmem_shared>> -> memref<32x64xf32, #tpu.memory_space<vmem_shared>>
      tpu.enqueue_dma source(%arg9 : memref<32x64xf32, #tpu.memory_space<vmem>>) target(%dma_start3A_209 : memref<32x64xf32, #tpu.memory_space<vmem_shared>>) target_semaphore(%run_scoped3A_205 : memref<!tpu.dma_semaphore, #tpu.memory_space<semaphore_mem>>)
      %dma_wait3A_210 = arith.constant 0 : i32
      %dma_wait3A_211 = tpu.memref_slice %arg10[%add3A_30, %dma_wait3A_210] : memref<10240x64xf32, #tpu.memory_space<vmem_shared>> -> memref<32x64xf32, #tpu.memory_space<vmem_shared>>
      %dma_wait3A_212 = arith.constant 0 : i32
      %dma_wait3A_213 = tpu.memref_slice %arg10[%add3A_30, %dma_wait3A_212] : memref<10240x64xf32, #tpu.memory_space<vmem_shared>> -> memref<32x64xf32, #tpu.memory_space<vmem_shared>>
      tpu.wait_dma2 semaphore(%run_scoped3A_205 : memref<!tpu.dma_semaphore, #tpu.memory_space<semaphore_mem>>) src(%arg9 : memref<32x64xf32, #tpu.memory_space<vmem>>) dst(%dma_wait3A_213 : memref<32x64xf32, #tpu.memory_space<vmem_shared>>)
      tpu.yield
    }) : () -> ()
    "tpu.region"() ({
      %run_scoped3A_205 = tpu.sem_alloc : memref<!tpu.dma_semaphore, #tpu.memory_space<semaphore_mem>>
      %dma_start3A_206 = arith.constant 0 : i32
      %dma_start3A_207 = tpu.memref_slice %arg15[%add3A_30, %dma_start3A_206] : memref<10240x16xf32, #tpu.memory_space<vmem_shared>> -> memref<32x16xf32, #tpu.memory_space<vmem_shared>>
      %dma_start3A_208 = arith.constant 0 : i32
      %dma_start3A_209 = tpu.memref_slice %arg15[%add3A_30, %dma_start3A_208] : memref<10240x16xf32, #tpu.memory_space<vmem_shared>> -> memref<32x16xf32, #tpu.memory_space<vmem_shared>>
      tpu.enqueue_dma source(%arg14 : memref<32x16xf32, #tpu.memory_space<vmem>>) target(%dma_start3A_209 : memref<32x16xf32, #tpu.memory_space<vmem_shared>>) target_semaphore(%run_scoped3A_205 : memref<!tpu.dma_semaphore, #tpu.memory_space<semaphore_mem>>)
      %dma_wait3A_210 = arith.constant 0 : i32
      %dma_wait3A_211 = tpu.memref_slice %arg15[%add3A_30, %dma_wait3A_210] : memref<10240x16xf32, #tpu.memory_space<vmem_shared>> -> memref<32x16xf32, #tpu.memory_space<vmem_shared>>
      %dma_wait3A_212 = arith.constant 0 : i32
      %dma_wait3A_213 = tpu.memref_slice %arg15[%add3A_30, %dma_wait3A_212] : memref<10240x16xf32, #tpu.memory_space<vmem_shared>> -> memref<32x16xf32, #tpu.memory_space<vmem_shared>>
      tpu.wait_dma2 semaphore(%run_scoped3A_205 : memref<!tpu.dma_semaphore, #tpu.memory_space<semaphore_mem>>) src(%arg14 : memref<32x16xf32, #tpu.memory_space<vmem>>) dst(%dma_wait3A_213 : memref<32x16xf32, #tpu.memory_space<vmem_shared>>)
      tpu.yield
    }) : () -> ()
    %mul3A_31 = arith.constant 640 : i32
    %mul3A_32 = arith.muli %arg1, %mul3A_31 : i32
    %add3A_33 = arith.constant 96 : i32
    %add3A_34 = arith.addi %mul3A_32, %add3A_33 : i32
    "tpu.region"() ({
      %run_scoped3A_205 = tpu.sem_alloc : memref<!tpu.dma_semaphore, #tpu.memory_space<semaphore_mem>>
      %dma_start3A_206 = arith.constant 0 : i32
      %dma_start3A_207 = tpu.memref_slice %arg10[%add3A_34, %dma_start3A_206] : memref<10240x64xf32, #tpu.memory_space<vmem_shared>> -> memref<32x64xf32, #tpu.memory_space<vmem_shared>>
      %dma_start3A_208 = arith.constant 0 : i32
      %dma_start3A_209 = tpu.memref_slice %arg10[%add3A_34, %dma_start3A_208] : memref<10240x64xf32, #tpu.memory_space<vmem_shared>> -> memref<32x64xf32, #tpu.memory_space<vmem_shared>>
      tpu.enqueue_dma source(%arg9 : memref<32x64xf32, #tpu.memory_space<vmem>>) target(%dma_start3A_209 : memref<32x64xf32, #tpu.memory_space<vmem_shared>>) target_semaphore(%run_scoped3A_205 : memref<!tpu.dma_semaphore, #tpu.memory_space<semaphore_mem>>)
      %dma_wait3A_210 = arith.constant 0 : i32
      %dma_wait3A_211 = tpu.memref_slice %arg10[%add3A_34, %dma_wait3A_210] : memref<10240x64xf32, #tpu.memory_space<vmem_shared>> -> memref<32x64xf32, #tpu.memory_space<vmem_shared>>
      %dma_wait3A_212 = arith.constant 0 : i32
      %dma_wait3A_213 = tpu.memref_slice %arg10[%add3A_34, %dma_wait3A_212] : memref<10240x64xf32, #tpu.memory_space<vmem_shared>> -> memref<32x64xf32, #tpu.memory_space<vmem_shared>>
      tpu.wait_dma2 semaphore(%run_scoped3A_205 : memref<!tpu.dma_semaphore, #tpu.memory_space<semaphore_mem>>) src(%arg9 : memref<32x64xf32, #tpu.memory_space<vmem>>) dst(%dma_wait3A_213 : memref<32x64xf32, #tpu.memory_space<vmem_shared>>)
      tpu.yield
    }) : () -> ()
    "tpu.region"() ({
      %run_scoped3A_205 = tpu.sem_alloc : memref<!tpu.dma_semaphore, #tpu.memory_space<semaphore_mem>>
      %dma_start3A_206 = arith.constant 0 : i32
      %dma_start3A_207 = tpu.memref_slice %arg15[%add3A_34, %dma_start3A_206] : memref<10240x16xf32, #tpu.memory_space<vmem_shared>> -> memref<32x16xf32, #tpu.memory_space<vmem_shared>>
      %dma_start3A_208 = arith.constant 0 : i32
      %dma_start3A_209 = tpu.memref_slice %arg15[%add3A_34, %dma_start3A_208] : memref<10240x16xf32, #tpu.memory_space<vmem_shared>> -> memref<32x16xf32, #tpu.memory_space<vmem_shared>>
      tpu.enqueue_dma source(%arg14 : memref<32x16xf32, #tpu.memory_space<vmem>>) target(%dma_start3A_209 : memref<32x16xf32, #tpu.memory_space<vmem_shared>>) target_semaphore(%run_scoped3A_205 : memref<!tpu.dma_semaphore, #tpu.memory_space<semaphore_mem>>)
      %dma_wait3A_210 = arith.constant 0 : i32
      %dma_wait3A_211 = tpu.memref_slice %arg15[%add3A_34, %dma_wait3A_210] : memref<10240x16xf32, #tpu.memory_space<vmem_shared>> -> memref<32x16xf32, #tpu.memory_space<vmem_shared>>
      %dma_wait3A_212 = arith.constant 0 : i32
      %dma_wait3A_213 = tpu.memref_slice %arg15[%add3A_34, %dma_wait3A_212] : memref<10240x16xf32, #tpu.memory_space<vmem_shared>> -> memref<32x16xf32, #tpu.memory_space<vmem_shared>>
      tpu.wait_dma2 semaphore(%run_scoped3A_205 : memref<!tpu.dma_semaphore, #tpu.memory_space<semaphore_mem>>) src(%arg14 : memref<32x16xf32, #tpu.memory_space<vmem>>) dst(%dma_wait3A_213 : memref<32x16xf32, #tpu.memory_space<vmem_shared>>)
      tpu.yield
    }) : () -> ()
    %mul3A_35 = arith.constant 640 : i32
    %mul3A_36 = arith.muli %arg1, %mul3A_35 : i32
    %add3A_37 = arith.constant 128 : i32
    %add3A_38 = arith.addi %mul3A_36, %add3A_37 : i32
    "tpu.region"() ({
      %run_scoped3A_205 = tpu.sem_alloc : memref<!tpu.dma_semaphore, #tpu.memory_space<semaphore_mem>>
      %dma_start3A_206 = arith.constant 0 : i32
      %dma_start3A_207 = tpu.memref_slice %arg10[%add3A_38, %dma_start3A_206] : memref<10240x64xf32, #tpu.memory_space<vmem_shared>> -> memref<32x64xf32, #tpu.memory_space<vmem_shared>>
      %dma_start3A_208 = arith.constant 0 : i32
      %dma_start3A_209 = tpu.memref_slice %arg10[%add3A_38, %dma_start3A_208] : memref<10240x64xf32, #tpu.memory_space<vmem_shared>> -> memref<32x64xf32, #tpu.memory_space<vmem_shared>>
      tpu.enqueue_dma source(%arg9 : memref<32x64xf32, #tpu.memory_space<vmem>>) target(%dma_start3A_209 : memref<32x64xf32, #tpu.memory_space<vmem_shared>>) target_semaphore(%run_scoped3A_205 : memref<!tpu.dma_semaphore, #tpu.memory_space<semaphore_mem>>)
      %dma_wait3A_210 = arith.constant 0 : i32
      %dma_wait3A_211 = tpu.memref_slice %arg10[%add3A_38, %dma_wait3A_210] : memref<10240x64xf32, #tpu.memory_space<vmem_shared>> -> memref<32x64xf32, #tpu.memory_space<vmem_shared>>
      %dma_wait3A_212 = arith.constant 0 : i32
      %dma_wait3A_213 = tpu.memref_slice %arg10[%add3A_38, %dma_wait3A_212] : memref<10240x64xf32, #tpu.memory_space<vmem_shared>> -> memref<32x64xf32, #tpu.memory_space<vmem_shared>>
      tpu.wait_dma2 semaphore(%run_scoped3A_205 : memref<!tpu.dma_semaphore, #tpu.memory_space<semaphore_mem>>) src(%arg9 : memref<32x64xf32, #tpu.memory_space<vmem>>) dst(%dma_wait3A_213 : memref<32x64xf32, #tpu.memory_space<vmem_shared>>)
      tpu.yield
    }) : () -> ()
    "tpu.region"() ({
      %run_scoped3A_205 = tpu.sem_alloc : memref<!tpu.dma_semaphore, #tpu.memory_space<semaphore_mem>>
      %dma_start3A_206 = arith.constant 0 : i32
      %dma_start3A_207 = tpu.memref_slice %arg15[%add3A_38, %dma_start3A_206] : memref<10240x16xf32, #tpu.memory_space<vmem_shared>> -> memref<32x16xf32, #tpu.memory_space<vmem_shared>>
      %dma_start3A_208 = arith.constant 0 : i32
      %dma_start3A_209 = tpu.memref_slice %arg15[%add3A_38, %dma_start3A_208] : memref<10240x16xf32, #tpu.memory_space<vmem_shared>> -> memref<32x16xf32, #tpu.memory_space<vmem_shared>>
      tpu.enqueue_dma source(%arg14 : memref<32x16xf32, #tpu.memory_space<vmem>>) target(%dma_start3A_209 : memref<32x16xf32, #tpu.memory_space<vmem_shared>>) target_semaphore(%run_scoped3A_205 : memref<!tpu.dma_semaphore, #tpu.memory_space<semaphore_mem>>)
      %dma_wait3A_210 = arith.constant 0 : i32
      %dma_wait3A_211 = tpu.memref_slice %arg15[%add3A_38, %dma_wait3A_210] : memref<10240x16xf32, #tpu.memory_space<vmem_shared>> -> memref<32x16xf32, #tpu.memory_space<vmem_shared>>
      %dma_wait3A_212 = arith.constant 0 : i32
      %dma_wait3A_213 = tpu.memref_slice %arg15[%add3A_38, %dma_wait3A_212] : memref<10240x16xf32, #tpu.memory_space<vmem_shared>> -> memref<32x16xf32, #tpu.memory_space<vmem_shared>>
      tpu.wait_dma2 semaphore(%run_scoped3A_205 : memref<!tpu.dma_semaphore, #tpu.memory_space<semaphore_mem>>) src(%arg14 : memref<32x16xf32, #tpu.memory_space<vmem>>) dst(%dma_wait3A_213 : memref<32x16xf32, #tpu.memory_space<vmem_shared>>)
      tpu.yield
    }) : () -> ()
    %mul3A_39 = arith.constant 640 : i32
    %mul3A_40 = arith.muli %arg1, %mul3A_39 : i32
    %add3A_41 = arith.constant 160 : i32
    %add3A_42 = arith.addi %mul3A_40, %add3A_41 : i32
    "tpu.region"() ({
      %run_scoped3A_205 = tpu.sem_alloc : memref<!tpu.dma_semaphore, #tpu.memory_space<semaphore_mem>>
      %dma_start3A_206 = arith.constant 0 : i32
      %dma_start3A_207 = tpu.memref_slice %arg10[%add3A_42, %dma_start3A_206] : memref<10240x64xf32, #tpu.memory_space<vmem_shared>> -> memref<32x64xf32, #tpu.memory_space<vmem_shared>>
      %dma_start3A_208 = arith.constant 0 : i32
      %dma_start3A_209 = tpu.memref_slice %arg10[%add3A_42, %dma_start3A_208] : memref<10240x64xf32, #tpu.memory_space<vmem_shared>> -> memref<32x64xf32, #tpu.memory_space<vmem_shared>>
      tpu.enqueue_dma source(%arg9 : memref<32x64xf32, #tpu.memory_space<vmem>>) target(%dma_start3A_209 : memref<32x64xf32, #tpu.memory_space<vmem_shared>>) target_semaphore(%run_scoped3A_205 : memref<!tpu.dma_semaphore, #tpu.memory_space<semaphore_mem>>)
      %dma_wait3A_210 = arith.constant 0 : i32
      %dma_wait3A_211 = tpu.memref_slice %arg10[%add3A_42, %dma_wait3A_210] : memref<10240x64xf32, #tpu.memory_space<vmem_shared>> -> memref<32x64xf32, #tpu.memory_space<vmem_shared>>
      %dma_wait3A_212 = arith.constant 0 : i32
      %dma_wait3A_213 = tpu.memref_slice %arg10[%add3A_42, %dma_wait3A_212] : memref<10240x64xf32, #tpu.memory_space<vmem_shared>> -> memref<32x64xf32, #tpu.memory_space<vmem_shared>>
      tpu.wait_dma2 semaphore(%run_scoped3A_205 : memref<!tpu.dma_semaphore, #tpu.memory_space<semaphore_mem>>) src(%arg9 : memref<32x64xf32, #tpu.memory_space<vmem>>) dst(%dma_wait3A_213 : memref<32x64xf32, #tpu.memory_space<vmem_shared>>)
      tpu.yield
    }) : () -> ()
    "tpu.region"() ({
      %run_scoped3A_205 = tpu.sem_alloc : memref<!tpu.dma_semaphore, #tpu.memory_space<semaphore_mem>>
      %dma_start3A_206 = arith.constant 0 : i32
      %dma_start3A_207 = tpu.memref_slice %arg15[%add3A_42, %dma_start3A_206] : memref<10240x16xf32, #tpu.memory_space<vmem_shared>> -> memref<32x16xf32, #tpu.memory_space<vmem_shared>>
      %dma_start3A_208 = arith.constant 0 : i32
      %dma_start3A_209 = tpu.memref_slice %arg15[%add3A_42, %dma_start3A_208] : memref<10240x16xf32, #tpu.memory_space<vmem_shared>> -> memref<32x16xf32, #tpu.memory_space<vmem_shared>>
      tpu.enqueue_dma source(%arg14 : memref<32x16xf32, #tpu.memory_space<vmem>>) target(%dma_start3A_209 : memref<32x16xf32, #tpu.memory_space<vmem_shared>>) target_semaphore(%run_scoped3A_205 : memref<!tpu.dma_semaphore, #tpu.memory_space<semaphore_mem>>)
      %dma_wait3A_210 = arith.constant 0 : i32
      %dma_wait3A_211 = tpu.memref_slice %arg15[%add3A_42, %dma_wait3A_210] : memref<10240x16xf32, #tpu.memory_space<vmem_shared>> -> memref<32x16xf32, #tpu.memory_space<vmem_shared>>
      %dma_wait3A_212 = arith.constant 0 : i32
      %dma_wait3A_213 = tpu.memref_slice %arg15[%add3A_42, %dma_wait3A_212] : memref<10240x16xf32, #tpu.memory_space<vmem_shared>> -> memref<32x16xf32, #tpu.memory_space<vmem_shared>>
      tpu.wait_dma2 semaphore(%run_scoped3A_205 : memref<!tpu.dma_semaphore, #tpu.memory_space<semaphore_mem>>) src(%arg14 : memref<32x16xf32, #tpu.memory_space<vmem>>) dst(%dma_wait3A_213 : memref<32x16xf32, #tpu.memory_space<vmem_shared>>)
      tpu.yield
    }) : () -> ()
    %mul3A_43 = arith.constant 640 : i32
    %mul3A_44 = arith.muli %arg1, %mul3A_43 : i32
    %add3A_45 = arith.constant 192 : i32
    %add3A_46 = arith.addi %mul3A_44, %add3A_45 : i32
    "tpu.region"() ({
      %run_scoped3A_205 = tpu.sem_alloc : memref<!tpu.dma_semaphore, #tpu.memory_space<semaphore_mem>>
      %dma_start3A_206 = arith.constant 0 : i32
      %dma_start3A_207 = tpu.memref_slice %arg10[%add3A_46, %dma_start3A_206] : memref<10240x64xf32, #tpu.memory_space<vmem_shared>> -> memref<32x64xf32, #tpu.memory_space<vmem_shared>>
      %dma_start3A_208 = arith.constant 0 : i32
      %dma_start3A_209 = tpu.memref_slice %arg10[%add3A_46, %dma_start3A_208] : memref<10240x64xf32, #tpu.memory_space<vmem_shared>> -> memref<32x64xf32, #tpu.memory_space<vmem_shared>>
      tpu.enqueue_dma source(%arg9 : memref<32x64xf32, #tpu.memory_space<vmem>>) target(%dma_start3A_209 : memref<32x64xf32, #tpu.memory_space<vmem_shared>>) target_semaphore(%run_scoped3A_205 : memref<!tpu.dma_semaphore, #tpu.memory_space<semaphore_mem>>)
      %dma_wait3A_210 = arith.constant 0 : i32
      %dma_wait3A_211 = tpu.memref_slice %arg10[%add3A_46, %dma_wait3A_210] : memref<10240x64xf32, #tpu.memory_space<vmem_shared>> -> memref<32x64xf32, #tpu.memory_space<vmem_shared>>
      %dma_wait3A_212 = arith.constant 0 : i32
      %dma_wait3A_213 = tpu.memref_slice %arg10[%add3A_46, %dma_wait3A_212] : memref<10240x64xf32, #tpu.memory_space<vmem_shared>> -> memref<32x64xf32, #tpu.memory_space<vmem_shared>>
      tpu.wait_dma2 semaphore(%run_scoped3A_205 : memref<!tpu.dma_semaphore, #tpu.memory_space<semaphore_mem>>) src(%arg9 : memref<32x64xf32, #tpu.memory_space<vmem>>) dst(%dma_wait3A_213 : memref<32x64xf32, #tpu.memory_space<vmem_shared>>)
      tpu.yield
    }) : () -> ()
    "tpu.region"() ({
      %run_scoped3A_205 = tpu.sem_alloc : memref<!tpu.dma_semaphore, #tpu.memory_space<semaphore_mem>>
      %dma_start3A_206 = arith.constant 0 : i32
      %dma_start3A_207 = tpu.memref_slice %arg15[%add3A_46, %dma_start3A_206] : memref<10240x16xf32, #tpu.memory_space<vmem_shared>> -> memref<32x16xf32, #tpu.memory_space<vmem_shared>>
      %dma_start3A_208 = arith.constant 0 : i32
      %dma_start3A_209 = tpu.memref_slice %arg15[%add3A_46, %dma_start3A_208] : memref<10240x16xf32, #tpu.memory_space<vmem_shared>> -> memref<32x16xf32, #tpu.memory_space<vmem_shared>>
      tpu.enqueue_dma source(%arg14 : memref<32x16xf32, #tpu.memory_space<vmem>>) target(%dma_start3A_209 : memref<32x16xf32, #tpu.memory_space<vmem_shared>>) target_semaphore(%run_scoped3A_205 : memref<!tpu.dma_semaphore, #tpu.memory_space<semaphore_mem>>)
      %dma_wait3A_210 = arith.constant 0 : i32
      %dma_wait3A_211 = tpu.memref_slice %arg15[%add3A_46, %dma_wait3A_210] : memref<10240x16xf32, #tpu.memory_space<vmem_shared>> -> memref<32x16xf32, #tpu.memory_space<vmem_shared>>
      %dma_wait3A_212 = arith.constant 0 : i32
      %dma_wait3A_213 = tpu.memref_slice %arg15[%add3A_46, %dma_wait3A_212] : memref<10240x16xf32, #tpu.memory_space<vmem_shared>> -> memref<32x16xf32, #tpu.memory_space<vmem_shared>>
      tpu.wait_dma2 semaphore(%run_scoped3A_205 : memref<!tpu.dma_semaphore, #tpu.memory_space<semaphore_mem>>) src(%arg14 : memref<32x16xf32, #tpu.memory_space<vmem>>) dst(%dma_wait3A_213 : memref<32x16xf32, #tpu.memory_space<vmem_shared>>)
      tpu.yield
    }) : () -> ()
    %mul3A_47 = arith.constant 640 : i32
    %mul3A_48 = arith.muli %arg1, %mul3A_47 : i32
    %add3A_49 = arith.constant 224 : i32
    %add3A_50 = arith.addi %mul3A_48, %add3A_49 : i32
    "tpu.region"() ({
      %run_scoped3A_205 = tpu.sem_alloc : memref<!tpu.dma_semaphore, #tpu.memory_space<semaphore_mem>>
      %dma_start3A_206 = arith.constant 0 : i32
      %dma_start3A_207 = tpu.memref_slice %arg10[%add3A_50, %dma_start3A_206] : memref<10240x64xf32, #tpu.memory_space<vmem_shared>> -> memref<32x64xf32, #tpu.memory_space<vmem_shared>>
      %dma_start3A_208 = arith.constant 0 : i32
      %dma_start3A_209 = tpu.memref_slice %arg10[%add3A_50, %dma_start3A_208] : memref<10240x64xf32, #tpu.memory_space<vmem_shared>> -> memref<32x64xf32, #tpu.memory_space<vmem_shared>>
      tpu.enqueue_dma source(%arg9 : memref<32x64xf32, #tpu.memory_space<vmem>>) target(%dma_start3A_209 : memref<32x64xf32, #tpu.memory_space<vmem_shared>>) target_semaphore(%run_scoped3A_205 : memref<!tpu.dma_semaphore, #tpu.memory_space<semaphore_mem>>)
      %dma_wait3A_210 = arith.constant 0 : i32
      %dma_wait3A_211 = tpu.memref_slice %arg10[%add3A_50, %dma_wait3A_210] : memref<10240x64xf32, #tpu.memory_space<vmem_shared>> -> memref<32x64xf32, #tpu.memory_space<vmem_shared>>
      %dma_wait3A_212 = arith.constant 0 : i32
      %dma_wait3A_213 = tpu.memref_slice %arg10[%add3A_50, %dma_wait3A_212] : memref<10240x64xf32, #tpu.memory_space<vmem_shared>> -> memref<32x64xf32, #tpu.memory_space<vmem_shared>>
      tpu.wait_dma2 semaphore(%run_scoped3A_205 : memref<!tpu.dma_semaphore, #tpu.memory_space<semaphore_mem>>) src(%arg9 : memref<32x64xf32, #tpu.memory_space<vmem>>) dst(%dma_wait3A_213 : memref<32x64xf32, #tpu.memory_space<vmem_shared>>)
      tpu.yield
    }) : () -> ()
    "tpu.region"() ({
      %run_scoped3A_205 = tpu.sem_alloc : memref<!tpu.dma_semaphore, #tpu.memory_space<semaphore_mem>>
      %dma_start3A_206 = arith.constant 0 : i32
      %dma_start3A_207 = tpu.memref_slice %arg15[%add3A_50, %dma_start3A_206] : memref<10240x16xf32, #tpu.memory_space<vmem_shared>> -> memref<32x16xf32, #tpu.memory_space<vmem_shared>>
      %dma_start3A_208 = arith.constant 0 : i32
      %dma_start3A_209 = tpu.memref_slice %arg15[%add3A_50, %dma_start3A_208] : memref<10240x16xf32, #tpu.memory_space<vmem_shared>> -> memref<32x16xf32, #tpu.memory_space<vmem_shared>>
      tpu.enqueue_dma source(%arg14 : memref<32x16xf32, #tpu.memory_space<vmem>>) target(%dma_start3A_209 : memref<32x16xf32, #tpu.memory_space<vmem_shared>>) target_semaphore(%run_scoped3A_205 : memref<!tpu.dma_semaphore, #tpu.memory_space<semaphore_mem>>)
      %dma_wait3A_210 = arith.constant 0 : i32
      %dma_wait3A_211 = tpu.memref_slice %arg15[%add3A_50, %dma_wait3A_210] : memref<10240x16xf32, #tpu.memory_space<vmem_shared>> -> memref<32x16xf32, #tpu.memory_space<vmem_shared>>
      %dma_wait3A_212 = arith.constant 0 : i32
      %dma_wait3A_213 = tpu.memref_slice %arg15[%add3A_50, %dma_wait3A_212] : memref<10240x16xf32, #tpu.memory_space<vmem_shared>> -> memref<32x16xf32, #tpu.memory_space<vmem_shared>>
      tpu.wait_dma2 semaphore(%run_scoped3A_205 : memref<!tpu.dma_semaphore, #tpu.memory_space<semaphore_mem>>) src(%arg14 : memref<32x16xf32, #tpu.memory_space<vmem>>) dst(%dma_wait3A_213 : memref<32x16xf32, #tpu.memory_space<vmem_shared>>)
      tpu.yield
    }) : () -> ()
    %mul3A_51 = arith.constant 640 : i32
    %mul3A_52 = arith.muli %arg1, %mul3A_51 : i32
    %add3A_53 = arith.constant 256 : i32
    %add3A_54 = arith.addi %mul3A_52, %add3A_53 : i32
    "tpu.region"() ({
      %run_scoped3A_205 = tpu.sem_alloc : memref<!tpu.dma_semaphore, #tpu.memory_space<semaphore_mem>>
      %dma_start3A_206 = arith.constant 0 : i32
      %dma_start3A_207 = tpu.memref_slice %arg10[%add3A_54, %dma_start3A_206] : memref<10240x64xf32, #tpu.memory_space<vmem_shared>> -> memref<32x64xf32, #tpu.memory_space<vmem_shared>>
      %dma_start3A_208 = arith.constant 0 : i32
      %dma_start3A_209 = tpu.memref_slice %arg10[%add3A_54, %dma_start3A_208] : memref<10240x64xf32, #tpu.memory_space<vmem_shared>> -> memref<32x64xf32, #tpu.memory_space<vmem_shared>>
      tpu.enqueue_dma source(%arg9 : memref<32x64xf32, #tpu.memory_space<vmem>>) target(%dma_start3A_209 : memref<32x64xf32, #tpu.memory_space<vmem_shared>>) target_semaphore(%run_scoped3A_205 : memref<!tpu.dma_semaphore, #tpu.memory_space<semaphore_mem>>)
      %dma_wait3A_210 = arith.constant 0 : i32
      %dma_wait3A_211 = tpu.memref_slice %arg10[%add3A_54, %dma_wait3A_210] : memref<10240x64xf32, #tpu.memory_space<vmem_shared>> -> memref<32x64xf32, #tpu.memory_space<vmem_shared>>
      %dma_wait3A_212 = arith.constant 0 : i32
      %dma_wait3A_213 = tpu.memref_slice %arg10[%add3A_54, %dma_wait3A_212] : memref<10240x64xf32, #tpu.memory_space<vmem_shared>> -> memref<32x64xf32, #tpu.memory_space<vmem_shared>>
      tpu.wait_dma2 semaphore(%run_scoped3A_205 : memref<!tpu.dma_semaphore, #tpu.memory_space<semaphore_mem>>) src(%arg9 : memref<32x64xf32, #tpu.memory_space<vmem>>) dst(%dma_wait3A_213 : memref<32x64xf32, #tpu.memory_space<vmem_shared>>)
      tpu.yield
    }) : () -> ()
    "tpu.region"() ({
      %run_scoped3A_205 = tpu.sem_alloc : memref<!tpu.dma_semaphore, #tpu.memory_space<semaphore_mem>>
      %dma_start3A_206 = arith.constant 0 : i32
      %dma_start3A_207 = tpu.memref_slice %arg15[%add3A_54, %dma_start3A_206] : memref<10240x16xf32, #tpu.memory_space<vmem_shared>> -> memref<32x16xf32, #tpu.memory_space<vmem_shared>>
      %dma_start3A_208 = arith.constant 0 : i32
      %dma_start3A_209 = tpu.memref_slice %arg15[%add3A_54, %dma_start3A_208] : memref<10240x16xf32, #tpu.memory_space<vmem_shared>> -> memref<32x16xf32, #tpu.memory_space<vmem_shared>>
      tpu.enqueue_dma source(%arg14 : memref<32x16xf32, #tpu.memory_space<vmem>>) target(%dma_start3A_209 : memref<32x16xf32, #tpu.memory_space<vmem_shared>>) target_semaphore(%run_scoped3A_205 : memref<!tpu.dma_semaphore, #tpu.memory_space<semaphore_mem>>)
      %dma_wait3A_210 = arith.constant 0 : i32
      %dma_wait3A_211 = tpu.memref_slice %arg15[%add3A_54, %dma_wait3A_210] : memref<10240x16xf32, #tpu.memory_space<vmem_shared>> -> memref<32x16xf32, #tpu.memory_space<vmem_shared>>
      %dma_wait3A_212 = arith.constant 0 : i32
      %dma_wait3A_213 = tpu.memref_slice %arg15[%add3A_54, %dma_wait3A_212] : memref<10240x16xf32, #tpu.memory_space<vmem_shared>> -> memref<32x16xf32, #tpu.memory_space<vmem_shared>>
      tpu.wait_dma2 semaphore(%run_scoped3A_205 : memref<!tpu.dma_semaphore, #tpu.memory_space<semaphore_mem>>) src(%arg14 : memref<32x16xf32, #tpu.memory_space<vmem>>) dst(%dma_wait3A_213 : memref<32x16xf32, #tpu.memory_space<vmem_shared>>)
      tpu.yield
    }) : () -> ()
    %mul3A_55 = arith.constant 640 : i32
    %mul3A_56 = arith.muli %arg1, %mul3A_55 : i32
    %add3A_57 = arith.constant 288 : i32
    %add3A_58 = arith.addi %mul3A_56, %add3A_57 : i32
    "tpu.region"() ({
      %run_scoped3A_205 = tpu.sem_alloc : memref<!tpu.dma_semaphore, #tpu.memory_space<semaphore_mem>>
      %dma_start3A_206 = arith.constant 0 : i32
      %dma_start3A_207 = tpu.memref_slice %arg10[%add3A_58, %dma_start3A_206] : memref<10240x64xf32, #tpu.memory_space<vmem_shared>> -> memref<32x64xf32, #tpu.memory_space<vmem_shared>>
      %dma_start3A_208 = arith.constant 0 : i32
      %dma_start3A_209 = tpu.memref_slice %arg10[%add3A_58, %dma_start3A_208] : memref<10240x64xf32, #tpu.memory_space<vmem_shared>> -> memref<32x64xf32, #tpu.memory_space<vmem_shared>>
      tpu.enqueue_dma source(%arg9 : memref<32x64xf32, #tpu.memory_space<vmem>>) target(%dma_start3A_209 : memref<32x64xf32, #tpu.memory_space<vmem_shared>>) target_semaphore(%run_scoped3A_205 : memref<!tpu.dma_semaphore, #tpu.memory_space<semaphore_mem>>)
      %dma_wait3A_210 = arith.constant 0 : i32
      %dma_wait3A_211 = tpu.memref_slice %arg10[%add3A_58, %dma_wait3A_210] : memref<10240x64xf32, #tpu.memory_space<vmem_shared>> -> memref<32x64xf32, #tpu.memory_space<vmem_shared>>
      %dma_wait3A_212 = arith.constant 0 : i32
      %dma_wait3A_213 = tpu.memref_slice %arg10[%add3A_58, %dma_wait3A_212] : memref<10240x64xf32, #tpu.memory_space<vmem_shared>> -> memref<32x64xf32, #tpu.memory_space<vmem_shared>>
      tpu.wait_dma2 semaphore(%run_scoped3A_205 : memref<!tpu.dma_semaphore, #tpu.memory_space<semaphore_mem>>) src(%arg9 : memref<32x64xf32, #tpu.memory_space<vmem>>) dst(%dma_wait3A_213 : memref<32x64xf32, #tpu.memory_space<vmem_shared>>)
      tpu.yield
    }) : () -> ()
    "tpu.region"() ({
      %run_scoped3A_205 = tpu.sem_alloc : memref<!tpu.dma_semaphore, #tpu.memory_space<semaphore_mem>>
      %dma_start3A_206 = arith.constant 0 : i32
      %dma_start3A_207 = tpu.memref_slice %arg15[%add3A_58, %dma_start3A_206] : memref<10240x16xf32, #tpu.memory_space<vmem_shared>> -> memref<32x16xf32, #tpu.memory_space<vmem_shared>>
      %dma_start3A_208 = arith.constant 0 : i32
      %dma_start3A_209 = tpu.memref_slice %arg15[%add3A_58, %dma_start3A_208] : memref<10240x16xf32, #tpu.memory_space<vmem_shared>> -> memref<32x16xf32, #tpu.memory_space<vmem_shared>>
      tpu.enqueue_dma source(%arg14 : memref<32x16xf32, #tpu.memory_space<vmem>>) target(%dma_start3A_209 : memref<32x16xf32, #tpu.memory_space<vmem_shared>>) target_semaphore(%run_scoped3A_205 : memref<!tpu.dma_semaphore, #tpu.memory_space<semaphore_mem>>)
      %dma_wait3A_210 = arith.constant 0 : i32
      %dma_wait3A_211 = tpu.memref_slice %arg15[%add3A_58, %dma_wait3A_210] : memref<10240x16xf32, #tpu.memory_space<vmem_shared>> -> memref<32x16xf32, #tpu.memory_space<vmem_shared>>
      %dma_wait3A_212 = arith.constant 0 : i32
      %dma_wait3A_213 = tpu.memref_slice %arg15[%add3A_58, %dma_wait3A_212] : memref<10240x16xf32, #tpu.memory_space<vmem_shared>> -> memref<32x16xf32, #tpu.memory_space<vmem_shared>>
      tpu.wait_dma2 semaphore(%run_scoped3A_205 : memref<!tpu.dma_semaphore, #tpu.memory_space<semaphore_mem>>) src(%arg14 : memref<32x16xf32, #tpu.memory_space<vmem>>) dst(%dma_wait3A_213 : memref<32x16xf32, #tpu.memory_space<vmem_shared>>)
      tpu.yield
    }) : () -> ()
    %mul3A_59 = arith.constant 640 : i32
    %mul3A_60 = arith.muli %arg1, %mul3A_59 : i32
    %add3A_61 = arith.constant 320 : i32
    %add3A_62 = arith.addi %mul3A_60, %add3A_61 : i32
    "tpu.region"() ({
      %run_scoped3A_205 = tpu.sem_alloc : memref<!tpu.dma_semaphore, #tpu.memory_space<semaphore_mem>>
      %dma_start3A_206 = arith.constant 0 : i32
      %dma_start3A_207 = tpu.memref_slice %arg10[%add3A_62, %dma_start3A_206] : memref<10240x64xf32, #tpu.memory_space<vmem_shared>> -> memref<32x64xf32, #tpu.memory_space<vmem_shared>>
      %dma_start3A_208 = arith.constant 0 : i32
      %dma_start3A_209 = tpu.memref_slice %arg10[%add3A_62, %dma_start3A_208] : memref<10240x64xf32, #tpu.memory_space<vmem_shared>> -> memref<32x64xf32, #tpu.memory_space<vmem_shared>>
      tpu.enqueue_dma source(%arg9 : memref<32x64xf32, #tpu.memory_space<vmem>>) target(%dma_start3A_209 : memref<32x64xf32, #tpu.memory_space<vmem_shared>>) target_semaphore(%run_scoped3A_205 : memref<!tpu.dma_semaphore, #tpu.memory_space<semaphore_mem>>)
      %dma_wait3A_210 = arith.constant 0 : i32
      %dma_wait3A_211 = tpu.memref_slice %arg10[%add3A_62, %dma_wait3A_210] : memref<10240x64xf32, #tpu.memory_space<vmem_shared>> -> memref<32x64xf32, #tpu.memory_space<vmem_shared>>
      %dma_wait3A_212 = arith.constant 0 : i32
      %dma_wait3A_213 = tpu.memref_slice %arg10[%add3A_62, %dma_wait3A_212] : memref<10240x64xf32, #tpu.memory_space<vmem_shared>> -> memref<32x64xf32, #tpu.memory_space<vmem_shared>>
      tpu.wait_dma2 semaphore(%run_scoped3A_205 : memref<!tpu.dma_semaphore, #tpu.memory_space<semaphore_mem>>) src(%arg9 : memref<32x64xf32, #tpu.memory_space<vmem>>) dst(%dma_wait3A_213 : memref<32x64xf32, #tpu.memory_space<vmem_shared>>)
      tpu.yield
    }) : () -> ()
    "tpu.region"() ({
      %run_scoped3A_205 = tpu.sem_alloc : memref<!tpu.dma_semaphore, #tpu.memory_space<semaphore_mem>>
      %dma_start3A_206 = arith.constant 0 : i32
      %dma_start3A_207 = tpu.memref_slice %arg15[%add3A_62, %dma_start3A_206] : memref<10240x16xf32, #tpu.memory_space<vmem_shared>> -> memref<32x16xf32, #tpu.memory_space<vmem_shared>>
      %dma_start3A_208 = arith.constant 0 : i32
      %dma_start3A_209 = tpu.memref_slice %arg15[%add3A_62, %dma_start3A_208] : memref<10240x16xf32, #tpu.memory_space<vmem_shared>> -> memref<32x16xf32, #tpu.memory_space<vmem_shared>>
      tpu.enqueue_dma source(%arg14 : memref<32x16xf32, #tpu.memory_space<vmem>>) target(%dma_start3A_209 : memref<32x16xf32, #tpu.memory_space<vmem_shared>>) target_semaphore(%run_scoped3A_205 : memref<!tpu.dma_semaphore, #tpu.memory_space<semaphore_mem>>)
      %dma_wait3A_210 = arith.constant 0 : i32
      %dma_wait3A_211 = tpu.memref_slice %arg15[%add3A_62, %dma_wait3A_210] : memref<10240x16xf32, #tpu.memory_space<vmem_shared>> -> memref<32x16xf32, #tpu.memory_space<vmem_shared>>
      %dma_wait3A_212 = arith.constant 0 : i32
      %dma_wait3A_213 = tpu.memref_slice %arg15[%add3A_62, %dma_wait3A_212] : memref<10240x16xf32, #tpu.memory_space<vmem_shared>> -> memref<32x16xf32, #tpu.memory_space<vmem_shared>>
      tpu.wait_dma2 semaphore(%run_scoped3A_205 : memref<!tpu.dma_semaphore, #tpu.memory_space<semaphore_mem>>) src(%arg14 : memref<32x16xf32, #tpu.memory_space<vmem>>) dst(%dma_wait3A_213 : memref<32x16xf32, #tpu.memory_space<vmem_shared>>)
      tpu.yield
    }) : () -> ()
    %mul3A_63 = arith.constant 640 : i32
    %mul3A_64 = arith.muli %arg1, %mul3A_63 : i32
    %add3A_65 = arith.constant 352 : i32
    %add3A_66 = arith.addi %mul3A_64, %add3A_65 : i32
    "tpu.region"() ({
      %run_scoped3A_205 = tpu.sem_alloc : memref<!tpu.dma_semaphore, #tpu.memory_space<semaphore_mem>>
      %dma_start3A_206 = arith.constant 0 : i32
      %dma_start3A_207 = tpu.memref_slice %arg10[%add3A_66, %dma_start3A_206] : memref<10240x64xf32, #tpu.memory_space<vmem_shared>> -> memref<32x64xf32, #tpu.memory_space<vmem_shared>>
      %dma_start3A_208 = arith.constant 0 : i32
      %dma_start3A_209 = tpu.memref_slice %arg10[%add3A_66, %dma_start3A_208] : memref<10240x64xf32, #tpu.memory_space<vmem_shared>> -> memref<32x64xf32, #tpu.memory_space<vmem_shared>>
      tpu.enqueue_dma source(%arg9 : memref<32x64xf32, #tpu.memory_space<vmem>>) target(%dma_start3A_209 : memref<32x64xf32, #tpu.memory_space<vmem_shared>>) target_semaphore(%run_scoped3A_205 : memref<!tpu.dma_semaphore, #tpu.memory_space<semaphore_mem>>)
      %dma_wait3A_210 = arith.constant 0 : i32
      %dma_wait3A_211 = tpu.memref_slice %arg10[%add3A_66, %dma_wait3A_210] : memref<10240x64xf32, #tpu.memory_space<vmem_shared>> -> memref<32x64xf32, #tpu.memory_space<vmem_shared>>
      %dma_wait3A_212 = arith.constant 0 : i32
      %dma_wait3A_213 = tpu.memref_slice %arg10[%add3A_66, %dma_wait3A_212] : memref<10240x64xf32, #tpu.memory_space<vmem_shared>> -> memref<32x64xf32, #tpu.memory_space<vmem_shared>>
      tpu.wait_dma2 semaphore(%run_scoped3A_205 : memref<!tpu.dma_semaphore, #tpu.memory_space<semaphore_mem>>) src(%arg9 : memref<32x64xf32, #tpu.memory_space<vmem>>) dst(%dma_wait3A_213 : memref<32x64xf32, #tpu.memory_space<vmem_shared>>)
      tpu.yield
    }) : () -> ()
    "tpu.region"() ({
      %run_scoped3A_205 = tpu.sem_alloc : memref<!tpu.dma_semaphore, #tpu.memory_space<semaphore_mem>>
      %dma_start3A_206 = arith.constant 0 : i32
      %dma_start3A_207 = tpu.memref_slice %arg15[%add3A_66, %dma_start3A_206] : memref<10240x16xf32, #tpu.memory_space<vmem_shared>> -> memref<32x16xf32, #tpu.memory_space<vmem_shared>>
      %dma_start3A_208 = arith.constant 0 : i32
      %dma_start3A_209 = tpu.memref_slice %arg15[%add3A_66, %dma_start3A_208] : memref<10240x16xf32, #tpu.memory_space<vmem_shared>> -> memref<32x16xf32, #tpu.memory_space<vmem_shared>>
      tpu.enqueue_dma source(%arg14 : memref<32x16xf32, #tpu.memory_space<vmem>>) target(%dma_start3A_209 : memref<32x16xf32, #tpu.memory_space<vmem_shared>>) target_semaphore(%run_scoped3A_205 : memref<!tpu.dma_semaphore, #tpu.memory_space<semaphore_mem>>)
      %dma_wait3A_210 = arith.constant 0 : i32
      %dma_wait3A_211 = tpu.memref_slice %arg15[%add3A_66, %dma_wait3A_210] : memref<10240x16xf32, #tpu.memory_space<vmem_shared>> -> memref<32x16xf32, #tpu.memory_space<vmem_shared>>
      %dma_wait3A_212 = arith.constant 0 : i32
      %dma_wait3A_213 = tpu.memref_slice %arg15[%add3A_66, %dma_wait3A_212] : memref<10240x16xf32, #tpu.memory_space<vmem_shared>> -> memref<32x16xf32, #tpu.memory_space<vmem_shared>>
      tpu.wait_dma2 semaphore(%run_scoped3A_205 : memref<!tpu.dma_semaphore, #tpu.memory_space<semaphore_mem>>) src(%arg14 : memref<32x16xf32, #tpu.memory_space<vmem>>) dst(%dma_wait3A_213 : memref<32x16xf32, #tpu.memory_space<vmem_shared>>)
      tpu.yield
    }) : () -> ()
    %mul3A_67 = arith.constant 640 : i32
    %mul3A_68 = arith.muli %arg1, %mul3A_67 : i32
    %add3A_69 = arith.constant 384 : i32
    %add3A_70 = arith.addi %mul3A_68, %add3A_69 : i32
    "tpu.region"() ({
      %run_scoped3A_205 = tpu.sem_alloc : memref<!tpu.dma_semaphore, #tpu.memory_space<semaphore_mem>>
      %dma_start3A_206 = arith.constant 0 : i32
      %dma_start3A_207 = tpu.memref_slice %arg10[%add3A_70, %dma_start3A_206] : memref<10240x64xf32, #tpu.memory_space<vmem_shared>> -> memref<32x64xf32, #tpu.memory_space<vmem_shared>>
      %dma_start3A_208 = arith.constant 0 : i32
      %dma_start3A_209 = tpu.memref_slice %arg10[%add3A_70, %dma_start3A_208] : memref<10240x64xf32, #tpu.memory_space<vmem_shared>> -> memref<32x64xf32, #tpu.memory_space<vmem_shared>>
      tpu.enqueue_dma source(%arg9 : memref<32x64xf32, #tpu.memory_space<vmem>>) target(%dma_start3A_209 : memref<32x64xf32, #tpu.memory_space<vmem_shared>>) target_semaphore(%run_scoped3A_205 : memref<!tpu.dma_semaphore, #tpu.memory_space<semaphore_mem>>)
      %dma_wait3A_210 = arith.constant 0 : i32
      %dma_wait3A_211 = tpu.memref_slice %arg10[%add3A_70, %dma_wait3A_210] : memref<10240x64xf32, #tpu.memory_space<vmem_shared>> -> memref<32x64xf32, #tpu.memory_space<vmem_shared>>
      %dma_wait3A_212 = arith.constant 0 : i32
      %dma_wait3A_213 = tpu.memref_slice %arg10[%add3A_70, %dma_wait3A_212] : memref<10240x64xf32, #tpu.memory_space<vmem_shared>> -> memref<32x64xf32, #tpu.memory_space<vmem_shared>>
      tpu.wait_dma2 semaphore(%run_scoped3A_205 : memref<!tpu.dma_semaphore, #tpu.memory_space<semaphore_mem>>) src(%arg9 : memref<32x64xf32, #tpu.memory_space<vmem>>) dst(%dma_wait3A_213 : memref<32x64xf32, #tpu.memory_space<vmem_shared>>)
      tpu.yield
    }) : () -> ()
    "tpu.region"() ({
      %run_scoped3A_205 = tpu.sem_alloc : memref<!tpu.dma_semaphore, #tpu.memory_space<semaphore_mem>>
      %dma_start3A_206 = arith.constant 0 : i32
      %dma_start3A_207 = tpu.memref_slice %arg15[%add3A_70, %dma_start3A_206] : memref<10240x16xf32, #tpu.memory_space<vmem_shared>> -> memref<32x16xf32, #tpu.memory_space<vmem_shared>>
      %dma_start3A_208 = arith.constant 0 : i32
      %dma_start3A_209 = tpu.memref_slice %arg15[%add3A_70, %dma_start3A_208] : memref<10240x16xf32, #tpu.memory_space<vmem_shared>> -> memref<32x16xf32, #tpu.memory_space<vmem_shared>>
      tpu.enqueue_dma source(%arg14 : memref<32x16xf32, #tpu.memory_space<vmem>>) target(%dma_start3A_209 : memref<32x16xf32, #tpu.memory_space<vmem_shared>>) target_semaphore(%run_scoped3A_205 : memref<!tpu.dma_semaphore, #tpu.memory_space<semaphore_mem>>)
      %dma_wait3A_210 = arith.constant 0 : i32
      %dma_wait3A_211 = tpu.memref_slice %arg15[%add3A_70, %dma_wait3A_210] : memref<10240x16xf32, #tpu.memory_space<vmem_shared>> -> memref<32x16xf32, #tpu.memory_space<vmem_shared>>
      %dma_wait3A_212 = arith.constant 0 : i32
      %dma_wait3A_213 = tpu.memref_slice %arg15[%add3A_70, %dma_wait3A_212] : memref<10240x16xf32, #tpu.memory_space<vmem_shared>> -> memref<32x16xf32, #tpu.memory_space<vmem_shared>>
      tpu.wait_dma2 semaphore(%run_scoped3A_205 : memref<!tpu.dma_semaphore, #tpu.memory_space<semaphore_mem>>) src(%arg14 : memref<32x16xf32, #tpu.memory_space<vmem>>) dst(%dma_wait3A_213 : memref<32x16xf32, #tpu.memory_space<vmem_shared>>)
      tpu.yield
    }) : () -> ()
    %mul3A_71 = arith.constant 640 : i32
    %mul3A_72 = arith.muli %arg1, %mul3A_71 : i32
    %add3A_73 = arith.constant 416 : i32
    %add3A_74 = arith.addi %mul3A_72, %add3A_73 : i32
    "tpu.region"() ({
      %run_scoped3A_205 = tpu.sem_alloc : memref<!tpu.dma_semaphore, #tpu.memory_space<semaphore_mem>>
      %dma_start3A_206 = arith.constant 0 : i32
      %dma_start3A_207 = tpu.memref_slice %arg10[%add3A_74, %dma_start3A_206] : memref<10240x64xf32, #tpu.memory_space<vmem_shared>> -> memref<32x64xf32, #tpu.memory_space<vmem_shared>>
      %dma_start3A_208 = arith.constant 0 : i32
      %dma_start3A_209 = tpu.memref_slice %arg10[%add3A_74, %dma_start3A_208] : memref<10240x64xf32, #tpu.memory_space<vmem_shared>> -> memref<32x64xf32, #tpu.memory_space<vmem_shared>>
      tpu.enqueue_dma source(%arg9 : memref<32x64xf32, #tpu.memory_space<vmem>>) target(%dma_start3A_209 : memref<32x64xf32, #tpu.memory_space<vmem_shared>>) target_semaphore(%run_scoped3A_205 : memref<!tpu.dma_semaphore, #tpu.memory_space<semaphore_mem>>)
      %dma_wait3A_210 = arith.constant 0 : i32
      %dma_wait3A_211 = tpu.memref_slice %arg10[%add3A_74, %dma_wait3A_210] : memref<10240x64xf32, #tpu.memory_space<vmem_shared>> -> memref<32x64xf32, #tpu.memory_space<vmem_shared>>
      %dma_wait3A_212 = arith.constant 0 : i32
      %dma_wait3A_213 = tpu.memref_slice %arg10[%add3A_74, %dma_wait3A_212] : memref<10240x64xf32, #tpu.memory_space<vmem_shared>> -> memref<32x64xf32, #tpu.memory_space<vmem_shared>>
      tpu.wait_dma2 semaphore(%run_scoped3A_205 : memref<!tpu.dma_semaphore, #tpu.memory_space<semaphore_mem>>) src(%arg9 : memref<32x64xf32, #tpu.memory_space<vmem>>) dst(%dma_wait3A_213 : memref<32x64xf32, #tpu.memory_space<vmem_shared>>)
      tpu.yield
    }) : () -> ()
    "tpu.region"() ({
      %run_scoped3A_205 = tpu.sem_alloc : memref<!tpu.dma_semaphore, #tpu.memory_space<semaphore_mem>>
      %dma_start3A_206 = arith.constant 0 : i32
      %dma_start3A_207 = tpu.memref_slice %arg15[%add3A_74, %dma_start3A_206] : memref<10240x16xf32, #tpu.memory_space<vmem_shared>> -> memref<32x16xf32, #tpu.memory_space<vmem_shared>>
      %dma_start3A_208 = arith.constant 0 : i32
      %dma_start3A_209 = tpu.memref_slice %arg15[%add3A_74, %dma_start3A_208] : memref<10240x16xf32, #tpu.memory_space<vmem_shared>> -> memref<32x16xf32, #tpu.memory_space<vmem_shared>>
      tpu.enqueue_dma source(%arg14 : memref<32x16xf32, #tpu.memory_space<vmem>>) target(%dma_start3A_209 : memref<32x16xf32, #tpu.memory_space<vmem_shared>>) target_semaphore(%run_scoped3A_205 : memref<!tpu.dma_semaphore, #tpu.memory_space<semaphore_mem>>)
      %dma_wait3A_210 = arith.constant 0 : i32
      %dma_wait3A_211 = tpu.memref_slice %arg15[%add3A_74, %dma_wait3A_210] : memref<10240x16xf32, #tpu.memory_space<vmem_shared>> -> memref<32x16xf32, #tpu.memory_space<vmem_shared>>
      %dma_wait3A_212 = arith.constant 0 : i32
      %dma_wait3A_213 = tpu.memref_slice %arg15[%add3A_74, %dma_wait3A_212] : memref<10240x16xf32, #tpu.memory_space<vmem_shared>> -> memref<32x16xf32, #tpu.memory_space<vmem_shared>>
      tpu.wait_dma2 semaphore(%run_scoped3A_205 : memref<!tpu.dma_semaphore, #tpu.memory_space<semaphore_mem>>) src(%arg14 : memref<32x16xf32, #tpu.memory_space<vmem>>) dst(%dma_wait3A_213 : memref<32x16xf32, #tpu.memory_space<vmem_shared>>)
      tpu.yield
    }) : () -> ()
    %mul3A_75 = arith.constant 640 : i32
    %mul3A_76 = arith.muli %arg1, %mul3A_75 : i32
    %add3A_77 = arith.constant 448 : i32
    %add3A_78 = arith.addi %mul3A_76, %add3A_77 : i32
    "tpu.region"() ({
      %run_scoped3A_205 = tpu.sem_alloc : memref<!tpu.dma_semaphore, #tpu.memory_space<semaphore_mem>>
      %dma_start3A_206 = arith.constant 0 : i32
      %dma_start3A_207 = tpu.memref_slice %arg10[%add3A_78, %dma_start3A_206] : memref<10240x64xf32, #tpu.memory_space<vmem_shared>> -> memref<32x64xf32, #tpu.memory_space<vmem_shared>>
      %dma_start3A_208 = arith.constant 0 : i32
      %dma_start3A_209 = tpu.memref_slice %arg10[%add3A_78, %dma_start3A_208] : memref<10240x64xf32, #tpu.memory_space<vmem_shared>> -> memref<32x64xf32, #tpu.memory_space<vmem_shared>>
      tpu.enqueue_dma source(%arg9 : memref<32x64xf32, #tpu.memory_space<vmem>>) target(%dma_start3A_209 : memref<32x64xf32, #tpu.memory_space<vmem_shared>>) target_semaphore(%run_scoped3A_205 : memref<!tpu.dma_semaphore, #tpu.memory_space<semaphore_mem>>)
      %dma_wait3A_210 = arith.constant 0 : i32
      %dma_wait3A_211 = tpu.memref_slice %arg10[%add3A_78, %dma_wait3A_210] : memref<10240x64xf32, #tpu.memory_space<vmem_shared>> -> memref<32x64xf32, #tpu.memory_space<vmem_shared>>
      %dma_wait3A_212 = arith.constant 0 : i32
      %dma_wait3A_213 = tpu.memref_slice %arg10[%add3A_78, %dma_wait3A_212] : memref<10240x64xf32, #tpu.memory_space<vmem_shared>> -> memref<32x64xf32, #tpu.memory_space<vmem_shared>>
      tpu.wait_dma2 semaphore(%run_scoped3A_205 : memref<!tpu.dma_semaphore, #tpu.memory_space<semaphore_mem>>) src(%arg9 : memref<32x64xf32, #tpu.memory_space<vmem>>) dst(%dma_wait3A_213 : memref<32x64xf32, #tpu.memory_space<vmem_shared>>)
      tpu.yield
    }) : () -> ()
    "tpu.region"() ({
      %run_scoped3A_205 = tpu.sem_alloc : memref<!tpu.dma_semaphore, #tpu.memory_space<semaphore_mem>>
      %dma_start3A_206 = arith.constant 0 : i32
      %dma_start3A_207 = tpu.memref_slice %arg15[%add3A_78, %dma_start3A_206] : memref<10240x16xf32, #tpu.memory_space<vmem_shared>> -> memref<32x16xf32, #tpu.memory_space<vmem_shared>>
      %dma_start3A_208 = arith.constant 0 : i32
      %dma_start3A_209 = tpu.memref_slice %arg15[%add3A_78, %dma_start3A_208] : memref<10240x16xf32, #tpu.memory_space<vmem_shared>> -> memref<32x16xf32, #tpu.memory_space<vmem_shared>>
      tpu.enqueue_dma source(%arg14 : memref<32x16xf32, #tpu.memory_space<vmem>>) target(%dma_start3A_209 : memref<32x16xf32, #tpu.memory_space<vmem_shared>>) target_semaphore(%run_scoped3A_205 : memref<!tpu.dma_semaphore, #tpu.memory_space<semaphore_mem>>)
      %dma_wait3A_210 = arith.constant 0 : i32
      %dma_wait3A_211 = tpu.memref_slice %arg15[%add3A_78, %dma_wait3A_210] : memref<10240x16xf32, #tpu.memory_space<vmem_shared>> -> memref<32x16xf32, #tpu.memory_space<vmem_shared>>
      %dma_wait3A_212 = arith.constant 0 : i32
      %dma_wait3A_213 = tpu.memref_slice %arg15[%add3A_78, %dma_wait3A_212] : memref<10240x16xf32, #tpu.memory_space<vmem_shared>> -> memref<32x16xf32, #tpu.memory_space<vmem_shared>>
      tpu.wait_dma2 semaphore(%run_scoped3A_205 : memref<!tpu.dma_semaphore, #tpu.memory_space<semaphore_mem>>) src(%arg14 : memref<32x16xf32, #tpu.memory_space<vmem>>) dst(%dma_wait3A_213 : memref<32x16xf32, #tpu.memory_space<vmem_shared>>)
      tpu.yield
    }) : () -> ()
    %mul3A_79 = arith.constant 640 : i32
    %mul3A_80 = arith.muli %arg1, %mul3A_79 : i32
    %add3A_81 = arith.constant 480 : i32
    %add3A_82 = arith.addi %mul3A_80, %add3A_81 : i32
    "tpu.region"() ({
      %run_scoped3A_205 = tpu.sem_alloc : memref<!tpu.dma_semaphore, #tpu.memory_space<semaphore_mem>>
      %dma_start3A_206 = arith.constant 0 : i32
      %dma_start3A_207 = tpu.memref_slice %arg10[%add3A_82, %dma_start3A_206] : memref<10240x64xf32, #tpu.memory_space<vmem_shared>> -> memref<32x64xf32, #tpu.memory_space<vmem_shared>>
      %dma_start3A_208 = arith.constant 0 : i32
      %dma_start3A_209 = tpu.memref_slice %arg10[%add3A_82, %dma_start3A_208] : memref<10240x64xf32, #tpu.memory_space<vmem_shared>> -> memref<32x64xf32, #tpu.memory_space<vmem_shared>>
      tpu.enqueue_dma source(%arg9 : memref<32x64xf32, #tpu.memory_space<vmem>>) target(%dma_start3A_209 : memref<32x64xf32, #tpu.memory_space<vmem_shared>>) target_semaphore(%run_scoped3A_205 : memref<!tpu.dma_semaphore, #tpu.memory_space<semaphore_mem>>)
      %dma_wait3A_210 = arith.constant 0 : i32
      %dma_wait3A_211 = tpu.memref_slice %arg10[%add3A_82, %dma_wait3A_210] : memref<10240x64xf32, #tpu.memory_space<vmem_shared>> -> memref<32x64xf32, #tpu.memory_space<vmem_shared>>
      %dma_wait3A_212 = arith.constant 0 : i32
      %dma_wait3A_213 = tpu.memref_slice %arg10[%add3A_82, %dma_wait3A_212] : memref<10240x64xf32, #tpu.memory_space<vmem_shared>> -> memref<32x64xf32, #tpu.memory_space<vmem_shared>>
      tpu.wait_dma2 semaphore(%run_scoped3A_205 : memref<!tpu.dma_semaphore, #tpu.memory_space<semaphore_mem>>) src(%arg9 : memref<32x64xf32, #tpu.memory_space<vmem>>) dst(%dma_wait3A_213 : memref<32x64xf32, #tpu.memory_space<vmem_shared>>)
      tpu.yield
    }) : () -> ()
    "tpu.region"() ({
      %run_scoped3A_205 = tpu.sem_alloc : memref<!tpu.dma_semaphore, #tpu.memory_space<semaphore_mem>>
      %dma_start3A_206 = arith.constant 0 : i32
      %dma_start3A_207 = tpu.memref_slice %arg15[%add3A_82, %dma_start3A_206] : memref<10240x16xf32, #tpu.memory_space<vmem_shared>> -> memref<32x16xf32, #tpu.memory_space<vmem_shared>>
      %dma_start3A_208 = arith.constant 0 : i32
      %dma_start3A_209 = tpu.memref_slice %arg15[%add3A_82, %dma_start3A_208] : memref<10240x16xf32, #tpu.memory_space<vmem_shared>> -> memref<32x16xf32, #tpu.memory_space<vmem_shared>>
      tpu.enqueue_dma source(%arg14 : memref<32x16xf32, #tpu.memory_space<vmem>>) target(%dma_start3A_209 : memref<32x16xf32, #tpu.memory_space<vmem_shared>>) target_semaphore(%run_scoped3A_205 : memref<!tpu.dma_semaphore, #tpu.memory_space<semaphore_mem>>)
      %dma_wait3A_210 = arith.constant 0 : i32
      %dma_wait3A_211 = tpu.memref_slice %arg15[%add3A_82, %dma_wait3A_210] : memref<10240x16xf32, #tpu.memory_space<vmem_shared>> -> memref<32x16xf32, #tpu.memory_space<vmem_shared>>
      %dma_wait3A_212 = arith.constant 0 : i32
      %dma_wait3A_213 = tpu.memref_slice %arg15[%add3A_82, %dma_wait3A_212] : memref<10240x16xf32, #tpu.memory_space<vmem_shared>> -> memref<32x16xf32, #tpu.memory_space<vmem_shared>>
      tpu.wait_dma2 semaphore(%run_scoped3A_205 : memref<!tpu.dma_semaphore, #tpu.memory_space<semaphore_mem>>) src(%arg14 : memref<32x16xf32, #tpu.memory_space<vmem>>) dst(%dma_wait3A_213 : memref<32x16xf32, #tpu.memory_space<vmem_shared>>)
      tpu.yield
    }) : () -> ()
    %mul3A_83 = arith.constant 640 : i32
    %mul3A_84 = arith.muli %arg1, %mul3A_83 : i32
    %add3A_85 = arith.constant 512 : i32
    %add3A_86 = arith.addi %mul3A_84, %add3A_85 : i32
    "tpu.region"() ({
      %run_scoped3A_205 = tpu.sem_alloc : memref<!tpu.dma_semaphore, #tpu.memory_space<semaphore_mem>>
      %dma_start3A_206 = arith.constant 0 : i32
      %dma_start3A_207 = tpu.memref_slice %arg10[%add3A_86, %dma_start3A_206] : memref<10240x64xf32, #tpu.memory_space<vmem_shared>> -> memref<32x64xf32, #tpu.memory_space<vmem_shared>>
      %dma_start3A_208 = arith.constant 0 : i32
      %dma_start3A_209 = tpu.memref_slice %arg10[%add3A_86, %dma_start3A_208] : memref<10240x64xf32, #tpu.memory_space<vmem_shared>> -> memref<32x64xf32, #tpu.memory_space<vmem_shared>>
      tpu.enqueue_dma source(%arg9 : memref<32x64xf32, #tpu.memory_space<vmem>>) target(%dma_start3A_209 : memref<32x64xf32, #tpu.memory_space<vmem_shared>>) target_semaphore(%run_scoped3A_205 : memref<!tpu.dma_semaphore, #tpu.memory_space<semaphore_mem>>)
      %dma_wait3A_210 = arith.constant 0 : i32
      %dma_wait3A_211 = tpu.memref_slice %arg10[%add3A_86, %dma_wait3A_210] : memref<10240x64xf32, #tpu.memory_space<vmem_shared>> -> memref<32x64xf32, #tpu.memory_space<vmem_shared>>
      %dma_wait3A_212 = arith.constant 0 : i32
      %dma_wait3A_213 = tpu.memref_slice %arg10[%add3A_86, %dma_wait3A_212] : memref<10240x64xf32, #tpu.memory_space<vmem_shared>> -> memref<32x64xf32, #tpu.memory_space<vmem_shared>>
      tpu.wait_dma2 semaphore(%run_scoped3A_205 : memref<!tpu.dma_semaphore, #tpu.memory_space<semaphore_mem>>) src(%arg9 : memref<32x64xf32, #tpu.memory_space<vmem>>) dst(%dma_wait3A_213 : memref<32x64xf32, #tpu.memory_space<vmem_shared>>)
      tpu.yield
    }) : () -> ()
    "tpu.region"() ({
      %run_scoped3A_205 = tpu.sem_alloc : memref<!tpu.dma_semaphore, #tpu.memory_space<semaphore_mem>>
      %dma_start3A_206 = arith.constant 0 : i32
      %dma_start3A_207 = tpu.memref_slice %arg15[%add3A_86, %dma_start3A_206] : memref<10240x16xf32, #tpu.memory_space<vmem_shared>> -> memref<32x16xf32, #tpu.memory_space<vmem_shared>>
      %dma_start3A_208 = arith.constant 0 : i32
      %dma_start3A_209 = tpu.memref_slice %arg15[%add3A_86, %dma_start3A_208] : memref<10240x16xf32, #tpu.memory_space<vmem_shared>> -> memref<32x16xf32, #tpu.memory_space<vmem_shared>>
      tpu.enqueue_dma source(%arg14 : memref<32x16xf32, #tpu.memory_space<vmem>>) target(%dma_start3A_209 : memref<32x16xf32, #tpu.memory_space<vmem_shared>>) target_semaphore(%run_scoped3A_205 : memref<!tpu.dma_semaphore, #tpu.memory_space<semaphore_mem>>)
      %dma_wait3A_210 = arith.constant 0 : i32
      %dma_wait3A_211 = tpu.memref_slice %arg15[%add3A_86, %dma_wait3A_210] : memref<10240x16xf32, #tpu.memory_space<vmem_shared>> -> memref<32x16xf32, #tpu.memory_space<vmem_shared>>
      %dma_wait3A_212 = arith.constant 0 : i32
      %dma_wait3A_213 = tpu.memref_slice %arg15[%add3A_86, %dma_wait3A_212] : memref<10240x16xf32, #tpu.memory_space<vmem_shared>> -> memref<32x16xf32, #tpu.memory_space<vmem_shared>>
      tpu.wait_dma2 semaphore(%run_scoped3A_205 : memref<!tpu.dma_semaphore, #tpu.memory_space<semaphore_mem>>) src(%arg14 : memref<32x16xf32, #tpu.memory_space<vmem>>) dst(%dma_wait3A_213 : memref<32x16xf32, #tpu.memory_space<vmem_shared>>)
      tpu.yield
    }) : () -> ()
    %mul3A_87 = arith.constant 640 : i32
    %mul3A_88 = arith.muli %arg1, %mul3A_87 : i32
    %add3A_89 = arith.constant 544 : i32
    %add3A_90 = arith.addi %mul3A_88, %add3A_89 : i32
    "tpu.region"() ({
      %run_scoped3A_205 = tpu.sem_alloc : memref<!tpu.dma_semaphore, #tpu.memory_space<semaphore_mem>>
      %dma_start3A_206 = arith.constant 0 : i32
      %dma_start3A_207 = tpu.memref_slice %arg10[%add3A_90, %dma_start3A_206] : memref<10240x64xf32, #tpu.memory_space<vmem_shared>> -> memref<32x64xf32, #tpu.memory_space<vmem_shared>>
      %dma_start3A_208 = arith.constant 0 : i32
      %dma_start3A_209 = tpu.memref_slice %arg10[%add3A_90, %dma_start3A_208] : memref<10240x64xf32, #tpu.memory_space<vmem_shared>> -> memref<32x64xf32, #tpu.memory_space<vmem_shared>>
      tpu.enqueue_dma source(%arg9 : memref<32x64xf32, #tpu.memory_space<vmem>>) target(%dma_start3A_209 : memref<32x64xf32, #tpu.memory_space<vmem_shared>>) target_semaphore(%run_scoped3A_205 : memref<!tpu.dma_semaphore, #tpu.memory_space<semaphore_mem>>)
      %dma_wait3A_210 = arith.constant 0 : i32
      %dma_wait3A_211 = tpu.memref_slice %arg10[%add3A_90, %dma_wait3A_210] : memref<10240x64xf32, #tpu.memory_space<vmem_shared>> -> memref<32x64xf32, #tpu.memory_space<vmem_shared>>
      %dma_wait3A_212 = arith.constant 0 : i32
      %dma_wait3A_213 = tpu.memref_slice %arg10[%add3A_90, %dma_wait3A_212] : memref<10240x64xf32, #tpu.memory_space<vmem_shared>> -> memref<32x64xf32, #tpu.memory_space<vmem_shared>>
      tpu.wait_dma2 semaphore(%run_scoped3A_205 : memref<!tpu.dma_semaphore, #tpu.memory_space<semaphore_mem>>) src(%arg9 : memref<32x64xf32, #tpu.memory_space<vmem>>) dst(%dma_wait3A_213 : memref<32x64xf32, #tpu.memory_space<vmem_shared>>)
      tpu.yield
    }) : () -> ()
    "tpu.region"() ({
      %run_scoped3A_205 = tpu.sem_alloc : memref<!tpu.dma_semaphore, #tpu.memory_space<semaphore_mem>>
      %dma_start3A_206 = arith.constant 0 : i32
      %dma_start3A_207 = tpu.memref_slice %arg15[%add3A_90, %dma_start3A_206] : memref<10240x16xf32, #tpu.memory_space<vmem_shared>> -> memref<32x16xf32, #tpu.memory_space<vmem_shared>>
      %dma_start3A_208 = arith.constant 0 : i32
      %dma_start3A_209 = tpu.memref_slice %arg15[%add3A_90, %dma_start3A_208] : memref<10240x16xf32, #tpu.memory_space<vmem_shared>> -> memref<32x16xf32, #tpu.memory_space<vmem_shared>>
      tpu.enqueue_dma source(%arg14 : memref<32x16xf32, #tpu.memory_space<vmem>>) target(%dma_start3A_209 : memref<32x16xf32, #tpu.memory_space<vmem_shared>>) target_semaphore(%run_scoped3A_205 : memref<!tpu.dma_semaphore, #tpu.memory_space<semaphore_mem>>)
      %dma_wait3A_210 = arith.constant 0 : i32
      %dma_wait3A_211 = tpu.memref_slice %arg15[%add3A_90, %dma_wait3A_210] : memref<10240x16xf32, #tpu.memory_space<vmem_shared>> -> memref<32x16xf32, #tpu.memory_space<vmem_shared>>
      %dma_wait3A_212 = arith.constant 0 : i32
      %dma_wait3A_213 = tpu.memref_slice %arg15[%add3A_90, %dma_wait3A_212] : memref<10240x16xf32, #tpu.memory_space<vmem_shared>> -> memref<32x16xf32, #tpu.memory_space<vmem_shared>>
      tpu.wait_dma2 semaphore(%run_scoped3A_205 : memref<!tpu.dma_semaphore, #tpu.memory_space<semaphore_mem>>) src(%arg14 : memref<32x16xf32, #tpu.memory_space<vmem>>) dst(%dma_wait3A_213 : memref<32x16xf32, #tpu.memory_space<vmem_shared>>)
      tpu.yield
    }) : () -> ()
    %mul3A_91 = arith.constant 640 : i32
    %mul3A_92 = arith.muli %arg1, %mul3A_91 : i32
    %add3A_93 = arith.constant 576 : i32
    %add3A_94 = arith.addi %mul3A_92, %add3A_93 : i32
    "tpu.region"() ({
      %run_scoped3A_205 = tpu.sem_alloc : memref<!tpu.dma_semaphore, #tpu.memory_space<semaphore_mem>>
      %dma_start3A_206 = arith.constant 0 : i32
      %dma_start3A_207 = tpu.memref_slice %arg10[%add3A_94, %dma_start3A_206] : memref<10240x64xf32, #tpu.memory_space<vmem_shared>> -> memref<32x64xf32, #tpu.memory_space<vmem_shared>>
      %dma_start3A_208 = arith.constant 0 : i32
      %dma_start3A_209 = tpu.memref_slice %arg10[%add3A_94, %dma_start3A_208] : memref<10240x64xf32, #tpu.memory_space<vmem_shared>> -> memref<32x64xf32, #tpu.memory_space<vmem_shared>>
      tpu.enqueue_dma source(%arg9 : memref<32x64xf32, #tpu.memory_space<vmem>>) target(%dma_start3A_209 : memref<32x64xf32, #tpu.memory_space<vmem_shared>>) target_semaphore(%run_scoped3A_205 : memref<!tpu.dma_semaphore, #tpu.memory_space<semaphore_mem>>)
      %dma_wait3A_210 = arith.constant 0 : i32
      %dma_wait3A_211 = tpu.memref_slice %arg10[%add3A_94, %dma_wait3A_210] : memref<10240x64xf32, #tpu.memory_space<vmem_shared>> -> memref<32x64xf32, #tpu.memory_space<vmem_shared>>
      %dma_wait3A_212 = arith.constant 0 : i32
      %dma_wait3A_213 = tpu.memref_slice %arg10[%add3A_94, %dma_wait3A_212] : memref<10240x64xf32, #tpu.memory_space<vmem_shared>> -> memref<32x64xf32, #tpu.memory_space<vmem_shared>>
      tpu.wait_dma2 semaphore(%run_scoped3A_205 : memref<!tpu.dma_semaphore, #tpu.memory_space<semaphore_mem>>) src(%arg9 : memref<32x64xf32, #tpu.memory_space<vmem>>) dst(%dma_wait3A_213 : memref<32x64xf32, #tpu.memory_space<vmem_shared>>)
      tpu.yield
    }) : () -> ()
    "tpu.region"() ({
      %run_scoped3A_205 = tpu.sem_alloc : memref<!tpu.dma_semaphore, #tpu.memory_space<semaphore_mem>>
      %dma_start3A_206 = arith.constant 0 : i32
      %dma_start3A_207 = tpu.memref_slice %arg15[%add3A_94, %dma_start3A_206] : memref<10240x16xf32, #tpu.memory_space<vmem_shared>> -> memref<32x16xf32, #tpu.memory_space<vmem_shared>>
      %dma_start3A_208 = arith.constant 0 : i32
      %dma_start3A_209 = tpu.memref_slice %arg15[%add3A_94, %dma_start3A_208] : memref<10240x16xf32, #tpu.memory_space<vmem_shared>> -> memref<32x16xf32, #tpu.memory_space<vmem_shared>>
      tpu.enqueue_dma source(%arg14 : memref<32x16xf32, #tpu.memory_space<vmem>>) target(%dma_start3A_209 : memref<32x16xf32, #tpu.memory_space<vmem_shared>>) target_semaphore(%run_scoped3A_205 : memref<!tpu.dma_semaphore, #tpu.memory_space<semaphore_mem>>)
      %dma_wait3A_210 = arith.constant 0 : i32
      %dma_wait3A_211 = tpu.memref_slice %arg15[%add3A_94, %dma_wait3A_210] : memref<10240x16xf32, #tpu.memory_space<vmem_shared>> -> memref<32x16xf32, #tpu.memory_space<vmem_shared>>
      %dma_wait3A_212 = arith.constant 0 : i32
      %dma_wait3A_213 = tpu.memref_slice %arg15[%add3A_94, %dma_wait3A_212] : memref<10240x16xf32, #tpu.memory_space<vmem_shared>> -> memref<32x16xf32, #tpu.memory_space<vmem_shared>>
      tpu.wait_dma2 semaphore(%run_scoped3A_205 : memref<!tpu.dma_semaphore, #tpu.memory_space<semaphore_mem>>) src(%arg14 : memref<32x16xf32, #tpu.memory_space<vmem>>) dst(%dma_wait3A_213 : memref<32x16xf32, #tpu.memory_space<vmem_shared>>)
      tpu.yield
    }) : () -> ()
    %mul3A_95 = arith.constant 640 : i32
    %mul3A_96 = arith.muli %arg1, %mul3A_95 : i32
    %add3A_97 = arith.constant 608 : i32
    %add3A_98 = arith.addi %mul3A_96, %add3A_97 : i32
    "tpu.region"() ({
      %run_scoped3A_205 = tpu.sem_alloc : memref<!tpu.dma_semaphore, #tpu.memory_space<semaphore_mem>>
      %dma_start3A_206 = arith.constant 0 : i32
      %dma_start3A_207 = tpu.memref_slice %arg10[%add3A_98, %dma_start3A_206] : memref<10240x64xf32, #tpu.memory_space<vmem_shared>> -> memref<32x64xf32, #tpu.memory_space<vmem_shared>>
      %dma_start3A_208 = arith.constant 0 : i32
      %dma_start3A_209 = tpu.memref_slice %arg10[%add3A_98, %dma_start3A_208] : memref<10240x64xf32, #tpu.memory_space<vmem_shared>> -> memref<32x64xf32, #tpu.memory_space<vmem_shared>>
      tpu.enqueue_dma source(%arg9 : memref<32x64xf32, #tpu.memory_space<vmem>>) target(%dma_start3A_209 : memref<32x64xf32, #tpu.memory_space<vmem_shared>>) target_semaphore(%run_scoped3A_205 : memref<!tpu.dma_semaphore, #tpu.memory_space<semaphore_mem>>)
      %dma_wait3A_210 = arith.constant 0 : i32
      %dma_wait3A_211 = tpu.memref_slice %arg10[%add3A_98, %dma_wait3A_210] : memref<10240x64xf32, #tpu.memory_space<vmem_shared>> -> memref<32x64xf32, #tpu.memory_space<vmem_shared>>
      %dma_wait3A_212 = arith.constant 0 : i32
      %dma_wait3A_213 = tpu.memref_slice %arg10[%add3A_98, %dma_wait3A_212] : memref<10240x64xf32, #tpu.memory_space<vmem_shared>> -> memref<32x64xf32, #tpu.memory_space<vmem_shared>>
      tpu.wait_dma2 semaphore(%run_scoped3A_205 : memref<!tpu.dma_semaphore, #tpu.memory_space<semaphore_mem>>) src(%arg9 : memref<32x64xf32, #tpu.memory_space<vmem>>) dst(%dma_wait3A_213 : memref<32x64xf32, #tpu.memory_space<vmem_shared>>)
      tpu.yield
    }) : () -> ()
    "tpu.region"() ({
      %run_scoped3A_205 = tpu.sem_alloc : memref<!tpu.dma_semaphore, #tpu.memory_space<semaphore_mem>>
      %dma_start3A_206 = arith.constant 0 : i32
      %dma_start3A_207 = tpu.memref_slice %arg15[%add3A_98, %dma_start3A_206] : memref<10240x16xf32, #tpu.memory_space<vmem_shared>> -> memref<32x16xf32, #tpu.memory_space<vmem_shared>>
      %dma_start3A_208 = arith.constant 0 : i32
      %dma_start3A_209 = tpu.memref_slice %arg15[%add3A_98, %dma_start3A_208] : memref<10240x16xf32, #tpu.memory_space<vmem_shared>> -> memref<32x16xf32, #tpu.memory_space<vmem_shared>>
      tpu.enqueue_dma source(%arg14 : memref<32x16xf32, #tpu.memory_space<vmem>>) target(%dma_start3A_209 : memref<32x16xf32, #tpu.memory_space<vmem_shared>>) target_semaphore(%run_scoped3A_205 : memref<!tpu.dma_semaphore, #tpu.memory_space<semaphore_mem>>)
      %dma_wait3A_210 = arith.constant 0 : i32
      %dma_wait3A_211 = tpu.memref_slice %arg15[%add3A_98, %dma_wait3A_210] : memref<10240x16xf32, #tpu.memory_space<vmem_shared>> -> memref<32x16xf32, #tpu.memory_space<vmem_shared>>
      %dma_wait3A_212 = arith.constant 0 : i32
      %dma_wait3A_213 = tpu.memref_slice %arg15[%add3A_98, %dma_wait3A_212] : memref<10240x16xf32, #tpu.memory_space<vmem_shared>> -> memref<32x16xf32, #tpu.memory_space<vmem_shared>>
      tpu.wait_dma2 semaphore(%run_scoped3A_205 : memref<!tpu.dma_semaphore, #tpu.memory_space<semaphore_mem>>) src(%arg14 : memref<32x16xf32, #tpu.memory_space<vmem>>) dst(%dma_wait3A_213 : memref<32x16xf32, #tpu.memory_space<vmem_shared>>)
      tpu.yield
    }) : () -> ()
    %barrier3A = arith.constant 0 : index
    tpu.barrier barrier_id(%barrier3A)
    %dma_start3A = arith.constant 0 : i32
    %dma_start3A_99 = arith.constant 0 : i32
    %dma_start3A_100 = arith.constant 0 : i32
    %dma_start3A_101 = arith.constant 0 : i32
    %dma_start3A_102 = arith.constant 0 : i32
    %dma_start3A_103 = tpu.memref_slice %arg8[%dma_start3A_99, %dma_start3A_101, %dma_start3A_102] : memref<4x125x64xf32, #tpu.memory_space<vmem>> -> memref<1x125x64xf32, #tpu.memory_space<vmem>>
    %dma_start3A_104 = tpu.memref_squeeze %dma_start3A_103 : memref<1x125x64xf32, #tpu.memory_space<vmem>> -> memref<125x64xf32, #tpu.memory_space<vmem>>
    %dma_start3A_105 = arith.constant 0 : i32
    %dma_start3A_106 = tpu.memref_slice %arg6[%dma_start3A, %dma_start3A_105] : memref<160x125xi32, #tpu.memory_space<vmem>> -> memref<1x125xi32, #tpu.memory_space<vmem>>
    %dma_start3A_107 = tpu.memref_squeeze %dma_start3A_106 : memref<1x125xi32, #tpu.memory_space<vmem>> -> memref<125xi32, #tpu.memory_space<vmem>>
    %dma_start3A_108 = arith.constant 0 : i32
    %dma_start3A_109 = arith.constant 0 : i32
    %dma_start3A_110 = tpu.memref_slice %arg2[%arg0, %dma_start3A_108, %dma_start3A_109] : memref<2x10000x64xf32, #tpu.memory_space<hbm>> -> memref<1x10000x64xf32, #tpu.memory_space<hbm>>
    %dma_start3A_111 = tpu.memref_squeeze %dma_start3A_110 : memref<1x10000x64xf32, #tpu.memory_space<hbm>> -> memref<10000x64xf32, #tpu.memory_space<hbm>>
    %dma_start3A_112 = arith.constant 0 : i32
    %dma_start3A_113 = arith.constant 0 : i32
    %dma_start3A_114 = tpu.memref_slice %dma_start3A_111[%dma_start3A_112, %dma_start3A_113] : memref<10000x64xf32, #tpu.memory_space<hbm>> -> memref<10000x64xf32, #tpu.memory_space<hbm>>
    %dma_start3A_115 = tpu.memref_slice %arg11[%dma_start3A_100] : memref<4x!tpu.dma_semaphore, #tpu.memory_space<semaphore_mem>> -> memref<1x!tpu.dma_semaphore, #tpu.memory_space<semaphore_mem>>
    %dma_start3A_116 = tpu.memref_squeeze %dma_start3A_115 : memref<1x!tpu.dma_semaphore, #tpu.memory_space<semaphore_mem>> -> memref<!tpu.dma_semaphore, #tpu.memory_space<semaphore_mem>>
    tpu.enqueue_indirect_dma source(%dma_start3A_114 : memref<10000x64xf32, #tpu.memory_space<hbm>>) target(%dma_start3A_104 : memref<125x64xf32, #tpu.memory_space<vmem>>) offsets(%dma_start3A_107 : memref<125xi32, #tpu.memory_space<vmem>>) semaphore(%dma_start3A_116 : memref<!tpu.dma_semaphore, #tpu.memory_space<semaphore_mem>>)
    %dma_start3A_117 = arith.constant 1 : i32
    %dma_start3A_118 = arith.constant 1 : i32
    %dma_start3A_119 = arith.constant 1 : i32
    %dma_start3A_120 = arith.constant 0 : i32
    %dma_start3A_121 = arith.constant 0 : i32
    %dma_start3A_122 = tpu.memref_slice %arg8[%dma_start3A_118, %dma_start3A_120, %dma_start3A_121] : memref<4x125x64xf32, #tpu.memory_space<vmem>> -> memref<1x125x64xf32, #tpu.memory_space<vmem>>
    %dma_start3A_123 = tpu.memref_squeeze %dma_start3A_122 : memref<1x125x64xf32, #tpu.memory_space<vmem>> -> memref<125x64xf32, #tpu.memory_space<vmem>>
    %dma_start3A_124 = arith.constant 0 : i32
    %dma_start3A_125 = tpu.memref_slice %arg6[%dma_start3A_117, %dma_start3A_124] : memref<160x125xi32, #tpu.memory_space<vmem>> -> memref<1x125xi32, #tpu.memory_space<vmem>>
    %dma_start3A_126 = tpu.memref_squeeze %dma_start3A_125 : memref<1x125xi32, #tpu.memory_space<vmem>> -> memref<125xi32, #tpu.memory_space<vmem>>
    %dma_start3A_127 = arith.constant 0 : i32
    %dma_start3A_128 = arith.constant 0 : i32
    %dma_start3A_129 = tpu.memref_slice %arg2[%arg0, %dma_start3A_127, %dma_start3A_128] : memref<2x10000x64xf32, #tpu.memory_space<hbm>> -> memref<1x10000x64xf32, #tpu.memory_space<hbm>>
    %dma_start3A_130 = tpu.memref_squeeze %dma_start3A_129 : memref<1x10000x64xf32, #tpu.memory_space<hbm>> -> memref<10000x64xf32, #tpu.memory_space<hbm>>
    %dma_start3A_131 = arith.constant 0 : i32
    %dma_start3A_132 = arith.constant 0 : i32
    %dma_start3A_133 = tpu.memref_slice %dma_start3A_130[%dma_start3A_131, %dma_start3A_132] : memref<10000x64xf32, #tpu.memory_space<hbm>> -> memref<10000x64xf32, #tpu.memory_space<hbm>>
    %dma_start3A_134 = tpu.memref_slice %arg11[%dma_start3A_119] : memref<4x!tpu.dma_semaphore, #tpu.memory_space<semaphore_mem>> -> memref<1x!tpu.dma_semaphore, #tpu.memory_space<semaphore_mem>>
    %dma_start3A_135 = tpu.memref_squeeze %dma_start3A_134 : memref<1x!tpu.dma_semaphore, #tpu.memory_space<semaphore_mem>> -> memref<!tpu.dma_semaphore, #tpu.memory_space<semaphore_mem>>
    tpu.enqueue_indirect_dma source(%dma_start3A_133 : memref<10000x64xf32, #tpu.memory_space<hbm>>) target(%dma_start3A_123 : memref<125x64xf32, #tpu.memory_space<vmem>>) offsets(%dma_start3A_126 : memref<125xi32, #tpu.memory_space<vmem>>) semaphore(%dma_start3A_135 : memref<!tpu.dma_semaphore, #tpu.memory_space<semaphore_mem>>)
    %scan3A_136 = arith.constant 0 : i32
    %scan3A_137 = arith.constant 0 : i32
    %scan3A_138 = arith.constant 40 : i32
    %scan3A_139 = arith.addi %scan3A_137, %scan3A_138 : i32
    %scan3A_140 = arith.constant 1 : i32
    %scan3A_141 = scf.for %scan3A_205 = %scan3A_137 to %scan3A_139 step %scan3A_140 iter_args(%scan3A_206 = %scan3A_136) -> (i32)  : i32 {
      %mul3A_207 = arith.constant 4 : i32
      %mul3A_208 = arith.muli %mul3A_207, %scan3A_205 : i32
      %add3A_209 = arith.constant 0 : i32
      %add3A_210 = arith.addi %mul3A_208, %add3A_209 : i32
      %jit3A = arith.constant 80 : i32
      %div3A = arith.divsi %add3A_210, %jit3A : i32
      %sign3A = arith.constant 0 : i32
      %sign3A_211 = arith.cmpi sgt, %add3A_210, %sign3A : i32
      %sign3A_212 = arith.extui %sign3A_211 : i1 to i32
      %sign3A_213 = arith.constant 0 : i32
      %sign3A_214 = arith.cmpi slt, %add3A_210, %sign3A_213 : i32
      %sign3A_215 = arith.extui %sign3A_214 : i1 to i32
      %sign3A_216 = arith.subi %sign3A_212, %sign3A_215 : i32
      %sign3A_217 = arith.constant 0 : i32
      %sign3A_218 = arith.cmpi sgt, %jit3A, %sign3A_217 : i32
      %sign3A_219 = arith.extui %sign3A_218 : i1 to i32
      %sign3A_220 = arith.constant 0 : i32
      %sign3A_221 = arith.cmpi slt, %jit3A, %sign3A_220 : i32
      %sign3A_222 = arith.extui %sign3A_221 : i1 to i32
      %sign3A_223 = arith.subi %sign3A_219, %sign3A_222 : i32
      %ne3A = arith.cmpi ne, %sign3A_216, %sign3A_223 : i32
      %rem3A = arith.remsi %add3A_210, %jit3A : i32
      %ne3A_224 = arith.constant 0 : i32
      %ne3A_225 = arith.cmpi ne, %rem3A, %ne3A_224 : i32
      %and3A = arith.andi %ne3A, %ne3A_225 : i1
      %sub3A = arith.constant 1 : i32
      %sub3A_226 = arith.subi %div3A, %sub3A : i32
      %select_n3A = arith.select %and3A, %sub3A_226, %div3A : i32
      %eq3A = arith.cmpi eq, %select_n3A, %arg0 : i32
      %convert_element_type3A = arith.extui %eq3A : i1 to i32
      %cond3A = arith.constant 0 : i32
      %cond3A_227 = arith.cmpi ne, %convert_element_type3A, %cond3A : i32
      scf.if %cond3A_227 {
        "tpu.region"() ({
          %run_scoped3A_480 = tpu.sem_alloc : memref<!tpu.dma_semaphore, #tpu.memory_space<semaphore_mem>>
          %dma_start3A_481 = arith.constant 0 : i32
          %dma_start3A_482 = tpu.memref_slice %arg7[%add3A_210, %dma_start3A_481] : memref<160x125xi32, #tpu.memory_space<vmem>> -> memref<1x125xi32, #tpu.memory_space<vmem>>
          %dma_start3A_483 = tpu.memref_squeeze %dma_start3A_482 : memref<1x125xi32, #tpu.memory_space<vmem>> -> memref<125xi32, #tpu.memory_space<vmem>>
          %dma_start3A_484 = arith.constant 0 : i32
          %dma_start3A_485 = arith.constant 0 : i32
          %dma_start3A_486 = tpu.memref_slice %arg15[%dma_start3A_484, %dma_start3A_485] : memref<10240x16xf32, #tpu.memory_space<vmem_shared>> -> memref<10240x16xf32, #tpu.memory_space<vmem_shared>>
          tpu.enqueue_indirect_dma source(%arg13 : memref<125x16xf32, #tpu.memory_space<vmem>>) target(%dma_start3A_486 : memref<10240x16xf32, #tpu.memory_space<vmem_shared>>) offsets(%dma_start3A_483 : memref<125xi32, #tpu.memory_space<vmem>>) semaphore(%run_scoped3A_480 : memref<!tpu.dma_semaphore, #tpu.memory_space<semaphore_mem>>) {add = true}
          %dma_wait3A_487 = arith.constant 0 : i32
          %dma_wait3A_488 = tpu.memref_slice %arg7[%add3A_210, %dma_wait3A_487] : memref<160x125xi32, #tpu.memory_space<vmem>> -> memref<1x125xi32, #tpu.memory_space<vmem>>
          %dma_wait3A_489 = tpu.memref_squeeze %dma_wait3A_488 : memref<1x125xi32, #tpu.memory_space<vmem>> -> memref<125xi32, #tpu.memory_space<vmem>>
          %dma_wait3A_490 = arith.constant 0 : i32
          %dma_wait3A_491 = arith.constant 0 : i32
          %dma_wait3A_492 = tpu.memref_slice %arg15[%dma_wait3A_490, %dma_wait3A_491] : memref<10240x16xf32, #tpu.memory_space<vmem_shared>> -> memref<10240x16xf32, #tpu.memory_space<vmem_shared>>
          tpu.wait_indirect_dma semaphore(%run_scoped3A_480 : memref<!tpu.dma_semaphore, #tpu.memory_space<semaphore_mem>>) src(%arg13 : memref<125x16xf32, #tpu.memory_space<vmem>>) dst(%dma_wait3A_492 : memref<10240x16xf32, #tpu.memory_space<vmem_shared>>)
          tpu.yield
        }) : () -> ()
      } else {
      }
      %dma_wait3A_228 = arith.constant 0 : i32
      %dma_wait3A_229 = arith.constant 0 : i32
      %dma_wait3A_230 = arith.constant 0 : i32
      %dma_wait3A_231 = arith.constant 0 : i32
      %dma_wait3A_232 = tpu.memref_slice %arg8[%dma_wait3A_228, %dma_wait3A_230, %dma_wait3A_231] : memref<4x125x64xf32, #tpu.memory_space<vmem>> -> memref<1x125x64xf32, #tpu.memory_space<vmem>>
      %dma_wait3A_233 = tpu.memref_squeeze %dma_wait3A_232 : memref<1x125x64xf32, #tpu.memory_space<vmem>> -> memref<125x64xf32, #tpu.memory_space<vmem>>
      %dma_wait3A_234 = arith.constant 0 : i32
      %dma_wait3A_235 = tpu.memref_slice %arg6[%add3A_210, %dma_wait3A_234] : memref<160x125xi32, #tpu.memory_space<vmem>> -> memref<1x125xi32, #tpu.memory_space<vmem>>
      %dma_wait3A_236 = tpu.memref_squeeze %dma_wait3A_235 : memref<1x125xi32, #tpu.memory_space<vmem>> -> memref<125xi32, #tpu.memory_space<vmem>>
      %dma_wait3A_237 = arith.constant 0 : i32
      %dma_wait3A_238 = arith.constant 0 : i32
      %dma_wait3A_239 = tpu.memref_slice %arg2[%arg0, %dma_wait3A_237, %dma_wait3A_238] : memref<2x10000x64xf32, #tpu.memory_space<hbm>> -> memref<1x10000x64xf32, #tpu.memory_space<hbm>>
      %dma_wait3A_240 = tpu.memref_squeeze %dma_wait3A_239 : memref<1x10000x64xf32, #tpu.memory_space<hbm>> -> memref<10000x64xf32, #tpu.memory_space<hbm>>
      %dma_wait3A_241 = arith.constant 0 : i32
      %dma_wait3A_242 = arith.constant 0 : i32
      %dma_wait3A_243 = tpu.memref_slice %dma_wait3A_240[%dma_wait3A_241, %dma_wait3A_242] : memref<10000x64xf32, #tpu.memory_space<hbm>> -> memref<10000x64xf32, #tpu.memory_space<hbm>>
      %dma_wait3A_244 = tpu.memref_slice %arg11[%dma_wait3A_229] : memref<4x!tpu.dma_semaphore, #tpu.memory_space<semaphore_mem>> -> memref<1x!tpu.dma_semaphore, #tpu.memory_space<semaphore_mem>>
      %dma_wait3A_245 = tpu.memref_squeeze %dma_wait3A_244 : memref<1x!tpu.dma_semaphore, #tpu.memory_space<semaphore_mem>> -> memref<!tpu.dma_semaphore, #tpu.memory_space<semaphore_mem>>
      tpu.wait_indirect_dma semaphore(%dma_wait3A_245 : memref<!tpu.dma_semaphore, #tpu.memory_space<semaphore_mem>>) src(%dma_wait3A_243 : memref<10000x64xf32, #tpu.memory_space<hbm>>) dst(%dma_wait3A_233 : memref<125x64xf32, #tpu.memory_space<vmem>>)
      %dma_start3A_246 = arith.constant 0 : i32
      %dma_start3A_247 = arith.constant 0 : i32
      %dma_start3A_248 = arith.constant 0 : i32
      %dma_start3A_249 = arith.constant 0 : i32
      %dma_start3A_250 = tpu.memref_slice %arg8[%dma_start3A_246, %dma_start3A_248, %dma_start3A_249] : memref<4x125x64xf32, #tpu.memory_space<vmem>> -> memref<1x125x64xf32, #tpu.memory_space<vmem>>
      %dma_start3A_251 = tpu.memref_squeeze %dma_start3A_250 : memref<1x125x64xf32, #tpu.memory_space<vmem>> -> memref<125x64xf32, #tpu.memory_space<vmem>>
      %dma_start3A_252 = arith.constant 0 : i32
      %dma_start3A_253 = tpu.memref_slice %arg7[%add3A_210, %dma_start3A_252] : memref<160x125xi32, #tpu.memory_space<vmem>> -> memref<1x125xi32, #tpu.memory_space<vmem>>
      %dma_start3A_254 = tpu.memref_squeeze %dma_start3A_253 : memref<1x125xi32, #tpu.memory_space<vmem>> -> memref<125xi32, #tpu.memory_space<vmem>>
      %dma_start3A_255 = arith.constant 0 : i32
      %dma_start3A_256 = arith.constant 0 : i32
      %dma_start3A_257 = tpu.memref_slice %arg10[%dma_start3A_255, %dma_start3A_256] : memref<10240x64xf32, #tpu.memory_space<vmem_shared>> -> memref<10240x64xf32, #tpu.memory_space<vmem_shared>>
      %dma_start3A_258 = tpu.memref_slice %arg12[%dma_start3A_247] : memref<4x!tpu.dma_semaphore, #tpu.memory_space<semaphore_mem>> -> memref<1x!tpu.dma_semaphore, #tpu.memory_space<semaphore_mem>>
      %dma_start3A_259 = tpu.memref_squeeze %dma_start3A_258 : memref<1x!tpu.dma_semaphore, #tpu.memory_space<semaphore_mem>> -> memref<!tpu.dma_semaphore, #tpu.memory_space<semaphore_mem>>
      tpu.enqueue_indirect_dma source(%dma_start3A_251 : memref<125x64xf32, #tpu.memory_space<vmem>>) target(%dma_start3A_257 : memref<10240x64xf32, #tpu.memory_space<vmem_shared>>) offsets(%dma_start3A_254 : memref<125xi32, #tpu.memory_space<vmem>>) semaphore(%dma_start3A_259 : memref<!tpu.dma_semaphore, #tpu.memory_space<semaphore_mem>>) {add = true}
      %add3A_260 = arith.constant 2 : i32
      %add3A_261 = arith.addi %add3A_210, %add3A_260 : i32
      %lt3A = arith.constant 160 : i32
      %lt3A_262 = arith.cmpi slt, %add3A_261, %lt3A : i32
      %convert_element_type3A_263 = arith.extui %lt3A_262 : i1 to i32
      %cond3A_264 = arith.constant 0 : i32
      %cond3A_265 = arith.cmpi ne, %convert_element_type3A_263, %cond3A_264 : i32
      scf.if %cond3A_265 {
        %ge3A = arith.constant 2 : i32
        %ge3A_480 = arith.cmpi sge, %add3A_210, %ge3A : i32
        %convert_element_type3A_481 = arith.extui %ge3A_480 : i1 to i32
        %cond3A_482 = arith.constant 0 : i32
        %cond3A_483 = arith.cmpi ne, %convert_element_type3A_481, %cond3A_482 : i32
        scf.if %cond3A_483 {
          %dma_wait3A_502 = arith.constant 2 : i32
          %dma_wait3A_503 = arith.constant 2 : i32
          %dma_wait3A_504 = arith.constant 0 : i32
          %dma_wait3A_505 = arith.constant 0 : i32
          %dma_wait3A_506 = tpu.memref_slice %arg8[%dma_wait3A_502, %dma_wait3A_504, %dma_wait3A_505] : memref<4x125x64xf32, #tpu.memory_space<vmem>> -> memref<1x125x64xf32, #tpu.memory_space<vmem>>
          %dma_wait3A_507 = tpu.memref_squeeze %dma_wait3A_506 : memref<1x125x64xf32, #tpu.memory_space<vmem>> -> memref<125x64xf32, #tpu.memory_space<vmem>>
          %dma_wait3A_508 = arith.constant 0 : i32
          %dma_wait3A_509 = tpu.memref_slice %arg7[%add3A_210, %dma_wait3A_508] : memref<160x125xi32, #tpu.memory_space<vmem>> -> memref<1x125xi32, #tpu.memory_space<vmem>>
          %dma_wait3A_510 = tpu.memref_squeeze %dma_wait3A_509 : memref<1x125xi32, #tpu.memory_space<vmem>> -> memref<125xi32, #tpu.memory_space<vmem>>
          %dma_wait3A_511 = arith.constant 0 : i32
          %dma_wait3A_512 = arith.constant 0 : i32
          %dma_wait3A_513 = tpu.memref_slice %arg10[%dma_wait3A_511, %dma_wait3A_512] : memref<10240x64xf32, #tpu.memory_space<vmem_shared>> -> memref<10240x64xf32, #tpu.memory_space<vmem_shared>>
          %dma_wait3A_514 = tpu.memref_slice %arg12[%dma_wait3A_503] : memref<4x!tpu.dma_semaphore, #tpu.memory_space<semaphore_mem>> -> memref<1x!tpu.dma_semaphore, #tpu.memory_space<semaphore_mem>>
          %dma_wait3A_515 = tpu.memref_squeeze %dma_wait3A_514 : memref<1x!tpu.dma_semaphore, #tpu.memory_space<semaphore_mem>> -> memref<!tpu.dma_semaphore, #tpu.memory_space<semaphore_mem>>
          tpu.wait_indirect_dma semaphore(%dma_wait3A_515 : memref<!tpu.dma_semaphore, #tpu.memory_space<semaphore_mem>>) src(%dma_wait3A_507 : memref<125x64xf32, #tpu.memory_space<vmem>>) dst(%dma_wait3A_513 : memref<10240x64xf32, #tpu.memory_space<vmem_shared>>)
        } else {
        }
        %dma_start3A_484 = arith.constant 2 : i32
        %dma_start3A_485 = arith.constant 2 : i32
        %dma_start3A_486 = arith.constant 0 : i32
        %dma_start3A_487 = arith.constant 0 : i32
        %dma_start3A_488 = tpu.memref_slice %arg8[%dma_start3A_484, %dma_start3A_486, %dma_start3A_487] : memref<4x125x64xf32, #tpu.memory_space<vmem>> -> memref<1x125x64xf32, #tpu.memory_space<vmem>>
        %dma_start3A_489 = tpu.memref_squeeze %dma_start3A_488 : memref<1x125x64xf32, #tpu.memory_space<vmem>> -> memref<125x64xf32, #tpu.memory_space<vmem>>
        %dma_start3A_490 = arith.constant 0 : i32
        %dma_start3A_491 = tpu.memref_slice %arg6[%add3A_261, %dma_start3A_490] : memref<160x125xi32, #tpu.memory_space<vmem>> -> memref<1x125xi32, #tpu.memory_space<vmem>>
        %dma_start3A_492 = tpu.memref_squeeze %dma_start3A_491 : memref<1x125xi32, #tpu.memory_space<vmem>> -> memref<125xi32, #tpu.memory_space<vmem>>
        %dma_start3A_493 = arith.constant 0 : i32
        %dma_start3A_494 = arith.constant 0 : i32
        %dma_start3A_495 = tpu.memref_slice %arg2[%arg0, %dma_start3A_493, %dma_start3A_494] : memref<2x10000x64xf32, #tpu.memory_space<hbm>> -> memref<1x10000x64xf32, #tpu.memory_space<hbm>>
        %dma_start3A_496 = tpu.memref_squeeze %dma_start3A_495 : memref<1x10000x64xf32, #tpu.memory_space<hbm>> -> memref<10000x64xf32, #tpu.memory_space<hbm>>
        %dma_start3A_497 = arith.constant 0 : i32
        %dma_start3A_498 = arith.constant 0 : i32
        %dma_start3A_499 = tpu.memref_slice %dma_start3A_496[%dma_start3A_497, %dma_start3A_498] : memref<10000x64xf32, #tpu.memory_space<hbm>> -> memref<10000x64xf32, #tpu.memory_space<hbm>>
        %dma_start3A_500 = tpu.memref_slice %arg11[%dma_start3A_485] : memref<4x!tpu.dma_semaphore, #tpu.memory_space<semaphore_mem>> -> memref<1x!tpu.dma_semaphore, #tpu.memory_space<semaphore_mem>>
        %dma_start3A_501 = tpu.memref_squeeze %dma_start3A_500 : memref<1x!tpu.dma_semaphore, #tpu.memory_space<semaphore_mem>> -> memref<!tpu.dma_semaphore, #tpu.memory_space<semaphore_mem>>
        tpu.enqueue_indirect_dma source(%dma_start3A_499 : memref<10000x64xf32, #tpu.memory_space<hbm>>) target(%dma_start3A_489 : memref<125x64xf32, #tpu.memory_space<vmem>>) offsets(%dma_start3A_492 : memref<125xi32, #tpu.memory_space<vmem>>) semaphore(%dma_start3A_501 : memref<!tpu.dma_semaphore, #tpu.memory_space<semaphore_mem>>)
      } else {
      }
      %mul3A_266 = arith.constant 4 : i32
      %mul3A_267 = arith.muli %mul3A_266, %scan3A_205 : i32
      %add3A_268 = arith.constant 1 : i32
      %add3A_269 = arith.addi %mul3A_267, %add3A_268 : i32
      %jit3A_270 = arith.constant 80 : i32
      %div3A_271 = arith.divsi %add3A_269, %jit3A_270 : i32
      %sign3A_272 = arith.constant 0 : i32
      %sign3A_273 = arith.cmpi sgt, %add3A_269, %sign3A_272 : i32
      %sign3A_274 = arith.extui %sign3A_273 : i1 to i32
      %sign3A_275 = arith.constant 0 : i32
      %sign3A_276 = arith.cmpi slt, %add3A_269, %sign3A_275 : i32
      %sign3A_277 = arith.extui %sign3A_276 : i1 to i32
      %sign3A_278 = arith.subi %sign3A_274, %sign3A_277 : i32
      %sign3A_279 = arith.constant 0 : i32
      %sign3A_280 = arith.cmpi sgt, %jit3A_270, %sign3A_279 : i32
      %sign3A_281 = arith.extui %sign3A_280 : i1 to i32
      %sign3A_282 = arith.constant 0 : i32
      %sign3A_283 = arith.cmpi slt, %jit3A_270, %sign3A_282 : i32
      %sign3A_284 = arith.extui %sign3A_283 : i1 to i32
      %sign3A_285 = arith.subi %sign3A_281, %sign3A_284 : i32
      %ne3A_286 = arith.cmpi ne, %sign3A_278, %sign3A_285 : i32
      %rem3A_287 = arith.remsi %add3A_269, %jit3A_270 : i32
      %ne3A_288 = arith.constant 0 : i32
      %ne3A_289 = arith.cmpi ne, %rem3A_287, %ne3A_288 : i32
      %and3A_290 = arith.andi %ne3A_286, %ne3A_289 : i1
      %sub3A_291 = arith.constant 1 : i32
      %sub3A_292 = arith.subi %div3A_271, %sub3A_291 : i32
      %select_n3A_293 = arith.select %and3A_290, %sub3A_292, %div3A_271 : i32
      %eq3A_294 = arith.cmpi eq, %select_n3A_293, %arg0 : i32
      %convert_element_type3A_295 = arith.extui %eq3A_294 : i1 to i32
      %cond3A_296 = arith.constant 0 : i32
      %cond3A_297 = arith.cmpi ne, %convert_element_type3A_295, %cond3A_296 : i32
      scf.if %cond3A_297 {
        "tpu.region"() ({
          %run_scoped3A_480 = tpu.sem_alloc : memref<!tpu.dma_semaphore, #tpu.memory_space<semaphore_mem>>
          %dma_start3A_481 = arith.constant 0 : i32
          %dma_start3A_482 = tpu.memref_slice %arg7[%add3A_269, %dma_start3A_481] : memref<160x125xi32, #tpu.memory_space<vmem>> -> memref<1x125xi32, #tpu.memory_space<vmem>>
          %dma_start3A_483 = tpu.memref_squeeze %dma_start3A_482 : memref<1x125xi32, #tpu.memory_space<vmem>> -> memref<125xi32, #tpu.memory_space<vmem>>
          %dma_start3A_484 = arith.constant 0 : i32
          %dma_start3A_485 = arith.constant 0 : i32
          %dma_start3A_486 = tpu.memref_slice %arg15[%dma_start3A_484, %dma_start3A_485] : memref<10240x16xf32, #tpu.memory_space<vmem_shared>> -> memref<10240x16xf32, #tpu.memory_space<vmem_shared>>
          tpu.enqueue_indirect_dma source(%arg13 : memref<125x16xf32, #tpu.memory_space<vmem>>) target(%dma_start3A_486 : memref<10240x16xf32, #tpu.memory_space<vmem_shared>>) offsets(%dma_start3A_483 : memref<125xi32, #tpu.memory_space<vmem>>) semaphore(%run_scoped3A_480 : memref<!tpu.dma_semaphore, #tpu.memory_space<semaphore_mem>>) {add = true}
          %dma_wait3A_487 = arith.constant 0 : i32
          %dma_wait3A_488 = tpu.memref_slice %arg7[%add3A_269, %dma_wait3A_487] : memref<160x125xi32, #tpu.memory_space<vmem>> -> memref<1x125xi32, #tpu.memory_space<vmem>>
          %dma_wait3A_489 = tpu.memref_squeeze %dma_wait3A_488 : memref<1x125xi32, #tpu.memory_space<vmem>> -> memref<125xi32, #tpu.memory_space<vmem>>
          %dma_wait3A_490 = arith.constant 0 : i32
          %dma_wait3A_491 = arith.constant 0 : i32
          %dma_wait3A_492 = tpu.memref_slice %arg15[%dma_wait3A_490, %dma_wait3A_491] : memref<10240x16xf32, #tpu.memory_space<vmem_shared>> -> memref<10240x16xf32, #tpu.memory_space<vmem_shared>>
          tpu.wait_indirect_dma semaphore(%run_scoped3A_480 : memref<!tpu.dma_semaphore, #tpu.memory_space<semaphore_mem>>) src(%arg13 : memref<125x16xf32, #tpu.memory_space<vmem>>) dst(%dma_wait3A_492 : memref<10240x16xf32, #tpu.memory_space<vmem_shared>>)
          tpu.yield
        }) : () -> ()
      } else {
      }
      %dma_wait3A_298 = arith.constant 1 : i32
      %dma_wait3A_299 = arith.constant 1 : i32
      %dma_wait3A_300 = arith.constant 0 : i32
      %dma_wait3A_301 = arith.constant 0 : i32
      %dma_wait3A_302 = tpu.memref_slice %arg8[%dma_wait3A_298, %dma_wait3A_300, %dma_wait3A_301] : memref<4x125x64xf32, #tpu.memory_space<vmem>> -> memref<1x125x64xf32, #tpu.memory_space<vmem>>
      %dma_wait3A_303 = tpu.memref_squeeze %dma_wait3A_302 : memref<1x125x64xf32, #tpu.memory_space<vmem>> -> memref<125x64xf32, #tpu.memory_space<vmem>>
      %dma_wait3A_304 = arith.constant 0 : i32
      %dma_wait3A_305 = tpu.memref_slice %arg6[%add3A_269, %dma_wait3A_304] : memref<160x125xi32, #tpu.memory_space<vmem>> -> memref<1x125xi32, #tpu.memory_space<vmem>>
      %dma_wait3A_306 = tpu.memref_squeeze %dma_wait3A_305 : memref<1x125xi32, #tpu.memory_space<vmem>> -> memref<125xi32, #tpu.memory_space<vmem>>
      %dma_wait3A_307 = arith.constant 0 : i32
      %dma_wait3A_308 = arith.constant 0 : i32
      %dma_wait3A_309 = tpu.memref_slice %arg2[%arg0, %dma_wait3A_307, %dma_wait3A_308] : memref<2x10000x64xf32, #tpu.memory_space<hbm>> -> memref<1x10000x64xf32, #tpu.memory_space<hbm>>
      %dma_wait3A_310 = tpu.memref_squeeze %dma_wait3A_309 : memref<1x10000x64xf32, #tpu.memory_space<hbm>> -> memref<10000x64xf32, #tpu.memory_space<hbm>>
      %dma_wait3A_311 = arith.constant 0 : i32
      %dma_wait3A_312 = arith.constant 0 : i32
      %dma_wait3A_313 = tpu.memref_slice %dma_wait3A_310[%dma_wait3A_311, %dma_wait3A_312] : memref<10000x64xf32, #tpu.memory_space<hbm>> -> memref<10000x64xf32, #tpu.memory_space<hbm>>
      %dma_wait3A_314 = tpu.memref_slice %arg11[%dma_wait3A_299] : memref<4x!tpu.dma_semaphore, #tpu.memory_space<semaphore_mem>> -> memref<1x!tpu.dma_semaphore, #tpu.memory_space<semaphore_mem>>
      %dma_wait3A_315 = tpu.memref_squeeze %dma_wait3A_314 : memref<1x!tpu.dma_semaphore, #tpu.memory_space<semaphore_mem>> -> memref<!tpu.dma_semaphore, #tpu.memory_space<semaphore_mem>>
      tpu.wait_indirect_dma semaphore(%dma_wait3A_315 : memref<!tpu.dma_semaphore, #tpu.memory_space<semaphore_mem>>) src(%dma_wait3A_313 : memref<10000x64xf32, #tpu.memory_space<hbm>>) dst(%dma_wait3A_303 : memref<125x64xf32, #tpu.memory_space<vmem>>)
      %dma_start3A_316 = arith.constant 1 : i32
      %dma_start3A_317 = arith.constant 1 : i32
      %dma_start3A_318 = arith.constant 0 : i32
      %dma_start3A_319 = arith.constant 0 : i32
      %dma_start3A_320 = tpu.memref_slice %arg8[%dma_start3A_316, %dma_start3A_318, %dma_start3A_319] : memref<4x125x64xf32, #tpu.memory_space<vmem>> -> memref<1x125x64xf32, #tpu.memory_space<vmem>>
      %dma_start3A_321 = tpu.memref_squeeze %dma_start3A_320 : memref<1x125x64xf32, #tpu.memory_space<vmem>> -> memref<125x64xf32, #tpu.memory_space<vmem>>
      %dma_start3A_322 = arith.constant 0 : i32
      %dma_start3A_323 = tpu.memref_slice %arg7[%add3A_269, %dma_start3A_322] : memref<160x125xi32, #tpu.memory_space<vmem>> -> memref<1x125xi32, #tpu.memory_space<vmem>>
      %dma_start3A_324 = tpu.memref_squeeze %dma_start3A_323 : memref<1x125xi32, #tpu.memory_space<vmem>> -> memref<125xi32, #tpu.memory_space<vmem>>
      %dma_start3A_325 = arith.constant 0 : i32
      %dma_start3A_326 = arith.constant 0 : i32
      %dma_start3A_327 = tpu.memref_slice %arg10[%dma_start3A_325, %dma_start3A_326] : memref<10240x64xf32, #tpu.memory_space<vmem_shared>> -> memref<10240x64xf32, #tpu.memory_space<vmem_shared>>
      %dma_start3A_328 = tpu.memref_slice %arg12[%dma_start3A_317] : memref<4x!tpu.dma_semaphore, #tpu.memory_space<semaphore_mem>> -> memref<1x!tpu.dma_semaphore, #tpu.memory_space<semaphore_mem>>
      %dma_start3A_329 = tpu.memref_squeeze %dma_start3A_328 : memref<1x!tpu.dma_semaphore, #tpu.memory_space<semaphore_mem>> -> memref<!tpu.dma_semaphore, #tpu.memory_space<semaphore_mem>>
      tpu.enqueue_indirect_dma source(%dma_start3A_321 : memref<125x64xf32, #tpu.memory_space<vmem>>) target(%dma_start3A_327 : memref<10240x64xf32, #tpu.memory_space<vmem_shared>>) offsets(%dma_start3A_324 : memref<125xi32, #tpu.memory_space<vmem>>) semaphore(%dma_start3A_329 : memref<!tpu.dma_semaphore, #tpu.memory_space<semaphore_mem>>) {add = true}
      %add3A_330 = arith.constant 2 : i32
      %add3A_331 = arith.addi %add3A_269, %add3A_330 : i32
      %lt3A_332 = arith.constant 160 : i32
      %lt3A_333 = arith.cmpi slt, %add3A_331, %lt3A_332 : i32
      %convert_element_type3A_334 = arith.extui %lt3A_333 : i1 to i32
      %cond3A_335 = arith.constant 0 : i32
      %cond3A_336 = arith.cmpi ne, %convert_element_type3A_334, %cond3A_335 : i32
      scf.if %cond3A_336 {
        %ge3A = arith.constant 2 : i32
        %ge3A_480 = arith.cmpi sge, %add3A_269, %ge3A : i32
        %convert_element_type3A_481 = arith.extui %ge3A_480 : i1 to i32
        %cond3A_482 = arith.constant 0 : i32
        %cond3A_483 = arith.cmpi ne, %convert_element_type3A_481, %cond3A_482 : i32
        scf.if %cond3A_483 {
          %dma_wait3A_502 = arith.constant 3 : i32
          %dma_wait3A_503 = arith.constant 3 : i32
          %dma_wait3A_504 = arith.constant 0 : i32
          %dma_wait3A_505 = arith.constant 0 : i32
          %dma_wait3A_506 = tpu.memref_slice %arg8[%dma_wait3A_502, %dma_wait3A_504, %dma_wait3A_505] : memref<4x125x64xf32, #tpu.memory_space<vmem>> -> memref<1x125x64xf32, #tpu.memory_space<vmem>>
          %dma_wait3A_507 = tpu.memref_squeeze %dma_wait3A_506 : memref<1x125x64xf32, #tpu.memory_space<vmem>> -> memref<125x64xf32, #tpu.memory_space<vmem>>
          %dma_wait3A_508 = arith.constant 0 : i32
          %dma_wait3A_509 = tpu.memref_slice %arg7[%add3A_269, %dma_wait3A_508] : memref<160x125xi32, #tpu.memory_space<vmem>> -> memref<1x125xi32, #tpu.memory_space<vmem>>
          %dma_wait3A_510 = tpu.memref_squeeze %dma_wait3A_509 : memref<1x125xi32, #tpu.memory_space<vmem>> -> memref<125xi32, #tpu.memory_space<vmem>>
          %dma_wait3A_511 = arith.constant 0 : i32
          %dma_wait3A_512 = arith.constant 0 : i32
          %dma_wait3A_513 = tpu.memref_slice %arg10[%dma_wait3A_511, %dma_wait3A_512] : memref<10240x64xf32, #tpu.memory_space<vmem_shared>> -> memref<10240x64xf32, #tpu.memory_space<vmem_shared>>
          %dma_wait3A_514 = tpu.memref_slice %arg12[%dma_wait3A_503] : memref<4x!tpu.dma_semaphore, #tpu.memory_space<semaphore_mem>> -> memref<1x!tpu.dma_semaphore, #tpu.memory_space<semaphore_mem>>
          %dma_wait3A_515 = tpu.memref_squeeze %dma_wait3A_514 : memref<1x!tpu.dma_semaphore, #tpu.memory_space<semaphore_mem>> -> memref<!tpu.dma_semaphore, #tpu.memory_space<semaphore_mem>>
          tpu.wait_indirect_dma semaphore(%dma_wait3A_515 : memref<!tpu.dma_semaphore, #tpu.memory_space<semaphore_mem>>) src(%dma_wait3A_507 : memref<125x64xf32, #tpu.memory_space<vmem>>) dst(%dma_wait3A_513 : memref<10240x64xf32, #tpu.memory_space<vmem_shared>>)
        } else {
        }
        %dma_start3A_484 = arith.constant 3 : i32
        %dma_start3A_485 = arith.constant 3 : i32
        %dma_start3A_486 = arith.constant 0 : i32
        %dma_start3A_487 = arith.constant 0 : i32
        %dma_start3A_488 = tpu.memref_slice %arg8[%dma_start3A_484, %dma_start3A_486, %dma_start3A_487] : memref<4x125x64xf32, #tpu.memory_space<vmem>> -> memref<1x125x64xf32, #tpu.memory_space<vmem>>
        %dma_start3A_489 = tpu.memref_squeeze %dma_start3A_488 : memref<1x125x64xf32, #tpu.memory_space<vmem>> -> memref<125x64xf32, #tpu.memory_space<vmem>>
        %dma_start3A_490 = arith.constant 0 : i32
        %dma_start3A_491 = tpu.memref_slice %arg6[%add3A_331, %dma_start3A_490] : memref<160x125xi32, #tpu.memory_space<vmem>> -> memref<1x125xi32, #tpu.memory_space<vmem>>
        %dma_start3A_492 = tpu.memref_squeeze %dma_start3A_491 : memref<1x125xi32, #tpu.memory_space<vmem>> -> memref<125xi32, #tpu.memory_space<vmem>>
        %dma_start3A_493 = arith.constant 0 : i32
        %dma_start3A_494 = arith.constant 0 : i32
        %dma_start3A_495 = tpu.memref_slice %arg2[%arg0, %dma_start3A_493, %dma_start3A_494] : memref<2x10000x64xf32, #tpu.memory_space<hbm>> -> memref<1x10000x64xf32, #tpu.memory_space<hbm>>
        %dma_start3A_496 = tpu.memref_squeeze %dma_start3A_495 : memref<1x10000x64xf32, #tpu.memory_space<hbm>> -> memref<10000x64xf32, #tpu.memory_space<hbm>>
        %dma_start3A_497 = arith.constant 0 : i32
        %dma_start3A_498 = arith.constant 0 : i32
        %dma_start3A_499 = tpu.memref_slice %dma_start3A_496[%dma_start3A_497, %dma_start3A_498] : memref<10000x64xf32, #tpu.memory_space<hbm>> -> memref<10000x64xf32, #tpu.memory_space<hbm>>
        %dma_start3A_500 = tpu.memref_slice %arg11[%dma_start3A_485] : memref<4x!tpu.dma_semaphore, #tpu.memory_space<semaphore_mem>> -> memref<1x!tpu.dma_semaphore, #tpu.memory_space<semaphore_mem>>
        %dma_start3A_501 = tpu.memref_squeeze %dma_start3A_500 : memref<1x!tpu.dma_semaphore, #tpu.memory_space<semaphore_mem>> -> memref<!tpu.dma_semaphore, #tpu.memory_space<semaphore_mem>>
        tpu.enqueue_indirect_dma source(%dma_start3A_499 : memref<10000x64xf32, #tpu.memory_space<hbm>>) target(%dma_start3A_489 : memref<125x64xf32, #tpu.memory_space<vmem>>) offsets(%dma_start3A_492 : memref<125xi32, #tpu.memory_space<vmem>>) semaphore(%dma_start3A_501 : memref<!tpu.dma_semaphore, #tpu.memory_space<semaphore_mem>>)
      } else {
      }
      %mul3A_337 = arith.constant 4 : i32
      %mul3A_338 = arith.muli %mul3A_337, %scan3A_205 : i32
      %add3A_339 = arith.constant 2 : i32
      %add3A_340 = arith.addi %mul3A_338, %add3A_339 : i32
      %jit3A_341 = arith.constant 80 : i32
      %div3A_342 = arith.divsi %add3A_340, %jit3A_341 : i32
      %sign3A_343 = arith.constant 0 : i32
      %sign3A_344 = arith.cmpi sgt, %add3A_340, %sign3A_343 : i32
      %sign3A_345 = arith.extui %sign3A_344 : i1 to i32
      %sign3A_346 = arith.constant 0 : i32
      %sign3A_347 = arith.cmpi slt, %add3A_340, %sign3A_346 : i32
      %sign3A_348 = arith.extui %sign3A_347 : i1 to i32
      %sign3A_349 = arith.subi %sign3A_345, %sign3A_348 : i32
      %sign3A_350 = arith.constant 0 : i32
      %sign3A_351 = arith.cmpi sgt, %jit3A_341, %sign3A_350 : i32
      %sign3A_352 = arith.extui %sign3A_351 : i1 to i32
      %sign3A_353 = arith.constant 0 : i32
      %sign3A_354 = arith.cmpi slt, %jit3A_341, %sign3A_353 : i32
      %sign3A_355 = arith.extui %sign3A_354 : i1 to i32
      %sign3A_356 = arith.subi %sign3A_352, %sign3A_355 : i32
      %ne3A_357 = arith.cmpi ne, %sign3A_349, %sign3A_356 : i32
      %rem3A_358 = arith.remsi %add3A_340, %jit3A_341 : i32
      %ne3A_359 = arith.constant 0 : i32
      %ne3A_360 = arith.cmpi ne, %rem3A_358, %ne3A_359 : i32
      %and3A_361 = arith.andi %ne3A_357, %ne3A_360 : i1
      %sub3A_362 = arith.constant 1 : i32
      %sub3A_363 = arith.subi %div3A_342, %sub3A_362 : i32
      %select_n3A_364 = arith.select %and3A_361, %sub3A_363, %div3A_342 : i32
      %eq3A_365 = arith.cmpi eq, %select_n3A_364, %arg0 : i32
      %convert_element_type3A_366 = arith.extui %eq3A_365 : i1 to i32
      %cond3A_367 = arith.constant 0 : i32
      %cond3A_368 = arith.cmpi ne, %convert_element_type3A_366, %cond3A_367 : i32
      scf.if %cond3A_368 {
        "tpu.region"() ({
          %run_scoped3A_480 = tpu.sem_alloc : memref<!tpu.dma_semaphore, #tpu.memory_space<semaphore_mem>>
          %dma_start3A_481 = arith.constant 0 : i32
          %dma_start3A_482 = tpu.memref_slice %arg7[%add3A_340, %dma_start3A_481] : memref<160x125xi32, #tpu.memory_space<vmem>> -> memref<1x125xi32, #tpu.memory_space<vmem>>
          %dma_start3A_483 = tpu.memref_squeeze %dma_start3A_482 : memref<1x125xi32, #tpu.memory_space<vmem>> -> memref<125xi32, #tpu.memory_space<vmem>>
          %dma_start3A_484 = arith.constant 0 : i32
          %dma_start3A_485 = arith.constant 0 : i32
          %dma_start3A_486 = tpu.memref_slice %arg15[%dma_start3A_484, %dma_start3A_485] : memref<10240x16xf32, #tpu.memory_space<vmem_shared>> -> memref<10240x16xf32, #tpu.memory_space<vmem_shared>>
          tpu.enqueue_indirect_dma source(%arg13 : memref<125x16xf32, #tpu.memory_space<vmem>>) target(%dma_start3A_486 : memref<10240x16xf32, #tpu.memory_space<vmem_shared>>) offsets(%dma_start3A_483 : memref<125xi32, #tpu.memory_space<vmem>>) semaphore(%run_scoped3A_480 : memref<!tpu.dma_semaphore, #tpu.memory_space<semaphore_mem>>) {add = true}
          %dma_wait3A_487 = arith.constant 0 : i32
          %dma_wait3A_488 = tpu.memref_slice %arg7[%add3A_340, %dma_wait3A_487] : memref<160x125xi32, #tpu.memory_space<vmem>> -> memref<1x125xi32, #tpu.memory_space<vmem>>
          %dma_wait3A_489 = tpu.memref_squeeze %dma_wait3A_488 : memref<1x125xi32, #tpu.memory_space<vmem>> -> memref<125xi32, #tpu.memory_space<vmem>>
          %dma_wait3A_490 = arith.constant 0 : i32
          %dma_wait3A_491 = arith.constant 0 : i32
          %dma_wait3A_492 = tpu.memref_slice %arg15[%dma_wait3A_490, %dma_wait3A_491] : memref<10240x16xf32, #tpu.memory_space<vmem_shared>> -> memref<10240x16xf32, #tpu.memory_space<vmem_shared>>
          tpu.wait_indirect_dma semaphore(%run_scoped3A_480 : memref<!tpu.dma_semaphore, #tpu.memory_space<semaphore_mem>>) src(%arg13 : memref<125x16xf32, #tpu.memory_space<vmem>>) dst(%dma_wait3A_492 : memref<10240x16xf32, #tpu.memory_space<vmem_shared>>)
          tpu.yield
        }) : () -> ()
      } else {
      }
      %dma_wait3A_369 = arith.constant 2 : i32
      %dma_wait3A_370 = arith.constant 2 : i32
      %dma_wait3A_371 = arith.constant 0 : i32
      %dma_wait3A_372 = arith.constant 0 : i32
      %dma_wait3A_373 = tpu.memref_slice %arg8[%dma_wait3A_369, %dma_wait3A_371, %dma_wait3A_372] : memref<4x125x64xf32, #tpu.memory_space<vmem>> -> memref<1x125x64xf32, #tpu.memory_space<vmem>>
      %dma_wait3A_374 = tpu.memref_squeeze %dma_wait3A_373 : memref<1x125x64xf32, #tpu.memory_space<vmem>> -> memref<125x64xf32, #tpu.memory_space<vmem>>
      %dma_wait3A_375 = arith.constant 0 : i32
      %dma_wait3A_376 = tpu.memref_slice %arg6[%add3A_340, %dma_wait3A_375] : memref<160x125xi32, #tpu.memory_space<vmem>> -> memref<1x125xi32, #tpu.memory_space<vmem>>
      %dma_wait3A_377 = tpu.memref_squeeze %dma_wait3A_376 : memref<1x125xi32, #tpu.memory_space<vmem>> -> memref<125xi32, #tpu.memory_space<vmem>>
      %dma_wait3A_378 = arith.constant 0 : i32
      %dma_wait3A_379 = arith.constant 0 : i32
      %dma_wait3A_380 = tpu.memref_slice %arg2[%arg0, %dma_wait3A_378, %dma_wait3A_379] : memref<2x10000x64xf32, #tpu.memory_space<hbm>> -> memref<1x10000x64xf32, #tpu.memory_space<hbm>>
      %dma_wait3A_381 = tpu.memref_squeeze %dma_wait3A_380 : memref<1x10000x64xf32, #tpu.memory_space<hbm>> -> memref<10000x64xf32, #tpu.memory_space<hbm>>
      %dma_wait3A_382 = arith.constant 0 : i32
      %dma_wait3A_383 = arith.constant 0 : i32
      %dma_wait3A_384 = tpu.memref_slice %dma_wait3A_381[%dma_wait3A_382, %dma_wait3A_383] : memref<10000x64xf32, #tpu.memory_space<hbm>> -> memref<10000x64xf32, #tpu.memory_space<hbm>>
      %dma_wait3A_385 = tpu.memref_slice %arg11[%dma_wait3A_370] : memref<4x!tpu.dma_semaphore, #tpu.memory_space<semaphore_mem>> -> memref<1x!tpu.dma_semaphore, #tpu.memory_space<semaphore_mem>>
      %dma_wait3A_386 = tpu.memref_squeeze %dma_wait3A_385 : memref<1x!tpu.dma_semaphore, #tpu.memory_space<semaphore_mem>> -> memref<!tpu.dma_semaphore, #tpu.memory_space<semaphore_mem>>
      tpu.wait_indirect_dma semaphore(%dma_wait3A_386 : memref<!tpu.dma_semaphore, #tpu.memory_space<semaphore_mem>>) src(%dma_wait3A_384 : memref<10000x64xf32, #tpu.memory_space<hbm>>) dst(%dma_wait3A_374 : memref<125x64xf32, #tpu.memory_space<vmem>>)
      %dma_start3A_387 = arith.constant 2 : i32
      %dma_start3A_388 = arith.constant 2 : i32
      %dma_start3A_389 = arith.constant 0 : i32
      %dma_start3A_390 = arith.constant 0 : i32
      %dma_start3A_391 = tpu.memref_slice %arg8[%dma_start3A_387, %dma_start3A_389, %dma_start3A_390] : memref<4x125x64xf32, #tpu.memory_space<vmem>> -> memref<1x125x64xf32, #tpu.memory_space<vmem>>
      %dma_start3A_392 = tpu.memref_squeeze %dma_start3A_391 : memref<1x125x64xf32, #tpu.memory_space<vmem>> -> memref<125x64xf32, #tpu.memory_space<vmem>>
      %dma_start3A_393 = arith.constant 0 : i32
      %dma_start3A_394 = tpu.memref_slice %arg7[%add3A_340, %dma_start3A_393] : memref<160x125xi32, #tpu.memory_space<vmem>> -> memref<1x125xi32, #tpu.memory_space<vmem>>
      %dma_start3A_395 = tpu.memref_squeeze %dma_start3A_394 : memref<1x125xi32, #tpu.memory_space<vmem>> -> memref<125xi32, #tpu.memory_space<vmem>>
      %dma_start3A_396 = arith.constant 0 : i32
      %dma_start3A_397 = arith.constant 0 : i32
      %dma_start3A_398 = tpu.memref_slice %arg10[%dma_start3A_396, %dma_start3A_397] : memref<10240x64xf32, #tpu.memory_space<vmem_shared>> -> memref<10240x64xf32, #tpu.memory_space<vmem_shared>>
      %dma_start3A_399 = tpu.memref_slice %arg12[%dma_start3A_388] : memref<4x!tpu.dma_semaphore, #tpu.memory_space<semaphore_mem>> -> memref<1x!tpu.dma_semaphore, #tpu.memory_space<semaphore_mem>>
      %dma_start3A_400 = tpu.memref_squeeze %dma_start3A_399 : memref<1x!tpu.dma_semaphore, #tpu.memory_space<semaphore_mem>> -> memref<!tpu.dma_semaphore, #tpu.memory_space<semaphore_mem>>
      tpu.enqueue_indirect_dma source(%dma_start3A_392 : memref<125x64xf32, #tpu.memory_space<vmem>>) target(%dma_start3A_398 : memref<10240x64xf32, #tpu.memory_space<vmem_shared>>) offsets(%dma_start3A_395 : memref<125xi32, #tpu.memory_space<vmem>>) semaphore(%dma_start3A_400 : memref<!tpu.dma_semaphore, #tpu.memory_space<semaphore_mem>>) {add = true}
      %add3A_401 = arith.constant 2 : i32
      %add3A_402 = arith.addi %add3A_340, %add3A_401 : i32
      %lt3A_403 = arith.constant 160 : i32
      %lt3A_404 = arith.cmpi slt, %add3A_402, %lt3A_403 : i32
      %convert_element_type3A_405 = arith.extui %lt3A_404 : i1 to i32
      %cond3A_406 = arith.constant 0 : i32
      %cond3A_407 = arith.cmpi ne, %convert_element_type3A_405, %cond3A_406 : i32
      scf.if %cond3A_407 {
        %ge3A = arith.constant 2 : i32
        %ge3A_480 = arith.cmpi sge, %add3A_340, %ge3A : i32
        %convert_element_type3A_481 = arith.extui %ge3A_480 : i1 to i32
        %cond3A_482 = arith.constant 0 : i32
        %cond3A_483 = arith.cmpi ne, %convert_element_type3A_481, %cond3A_482 : i32
        scf.if %cond3A_483 {
          %dma_wait3A_502 = arith.constant 0 : i32
          %dma_wait3A_503 = arith.constant 0 : i32
          %dma_wait3A_504 = arith.constant 0 : i32
          %dma_wait3A_505 = arith.constant 0 : i32
          %dma_wait3A_506 = tpu.memref_slice %arg8[%dma_wait3A_502, %dma_wait3A_504, %dma_wait3A_505] : memref<4x125x64xf32, #tpu.memory_space<vmem>> -> memref<1x125x64xf32, #tpu.memory_space<vmem>>
          %dma_wait3A_507 = tpu.memref_squeeze %dma_wait3A_506 : memref<1x125x64xf32, #tpu.memory_space<vmem>> -> memref<125x64xf32, #tpu.memory_space<vmem>>
          %dma_wait3A_508 = arith.constant 0 : i32
          %dma_wait3A_509 = tpu.memref_slice %arg7[%add3A_340, %dma_wait3A_508] : memref<160x125xi32, #tpu.memory_space<vmem>> -> memref<1x125xi32, #tpu.memory_space<vmem>>
          %dma_wait3A_510 = tpu.memref_squeeze %dma_wait3A_509 : memref<1x125xi32, #tpu.memory_space<vmem>> -> memref<125xi32, #tpu.memory_space<vmem>>
          %dma_wait3A_511 = arith.constant 0 : i32
          %dma_wait3A_512 = arith.constant 0 : i32
          %dma_wait3A_513 = tpu.memref_slice %arg10[%dma_wait3A_511, %dma_wait3A_512] : memref<10240x64xf32, #tpu.memory_space<vmem_shared>> -> memref<10240x64xf32, #tpu.memory_space<vmem_shared>>
          %dma_wait3A_514 = tpu.memref_slice %arg12[%dma_wait3A_503] : memref<4x!tpu.dma_semaphore, #tpu.memory_space<semaphore_mem>> -> memref<1x!tpu.dma_semaphore, #tpu.memory_space<semaphore_mem>>
          %dma_wait3A_515 = tpu.memref_squeeze %dma_wait3A_514 : memref<1x!tpu.dma_semaphore, #tpu.memory_space<semaphore_mem>> -> memref<!tpu.dma_semaphore, #tpu.memory_space<semaphore_mem>>
          tpu.wait_indirect_dma semaphore(%dma_wait3A_515 : memref<!tpu.dma_semaphore, #tpu.memory_space<semaphore_mem>>) src(%dma_wait3A_507 : memref<125x64xf32, #tpu.memory_space<vmem>>) dst(%dma_wait3A_513 : memref<10240x64xf32, #tpu.memory_space<vmem_shared>>)
        } else {
        }
        %dma_start3A_484 = arith.constant 0 : i32
        %dma_start3A_485 = arith.constant 0 : i32
        %dma_start3A_486 = arith.constant 0 : i32
        %dma_start3A_487 = arith.constant 0 : i32
        %dma_start3A_488 = tpu.memref_slice %arg8[%dma_start3A_484, %dma_start3A_486, %dma_start3A_487] : memref<4x125x64xf32, #tpu.memory_space<vmem>> -> memref<1x125x64xf32, #tpu.memory_space<vmem>>
        %dma_start3A_489 = tpu.memref_squeeze %dma_start3A_488 : memref<1x125x64xf32, #tpu.memory_space<vmem>> -> memref<125x64xf32, #tpu.memory_space<vmem>>
        %dma_start3A_490 = arith.constant 0 : i32
        %dma_start3A_491 = tpu.memref_slice %arg6[%add3A_402, %dma_start3A_490] : memref<160x125xi32, #tpu.memory_space<vmem>> -> memref<1x125xi32, #tpu.memory_space<vmem>>
        %dma_start3A_492 = tpu.memref_squeeze %dma_start3A_491 : memref<1x125xi32, #tpu.memory_space<vmem>> -> memref<125xi32, #tpu.memory_space<vmem>>
        %dma_start3A_493 = arith.constant 0 : i32
        %dma_start3A_494 = arith.constant 0 : i32
        %dma_start3A_495 = tpu.memref_slice %arg2[%arg0, %dma_start3A_493, %dma_start3A_494] : memref<2x10000x64xf32, #tpu.memory_space<hbm>> -> memref<1x10000x64xf32, #tpu.memory_space<hbm>>
        %dma_start3A_496 = tpu.memref_squeeze %dma_start3A_495 : memref<1x10000x64xf32, #tpu.memory_space<hbm>> -> memref<10000x64xf32, #tpu.memory_space<hbm>>
        %dma_start3A_497 = arith.constant 0 : i32
        %dma_start3A_498 = arith.constant 0 : i32
        %dma_start3A_499 = tpu.memref_slice %dma_start3A_496[%dma_start3A_497, %dma_start3A_498] : memref<10000x64xf32, #tpu.memory_space<hbm>> -> memref<10000x64xf32, #tpu.memory_space<hbm>>
        %dma_start3A_500 = tpu.memref_slice %arg11[%dma_start3A_485] : memref<4x!tpu.dma_semaphore, #tpu.memory_space<semaphore_mem>> -> memref<1x!tpu.dma_semaphore, #tpu.memory_space<semaphore_mem>>
        %dma_start3A_501 = tpu.memref_squeeze %dma_start3A_500 : memref<1x!tpu.dma_semaphore, #tpu.memory_space<semaphore_mem>> -> memref<!tpu.dma_semaphore, #tpu.memory_space<semaphore_mem>>
        tpu.enqueue_indirect_dma source(%dma_start3A_499 : memref<10000x64xf32, #tpu.memory_space<hbm>>) target(%dma_start3A_489 : memref<125x64xf32, #tpu.memory_space<vmem>>) offsets(%dma_start3A_492 : memref<125xi32, #tpu.memory_space<vmem>>) semaphore(%dma_start3A_501 : memref<!tpu.dma_semaphore, #tpu.memory_space<semaphore_mem>>)
      } else {
      }
      %mul3A_408 = arith.constant 4 : i32
      %mul3A_409 = arith.muli %mul3A_408, %scan3A_205 : i32
      %add3A_410 = arith.constant 3 : i32
      %add3A_411 = arith.addi %mul3A_409, %add3A_410 : i32
      %jit3A_412 = arith.constant 80 : i32
      %div3A_413 = arith.divsi %add3A_411, %jit3A_412 : i32
      %sign3A_414 = arith.constant 0 : i32
      %sign3A_415 = arith.cmpi sgt, %add3A_411, %sign3A_414 : i32
      %sign3A_416 = arith.extui %sign3A_415 : i1 to i32
      %sign3A_417 = arith.constant 0 : i32
      %sign3A_418 = arith.cmpi slt, %add3A_411, %sign3A_417 : i32
      %sign3A_419 = arith.extui %sign3A_418 : i1 to i32
      %sign3A_420 = arith.subi %sign3A_416, %sign3A_419 : i32
      %sign3A_421 = arith.constant 0 : i32
      %sign3A_422 = arith.cmpi sgt, %jit3A_412, %sign3A_421 : i32
      %sign3A_423 = arith.extui %sign3A_422 : i1 to i32
      %sign3A_424 = arith.constant 0 : i32
      %sign3A_425 = arith.cmpi slt, %jit3A_412, %sign3A_424 : i32
      %sign3A_426 = arith.extui %sign3A_425 : i1 to i32
      %sign3A_427 = arith.subi %sign3A_423, %sign3A_426 : i32
      %ne3A_428 = arith.cmpi ne, %sign3A_420, %sign3A_427 : i32
      %rem3A_429 = arith.remsi %add3A_411, %jit3A_412 : i32
      %ne3A_430 = arith.constant 0 : i32
      %ne3A_431 = arith.cmpi ne, %rem3A_429, %ne3A_430 : i32
      %and3A_432 = arith.andi %ne3A_428, %ne3A_431 : i1
      %sub3A_433 = arith.constant 1 : i32
      %sub3A_434 = arith.subi %div3A_413, %sub3A_433 : i32
      %select_n3A_435 = arith.select %and3A_432, %sub3A_434, %div3A_413 : i32
      %eq3A_436 = arith.cmpi eq, %select_n3A_435, %arg0 : i32
      %convert_element_type3A_437 = arith.extui %eq3A_436 : i1 to i32
      %cond3A_438 = arith.constant 0 : i32
      %cond3A_439 = arith.cmpi ne, %convert_element_type3A_437, %cond3A_438 : i32
      scf.if %cond3A_439 {
        "tpu.region"() ({
          %run_scoped3A_480 = tpu.sem_alloc : memref<!tpu.dma_semaphore, #tpu.memory_space<semaphore_mem>>
          %dma_start3A_481 = arith.constant 0 : i32
          %dma_start3A_482 = tpu.memref_slice %arg7[%add3A_411, %dma_start3A_481] : memref<160x125xi32, #tpu.memory_space<vmem>> -> memref<1x125xi32, #tpu.memory_space<vmem>>
          %dma_start3A_483 = tpu.memref_squeeze %dma_start3A_482 : memref<1x125xi32, #tpu.memory_space<vmem>> -> memref<125xi32, #tpu.memory_space<vmem>>
          %dma_start3A_484 = arith.constant 0 : i32
          %dma_start3A_485 = arith.constant 0 : i32
          %dma_start3A_486 = tpu.memref_slice %arg15[%dma_start3A_484, %dma_start3A_485] : memref<10240x16xf32, #tpu.memory_space<vmem_shared>> -> memref<10240x16xf32, #tpu.memory_space<vmem_shared>>
          tpu.enqueue_indirect_dma source(%arg13 : memref<125x16xf32, #tpu.memory_space<vmem>>) target(%dma_start3A_486 : memref<10240x16xf32, #tpu.memory_space<vmem_shared>>) offsets(%dma_start3A_483 : memref<125xi32, #tpu.memory_space<vmem>>) semaphore(%run_scoped3A_480 : memref<!tpu.dma_semaphore, #tpu.memory_space<semaphore_mem>>) {add = true}
          %dma_wait3A_487 = arith.constant 0 : i32
          %dma_wait3A_488 = tpu.memref_slice %arg7[%add3A_411, %dma_wait3A_487] : memref<160x125xi32, #tpu.memory_space<vmem>> -> memref<1x125xi32, #tpu.memory_space<vmem>>
          %dma_wait3A_489 = tpu.memref_squeeze %dma_wait3A_488 : memref<1x125xi32, #tpu.memory_space<vmem>> -> memref<125xi32, #tpu.memory_space<vmem>>
          %dma_wait3A_490 = arith.constant 0 : i32
          %dma_wait3A_491 = arith.constant 0 : i32
          %dma_wait3A_492 = tpu.memref_slice %arg15[%dma_wait3A_490, %dma_wait3A_491] : memref<10240x16xf32, #tpu.memory_space<vmem_shared>> -> memref<10240x16xf32, #tpu.memory_space<vmem_shared>>
          tpu.wait_indirect_dma semaphore(%run_scoped3A_480 : memref<!tpu.dma_semaphore, #tpu.memory_space<semaphore_mem>>) src(%arg13 : memref<125x16xf32, #tpu.memory_space<vmem>>) dst(%dma_wait3A_492 : memref<10240x16xf32, #tpu.memory_space<vmem_shared>>)
          tpu.yield
        }) : () -> ()
      } else {
      }
      %dma_wait3A_440 = arith.constant 3 : i32
      %dma_wait3A_441 = arith.constant 3 : i32
      %dma_wait3A_442 = arith.constant 0 : i32
      %dma_wait3A_443 = arith.constant 0 : i32
      %dma_wait3A_444 = tpu.memref_slice %arg8[%dma_wait3A_440, %dma_wait3A_442, %dma_wait3A_443] : memref<4x125x64xf32, #tpu.memory_space<vmem>> -> memref<1x125x64xf32, #tpu.memory_space<vmem>>
      %dma_wait3A_445 = tpu.memref_squeeze %dma_wait3A_444 : memref<1x125x64xf32, #tpu.memory_space<vmem>> -> memref<125x64xf32, #tpu.memory_space<vmem>>
      %dma_wait3A_446 = arith.constant 0 : i32
      %dma_wait3A_447 = tpu.memref_slice %arg6[%add3A_411, %dma_wait3A_446] : memref<160x125xi32, #tpu.memory_space<vmem>> -> memref<1x125xi32, #tpu.memory_space<vmem>>
      %dma_wait3A_448 = tpu.memref_squeeze %dma_wait3A_447 : memref<1x125xi32, #tpu.memory_space<vmem>> -> memref<125xi32, #tpu.memory_space<vmem>>
      %dma_wait3A_449 = arith.constant 0 : i32
      %dma_wait3A_450 = arith.constant 0 : i32
      %dma_wait3A_451 = tpu.memref_slice %arg2[%arg0, %dma_wait3A_449, %dma_wait3A_450] : memref<2x10000x64xf32, #tpu.memory_space<hbm>> -> memref<1x10000x64xf32, #tpu.memory_space<hbm>>
      %dma_wait3A_452 = tpu.memref_squeeze %dma_wait3A_451 : memref<1x10000x64xf32, #tpu.memory_space<hbm>> -> memref<10000x64xf32, #tpu.memory_space<hbm>>
      %dma_wait3A_453 = arith.constant 0 : i32
      %dma_wait3A_454 = arith.constant 0 : i32
      %dma_wait3A_455 = tpu.memref_slice %dma_wait3A_452[%dma_wait3A_453, %dma_wait3A_454] : memref<10000x64xf32, #tpu.memory_space<hbm>> -> memref<10000x64xf32, #tpu.memory_space<hbm>>
      %dma_wait3A_456 = tpu.memref_slice %arg11[%dma_wait3A_441] : memref<4x!tpu.dma_semaphore, #tpu.memory_space<semaphore_mem>> -> memref<1x!tpu.dma_semaphore, #tpu.memory_space<semaphore_mem>>
      %dma_wait3A_457 = tpu.memref_squeeze %dma_wait3A_456 : memref<1x!tpu.dma_semaphore, #tpu.memory_space<semaphore_mem>> -> memref<!tpu.dma_semaphore, #tpu.memory_space<semaphore_mem>>
      tpu.wait_indirect_dma semaphore(%dma_wait3A_457 : memref<!tpu.dma_semaphore, #tpu.memory_space<semaphore_mem>>) src(%dma_wait3A_455 : memref<10000x64xf32, #tpu.memory_space<hbm>>) dst(%dma_wait3A_445 : memref<125x64xf32, #tpu.memory_space<vmem>>)
      %dma_start3A_458 = arith.constant 3 : i32
      %dma_start3A_459 = arith.constant 3 : i32
      %dma_start3A_460 = arith.constant 0 : i32
      %dma_start3A_461 = arith.constant 0 : i32
      %dma_start3A_462 = tpu.memref_slice %arg8[%dma_start3A_458, %dma_start3A_460, %dma_start3A_461] : memref<4x125x64xf32, #tpu.memory_space<vmem>> -> memref<1x125x64xf32, #tpu.memory_space<vmem>>
      %dma_start3A_463 = tpu.memref_squeeze %dma_start3A_462 : memref<1x125x64xf32, #tpu.memory_space<vmem>> -> memref<125x64xf32, #tpu.memory_space<vmem>>
      %dma_start3A_464 = arith.constant 0 : i32
      %dma_start3A_465 = tpu.memref_slice %arg7[%add3A_411, %dma_start3A_464] : memref<160x125xi32, #tpu.memory_space<vmem>> -> memref<1x125xi32, #tpu.memory_space<vmem>>
      %dma_start3A_466 = tpu.memref_squeeze %dma_start3A_465 : memref<1x125xi32, #tpu.memory_space<vmem>> -> memref<125xi32, #tpu.memory_space<vmem>>
      %dma_start3A_467 = arith.constant 0 : i32
      %dma_start3A_468 = arith.constant 0 : i32
      %dma_start3A_469 = tpu.memref_slice %arg10[%dma_start3A_467, %dma_start3A_468] : memref<10240x64xf32, #tpu.memory_space<vmem_shared>> -> memref<10240x64xf32, #tpu.memory_space<vmem_shared>>
      %dma_start3A_470 = tpu.memref_slice %arg12[%dma_start3A_459] : memref<4x!tpu.dma_semaphore, #tpu.memory_space<semaphore_mem>> -> memref<1x!tpu.dma_semaphore, #tpu.memory_space<semaphore_mem>>
      %dma_start3A_471 = tpu.memref_squeeze %dma_start3A_470 : memref<1x!tpu.dma_semaphore, #tpu.memory_space<semaphore_mem>> -> memref<!tpu.dma_semaphore, #tpu.memory_space<semaphore_mem>>
      tpu.enqueue_indirect_dma source(%dma_start3A_463 : memref<125x64xf32, #tpu.memory_space<vmem>>) target(%dma_start3A_469 : memref<10240x64xf32, #tpu.memory_space<vmem_shared>>) offsets(%dma_start3A_466 : memref<125xi32, #tpu.memory_space<vmem>>) semaphore(%dma_start3A_471 : memref<!tpu.dma_semaphore, #tpu.memory_space<semaphore_mem>>) {add = true}
      %add3A_472 = arith.constant 2 : i32
      %add3A_473 = arith.addi %add3A_411, %add3A_472 : i32
      %lt3A_474 = arith.constant 160 : i32
      %lt3A_475 = arith.cmpi slt, %add3A_473, %lt3A_474 : i32
      %convert_element_type3A_476 = arith.extui %lt3A_475 : i1 to i32
      %cond3A_477 = arith.constant 0 : i32
      %cond3A_478 = arith.cmpi ne, %convert_element_type3A_476, %cond3A_477 : i32
      scf.if %cond3A_478 {
        %ge3A = arith.constant 2 : i32
        %ge3A_480 = arith.cmpi sge, %add3A_411, %ge3A : i32
        %convert_element_type3A_481 = arith.extui %ge3A_480 : i1 to i32
        %cond3A_482 = arith.constant 0 : i32
        %cond3A_483 = arith.cmpi ne, %convert_element_type3A_481, %cond3A_482 : i32
        scf.if %cond3A_483 {
          %dma_wait3A_502 = arith.constant 1 : i32
          %dma_wait3A_503 = arith.constant 1 : i32
          %dma_wait3A_504 = arith.constant 0 : i32
          %dma_wait3A_505 = arith.constant 0 : i32
          %dma_wait3A_506 = tpu.memref_slice %arg8[%dma_wait3A_502, %dma_wait3A_504, %dma_wait3A_505] : memref<4x125x64xf32, #tpu.memory_space<vmem>> -> memref<1x125x64xf32, #tpu.memory_space<vmem>>
          %dma_wait3A_507 = tpu.memref_squeeze %dma_wait3A_506 : memref<1x125x64xf32, #tpu.memory_space<vmem>> -> memref<125x64xf32, #tpu.memory_space<vmem>>
          %dma_wait3A_508 = arith.constant 0 : i32
          %dma_wait3A_509 = tpu.memref_slice %arg7[%add3A_411, %dma_wait3A_508] : memref<160x125xi32, #tpu.memory_space<vmem>> -> memref<1x125xi32, #tpu.memory_space<vmem>>
          %dma_wait3A_510 = tpu.memref_squeeze %dma_wait3A_509 : memref<1x125xi32, #tpu.memory_space<vmem>> -> memref<125xi32, #tpu.memory_space<vmem>>
          %dma_wait3A_511 = arith.constant 0 : i32
          %dma_wait3A_512 = arith.constant 0 : i32
          %dma_wait3A_513 = tpu.memref_slice %arg10[%dma_wait3A_511, %dma_wait3A_512] : memref<10240x64xf32, #tpu.memory_space<vmem_shared>> -> memref<10240x64xf32, #tpu.memory_space<vmem_shared>>
          %dma_wait3A_514 = tpu.memref_slice %arg12[%dma_wait3A_503] : memref<4x!tpu.dma_semaphore, #tpu.memory_space<semaphore_mem>> -> memref<1x!tpu.dma_semaphore, #tpu.memory_space<semaphore_mem>>
          %dma_wait3A_515 = tpu.memref_squeeze %dma_wait3A_514 : memref<1x!tpu.dma_semaphore, #tpu.memory_space<semaphore_mem>> -> memref<!tpu.dma_semaphore, #tpu.memory_space<semaphore_mem>>
          tpu.wait_indirect_dma semaphore(%dma_wait3A_515 : memref<!tpu.dma_semaphore, #tpu.memory_space<semaphore_mem>>) src(%dma_wait3A_507 : memref<125x64xf32, #tpu.memory_space<vmem>>) dst(%dma_wait3A_513 : memref<10240x64xf32, #tpu.memory_space<vmem_shared>>)
        } else {
        }
        %dma_start3A_484 = arith.constant 1 : i32
        %dma_start3A_485 = arith.constant 1 : i32
        %dma_start3A_486 = arith.constant 0 : i32
        %dma_start3A_487 = arith.constant 0 : i32
        %dma_start3A_488 = tpu.memref_slice %arg8[%dma_start3A_484, %dma_start3A_486, %dma_start3A_487] : memref<4x125x64xf32, #tpu.memory_space<vmem>> -> memref<1x125x64xf32, #tpu.memory_space<vmem>>
        %dma_start3A_489 = tpu.memref_squeeze %dma_start3A_488 : memref<1x125x64xf32, #tpu.memory_space<vmem>> -> memref<125x64xf32, #tpu.memory_space<vmem>>
        %dma_start3A_490 = arith.constant 0 : i32
        %dma_start3A_491 = tpu.memref_slice %arg6[%add3A_473, %dma_start3A_490] : memref<160x125xi32, #tpu.memory_space<vmem>> -> memref<1x125xi32, #tpu.memory_space<vmem>>
        %dma_start3A_492 = tpu.memref_squeeze %dma_start3A_491 : memref<1x125xi32, #tpu.memory_space<vmem>> -> memref<125xi32, #tpu.memory_space<vmem>>
        %dma_start3A_493 = arith.constant 0 : i32
        %dma_start3A_494 = arith.constant 0 : i32
        %dma_start3A_495 = tpu.memref_slice %arg2[%arg0, %dma_start3A_493, %dma_start3A_494] : memref<2x10000x64xf32, #tpu.memory_space<hbm>> -> memref<1x10000x64xf32, #tpu.memory_space<hbm>>
        %dma_start3A_496 = tpu.memref_squeeze %dma_start3A_495 : memref<1x10000x64xf32, #tpu.memory_space<hbm>> -> memref<10000x64xf32, #tpu.memory_space<hbm>>
        %dma_start3A_497 = arith.constant 0 : i32
        %dma_start3A_498 = arith.constant 0 : i32
        %dma_start3A_499 = tpu.memref_slice %dma_start3A_496[%dma_start3A_497, %dma_start3A_498] : memref<10000x64xf32, #tpu.memory_space<hbm>> -> memref<10000x64xf32, #tpu.memory_space<hbm>>
        %dma_start3A_500 = tpu.memref_slice %arg11[%dma_start3A_485] : memref<4x!tpu.dma_semaphore, #tpu.memory_space<semaphore_mem>> -> memref<1x!tpu.dma_semaphore, #tpu.memory_space<semaphore_mem>>
        %dma_start3A_501 = tpu.memref_squeeze %dma_start3A_500 : memref<1x!tpu.dma_semaphore, #tpu.memory_space<semaphore_mem>> -> memref<!tpu.dma_semaphore, #tpu.memory_space<semaphore_mem>>
        tpu.enqueue_indirect_dma source(%dma_start3A_499 : memref<10000x64xf32, #tpu.memory_space<hbm>>) target(%dma_start3A_489 : memref<125x64xf32, #tpu.memory_space<vmem>>) offsets(%dma_start3A_492 : memref<125xi32, #tpu.memory_space<vmem>>) semaphore(%dma_start3A_501 : memref<!tpu.dma_semaphore, #tpu.memory_space<semaphore_mem>>)
      } else {
      }
      %scan3A_479 = arith.constant 0 : i32
      scf.yield %scan3A_479 : i32
    }
    %scan3A_142 = arith.constant 40 : i32
    %dma_wait3A = arith.constant 0 : i32
    %dma_wait3A_143 = arith.constant 0 : i32
    %dma_wait3A_144 = arith.constant 0 : i32
    %dma_wait3A_145 = arith.constant 0 : i32
    %dma_wait3A_146 = arith.constant 0 : i32
    %dma_wait3A_147 = tpu.memref_slice %arg8[%dma_wait3A, %dma_wait3A_145, %dma_wait3A_146] : memref<4x125x64xf32, #tpu.memory_space<vmem>> -> memref<1x125x64xf32, #tpu.memory_space<vmem>>
    %dma_wait3A_148 = tpu.memref_squeeze %dma_wait3A_147 : memref<1x125x64xf32, #tpu.memory_space<vmem>> -> memref<125x64xf32, #tpu.memory_space<vmem>>
    %dma_wait3A_149 = arith.constant 0 : i32
    %dma_wait3A_150 = tpu.memref_slice %arg7[%dma_wait3A_143, %dma_wait3A_149] : memref<160x125xi32, #tpu.memory_space<vmem>> -> memref<1x125xi32, #tpu.memory_space<vmem>>
    %dma_wait3A_151 = tpu.memref_squeeze %dma_wait3A_150 : memref<1x125xi32, #tpu.memory_space<vmem>> -> memref<125xi32, #tpu.memory_space<vmem>>
    %dma_wait3A_152 = arith.constant 0 : i32
    %dma_wait3A_153 = arith.constant 0 : i32
    %dma_wait3A_154 = tpu.memref_slice %arg10[%dma_wait3A_152, %dma_wait3A_153] : memref<10240x64xf32, #tpu.memory_space<vmem_shared>> -> memref<10240x64xf32, #tpu.memory_space<vmem_shared>>
    %dma_wait3A_155 = tpu.memref_slice %arg12[%dma_wait3A_144] : memref<4x!tpu.dma_semaphore, #tpu.memory_space<semaphore_mem>> -> memref<1x!tpu.dma_semaphore, #tpu.memory_space<semaphore_mem>>
    %dma_wait3A_156 = tpu.memref_squeeze %dma_wait3A_155 : memref<1x!tpu.dma_semaphore, #tpu.memory_space<semaphore_mem>> -> memref<!tpu.dma_semaphore, #tpu.memory_space<semaphore_mem>>
    tpu.wait_indirect_dma semaphore(%dma_wait3A_156 : memref<!tpu.dma_semaphore, #tpu.memory_space<semaphore_mem>>) src(%dma_wait3A_148 : memref<125x64xf32, #tpu.memory_space<vmem>>) dst(%dma_wait3A_154 : memref<10240x64xf32, #tpu.memory_space<vmem_shared>>)
    %dma_wait3A_157 = arith.constant 1 : i32
    %dma_wait3A_158 = arith.constant 1 : i32
    %dma_wait3A_159 = arith.constant 1 : i32
    %dma_wait3A_160 = arith.constant 0 : i32
    %dma_wait3A_161 = arith.constant 0 : i32
    %dma_wait3A_162 = tpu.memref_slice %arg8[%dma_wait3A_157, %dma_wait3A_160, %dma_wait3A_161] : memref<4x125x64xf32, #tpu.memory_space<vmem>> -> memref<1x125x64xf32, #tpu.memory_space<vmem>>
    %dma_wait3A_163 = tpu.memref_squeeze %dma_wait3A_162 : memref<1x125x64xf32, #tpu.memory_space<vmem>> -> memref<125x64xf32, #tpu.memory_space<vmem>>
    %dma_wait3A_164 = arith.constant 0 : i32
    %dma_wait3A_165 = tpu.memref_slice %arg7[%dma_wait3A_158, %dma_wait3A_164] : memref<160x125xi32, #tpu.memory_space<vmem>> -> memref<1x125xi32, #tpu.memory_space<vmem>>
    %dma_wait3A_166 = tpu.memref_squeeze %dma_wait3A_165 : memref<1x125xi32, #tpu.memory_space<vmem>> -> memref<125xi32, #tpu.memory_space<vmem>>
    %dma_wait3A_167 = arith.constant 0 : i32
    %dma_wait3A_168 = arith.constant 0 : i32
    %dma_wait3A_169 = tpu.memref_slice %arg10[%dma_wait3A_167, %dma_wait3A_168] : memref<10240x64xf32, #tpu.memory_space<vmem_shared>> -> memref<10240x64xf32, #tpu.memory_space<vmem_shared>>
    %dma_wait3A_170 = tpu.memref_slice %arg12[%dma_wait3A_159] : memref<4x!tpu.dma_semaphore, #tpu.memory_space<semaphore_mem>> -> memref<1x!tpu.dma_semaphore, #tpu.memory_space<semaphore_mem>>
    %dma_wait3A_171 = tpu.memref_squeeze %dma_wait3A_170 : memref<1x!tpu.dma_semaphore, #tpu.memory_space<semaphore_mem>> -> memref<!tpu.dma_semaphore, #tpu.memory_space<semaphore_mem>>
    tpu.wait_indirect_dma semaphore(%dma_wait3A_171 : memref<!tpu.dma_semaphore, #tpu.memory_space<semaphore_mem>>) src(%dma_wait3A_163 : memref<125x64xf32, #tpu.memory_space<vmem>>) dst(%dma_wait3A_169 : memref<10240x64xf32, #tpu.memory_space<vmem_shared>>)
    %dma_wait3A_172 = arith.constant 2 : i32
    %dma_wait3A_173 = arith.constant 2 : i32
    %dma_wait3A_174 = arith.constant 2 : i32
    %dma_wait3A_175 = arith.constant 0 : i32
    %dma_wait3A_176 = arith.constant 0 : i32
    %dma_wait3A_177 = tpu.memref_slice %arg8[%dma_wait3A_172, %dma_wait3A_175, %dma_wait3A_176] : memref<4x125x64xf32, #tpu.memory_space<vmem>> -> memref<1x125x64xf32, #tpu.memory_space<vmem>>
    %dma_wait3A_178 = tpu.memref_squeeze %dma_wait3A_177 : memref<1x125x64xf32, #tpu.memory_space<vmem>> -> memref<125x64xf32, #tpu.memory_space<vmem>>
    %dma_wait3A_179 = arith.constant 0 : i32
    %dma_wait3A_180 = tpu.memref_slice %arg7[%dma_wait3A_173, %dma_wait3A_179] : memref<160x125xi32, #tpu.memory_space<vmem>> -> memref<1x125xi32, #tpu.memory_space<vmem>>
    %dma_wait3A_181 = tpu.memref_squeeze %dma_wait3A_180 : memref<1x125xi32, #tpu.memory_space<vmem>> -> memref<125xi32, #tpu.memory_space<vmem>>
    %dma_wait3A_182 = arith.constant 0 : i32
    %dma_wait3A_183 = arith.constant 0 : i32
    %dma_wait3A_184 = tpu.memref_slice %arg10[%dma_wait3A_182, %dma_wait3A_183] : memref<10240x64xf32, #tpu.memory_space<vmem_shared>> -> memref<10240x64xf32, #tpu.memory_space<vmem_shared>>
    %dma_wait3A_185 = tpu.memref_slice %arg12[%dma_wait3A_174] : memref<4x!tpu.dma_semaphore, #tpu.memory_space<semaphore_mem>> -> memref<1x!tpu.dma_semaphore, #tpu.memory_space<semaphore_mem>>
    %dma_wait3A_186 = tpu.memref_squeeze %dma_wait3A_185 : memref<1x!tpu.dma_semaphore, #tpu.memory_space<semaphore_mem>> -> memref<!tpu.dma_semaphore, #tpu.memory_space<semaphore_mem>>
    tpu.wait_indirect_dma semaphore(%dma_wait3A_186 : memref<!tpu.dma_semaphore, #tpu.memory_space<semaphore_mem>>) src(%dma_wait3A_178 : memref<125x64xf32, #tpu.memory_space<vmem>>) dst(%dma_wait3A_184 : memref<10240x64xf32, #tpu.memory_space<vmem_shared>>)
    %dma_wait3A_187 = arith.constant 3 : i32
    %dma_wait3A_188 = arith.constant 3 : i32
    %dma_wait3A_189 = arith.constant 3 : i32
    %dma_wait3A_190 = arith.constant 0 : i32
    %dma_wait3A_191 = arith.constant 0 : i32
    %dma_wait3A_192 = tpu.memref_slice %arg8[%dma_wait3A_187, %dma_wait3A_190, %dma_wait3A_191] : memref<4x125x64xf32, #tpu.memory_space<vmem>> -> memref<1x125x64xf32, #tpu.memory_space<vmem>>
    %dma_wait3A_193 = tpu.memref_squeeze %dma_wait3A_192 : memref<1x125x64xf32, #tpu.memory_space<vmem>> -> memref<125x64xf32, #tpu.memory_space<vmem>>
    %dma_wait3A_194 = arith.constant 0 : i32
    %dma_wait3A_195 = tpu.memref_slice %arg7[%dma_wait3A_188, %dma_wait3A_194] : memref<160x125xi32, #tpu.memory_space<vmem>> -> memref<1x125xi32, #tpu.memory_space<vmem>>
    %dma_wait3A_196 = tpu.memref_squeeze %dma_wait3A_195 : memref<1x125xi32, #tpu.memory_space<vmem>> -> memref<125xi32, #tpu.memory_space<vmem>>
    %dma_wait3A_197 = arith.constant 0 : i32
    %dma_wait3A_198 = arith.constant 0 : i32
    %dma_wait3A_199 = tpu.memref_slice %arg10[%dma_wait3A_197, %dma_wait3A_198] : memref<10240x64xf32, #tpu.memory_space<vmem_shared>> -> memref<10240x64xf32, #tpu.memory_space<vmem_shared>>
    %dma_wait3A_200 = tpu.memref_slice %arg12[%dma_wait3A_189] : memref<4x!tpu.dma_semaphore, #tpu.memory_space<semaphore_mem>> -> memref<1x!tpu.dma_semaphore, #tpu.memory_space<semaphore_mem>>
    %dma_wait3A_201 = tpu.memref_squeeze %dma_wait3A_200 : memref<1x!tpu.dma_semaphore, #tpu.memory_space<semaphore_mem>> -> memref<!tpu.dma_semaphore, #tpu.memory_space<semaphore_mem>>
    tpu.wait_indirect_dma semaphore(%dma_wait3A_201 : memref<!tpu.dma_semaphore, #tpu.memory_space<semaphore_mem>>) src(%dma_wait3A_193 : memref<125x64xf32, #tpu.memory_space<vmem>>) dst(%dma_wait3A_199 : memref<10240x64xf32, #tpu.memory_space<vmem_shared>>)
    %barrier3A_202 = arith.constant 0 : index
    tpu.barrier barrier_id(%barrier3A_202)
    %mul3A_203 = arith.constant 640 : i32
    %mul3A_204 = arith.muli %arg1, %mul3A_203 : i32
    "tpu.region"() ({
      %run_scoped3A_205 = tpu.sem_alloc : memref<!tpu.dma_semaphore, #tpu.memory_space<semaphore_mem>>
      %dma_start3A_206 = arith.constant 0 : i32
      %dma_start3A_207 = tpu.memref_slice %arg4[%arg0, %mul3A_204, %dma_start3A_206] : memref<2x10240x64xf32, #tpu.memory_space<hbm>> -> memref<1x640x64xf32, #tpu.memory_space<hbm>>
      %dma_start3A_208 = tpu.memref_squeeze %dma_start3A_207 : memref<1x640x64xf32, #tpu.memory_space<hbm>> -> memref<640x64xf32, #tpu.memory_space<hbm>>
      %dma_start3A_209 = arith.constant 0 : i32
      %dma_start3A_210 = tpu.memref_slice %arg10[%mul3A_204, %dma_start3A_209] : memref<10240x64xf32, #tpu.memory_space<vmem_shared>> -> memref<640x64xf32, #tpu.memory_space<vmem_shared>>
      tpu.enqueue_dma source(%dma_start3A_210 : memref<640x64xf32, #tpu.memory_space<vmem_shared>>) target(%dma_start3A_208 : memref<640x64xf32, #tpu.memory_space<hbm>>) target_semaphore(%run_scoped3A_205 : memref<!tpu.dma_semaphore, #tpu.memory_space<semaphore_mem>>)
      %dma_wait3A_211 = arith.constant 0 : i32
      %dma_wait3A_212 = tpu.memref_slice %arg4[%arg0, %mul3A_204, %dma_wait3A_211] : memref<2x10240x64xf32, #tpu.memory_space<hbm>> -> memref<1x640x64xf32, #tpu.memory_space<hbm>>
      %dma_wait3A_213 = tpu.memref_squeeze %dma_wait3A_212 : memref<1x640x64xf32, #tpu.memory_space<hbm>> -> memref<640x64xf32, #tpu.memory_space<hbm>>
      %dma_wait3A_214 = arith.constant 0 : i32
      %dma_wait3A_215 = tpu.memref_slice %arg10[%mul3A_204, %dma_wait3A_214] : memref<10240x64xf32, #tpu.memory_space<vmem_shared>> -> memref<640x64xf32, #tpu.memory_space<vmem_shared>>
      tpu.wait_dma2 semaphore(%run_scoped3A_205 : memref<!tpu.dma_semaphore, #tpu.memory_space<semaphore_mem>>) src(%dma_wait3A_215 : memref<640x64xf32, #tpu.memory_space<vmem_shared>>) dst(%dma_wait3A_213 : memref<640x64xf32, #tpu.memory_space<hbm>>)
      tpu.yield
    }) : () -> ()
    "tpu.region"() ({
      %run_scoped3A_205 = tpu.sem_alloc : memref<!tpu.dma_semaphore, #tpu.memory_space<semaphore_mem>>
      %dma_start3A_206 = arith.constant 0 : i32
      %dma_start3A_207 = tpu.memref_slice %arg5[%arg0, %mul3A_204, %dma_start3A_206] : memref<2x10240x16xf32, #tpu.memory_space<hbm>> -> memref<1x640x16xf32, #tpu.memory_space<hbm>>
      %dma_start3A_208 = tpu.memref_squeeze %dma_start3A_207 : memref<1x640x16xf32, #tpu.memory_space<hbm>> -> memref<640x16xf32, #tpu.memory_space<hbm>>
      %dma_start3A_209 = arith.constant 0 : i32
      %dma_start3A_210 = tpu.memref_slice %arg15[%mul3A_204, %dma_start3A_209] : memref<10240x16xf32, #tpu.memory_space<vmem_shared>> -> memref<640x16xf32, #tpu.memory_space<vmem_shared>>
      tpu.enqueue_dma source(%dma_start3A_210 : memref<640x16xf32, #tpu.memory_space<vmem_shared>>) target(%dma_start3A_208 : memref<640x16xf32, #tpu.memory_space<hbm>>) target_semaphore(%run_scoped3A_205 : memref<!tpu.dma_semaphore, #tpu.memory_space<semaphore_mem>>)
      %dma_wait3A_211 = arith.constant 0 : i32
      %dma_wait3A_212 = tpu.memref_slice %arg5[%arg0, %mul3A_204, %dma_wait3A_211] : memref<2x10240x16xf32, #tpu.memory_space<hbm>> -> memref<1x640x16xf32, #tpu.memory_space<hbm>>
      %dma_wait3A_213 = tpu.memref_squeeze %dma_wait3A_212 : memref<1x640x16xf32, #tpu.memory_space<hbm>> -> memref<640x16xf32, #tpu.memory_space<hbm>>
      %dma_wait3A_214 = arith.constant 0 : i32
      %dma_wait3A_215 = tpu.memref_slice %arg15[%mul3A_204, %dma_wait3A_214] : memref<10240x16xf32, #tpu.memory_space<vmem_shared>> -> memref<640x16xf32, #tpu.memory_space<vmem_shared>>
      tpu.wait_dma2 semaphore(%run_scoped3A_205 : memref<!tpu.dma_semaphore, #tpu.memory_space<semaphore_mem>>) src(%dma_wait3A_215 : memref<640x16xf32, #tpu.memory_space<vmem_shared>>) dst(%dma_wait3A_213 : memref<640x16xf32, #tpu.memory_space<hbm>>)
      tpu.yield
    }) : () -> ()
    return
  }
}

module attributes {stable_mosaic.version = 14 : i64} {
  func.func @_cp_body(%arg0: i32, %arg1: memref<2x1x160x125xi32, #tpu.memory_space<vmem>>, %arg2: memref<2x1x160x125xi32, #tpu.memory_space<vmem>>) attributes {dimension_semantics = [#tpu.dimension_semantics<arbitrary>], iteration_bounds = array<i64: 16>, scalar_prefetch = 0 : i64, scratch_operands = 0 : i64, tpu.core_type = #tpu.core_type<tc>, window_params = [{transform_indices = @transform_0, window_bounds = array<i64: 2, 1, 160, 125>}, {transform_indices = @transform_1, window_bounds = array<i64: 2, 1, 160, 125>}]} {
    %get3A = arith.constant 0 : index
    %get3A_0 = arith.constant 0 : index
    %get3A_1 = arith.constant 0 : index
    %get3A_2 = arith.constant 0 : index
    %get3A_3 = vector.load %arg1[%get3A, %get3A_0, %get3A_1, %get3A_2] : memref<2x1x160x125xi32, #tpu.memory_space<vmem>>, vector<2x1x160x125xi32>
    %swap3A = arith.constant 0 : index
    %swap3A_4 = arith.constant 0 : index
    %swap3A_5 = arith.constant 0 : index
    %swap3A_6 = arith.constant 0 : index
    %swap3A_7 = vector.load %arg2[%swap3A, %swap3A_4, %swap3A_5, %swap3A_6] : memref<2x1x160x125xi32, #tpu.memory_space<vmem>>, vector<2x1x160x125xi32>
    tpu.vector_store %arg2[%swap3A, %swap3A_4, %swap3A_5, %swap3A_6], %get3A_3 {strides = array<i32>} : memref<2x1x160x125xi32, #tpu.memory_space<vmem>>, vector<2x1x160x125xi32>,
    return
  }
  func.func @transform_0(%arg0: i32) -> (i32, i32, i32, i32) {
    %c0_i32 = arith.constant 0 : i32
    %c0_i32_0 = arith.constant 0 : i32
    %c0_i32_1 = arith.constant 0 : i32
    %c0_i32_2 = arith.constant 0 : i32
    return %c0_i32, %arg0, %c0_i32_0, %c0_i32_1 : i32, i32, i32, i32
  }
  func.func @transform_1(%arg0: i32) -> (i32, i32, i32, i32) {
    %c0_i32 = arith.constant 0 : i32
    %c0_i32_0 = arith.constant 0 : i32
    %c0_i32_1 = arith.constant 0 : i32
    %c0_i32_2 = arith.constant 0 : i32
    return %c0_i32, %arg0, %c0_i32_0, %c0_i32_1 : i32, i32, i32, i32
  }
}

module attributes {stable_mosaic.version = 14 : i64} {
  func.func @_mmT_body(%arg0: i32, %arg1: memref<1000x128xf32, #tpu.memory_space<vmem>>, %arg2: memref<128x128xf32, #tpu.memory_space<vmem>>, %arg3: memref<2x1000x64xf32, #tpu.memory_space<vmem>>) attributes {dimension_semantics = [#tpu.dimension_semantics<arbitrary>], iteration_bounds = array<i64: 10>, scalar_prefetch = 0 : i64, scratch_operands = 0 : i64, tpu.core_type = #tpu.core_type<tc>, window_params = [{transform_indices = @transform_0, window_bounds = array<i64: 1000, 128>}, {pipeline_mode = #tpu.pipeline_mode<synchronous>, transform_indices = @transform_1, window_bounds = array<i64: 128, 128>}, {transform_indices = @transform_2, window_bounds = array<i64: 2, 1000, 64>}]} {
    %get3A = arith.constant 0 : index
    %get3A_0 = arith.constant 0 : index
    %get3A_1 = vector.load %arg1[%get3A, %get3A_0] : memref<1000x128xf32, #tpu.memory_space<vmem>>, vector<1000x128xf32>
    %get3A_2 = arith.constant 0 : index
    %get3A_3 = arith.constant 0 : index
    %get3A_4 = vector.load %arg2[%get3A_2, %get3A_3] : memref<128x128xf32, #tpu.memory_space<vmem>>, vector<64x128xf32>
    %dot_general3A = arith.constant dense<0.000000e+00> : vector<1000x64xf32>
    %dot_general3A_5 = tpu.matmul %get3A_1, %get3A_4, %dot_general3A {dimension_numbers = #tpu.dot_dimension_numbers<[1], [1], [0], [0], [0, 0, 1, 0], [], []>, transpose_lhs_hint = false} : vector<1000x128xf32>, vector<64x128xf32>, vector<1000x64xf32> -> vector<1000x64xf32>
    %swap3A = arith.constant 0 : index
    %swap3A_6 = arith.constant 0 : index
    %swap3A_7 = arith.constant 0 : index
    %swap3A_8 = vector.load %arg3[%swap3A, %swap3A_6, %swap3A_7] : memref<2x1000x64xf32, #tpu.memory_space<vmem>>, vector<1x1000x64xf32>
    %swap3A_9 = vector.shape_cast %swap3A_8 : vector<1x1000x64xf32> to vector<1000x64xf32>
    %swap3A_10 = vector.shape_cast %dot_general3A_5 : vector<1000x64xf32> to vector<1x1000x64xf32>
    tpu.vector_store %arg3[%swap3A, %swap3A_6, %swap3A_7], %swap3A_10 {strides = array<i32>} : memref<2x1000x64xf32, #tpu.memory_space<vmem>>, vector<1x1000x64xf32>,
    %get3A_11 = arith.constant 0 : index
    %get3A_12 = arith.constant 0 : index
    %get3A_13 = vector.load %arg1[%get3A_11, %get3A_12] : memref<1000x128xf32, #tpu.memory_space<vmem>>, vector<1000x128xf32>
    %get3A_14 = arith.constant 64 : index
    %get3A_15 = arith.constant 0 : index
    %get3A_16 = vector.load %arg2[%get3A_14, %get3A_15] : memref<128x128xf32, #tpu.memory_space<vmem>>, vector<64x128xf32>
    %dot_general3A_17 = arith.constant dense<0.000000e+00> : vector<1000x64xf32>
    %dot_general3A_18 = tpu.matmul %get3A_13, %get3A_16, %dot_general3A_17 {dimension_numbers = #tpu.dot_dimension_numbers<[1], [1], [0], [0], [0, 0, 1, 0], [], []>, transpose_lhs_hint = false} : vector<1000x128xf32>, vector<64x128xf32>, vector<1000x64xf32> -> vector<1000x64xf32>
    %swap3A_19 = arith.constant 1 : index
    %swap3A_20 = arith.constant 0 : index
    %swap3A_21 = arith.constant 0 : index
    %swap3A_22 = vector.load %arg3[%swap3A_19, %swap3A_20, %swap3A_21] : memref<2x1000x64xf32, #tpu.memory_space<vmem>>, vector<1x1000x64xf32>
    %swap3A_23 = vector.shape_cast %swap3A_22 : vector<1x1000x64xf32> to vector<1000x64xf32>
    %swap3A_24 = vector.shape_cast %dot_general3A_18 : vector<1000x64xf32> to vector<1x1000x64xf32>
    tpu.vector_store %arg3[%swap3A_19, %swap3A_20, %swap3A_21], %swap3A_24 {strides = array<i32>} : memref<2x1000x64xf32, #tpu.memory_space<vmem>>, vector<1x1000x64xf32>,
    return
  }
  func.func @transform_0(%arg0: i32) -> (i32, i32) {
    %c0_i32 = arith.constant 0 : i32
    %c0_i32_0 = arith.constant 0 : i32
    return %arg0, %c0_i32 : i32, i32
  }
  func.func @transform_1(%arg0: i32) -> (i32, i32) {
    %c0_i32 = arith.constant 0 : i32
    %c0_i32_0 = arith.constant 0 : i32
    %c0_i32_1 = arith.constant 0 : i32
    return %c0_i32, %c0_i32_0 : i32, i32
  }
  func.func @transform_2(%arg0: i32) -> (i32, i32, i32) {
    %c0_i32 = arith.constant 0 : i32
    %c0_i32_0 = arith.constant 0 : i32
    %c0_i32_1 = arith.constant 0 : i32
    return %c0_i32, %arg0, %c0_i32_0 : i32, i32, i32
  }
}

module attributes {stable_mosaic.version = 14 : i64} {
  func.func @_mid_body(%arg0: i32, %arg1: memref<2x1000x64xf32, #tpu.memory_space<vmem>>, %arg2: memref<2x1000x16xf32, #tpu.memory_space<vmem>>, %arg3: memref<1000x128xf32, #tpu.memory_space<vmem>>, %arg4: memref<128x128xf32, #tpu.memory_space<vmem>>, %arg5: memref<1x128xf32, #tpu.memory_space<vmem>>, %arg6: memref<128x128xf32, #tpu.memory_space<vmem>>, %arg7: memref<128x128xf32, #tpu.memory_space<vmem>>, %arg8: memref<2x1000x64xf32, #tpu.memory_space<vmem>>, %arg9: memref<1000x128xf32, #tpu.memory_space<vmem>>) attributes {dimension_semantics = [#tpu.dimension_semantics<arbitrary>], iteration_bounds = array<i64: 10>, scalar_prefetch = 0 : i64, scratch_operands = 0 : i64, tpu.core_type = #tpu.core_type<tc>, window_params = [{transform_indices = @transform_0, window_bounds = array<i64: 2, 1000, 64>}, {transform_indices = @transform_1, window_bounds = array<i64: 2, 1000, 16>}, {transform_indices = @transform_2, window_bounds = array<i64: 1000, 128>}, {pipeline_mode = #tpu.pipeline_mode<synchronous>, transform_indices = @transform_3, window_bounds = array<i64: 128, 128>}, {pipeline_mode = #tpu.pipeline_mode<synchronous>, transform_indices = @transform_4, window_bounds = array<i64: 1, 128>}, {pipeline_mode = #tpu.pipeline_mode<synchronous>, transform_indices = @transform_5, window_bounds = array<i64: 128, 128>}, {pipeline_mode = #tpu.pipeline_mode<synchronous>, transform_indices = @transform_6, window_bounds = array<i64: 128, 128>}, {transform_indices = @transform_7, window_bounds = array<i64: 2, 1000, 64>}, {transform_indices = @transform_8, window_bounds = array<i64: 1000, 128>}]} {
    %get3A = arith.constant 0 : index
    %get3A_0 = arith.constant 0 : index
    %get3A_1 = arith.constant 0 : index
    %get3A_2 = vector.load %arg1[%get3A, %get3A_0, %get3A_1] : memref<2x1000x64xf32, #tpu.memory_space<vmem>>, vector<1x1000x64xf32>
    %get3A_3 = vector.shape_cast %get3A_2 : vector<1x1000x64xf32> to vector<1000x64xf32>
    %get3A_4 = arith.constant 1 : index
    %get3A_5 = arith.constant 0 : index
    %get3A_6 = arith.constant 0 : index
    %get3A_7 = vector.load %arg1[%get3A_4, %get3A_5, %get3A_6] : memref<2x1000x64xf32, #tpu.memory_space<vmem>>, vector<1x1000x64xf32>
    %get3A_8 = vector.shape_cast %get3A_7 : vector<1x1000x64xf32> to vector<1000x64xf32>
    %concatenate3A = tpu.concatenate %get3A_3, %get3A_8 in 1 : vector<1000x64xf32>, vector<1000x64xf32> -> vector<1000x128xf32>
    %get3A_9 = arith.constant 0 : index
    %get3A_10 = arith.constant 0 : index
    %get3A_11 = arith.constant 0 : index
    %get3A_12 = vector.load %arg2[%get3A_9, %get3A_10, %get3A_11] : memref<2x1000x16xf32, #tpu.memory_space<vmem>>, vector<1x1000x1xf32>
    %get3A_13 = vector.shape_cast %get3A_12 : vector<1x1000x1xf32> to vector<1000x1xf32>
    %get3A_14 = arith.constant 1 : index
    %get3A_15 = arith.constant 0 : index
    %get3A_16 = arith.constant 0 : index
    %get3A_17 = vector.load %arg2[%get3A_14, %get3A_15, %get3A_16] : memref<2x1000x16xf32, #tpu.memory_space<vmem>>, vector<1x1000x1xf32>
    %get3A_18 = vector.shape_cast %get3A_17 : vector<1x1000x1xf32> to vector<1000x1xf32>
    %add3A = arith.addf %get3A_13, %get3A_18 : vector<1000x1xf32>
    %max3A = arith.constant 1.000000e+00 : f32
    %max3A_19 = vector.broadcast %max3A : f32 to vector<1000x1xf32>
    %max3A_20 = arith.maximumf %add3A, %max3A_19 : vector<1000x1xf32>
    %div3A = vector.broadcast %max3A_20 : vector<1000x1xf32> to vector<1000x128xf32>
    %div3A_21 = arith.divf %concatenate3A, %div3A : vector<1000x128xf32>
    %get3A_22 = arith.constant 0 : index
    %get3A_23 = arith.constant 0 : index
    %get3A_24 = vector.load %arg5[%get3A_22, %get3A_23] : memref<1x128xf32, #tpu.memory_space<vmem>>, vector<1x128xf32>
    %add3A_25 = vector.broadcast %get3A_24 : vector<1x128xf32> to vector<1000x128xf32>
    %add3A_26 = arith.addf %div3A_21, %add3A_25 : vector<1000x128xf32>
    %get3A_27 = arith.constant 0 : index
    %get3A_28 = arith.constant 0 : index
    %get3A_29 = vector.load %arg3[%get3A_27, %get3A_28] : memref<1000x128xf32, #tpu.memory_space<vmem>>, vector<1000x128xf32>
    %get3A_30 = arith.constant 0 : index
    %get3A_31 = arith.constant 0 : index
    %get3A_32 = vector.load %arg4[%get3A_30, %get3A_31] : memref<128x128xf32, #tpu.memory_space<vmem>>, vector<128x128xf32>
    %dot_general3A = arith.constant dense<0.000000e+00> : vector<1000x128xf32>
    %dot_general3A_33 = tpu.matmul %get3A_29, %get3A_32, %dot_general3A {dimension_numbers = #tpu.dot_dimension_numbers<[1], [1], [0], [0], [0, 0, 1, 0], [], []>, transpose_lhs_hint = false} : vector<1000x128xf32>, vector<128x128xf32>, vector<1000x128xf32> -> vector<1000x128xf32>
    %add3A_34 = arith.addf %add3A_26, %dot_general3A_33 : vector<1000x128xf32>
    %max3A_35 = arith.constant 0.000000e+00 : f32
    %max3A_36 = vector.broadcast %max3A_35 : f32 to vector<1000x128xf32>
    %max3A_37 = arith.maximumf %add3A_34, %max3A_36 : vector<1000x128xf32>
    %get3A_38 = arith.constant 0 : index
    %get3A_39 = arith.constant 0 : index
    %get3A_40 = vector.load %arg6[%get3A_38, %get3A_39] : memref<128x128xf32, #tpu.memory_space<vmem>>, vector<64x128xf32>
    %dot_general3A_41 = arith.constant dense<0.000000e+00> : vector<1000x64xf32>
    %dot_general3A_42 = tpu.matmul %max3A_37, %get3A_40, %dot_general3A_41 {dimension_numbers = #tpu.dot_dimension_numbers<[1], [1], [0], [0], [0, 0, 1, 0], [], []>, transpose_lhs_hint = false} : vector<1000x128xf32>, vector<64x128xf32>, vector<1000x64xf32> -> vector<1000x64xf32>
    %swap3A = arith.constant 0 : index
    %swap3A_43 = arith.constant 0 : index
    %swap3A_44 = arith.constant 0 : index
    %swap3A_45 = vector.load %arg8[%swap3A, %swap3A_43, %swap3A_44] : memref<2x1000x64xf32, #tpu.memory_space<vmem>>, vector<1x1000x64xf32>
    %swap3A_46 = vector.shape_cast %swap3A_45 : vector<1x1000x64xf32> to vector<1000x64xf32>
    %swap3A_47 = vector.shape_cast %dot_general3A_42 : vector<1000x64xf32> to vector<1x1000x64xf32>
    tpu.vector_store %arg8[%swap3A, %swap3A_43, %swap3A_44], %swap3A_47 {strides = array<i32>} : memref<2x1000x64xf32, #tpu.memory_space<vmem>>, vector<1x1000x64xf32>,
    %get3A_48 = arith.constant 64 : index
    %get3A_49 = arith.constant 0 : index
    %get3A_50 = vector.load %arg6[%get3A_48, %get3A_49] : memref<128x128xf32, #tpu.memory_space<vmem>>, vector<64x128xf32>
    %dot_general3A_51 = arith.constant dense<0.000000e+00> : vector<1000x64xf32>
    %dot_general3A_52 = tpu.matmul %max3A_37, %get3A_50, %dot_general3A_51 {dimension_numbers = #tpu.dot_dimension_numbers<[1], [1], [0], [0], [0, 0, 1, 0], [], []>, transpose_lhs_hint = false} : vector<1000x128xf32>, vector<64x128xf32>, vector<1000x64xf32> -> vector<1000x64xf32>
    %swap3A_53 = arith.constant 1 : index
    %swap3A_54 = arith.constant 0 : index
    %swap3A_55 = arith.constant 0 : index
    %swap3A_56 = vector.load %arg8[%swap3A_53, %swap3A_54, %swap3A_55] : memref<2x1000x64xf32, #tpu.memory_space<vmem>>, vector<1x1000x64xf32>
    %swap3A_57 = vector.shape_cast %swap3A_56 : vector<1x1000x64xf32> to vector<1000x64xf32>
    %swap3A_58 = vector.shape_cast %dot_general3A_52 : vector<1000x64xf32> to vector<1x1000x64xf32>
    tpu.vector_store %arg8[%swap3A_53, %swap3A_54, %swap3A_55], %swap3A_58 {strides = array<i32>} : memref<2x1000x64xf32, #tpu.memory_space<vmem>>, vector<1x1000x64xf32>,
    %get3A_59 = arith.constant 0 : index
    %get3A_60 = arith.constant 0 : index
    %get3A_61 = vector.load %arg7[%get3A_59, %get3A_60] : memref<128x128xf32, #tpu.memory_space<vmem>>, vector<128x128xf32>
    %dot_general3A_62 = arith.constant dense<0.000000e+00> : vector<1000x128xf32>
    %dot_general3A_63 = tpu.matmul %max3A_37, %get3A_61, %dot_general3A_62 {dimension_numbers = #tpu.dot_dimension_numbers<[1], [1], [0], [0], [0, 0, 1, 0], [], []>, transpose_lhs_hint = false} : vector<1000x128xf32>, vector<128x128xf32>, vector<1000x128xf32> -> vector<1000x128xf32>
    %swap3A_64 = arith.constant 0 : index
    %swap3A_65 = arith.constant 0 : index
    %swap3A_66 = vector.load %arg9[%swap3A_64, %swap3A_65] : memref<1000x128xf32, #tpu.memory_space<vmem>>, vector<1000x128xf32>
    tpu.vector_store %arg9[%swap3A_64, %swap3A_65], %dot_general3A_63 {strides = array<i32>} : memref<1000x128xf32, #tpu.memory_space<vmem>>, vector<1000x128xf32>,
    return
  }
  func.func @transform_0(%arg0: i32) -> (i32, i32, i32) {
    %c0_i32 = arith.constant 0 : i32
    %c0_i32_0 = arith.constant 0 : i32
    %c0_i32_1 = arith.constant 0 : i32
    return %c0_i32, %arg0, %c0_i32_0 : i32, i32, i32
  }
  func.func @transform_1(%arg0: i32) -> (i32, i32, i32) {
    %c0_i32 = arith.constant 0 : i32
    %c0_i32_0 = arith.constant 0 : i32
    %c0_i32_1 = arith.constant 0 : i32
    return %c0_i32, %arg0, %c0_i32_0 : i32, i32, i32
  }
  func.func @transform_2(%arg0: i32) -> (i32, i32) {
    %c0_i32 = arith.constant 0 : i32
    %c0_i32_0 = arith.constant 0 : i32
    return %arg0, %c0_i32 : i32, i32
  }
  func.func @transform_3(%arg0: i32) -> (i32, i32) {
    %c0_i32 = arith.constant 0 : i32
    %c0_i32_0 = arith.constant 0 : i32
    %c0_i32_1 = arith.constant 0 : i32
    return %c0_i32, %c0_i32_0 : i32, i32
  }
  func.func @transform_4(%arg0: i32) -> (i32, i32) {
    %c0_i32 = arith.constant 0 : i32
    %c0_i32_0 = arith.constant 0 : i32
    %c0_i32_1 = arith.constant 0 : i32
    return %c0_i32, %c0_i32_0 : i32, i32
  }
  func.func @transform_5(%arg0: i32) -> (i32, i32) {
    %c0_i32 = arith.constant 0 : i32
    %c0_i32_0 = arith.constant 0 : i32
    %c0_i32_1 = arith.constant 0 : i32
    return %c0_i32, %c0_i32_0 : i32, i32
  }
  func.func @transform_6(%arg0: i32) -> (i32, i32) {
    %c0_i32 = arith.constant 0 : i32
    %c0_i32_0 = arith.constant 0 : i32
    %c0_i32_1 = arith.constant 0 : i32
    return %c0_i32, %c0_i32_0 : i32, i32
  }
  func.func @transform_7(%arg0: i32) -> (i32, i32, i32) {
    %c0_i32 = arith.constant 0 : i32
    %c0_i32_0 = arith.constant 0 : i32
    %c0_i32_1 = arith.constant 0 : i32
    return %c0_i32, %arg0, %c0_i32_0 : i32, i32, i32
  }
  func.func @transform_8(%arg0: i32) -> (i32, i32) {
    %c0_i32 = arith.constant 0 : i32
    %c0_i32_0 = arith.constant 0 : i32
    return %arg0, %c0_i32 : i32, i32
  }
}

module attributes {stable_mosaic.version = 14 : i64} {
  func.func @_head_body(%arg0: i32, %arg1: memref<2x1000x64xf32, #tpu.memory_space<vmem>>, %arg2: memref<2x1000x16xf32, #tpu.memory_space<vmem>>, %arg3: memref<1000x128xf32, #tpu.memory_space<vmem>>, %arg4: memref<1x128xf32, #tpu.memory_space<vmem>>, %arg5: memref<1000x1xi32, #tpu.memory_space<vmem>>, %arg6: memref<10x128xf32, #tpu.memory_space<vmem>>, %arg7: memref<1x10xf32, #tpu.memory_space<vmem>>, %arg8: memref<64x10xf32, #tpu.memory_space<vmem>>, %arg9: memref<64x128xf32, #tpu.memory_space<vmem>>) attributes {dimension_semantics = [#tpu.dimension_semantics<arbitrary>], iteration_bounds = array<i64: 10>, scalar_prefetch = 0 : i64, scratch_operands = 1 : i64, tpu.core_type = #tpu.core_type<tc>, window_params = [{transform_indices = @transform_0, window_bounds = array<i64: 2, 1000, 64>}, {transform_indices = @transform_1, window_bounds = array<i64: 2, 1000, 16>}, {transform_indices = @transform_2, window_bounds = array<i64: 1000, 128>}, {pipeline_mode = #tpu.pipeline_mode<synchronous>, transform_indices = @transform_3, window_bounds = array<i64: 1, 128>}, {transform_indices = @transform_4, window_bounds = array<i64: 1000, 1>}, {pipeline_mode = #tpu.pipeline_mode<synchronous>, transform_indices = @transform_5, window_bounds = array<i64: 10, 128>}, {pipeline_mode = #tpu.pipeline_mode<synchronous>, transform_indices = @transform_6, window_bounds = array<i64: 1, 10>}, {pipeline_mode = #tpu.pipeline_mode<synchronous>, transform_indices = @transform_7, window_bounds = array<i64: 64, 10>}]} {
    %get3A = arith.constant 0 : index
    %get3A_0 = arith.constant 0 : index
    %get3A_1 = arith.constant 0 : index
    %get3A_2 = vector.load %arg1[%get3A, %get3A_0, %get3A_1] : memref<2x1000x64xf32, #tpu.memory_space<vmem>>, vector<1x1000x64xf32>
    %get3A_3 = vector.shape_cast %get3A_2 : vector<1x1000x64xf32> to vector<1000x64xf32>
    %get3A_4 = arith.constant 1 : index
    %get3A_5 = arith.constant 0 : index
    %get3A_6 = arith.constant 0 : index
    %get3A_7 = vector.load %arg1[%get3A_4, %get3A_5, %get3A_6] : memref<2x1000x64xf32, #tpu.memory_space<vmem>>, vector<1x1000x64xf32>
    %get3A_8 = vector.shape_cast %get3A_7 : vector<1x1000x64xf32> to vector<1000x64xf32>
    %concatenate3A = tpu.concatenate %get3A_3, %get3A_8 in 1 : vector<1000x64xf32>, vector<1000x64xf32> -> vector<1000x128xf32>
    %get3A_9 = arith.constant 0 : index
    %get3A_10 = arith.constant 0 : index
    %get3A_11 = arith.constant 0 : index
    %get3A_12 = vector.load %arg2[%get3A_9, %get3A_10, %get3A_11] : memref<2x1000x16xf32, #tpu.memory_space<vmem>>, vector<1x1000x1xf32>
    %get3A_13 = vector.shape_cast %get3A_12 : vector<1x1000x1xf32> to vector<1000x1xf32>
    %get3A_14 = arith.constant 1 : index
    %get3A_15 = arith.constant 0 : index
    %get3A_16 = arith.constant 0 : index
    %get3A_17 = vector.load %arg2[%get3A_14, %get3A_15, %get3A_16] : memref<2x1000x16xf32, #tpu.memory_space<vmem>>, vector<1x1000x1xf32>
    %get3A_18 = vector.shape_cast %get3A_17 : vector<1x1000x1xf32> to vector<1000x1xf32>
    %add3A = arith.addf %get3A_13, %get3A_18 : vector<1000x1xf32>
    %max3A = arith.constant 1.000000e+00 : f32
    %max3A_19 = vector.broadcast %max3A : f32 to vector<1000x1xf32>
    %max3A_20 = arith.maximumf %add3A, %max3A_19 : vector<1000x1xf32>
    %div3A = vector.broadcast %max3A_20 : vector<1000x1xf32> to vector<1000x128xf32>
    %div3A_21 = arith.divf %concatenate3A, %div3A : vector<1000x128xf32>
    %get3A_22 = arith.constant 0 : index
    %get3A_23 = arith.constant 0 : index
    %get3A_24 = vector.load %arg4[%get3A_22, %get3A_23] : memref<1x128xf32, #tpu.memory_space<vmem>>, vector<1x128xf32>
    %add3A_25 = vector.broadcast %get3A_24 : vector<1x128xf32> to vector<1000x128xf32>
    %add3A_26 = arith.addf %div3A_21, %add3A_25 : vector<1000x128xf32>
    %get3A_27 = arith.constant 0 : index
    %get3A_28 = arith.constant 0 : index
    %get3A_29 = vector.load %arg3[%get3A_27, %get3A_28] : memref<1000x128xf32, #tpu.memory_space<vmem>>, vector<1000x128xf32>
    %add3A_30 = arith.addf %add3A_26, %get3A_29 : vector<1000x128xf32>
    %max3A_31 = arith.constant 0.000000e+00 : f32
    %max3A_32 = vector.broadcast %max3A_31 : f32 to vector<1000x128xf32>
    %max3A_33 = arith.maximumf %add3A_30, %max3A_32 : vector<1000x128xf32>
    %get3A_34 = arith.constant 0 : index
    %get3A_35 = arith.constant 0 : index
    %get3A_36 = vector.load %arg5[%get3A_34, %get3A_35] : memref<1000x1xi32, #tpu.memory_space<vmem>>, vector<1000x1xi32>
    %iota3A = tpu.iota {dimensions = array<i32: 1>} : vector<1000x64xi32>
    %eq3A = vector.broadcast %get3A_36 : vector<1000x1xi32> to vector<1000x64xi32>
    %eq3A_37 = arith.cmpi eq, %eq3A, %iota3A : vector<1000x64xi32>
    %convert_element_type3A = arith.extui %eq3A_37 : vector<1000x64xi1> to vector<1000x64xi32>
    %convert_element_type3A_38 = arith.sitofp %convert_element_type3A : vector<1000x64xi32> to vector<1000x64xf32>
    %dot_general3A = arith.constant dense<0.000000e+00> : vector<64x128xf32>
    %dot_general3A_39 = tpu.matmul %convert_element_type3A_38, %max3A_33, %dot_general3A {dimension_numbers = #tpu.dot_dimension_numbers<[0], [0], [1], [1], [0, 1, 1, 1], [], []>, precision = #tpu.contract_precision<fp32>, transpose_lhs_hint = false} : vector<1000x64xf32>, vector<1000x128xf32>, vector<64x128xf32> -> vector<64x128xf32>
    %eq3A_40 = arith.constant 0 : i32
    %eq3A_41 = arith.cmpi eq, %arg0, %eq3A_40 : i32
    %convert_element_type3A_42 = arith.extui %eq3A_41 : i1 to i32
    %cond3A = arith.constant 0 : i32
    %cond3A_43 = arith.cmpi ne, %convert_element_type3A_42, %cond3A : i32
    scf.if %cond3A_43 {
      %swap3A = arith.constant 0 : index
      %swap3A_53 = arith.constant 0 : index
      %swap3A_54 = vector.load %arg9[%swap3A, %swap3A_53] : memref<64x128xf32, #tpu.memory_space<vmem>>, vector<64x128xf32>
      tpu.vector_store %arg9[%swap3A, %swap3A_53], %dot_general3A_39 {strides = array<i32>} : memref<64x128xf32, #tpu.memory_space<vmem>>, vector<64x128xf32>,
    } else {
    }
    %gt3A = arith.constant 0 : i32
    %gt3A_44 = arith.cmpi sgt, %arg0, %gt3A : i32
    %convert_element_type3A_45 = arith.extui %gt3A_44 : i1 to i32
    %cond3A_46 = arith.constant 0 : i32
    %cond3A_47 = arith.cmpi ne, %convert_element_type3A_45, %cond3A_46 : i32
    scf.if %cond3A_47 {
      %get3A_53 = arith.constant 0 : index
      %get3A_54 = arith.constant 0 : index
      %get3A_55 = vector.load %arg9[%get3A_53, %get3A_54] : memref<64x128xf32, #tpu.memory_space<vmem>>, vector<64x128xf32>
      %add3A_56 = arith.addf %get3A_55, %dot_general3A_39 : vector<64x128xf32>
      %swap3A = arith.constant 0 : index
      %swap3A_57 = arith.constant 0 : index
      %swap3A_58 = vector.load %arg9[%swap3A, %swap3A_57] : memref<64x128xf32, #tpu.memory_space<vmem>>, vector<64x128xf32>
      tpu.vector_store %arg9[%swap3A, %swap3A_57], %add3A_56 {strides = array<i32>} : memref<64x128xf32, #tpu.memory_space<vmem>>, vector<64x128xf32>,
    } else {
    }
    %eq3A_48 = arith.constant 9 : i32
    %eq3A_49 = arith.cmpi eq, %arg0, %eq3A_48 : i32
    %convert_element_type3A_50 = arith.extui %eq3A_49 : i1 to i32
    %cond3A_51 = arith.constant 0 : i32
    %cond3A_52 = arith.cmpi ne, %convert_element_type3A_50, %cond3A_51 : i32
    scf.if %cond3A_52 {
      %get3A_53 = arith.constant 0 : index
      %get3A_54 = arith.constant 0 : index
      %get3A_55 = vector.load %arg9[%get3A_53, %get3A_54] : memref<64x128xf32, #tpu.memory_space<vmem>>, vector<64x128xf32>
      %get3A_56 = arith.constant 0 : index
      %get3A_57 = arith.constant 0 : index
      %get3A_58 = vector.load %arg6[%get3A_56, %get3A_57] : memref<10x128xf32, #tpu.memory_space<vmem>>, vector<10x128xf32>
      %dot_general3A_59 = arith.constant dense<0.000000e+00> : vector<64x10xf32>
      %dot_general3A_60 = tpu.matmul %get3A_55, %get3A_58, %dot_general3A_59 {dimension_numbers = #tpu.dot_dimension_numbers<[1], [1], [0], [0], [0, 0, 1, 0], [], []>, transpose_lhs_hint = false} : vector<64x128xf32>, vector<10x128xf32>, vector<64x10xf32> -> vector<64x10xf32>
      %get3A_61 = arith.constant 0 : index
      %get3A_62 = arith.constant 0 : index
      %get3A_63 = vector.load %arg7[%get3A_61, %get3A_62] : memref<1x10xf32, #tpu.memory_space<vmem>>, vector<1x10xf32>
      %add3A_64 = vector.broadcast %get3A_63 : vector<1x10xf32> to vector<64x10xf32>
      %add3A_65 = arith.addf %dot_general3A_60, %add3A_64 : vector<64x10xf32>
      %logistic3A = arith.negf %add3A_65 : vector<64x10xf32>
      %logistic3A_66 = math.exp %logistic3A : vector<64x10xf32>
      %logistic3A_67 = arith.constant 1.000000e+00 : f32
      %logistic3A_68 = vector.broadcast %logistic3A_67 : f32 to vector<64x10xf32>
      %logistic3A_69 = arith.addf %logistic3A_68, %logistic3A_66 : vector<64x10xf32>
      %logistic3A_70 = arith.divf %logistic3A_68, %logistic3A_69 : vector<64x10xf32>
      %swap3A = arith.constant 0 : index
      %swap3A_71 = arith.constant 0 : index
      %swap3A_72 = vector.load %arg8[%swap3A, %swap3A_71] : memref<64x10xf32, #tpu.memory_space<vmem>>, vector<64x10xf32>
      tpu.vector_store %arg8[%swap3A, %swap3A_71], %logistic3A_70 {strides = array<i32>} : memref<64x10xf32, #tpu.memory_space<vmem>>, vector<64x10xf32>,
    } else {
    }
    return
  }
  func.func @transform_0(%arg0: i32) -> (i32, i32, i32) {
    %c0_i32 = arith.constant 0 : i32
    %c0_i32_0 = arith.constant 0 : i32
    %c0_i32_1 = arith.constant 0 : i32
    return %c0_i32, %arg0, %c0_i32_0 : i32, i32, i32
  }
  func.func @transform_1(%arg0: i32) -> (i32, i32, i32) {
    %c0_i32 = arith.constant 0 : i32
    %c0_i32_0 = arith.constant 0 : i32
    %c0_i32_1 = arith.constant 0 : i32
    return %c0_i32, %arg0, %c0_i32_0 : i32, i32, i32
  }
  func.func @transform_2(%arg0: i32) -> (i32, i32) {
    %c0_i32 = arith.constant 0 : i32
    %c0_i32_0 = arith.constant 0 : i32
    return %arg0, %c0_i32 : i32, i32
  }
  func.func @transform_3(%arg0: i32) -> (i32, i32) {
    %c0_i32 = arith.constant 0 : i32
    %c0_i32_0 = arith.constant 0 : i32
    %c0_i32_1 = arith.constant 0 : i32
    return %c0_i32, %c0_i32_0 : i32, i32
  }
  func.func @transform_4(%arg0: i32) -> (i32, i32) {
    %c0_i32 = arith.constant 0 : i32
    %c0_i32_0 = arith.constant 0 : i32
    return %arg0, %c0_i32 : i32, i32
  }
  func.func @transform_5(%arg0: i32) -> (i32, i32) {
    %c0_i32 = arith.constant 0 : i32
    %c0_i32_0 = arith.constant 0 : i32
    %c0_i32_1 = arith.constant 0 : i32
    return %c0_i32, %c0_i32_0 : i32, i32
  }
  func.func @transform_6(%arg0: i32) -> (i32, i32) {
    %c0_i32 = arith.constant 0 : i32
    %c0_i32_0 = arith.constant 0 : i32
    %c0_i32_1 = arith.constant 0 : i32
    return %c0_i32, %c0_i32_0 : i32, i32
  }
  func.func @transform_7(%arg0: i32) -> (i32, i32) {
    %c0_i32 = arith.constant 0 : i32
    %c0_i32_0 = arith.constant 0 : i32
    %c0_i32_1 = arith.constant 0 : i32
    return %c0_i32, %c0_i32_0 : i32, i32
  }
}

</mosaic_0001>

<sc_bundles>
// kernel: kernel.11.cloned.1.call-start
scs
__scs_entry_jumppad:
0x0: {  	(pc) =	sbr.rel $0x88, $3  }
0x1: {  	(tag) =	ssettag $0x0;
	lr =	simm.s32 $0x1  }
0x2: {  	[smem:$0x3F96] =	sst lr;
	_ =	strace $0xD0000000  }
0x3: {  	_ = 	snop  }
0x4: {  	_ = 	snop  }
0x5: {  	_ = 	snop  }
0x6: {  	_ = 	snop  }
0x7: {  	_ = 	snop  }
__scs_overlays_trampoline_lowered:
0x8: {  	[smem:$0x3FA5] =	sst s0  }
0x9: {  	[smem:$0x3FA6] =	sst s1  }
0xa: {  	[smem:$0x3FA7] =	sst s2  }
0xb: {  	[smem:$0x3FA8] =	sst s3  }
0xc: {  	[smem:$0x3FA9] =	sst s4  }
0xd: {  	[smem:$0x3FAA] =	sst s5  }
0xe: {  	[smem:$0x3FAB] =	sst s6  }
0xf: {  	[smem:$0x3FAC] =	sst s7  }
0x10: {  	[smem:$0x3FAD] =	sst s8  }
0x11: {  	[smem:$0x3FAE] =	sst s9;
	s0 =	simm.s32 @!p0 $0x0  }
0x12: {  	s1 =	sld [smem:$0x3F94];
	s0 =	simm.s32 @p0 $0x1  }
0x13: {  	[smem:$0x3FAF] =	sst s0;
	s0 =	simm.s32 @!p1 $0x0  }
0x14: {  	s2 =	sld [smem:$0x3F93];
	s0 =	simm.s32 @p1 $0x1  }
0x15: {  	[smem:$0x3FB0] =	sst s0;
	s0 =	simm.s32 @!p2 $0x0  }
0x16: {  	s3 =	sld [smem:$0x3FDB];
	s0 =	simm.s32 @p2 $0x1  }
0x17: {  	s4 =	simm.s32 $0x1BF5;
	[smem:$0x3FB2] =	sst s0  }
0x18: {  	s0 =	sld [smem:$0x3F95];
	_ =	swait.ge [sflag:s4], $0x0  }
0x19: {  	s7 =	sld [smem:$0x3F96]  }
0x1a: {  	s8 =	sadd.s32 $0xFFFFE003, lr  }
0x1b: {  	s9 =	sadd.s32 $0xFFFFFEF7, lr;
	s5 =	simm.s32 $0xFFFFFFFF;
	p2 =	slt.u32 s8, $0xFFFFF086  }
0x1c: {  	p1 =	slt.u32 s9, $0xF7A;
	s5 =	simm.s32 @!p2 $0x0  }
0x1d: {  	s5 =	simm.s32 @p1 $0x1;
	p0 =	seq.s32 s7, s2  }
0x1e: {  	s7 =	smul.u32 @!p0 $0xF7A, s2;
	p2 =	seq.s32 @!p0 s5, $0x0  }
0x1f: {  	s9 =	smul.u32 $0xF7A, s1;
	s8 =	simm.s32 @!p0 $0x1BF5;
	p2 =	por !p2, p0  }
0x20: {  	[sflag:s8] =	ssyncset.s32 @!p0 $0xFFFFF086;
	s6 =	sadd.s32 @!p0 s3, s7;
	s7 =	simm.s32 @!p0 $0x108  }
0x21: {  	s3 =	sadd.s32 s3, s9;
	s6 =	sadd.s32 @!p0 $0x88, s6;
	s7 =	simm.s32 @p2 $0x1082  }
0x22: {  	[simem:s7], [sflag:s8] =	dma.local @!p0 [hbm:s6], $0xF7A  }
0x23: {  	s9 =	sor.u32 $0xD0000000, s2;
	s6 =	simm.s32 $0x108;
	_ =	swait.ge @!p0 [sflag:s8], $0x0  }
0x24: {  	s3 =	sadd.s32 $0x88, s3;
	s6 =	simm.s32 @!p1 $0x1082;
	[sflag:s4] =	ssyncset.s32 $0xFFFFF086  }
0x25: {  	[simem:s6], [sflag:s4] =	dma.local [hbm:s3], $0xF7A  }
0x26: {  	[smem:$0x3F96] =	sst s1;
	(tag) =	ssettag s2;
	_ =	strace s9  }
0x27: {  	s1 =	sld [smem:$0x3FA6]  }
0x28: {  	s2 =	sld [smem:$0x3FA7]  }
0x29: {  	s4 =	sld [smem:$0x3FA9]  }
0x2a: {  	p0 =	seq.s32 s5, $0x0;
	s5 =	sld [smem:$0x3FAA]  }
0x2b: {  	s6 =	sld [smem:$0x3FAB]  }
0x2c: {  	s7 =	sld [smem:$0x3FAC]  }
0x2d: {  	s3 =	simm.s32 $0x108;
	s8 =	sld [smem:$0x3FAD]  }
0x2e: {  	s3 =	simm.s32 @!p0 $0x1082;
	s9 =	sld [smem:$0x3FAE]  }
0x2f: {  	lr =	sadd.s32 s0, s3;
	s0 =	sld [smem:$0x3FA5]  }
0x30: {  	s3 =	sld [smem:$0x3FA8]  }
0x31: {  	[smem:$0x3FB1] =	sst s10  }
0x32: {  	s10 =	sld [smem:$0x3FAF];
	_ =	sdelay $0x3  }
0x33: {  	p0 =	seq.s32 s10, $0x1;
	s10 =	sld [smem:$0x3FB1];
	_ =	sdelay $0x3  }
0x34: {  	[smem:$0x3FB1] =	sst s10  }
0x35: {  	s10 =	sld [smem:$0x3FB0];
	_ =	sdelay $0x3  }
0x36: {  	p1 =	seq.s32 s10, $0x1;
	s10 =	sld [smem:$0x3FB1];
	_ =	sdelay $0x3  }
0x37: {  	[smem:$0x3FB1] =	sst s10  }
0x38: {  	s10 =	sld [smem:$0x3FB2]  }
0x39: {  	_ = 	snop;
	(pc) =	sbr.ind lr, $3  }
0x3a: {  	_ = 	snop  }
0x3b: {  	_ = 	snop  }
0x3c: {  	p2 =	seq.s32 s10, $0x1;
	s10 =	sld [smem:$0x3FB1]  }
0x3d: {  	_ =	shalt  }
0x3e: {  	_ =	shalt  }
0x3f: {  	_ =	shalt  }
0x40: {  	_ =	shalt  }
0x41: {  	_ =	shalt  }
0x42: {  	_ =	shalt  }
0x43: {  	_ =	shalt  }
0x44: {  	_ =	shalt  }
0x45: {  	_ =	shalt  }
0x46: {  	_ =	shalt  }
0x47: {  	_ =	shalt  }
0x48: {  	_ =	shalt  }
0x49: {  	_ =	shalt  }
0x4a: {  	_ =	shalt  }
0x4b: {  	_ =	shalt  }
0x4c: {  	_ =	shalt  }
0x4d: {  	_ =	shalt  }
0x4e: {  	_ =	shalt  }
0x4f: {  	_ =	shalt  }
0x50: {  	_ =	shalt  }
0x51: {  	_ =	shalt  }
0x52: {  	_ =	shalt  }
0x53: {  	_ =	shalt  }
0x54: {  	_ =	shalt  }
0x55: {  	_ =	shalt  }
0x56: {  	_ =	shalt  }
0x57: {  	_ =	shalt  }
0x58: {  	_ =	shalt  }
0x59: {  	_ =	shalt  }
0x5a: {  	_ =	shalt  }
0x5b: {  	_ =	shalt  }
0x5c: {  	_ =	shalt  }
0x5d: {  	_ =	shalt  }
0x5e: {  	_ =	shalt  }
0x5f: {  	_ =	shalt  }
0x60: {  	_ =	shalt  }
0x61: {  	_ =	shalt  }
0x62: {  	_ =	shalt  }
0x63: {  	_ =	shalt  }
0x64: {  	_ =	shalt  }
0x65: {  	_ =	shalt  }
0x66: {  	_ =	shalt  }
0x67: {  	_ =	shalt  }
0x68: {  	_ =	shalt  }
0x69: {  	_ =	shalt  }
0x6a: {  	_ =	shalt  }
0x6b: {  	_ =	shalt  }
0x6c: {  	_ =	shalt  }
0x6d: {  	_ =	shalt  }
0x6e: {  	_ =	shalt  }
0x6f: {  	_ =	shalt  }
0x70: {  	_ =	shalt  }
0x71: {  	_ =	shalt  }
0x72: {  	_ =	shalt  }
0x73: {  	_ =	shalt  }
0x74: {  	_ =	shalt  }
0x75: {  	_ =	shalt  }
0x76: {  	_ =	shalt  }
0x77: {  	_ =	shalt  }
0x78: {  	_ =	shalt  }
0x79: {  	_ =	shalt  }
0x7a: {  	_ =	shalt  }
0x7b: {  	_ =	shalt  }
0x7c: {  	_ =	shalt  }
0x7d: {  	_ =	shalt  }
0x7e: {  	_ =	shalt  }
0x7f: {  	_ =	shalt  }
0x80: {  	_ =	shalt  }
0x81: {  	_ =	shalt  }
0x82: {  	_ =	shalt  }
0x83: {  	_ =	shalt  }
0x84: {  	_ =	shalt  }
0x85: {  	_ =	shalt  }
0x86: {  	_ =	shalt  }
0x87: {  	_ =	shalt  }
.Lfunc_end0:
.L_simem_size_0:
called_computation.1_lowered:
.L_overlay_start_0:
0x88: {  	s2 =	sld [smem:$0x3FD9]  }
0x89: {  	s3 =	sld [smem:$0x3FFE];
	_ =	sdelay $0x1  }
0x8a: {  	s1 =	srdreg.scid  }
0x8b: {  	s0 =	sand.u32 $0x1, s1  }
0x8c: {  	s16 =	sshll.u32 s0, $0xA;
	s2 =	sadd.s32 s3, s2  }
0x8d: {  	s2 =	sadd.s32 s2, s16  }
0x8e: {  	[smem:$0x3FBD] =	sst s2  }
0x8f: {  	_ = 	snop  }
0x90: {  	(tm) =	ssettm $0x1  }
0x91: {  	s17 =	sld [smem:$0x3FFB];
	_ =	sdelay $0x3  }
0x92: {  	_ =	strace s17  }
0x93: {  	s2 =	sld [smem:$0x3FFC];
	_ =	sdelay $0x3  }
0x94: {  	_ =	strace s2  }
0x95: {  	s2 =	sld [smem:$0x3FFD];
	_ =	sdelay $0x3  }
0x96: {  	_ =	strace s2  }
0x97: {  	_ =	strace $0x8FFFFFFF  }
0x98: {  	s18 =	sld [smem:$0x3FDB];
	_ =	sdelay $0x1  }
0x99: {  	s19 =	simm.s32 $_scs_section_size  }
0x9a: {  	s4 =	simm.s32 $_size__tile_overlayer_lowered;
	s5 =	simm.s32 $_tile_overlayer_lowered  }
0x9b: {  	s22 =	simm.s32 $0x1BFF;
	s21 =	sshll.u32 s5, $0x1;
	s2 =	sadd.s32 s19, s18  }
0x9c: {  	s6 =	simm.s32 $0x0;
	s20 =	sshll.u32 s4, $0x1;
	s4 =	sadd.s32 s21, s2  }
0x9d: {  	[timem:s6], [sflag:s22] =	dma.local [hbm:s4], s20  }
0x9e: {  	_ =	swait.ge [sflag:s22], s20  }
0x9f: {  	s3 =	ssub.s32 $0x0, s20;
	[sflag:s22] =	ssyncset.done $0x0  }
0xa0: {  	[sflag:s22] =	ssyncadd.s32 s3;
	_ =	sdelay $0x1  }
0xa1: {  	s23 =	simm.s32 $0x1B8B  }
0xa2: {  	_ =	swait.ge [sflag:s23], $0x1  }
0xa3: {  	[sflag:s23] =	ssyncset.done $0x0  }
0xa4: {  	s25 =	simm.s32 $0x1B8E;
	s24 =	sld [smem:$0x3FFE];
	[sflag:s23] =	ssyncadd.s32 $0xFFFFFFFF  }
0xa5: {  	s26 =	simm.s32 $execute0_lowered;
	[smem:$0x3FD2] =	sst s25  }
0xa6: {  	s4 =	sshll.u32 s26, $0x1;
	_ =	strace $0x80000049;
	[dreg:$0x1] =	wrdreg $0xFFFFFFFF  }
0xa7: {  	s28 =	simm.s32 $_size_execute0_lowered;
	s2 =	sadd.s32 s2, s4;
	[dreg:$0x0] =	wrdreg $0x0  }
0xa8: {  	s4 =	sshll.u32 s28, $0x1;
	[dreg:$0x2] =	wrdreg s2  }
0xa9: {  	[dreg:$0x3] =	wrdreg s4  }
0xaa: {  	[dreg:$0x4] =	wrdreg $0xC0  }
0xab: {  	_ =	task [dreg:s6], $0x5FFFF  }
0xac: {  	[dreg:$0x1] =	wrdreg $0xFFFFFFFF  }
0xad: {  	[dreg:$0x0] =	wrdreg $0x60  }
0xae: {  	[dreg:$0x2] =	wrdreg s24  }
0xaf: {  	[dreg:$0x3] =	wrdreg $0x125000  }
0xb0: {  	[dreg:$0x4] =	wrdreg $0x9  }
0xb1: {  	_ =	task.clear_ibuf [dreg:s6], $0x5FFFF;
	_ =	strace $0x90000049  }
0xb2: {  	s29 =	simm.s32 $0x9;
	_ =	strace $0x8000004B  }
0xb3: {  	_ =	swait.ge [sflag:s29], $0x1  }
0xb4: {  	[sflag:s29] =	ssyncadd.s32 $0xFFFFFFFF  }
0xb5: {  	_ =	strace $0x9000004B  }
0xb6: {  	_ =	sfence  }
0xb7: {  	s30 =	sld [smem:$0x0];
	_ =	sdelay $0x2  }
0xb8: {  	s31 =	sshll.u32 s1, $0xD;
	s1 =	sshrl.u32 s1, $0x2  }
0xb9: {  	s3 =	sand.u32 $0x4000, s31;
	s1 =	sadd.s32 s1, s30  }
0xba: {  	s0 =	sor.u32 s3, s0;
	s1 =	sshll.u32 s1, $0x11  }
0xbb: {  	s0 =	sor.u32 s1, s0  }
0xbc: {  	s0 =	sadd.s32 $0x8F2B, s0  }
0xbd: {  	[sflag:s0] =	ssyncadd.remote.s32 $0x1  }
0xbe: {  	_ =	sfence.sel $0xFFFF  }
0xbf: {  	[dreg:$0x0] =	wrdreg $0xFFFFFFFF;
	(pc) =	sbr.abs _section_cstart, $3  }
0xc0: {  	[dreg:$0x1] =	wrdreg $0xFFFFFFFF  }
0xc1: {  	_ =	task.clear_ibuf [dreg:s6], $0x2FFFF;
	_ =	strace $0x9FFFFFFF  }
0xc2: {  	(tm) =	ssettm $0x7FFFFFFF  }
0xc3: {  	_ =	shalt  }
tec
execute0_lowered:
.L_overlay_start_1:
0x0: {  	(tag) =	ssettag $0x1  }
0x1: {  	s0 =	srdreg.scid  }
0x2: {  	s1 =	rddreg [dreg:$0x0];
	s7 =	stileid.u32  }
0x3: {  	s2 =	rddreg [dreg:$0x1];
	s4 =	smul.u32 $0x5000, s7  }
0x4: {  	s6 =	simm.s32 $0x0;
	s30 =	simm.s32 $0x9;
	s5 =	smul.u32 $0xA000, s7  }
0x5: {  	s31 =	simm.s32 $0x5000;
	s7 =	smul.u32 $0x28000, s7;
	s4 =	sshrl.u32 s4, $0x3  }
0x6: {  	s0 =	sand.u32 $0x1, s0;
	[smem:$0x7FF] =	sst s6;
	s4 =	sadd.s32 s4, s1  }
0x7: {  	_ =	strace $0x8000004A;
	s10 =	sshrl.u32 s7, $0x2;
	s11 =	sadd.s32 $0x29600, s4  }
0x8: {  	s12 =	sadd.s32 s10, s2;
	s4 =	sadd.s32 $0x33600, s4;
	[dreg:$0x3] =	wrdreg s11  }
0x9: {  	s3 =	smul.u32 $0x13880, s0;
	s13 =	sadd.s32 $0x800, s12;
	[dreg:$0x4] =	wrdreg s4  }
0xa: {  	s9 =	smul.u32 $0xA0000, s0;
	s14 =	sadd.s32 $0x1000, s12;
	[dreg:$0x5] =	wrdreg s13  }
0xb: {  	s0 =	ssub.s32 $0x2, s0;
	s15 =	sadd.s32 $0x1800, s12;
	[dreg:$0x6] =	wrdreg s14  }
0xc: {  	s8 =	sshrl.u32 s0, $0x1;
	s16 =	sadd.s32 $0x2000, s12;
	[dreg:$0x7] =	wrdreg s15  }
0xd: {  	s7 =	simm.s32 $0xDE80;
	s17 =	sadd.s32 $0x2800, s12;
	[dreg:$0x8] =	wrdreg s16  }
0xe: {  	s3 =	sadd.s32 s3, s1;
	s18 =	sadd.s32 $0x3000, s12;
	[dreg:$0x9] =	wrdreg s17  }
0xf: {  	s6 =	sadd.s32 s5, s9;
	s19 =	sadd.s32 $0x3800, s12;
	[dreg:$0xa] =	wrdreg s18  }
0x10: {  	s0 =	ssub.s32 s0, s8;
	s20 =	sadd.s32 $0x4000, s12;
	[dreg:$0xb] =	wrdreg s19  }
0x11: {  	s8 =	simm.s32 $0x2;
	s21 =	sadd.s32 $0x4800, s12;
	[dreg:$0xc] =	wrdreg s20  }
0x12: {  	s9 =	simm.s32 $0xFDC0;
	s22 =	sadd.s32 $0x5000, s12;
	[dreg:$0xd] =	wrdreg s21  }
0x13: {  	s10 =	simm.s32 $0x3;
	s23 =	sadd.s32 $0x5800, s12;
	[dreg:$0xe] =	wrdreg s22  }
0x14: {  	s6 =	sshrl.u32 s6, $0x3;
	s24 =	sadd.s32 $0x6000, s12;
	[dreg:$0xf] =	wrdreg s23  }
0x15: {  	s25 =	sadd.s32 $0x6800, s12;
	s26 =	sadd.s32 $0x7000, s12;
	[dreg:$0x10] =	wrdreg s24  }
0x16: {  	s29 =	smax.u32 s0, $0x1;
	s0 =	simm.s32 $0x7D;
	[dreg:$0x11] =	wrdreg s25  }
0x17: {  	s1 =	sadd.s32 s6, s1;
	s6 =	sadd.s32 s5, s2;
	[dreg:$0x12] =	wrdreg s26  }
0x18: {  	s21 =	sadd.s32 $0x7800, s12;
	s22 =	sadd.s32 $0x8000, s12;
	s23 =	sadd.s32 $0x8800, s12  }
.Ltmp0:
0x19: {  	s24 =	sadd.s32 $0x9000, s12;
	s25 =	sadd.s32 $0x9800, s12;
	(pc) =	sbr.rel .LBB2_1-.Ltmp0, $4  }
0x1a: {  	s26 =	sadd.s32 $0x2400, s3;
	s3 =	simm.s32 $0xA000;
	s4 =	simm.s32 $0xBF40  }
0x1b: {  	s5 =	simm.s32 $0x1;
	s11 =	simm.s32 $0x5;
	s12 =	simm.s32 $0x4  }
0x1c: {  	s13 =	simm.s32 $0x6;
	s14 =	simm.s32 $0x7;
	s15 =	simm.s32 $0x8  }
0x1d: {  	v0 =	vimm.f32 $0.0e+00;
	s16 =	simm.s32 $0x0;
	s28 =	sadd.s32 $0x3D600, s1;
	s1 =	simm.s32 $0x11D00  }
.LBB2_6:
0x1e: {  	_ =	swait.ge [sflag:s12], $0x1F40  }
0x1f: {  	[sflag:s12] =	ssyncset.done $0x0  }
0x20: {  	[sflag:s12] =	ssyncadd.s32 $0xFFFFE0C0  }
0x21: {  	[spmem:s2] =	stream.indirect.scatter.add.f32 [tilespmem:s9], [sflag:$0x8], $0x40, s19, s0, $0xb8;
	[tilespmem:$0x1C500] =	vst v63  }
0x22: {  	_ =	swait.ge [sflag:s11], $0x1F40  }
0x23: {  	[sflag:s11] =	ssyncset.done $0x0  }
0x24: {  	[sflag:s11] =	ssyncadd.s32 $0xFFFFE0C0  }
0x25: {  	_ =	swait.ge [sflag:s13], $0x1F40  }
0x26: {  	[sflag:s13] =	ssyncset.done $0x0  }
0x27: {  	[sflag:s13] =	ssyncadd.s32 $0xFFFFE0C0  }
0x28: {  	_ =	swait.ge [sflag:s14], $0x1F40  }
0x29: {  	[sflag:s14] =	ssyncset.done $0x0  }
0x2a: {  	[sflag:s14] =	ssyncadd.s32 $0xFFFFE0C0  }
0x2b: {  	s17 =	stileid.u32;
	_ =	swait.ge [sflag:s15], $0x1F40  }
0x2c: {  	s18 =	sshrl.u32 s6, $0x3;
	s16 =	sadd.s32 $0x1, s16;
	[sflag:s15] =	ssyncset.done $0x0  }
0x2d: {  	s17 =	sshll.u32 s17, $0x6;
	p0 =	sne.s32 s16, s29;
	[sflag:s15] =	ssyncadd.s32 $0xFFFFE0C0  }
.Ltmp1:
0x2e: {  	s17 =	sor.u32 $0x1C09, s17;
	[bflag:$0x0] =	sbarrier.arrive $0xFFFF;
	(pc) =	sbr.rel @!p0 .LBB2_7-.Ltmp1, $4  }
0x2f: {  	[hbm:s28], [sflag:s17] =	dma.local [spmem:s18], $0x1400  }
0x30: {  	_ =	swait.ge [sflag:s30], $0x1400  }
0x31: {  	[sflag:s30] =	ssyncset.done $0x0  }
0x32: {  	[sflag:s30] =	ssyncadd.s32 $0xFFFFEC00  }
.LBB2_1:
0x33: {  	s17 =	simm.s32 $0x0;
	s18 =	rddreg [dreg:$0x3]  }
0x34: {  	[tilespmem:s17], [sflag:$0x9] =	stream.linear.gather [hbm4b:s18+s17], $0x5000, $0x38;
	[tilespmem:$0x1C500] =	vst v63  }
0x35: {  	_ =	swait.ge [sflag:s30], $0x5000  }
0x36: {  	[sflag:s30] =	ssyncset.done $0x0  }
0x37: {  	s20 =	rddreg [dreg:$0x4];
	[sflag:s30] =	ssyncadd.s32 $0xFFFFB000  }
0x38: {  	[tilespmem:s31], [sflag:$0x9] =	stream.linear.gather [hbm4b:s20+s17], $0x5000, $0x38;
	[tilespmem:$0x1C500] =	vst v63  }
0x39: {  	_ =	swait.ge [sflag:s30], $0x5000  }
0x3a: {  	[sflag:s30] =	ssyncset.done $0x0  }
0x3b: {  	s18 =	simm.s32 $0x100;
	s17 =	simm.s32 $0x0;
	[sflag:s30] =	ssyncadd.s32 $0xFFFFB000  }
.LBB2_2:
0x3c: {  	p0 =	sne.s32 s18, $0x1F00;
	[tilespmem:s17+$0x11D30] =	vst v0;
	s19 =	smov.u32 s18;
	s18 =	sadd.s32 $0x100, s18  }
.Ltmp2:
0x3d: {  	[tilespmem:s17+$0x11D20] =	vst v0;
	(pc) =	sbr.rel @p0 .LBB2_2-.Ltmp2, $3  }
0x3e: {  	[tilespmem:s17+$0x11D00] =	vst v0  }
0x3f: {  	[tilespmem:s17+$0x11D10] =	vst v0;
	_ =	sdelay $0x1  }
0x40: {  	s17 =	sshra.s32 s19, $0x2  }
0x41: {  	[tilespmem:s17+$0x11D30] =	vst v0  }
0x42: {  	[tilespmem:s17+$0x11D20] =	vst v0  }
0x43: {  	[tilespmem:s17+$0x11D00] =	vst v0  }
0x44: {  	[tilespmem:s17+$0x11D10] =	vst v0  }
0x45: {  	[spmem:s6] =	stream.linear.scatter [tilespmem:s1], [sflag:$0x9], $0x800, $0x38;
	[tilespmem:$0x1C500] =	vst v63  }
0x46: {  	_ =	swait.ge [sflag:s30], $0x800  }
0x47: {  	[sflag:s30] =	ssyncset.done $0x0  }
0x48: {  	s18 =	rddreg [dreg:$0x5];
	[sflag:s30] =	ssyncadd.s32 $0xFFFFF800  }
0x49: {  	[spmem:s18] =	stream.linear.scatter [tilespmem:s1], [sflag:$0x9], $0x800, $0x38;
	[tilespmem:$0x1C500] =	vst v63  }
0x4a: {  	_ =	swait.ge [sflag:s30], $0x800  }
0x4b: {  	[sflag:s30] =	ssyncset.done $0x0  }
0x4c: {  	s19 =	rddreg [dreg:$0x6];
	[sflag:s30] =	ssyncadd.s32 $0xFFFFF800  }
0x4d: {  	[spmem:s19] =	stream.linear.scatter [tilespmem:s1], [sflag:$0x9], $0x800, $0x38;
	[tilespmem:$0x1C500] =	vst v63  }
0x4e: {  	_ =	swait.ge [sflag:s30], $0x800  }
0x4f: {  	[sflag:s30] =	ssyncset.done $0x0  }
0x50: {  	s20 =	rddreg [dreg:$0x7];
	[sflag:s30] =	ssyncadd.s32 $0xFFFFF800  }
0x51: {  	[spmem:s20] =	stream.linear.scatter [tilespmem:s1], [sflag:$0x9], $0x800, $0x38;
	[tilespmem:$0x1C500] =	vst v63  }
0x52: {  	_ =	swait.ge [sflag:s30], $0x800  }
0x53: {  	[sflag:s30] =	ssyncset.done $0x0  }
0x54: {  	s18 =	rddreg [dreg:$0x8];
	[sflag:s30] =	ssyncadd.s32 $0xFFFFF800  }
0x55: {  	[spmem:s18] =	stream.linear.scatter [tilespmem:s1], [sflag:$0x9], $0x800, $0x38;
	[tilespmem:$0x1C500] =	vst v63  }
0x56: {  	_ =	swait.ge [sflag:s30], $0x800  }
0x57: {  	[sflag:s30] =	ssyncset.done $0x0  }
0x58: {  	s19 =	rddreg [dreg:$0x9];
	[sflag:s30] =	ssyncadd.s32 $0xFFFFF800  }
0x59: {  	[spmem:s19] =	stream.linear.scatter [tilespmem:s1], [sflag:$0x9], $0x800, $0x38;
	[tilespmem:$0x1C500] =	vst v63  }
0x5a: {  	_ =	swait.ge [sflag:s30], $0x800  }
0x5b: {  	[sflag:s30] =	ssyncset.done $0x0  }
0x5c: {  	s20 =	rddreg [dreg:$0xa];
	[sflag:s30] =	ssyncadd.s32 $0xFFFFF800  }
0x5d: {  	[spmem:s20] =	stream.linear.scatter [tilespmem:s1], [sflag:$0x9], $0x800, $0x38;
	[tilespmem:$0x1C500] =	vst v63  }
0x5e: {  	_ =	swait.ge [sflag:s30], $0x800  }
0x5f: {  	[sflag:s30] =	ssyncset.done $0x0  }
0x60: {  	s18 =	rddreg [dreg:$0xb];
	[sflag:s30] =	ssyncadd.s32 $0xFFFFF800  }
0x61: {  	[spmem:s18] =	stream.linear.scatter [tilespmem:s1], [sflag:$0x9], $0x800, $0x38;
	[tilespmem:$0x1C500] =	vst v63  }
0x62: {  	_ =	swait.ge [sflag:s30], $0x800  }
0x63: {  	[sflag:s30] =	ssyncset.done $0x0  }
0x64: {  	s19 =	rddreg [dreg:$0xc];
	[sflag:s30] =	ssyncadd.s32 $0xFFFFF800  }
0x65: {  	[spmem:s19] =	stream.linear.scatter [tilespmem:s1], [sflag:$0x9], $0x800, $0x38;
	[tilespmem:$0x1C500] =	vst v63  }
0x66: {  	_ =	swait.ge [sflag:s30], $0x800  }
0x67: {  	[sflag:s30] =	ssyncset.done $0x0  }
0x68: {  	s20 =	rddreg [dreg:$0xd];
	[sflag:s30] =	ssyncadd.s32 $0xFFFFF800  }
0x69: {  	[spmem:s20] =	stream.linear.scatter [tilespmem:s1], [sflag:$0x9], $0x800, $0x38;
	[tilespmem:$0x1C500] =	vst v63  }
0x6a: {  	_ =	swait.ge [sflag:s30], $0x800  }
0x6b: {  	[sflag:s30] =	ssyncset.done $0x0  }
0x6c: {  	s18 =	rddreg [dreg:$0xe];
	[sflag:s30] =	ssyncadd.s32 $0xFFFFF800  }
0x6d: {  	[spmem:s18] =	stream.linear.scatter [tilespmem:s1], [sflag:$0x9], $0x800, $0x38;
	[tilespmem:$0x1C500] =	vst v63  }
0x6e: {  	_ =	swait.ge [sflag:s30], $0x800  }
0x6f: {  	[sflag:s30] =	ssyncset.done $0x0  }
0x70: {  	s19 =	rddreg [dreg:$0xf];
	[sflag:s30] =	ssyncadd.s32 $0xFFFFF800  }
0x71: {  	[spmem:s19] =	stream.linear.scatter [tilespmem:s1], [sflag:$0x9], $0x800, $0x38;
	[tilespmem:$0x1C500] =	vst v63  }
0x72: {  	_ =	swait.ge [sflag:s30], $0x800  }
0x73: {  	[sflag:s30] =	ssyncset.done $0x0  }
0x74: {  	s20 =	rddreg [dreg:$0x10];
	[sflag:s30] =	ssyncadd.s32 $0xFFFFF800  }
0x75: {  	[spmem:s20] =	stream.linear.scatter [tilespmem:s1], [sflag:$0x9], $0x800, $0x38;
	[tilespmem:$0x1C500] =	vst v63  }
0x76: {  	_ =	swait.ge [sflag:s30], $0x800  }
0x77: {  	[sflag:s30] =	ssyncset.done $0x0  }
0x78: {  	s18 =	rddreg [dreg:$0x11];
	[sflag:s30] =	ssyncadd.s32 $0xFFFFF800  }
0x79: {  	[spmem:s18] =	stream.linear.scatter [tilespmem:s1], [sflag:$0x9], $0x800, $0x38;
	[tilespmem:$0x1C500] =	vst v63  }
0x7a: {  	_ =	swait.ge [sflag:s30], $0x800  }
0x7b: {  	[sflag:s30] =	ssyncset.done $0x0  }
0x7c: {  	s19 =	rddreg [dreg:$0x12];
	[sflag:s30] =	ssyncadd.s32 $0xFFFFF800  }
0x7d: {  	[spmem:s19] =	stream.linear.scatter [tilespmem:s1], [sflag:$0x9], $0x800, $0x38;
	[tilespmem:$0x1C500] =	vst v63  }
0x7e: {  	_ =	swait.ge [sflag:s30], $0x800  }
0x7f: {  	[sflag:s30] =	ssyncset.done $0x0  }
0x80: {  	[sflag:s30] =	ssyncadd.s32 $0xFFFFF800  }
0x81: {  	[spmem:s21] =	stream.linear.scatter [tilespmem:s1], [sflag:$0x9], $0x800, $0x38;
	[tilespmem:$0x1C500] =	vst v63  }
0x82: {  	_ =	swait.ge [sflag:s30], $0x800  }
0x83: {  	[sflag:s30] =	ssyncset.done $0x0  }
0x84: {  	[sflag:s30] =	ssyncadd.s32 $0xFFFFF800  }
0x85: {  	[spmem:s22] =	stream.linear.scatter [tilespmem:s1], [sflag:$0x9], $0x800, $0x38;
	[tilespmem:$0x1C500] =	vst v63  }
0x86: {  	_ =	swait.ge [sflag:s30], $0x800  }
0x87: {  	[sflag:s30] =	ssyncset.done $0x0  }
0x88: {  	[sflag:s30] =	ssyncadd.s32 $0xFFFFF800  }
0x89: {  	[spmem:s23] =	stream.linear.scatter [tilespmem:s1], [sflag:$0x9], $0x800, $0x38;
	[tilespmem:$0x1C500] =	vst v63  }
0x8a: {  	_ =	swait.ge [sflag:s30], $0x800  }
0x8b: {  	[sflag:s30] =	ssyncset.done $0x0  }
0x8c: {  	[sflag:s30] =	ssyncadd.s32 $0xFFFFF800  }
0x8d: {  	[spmem:s24] =	stream.linear.scatter [tilespmem:s1], [sflag:$0x9], $0x800, $0x38;
	[tilespmem:$0x1C500] =	vst v63  }
0x8e: {  	_ =	swait.ge [sflag:s30], $0x800  }
0x8f: {  	[sflag:s30] =	ssyncset.done $0x0  }
0x90: {  	[sflag:s30] =	ssyncadd.s32 $0xFFFFF800  }
0x91: {  	[spmem:s25] =	stream.linear.scatter [tilespmem:s1], [sflag:$0x9], $0x800, $0x38;
	[tilespmem:$0x1C500] =	vst v63  }
0x92: {  	_ =	swait.ge [sflag:s30], $0x800  }
0x93: {  	[sflag:s30] =	ssyncset.done $0x0  }
0x94: {  	[sflag:s30] =	ssyncadd.s32 $0xFFFFF800  }
0x95: {  	s17 =	simm.s32 $0x0;
	[bflag:$0x0] =	sbarrier.arrive $0xFFFF  }
0x96: {  	[tilespmem:s3], [sflag:$0x1] =	stream.indirect.gather [hbm4b:s26+s0], $0x40, s17, s0, $0xb8;
	[tilespmem:$0x1C500] =	vst v63  }
0x97: {  	s18 =	simm.s32 $0x80  }
0x98: {  	[tilespmem:s4], [sflag:$0x2] =	stream.indirect.gather [hbm4b:s26+s0], $0x40, s18, s0, $0xb8;
	[tilespmem:$0x1C500] =	vst v63  }
0x99: {  	_ =	swait.ge [sflag:s5], $0x1F40  }
0x9a: {  	[sflag:s5] =	ssyncset.done $0x0  }
0x9b: {  	[sflag:s5] =	ssyncadd.s32 $0xFFFFE0C0  }
0x9c: {  	[spmem:s2] =	stream.indirect.scatter.add.f32 [tilespmem:s3], [sflag:$0x5], $0x40, s31, s0, $0xb8;
	[tilespmem:$0x1C500] =	vst v63  }
0x9d: {  	s20 =	simm.s32 $0x100  }
0x9e: {  	[tilespmem:s7], [sflag:$0x3] =	stream.indirect.gather [hbm4b:s26+s0], $0x40, s20, s0, $0xb8;
	[tilespmem:$0x1C500] =	vst v63  }
0x9f: {  	_ =	swait.ge [sflag:s8], $0x1F40  }
0xa0: {  	[sflag:s8] =	ssyncset.done $0x0  }
0xa1: {  	s19 =	simm.s32 $0x5080;
	[sflag:s8] =	ssyncadd.s32 $0xFFFFE0C0  }
0xa2: {  	[spmem:s2] =	stream.indirect.scatter.add.f32 [tilespmem:s4], [sflag:$0x6], $0x40, s19, s0, $0xb8;
	[tilespmem:$0x1C500] =	vst v63  }
0xa3: {  	s20 =	simm.s32 $0x180  }
0xa4: {  	[tilespmem:s9], [sflag:$0x4] =	stream.indirect.gather [hbm4b:s26+s0], $0x40, s20, s0, $0xb8;
	[tilespmem:$0x1C500] =	vst v63  }
0xa5: {  	_ =	swait.ge [sflag:s10], $0x1F40  }
0xa6: {  	[sflag:s10] =	ssyncset.done $0x0  }
0xa7: {  	s19 =	simm.s32 $0x5100;
	[sflag:s10] =	ssyncadd.s32 $0xFFFFE0C0  }
0xa8: {  	[spmem:s2] =	stream.indirect.scatter.add.f32 [tilespmem:s7], [sflag:$0x7], $0x40, s19, s0, $0xb8;
	[tilespmem:$0x1C500] =	vst v63  }
0xa9: {  	_ =	swait.ge [sflag:s11], $0x1F40  }
0xaa: {  	[sflag:s11] =	ssyncset.done $0x0  }
0xab: {  	s20 =	simm.s32 $0x200;
	[sflag:s11] =	ssyncadd.s32 $0xFFFFE0C0  }
0xac: {  	[tilespmem:s3], [sflag:$0x1] =	stream.indirect.gather [hbm4b:s26+s0], $0x40, s20, s0, $0xb8;
	[tilespmem:$0x1C500] =	vst v63  }
0xad: {  	_ =	swait.ge [sflag:s12], $0x1F40  }
0xae: {  	[sflag:s12] =	ssyncset.done $0x0  }
0xaf: {  	s19 =	simm.s32 $0x5180;
	[sflag:s12] =	ssyncadd.s32 $0xFFFFE0C0  }
0xb0: {  	[spmem:s2] =	stream.indirect.scatter.add.f32 [tilespmem:s9], [sflag:$0x8], $0x40, s19, s0, $0xb8;
	[tilespmem:$0x1C500] =	vst v63  }
0xb1: {  	_ =	swait.ge [sflag:s13], $0x1F40  }
0xb2: {  	[sflag:s13] =	ssyncset.done $0x0  }
0xb3: {  	s20 =	simm.s32 $0x280;
	[sflag:s13] =	ssyncadd.s32 $0xFFFFE0C0  }
0xb4: {  	[tilespmem:s4], [sflag:$0x2] =	stream.indirect.gather [hbm4b:s26+s0], $0x40, s20, s0, $0xb8;
	[tilespmem:$0x1C500] =	vst v63  }
.LBB2_4:
0xb5: {  	_ =	swait.ge [sflag:s5], $0x1F40  }
0xb6: {  	s18 =	sshra.s32 s17, $0x2;
	[sflag:s5] =	ssyncset.done $0x0  }
0xb7: {  	s19 =	sadd.s32 $0x5200, s18;
	[sflag:s5] =	ssyncadd.s32 $0xFFFFE0C0  }
0xb8: {  	[spmem:s2] =	stream.indirect.scatter.add.f32 [tilespmem:s3], [sflag:$0x5], $0x40, s19, s0, $0xb8;
	[tilespmem:$0x1C500] =	vst v63  }
0xb9: {  	_ =	swait.ge [sflag:s14], $0x1F40  }
0xba: {  	[sflag:s14] =	ssyncset.done $0x0  }
0xbb: {  	s20 =	sadd.s32 $0x300, s18;
	[sflag:s14] =	ssyncadd.s32 $0xFFFFE0C0  }
0xbc: {  	[tilespmem:s7], [sflag:$0x3] =	stream.indirect.gather [hbm4b:s26+s0], $0x40, s20, s0, $0xb8;
	[tilespmem:$0x1C500] =	vst v63  }
0xbd: {  	_ =	swait.ge [sflag:s8], $0x1F40  }
0xbe: {  	[sflag:s8] =	ssyncset.done $0x0  }
0xbf: {  	s20 =	sadd.s32 $0x5280, s18;
	[sflag:s8] =	ssyncadd.s32 $0xFFFFE0C0  }
0xc0: {  	[spmem:s2] =	stream.indirect.scatter.add.f32 [tilespmem:s4], [sflag:$0x6], $0x40, s20, s0, $0xb8;
	[tilespmem:$0x1C500] =	vst v63  }
0xc1: {  	_ =	swait.ge [sflag:s15], $0x1F40  }
0xc2: {  	[sflag:s15] =	ssyncset.done $0x0  }
0xc3: {  	p0 =	seq.s32 s17, $0x13000;
	s20 =	sadd.s32 $0x380, s18;
	[sflag:s15] =	ssyncadd.s32 $0xFFFFE0C0  }
0xc4: {  	[tilespmem:s9], [sflag:$0x4] =	stream.indirect.gather [hbm4b:s26+s0], $0x40, s20, s0, $0xb8;
	[tilespmem:$0x1C500] =	vst v63  }
.Ltmp3:
0xc5: {  	_ = 	snop;
	(pc) =	sbr.rel @p0 .LBB2_6-.Ltmp3, $4  }
0xc6: {  	_ =	swait.ge [sflag:s10], $0x1F40  }
0xc7: {  	[sflag:s10] =	ssyncset.done $0x0  }
0xc8: {  	s19 =	sadd.s32 $0x5380, s18;
	s20 =	sadd.s32 $0x5300, s18;
	[sflag:s10] =	ssyncadd.s32 $0xFFFFE0C0  }
0xc9: {  	[spmem:s2] =	stream.indirect.scatter.add.f32 [tilespmem:s7], [sflag:$0x7], $0x40, s20, s0, $0xb8;
	[tilespmem:$0x1C500] =	vst v63  }
0xca: {  	_ =	swait.ge [sflag:s11], $0x1F40  }
0xcb: {  	[sflag:s11] =	ssyncset.done $0x0  }
0xcc: {  	s20 =	sadd.s32 $0x400, s18;
	[sflag:s11] =	ssyncadd.s32 $0xFFFFE0C0  }
0xcd: {  	[tilespmem:s3], [sflag:$0x1] =	stream.indirect.gather [hbm4b:s26+s0], $0x40, s20, s0, $0xb8;
	[tilespmem:$0x1C500] =	vst v63  }
0xce: {  	_ =	swait.ge [sflag:s12], $0x1F40  }
0xcf: {  	[sflag:s12] =	ssyncset.done $0x0  }
0xd0: {  	[sflag:s12] =	ssyncadd.s32 $0xFFFFE0C0  }
0xd1: {  	[spmem:s2] =	stream.indirect.scatter.add.f32 [tilespmem:s9], [sflag:$0x8], $0x40, s19, s0, $0xb8;
	[tilespmem:$0x1C500] =	vst v63  }
.Ltmp4:
0xd2: {  	_ = 	snop;
	(pc) =	sbr.rel .LBB2_4-.Ltmp4, $4  }
0xd3: {  	_ =	swait.ge [sflag:s13], $0x1F40  }
0xd4: {  	[sflag:s13] =	ssyncset.done $0x0  }
0xd5: {  	s17 =	sadd.s32 $0x800, s17;
	s20 =	sadd.s32 $0x480, s18;
	[sflag:s13] =	ssyncadd.s32 $0xFFFFE0C0  }
0xd6: {  	[tilespmem:s4], [sflag:$0x2] =	stream.indirect.gather [hbm4b:s26+s0], $0x40, s20, s0, $0xb8;
	[tilespmem:$0x1C500] =	vst v63  }
.LBB2_7:
0xd7: {  	_ =	sfence.sel $0x180000  }
0xd8: {  	[bflag:$0x0] =	sbarrier.arrive $0xFFFF  }
0xd9: {  	_ =	strace $0x9000004A  }
0xda: {  	s0 =	stileid.u32;
	[bflag:$0x2] =	sbarrier.arrive $0xFFFF  }
0xdb: {  	p0 =	sne.s32 s0, $0x0;
	s0 =	rddreg [dreg:$0x2]  }
0xdc: {  	s0 =	sadd.s32 @!p0 $0x100000, s0  }
0xdd: {  	[sflag:s0] =	ssyncadd.tile.s32 @!p0 $0x1;
	_ =	shalt  }
.Lfunc_end2:
_tile_overlayer_lowered:
.L_overlay_start_2:
0xde: {  	(tag) =	ssettag $0x2  }
0xdf: {  	s0 =	rddreg [dreg:$0x0];
	s2 =	stileid.u32  }
0xe0: {  	s1 =	rddreg [dreg:$0x1];
	p0 =	sne.s32 s2, $0x0  }
0xe1: {  	s3 =	rddreg [dreg:$0x2];
	[bflag:$0x3] =	sbarrier.arrive $0xFFFF;
	s2 =	simm.s32 @!p0 $0x1C09  }
0xe2: {  	[timem:s3], [sflag:s2] =	dma.local @!p0 [hbm:s0], s1  }
0xe3: {  	s0 =	simm.s32 @!p0 $0x9  }
0xe4: {  	_ =	swait.ge @!p0 [sflag:s0], s1  }
0xe5: {  	s1 =	ssub.s32 @!p0 $0x0, s1;
	[sflag:s0] =	ssyncset.done @!p0 $0x0  }
0xe6: {  	[sflag:s0] =	ssyncadd.s32 @!p0 s1  }
0xe7: {  	[bflag:$0x3] =	sbarrier.arrive $0xFFFF  }
0xe8: {  	_ =	shalt  }

// kernel: kernel.8.cloned.1.call-start
scs
__scs_entry_jumppad:
0x0: {  	(pc) =	sbr.rel $0x88, $3  }
0x1: {  	(tag) =	ssettag $0x0;
	lr =	simm.s32 $0x1  }
0x2: {  	[smem:$0x3F96] =	sst lr;
	_ =	strace $0xD0000000  }
0x3: {  	_ = 	snop  }
0x4: {  	_ = 	snop  }
0x5: {  	_ = 	snop  }
0x6: {  	_ = 	snop  }
0x7: {  	_ = 	snop  }
__scs_overlays_trampoline_lowered:
0x8: {  	[smem:$0x3FA5] =	sst s0  }
0x9: {  	[smem:$0x3FA6] =	sst s1  }
0xa: {  	[smem:$0x3FA7] =	sst s2  }
0xb: {  	[smem:$0x3FA8] =	sst s3  }
0xc: {  	[smem:$0x3FA9] =	sst s4  }
0xd: {  	[smem:$0x3FAA] =	sst s5  }
0xe: {  	[smem:$0x3FAB] =	sst s6  }
0xf: {  	[smem:$0x3FAC] =	sst s7  }
0x10: {  	[smem:$0x3FAD] =	sst s8  }
0x11: {  	[smem:$0x3FAE] =	sst s9;
	s0 =	simm.s32 @!p0 $0x0  }
0x12: {  	s1 =	sld [smem:$0x3F94];
	s0 =	simm.s32 @p0 $0x1  }
0x13: {  	[smem:$0x3FAF] =	sst s0;
	s0 =	simm.s32 @!p1 $0x0  }
0x14: {  	s2 =	sld [smem:$0x3F93];
	s0 =	simm.s32 @p1 $0x1  }
0x15: {  	[smem:$0x3FB0] =	sst s0;
	s0 =	simm.s32 @!p2 $0x0  }
0x16: {  	s3 =	sld [smem:$0x3FDB];
	s0 =	simm.s32 @p2 $0x1  }
0x17: {  	s4 =	simm.s32 $0x1BF5;
	[smem:$0x3FB2] =	sst s0  }
0x18: {  	s0 =	sld [smem:$0x3F95];
	_ =	swait.ge [sflag:s4], $0x0  }
0x19: {  	s7 =	sld [smem:$0x3F96]  }
0x1a: {  	s8 =	sadd.s32 $0xFFFFE003, lr  }
0x1b: {  	s9 =	sadd.s32 $0xFFFFFEF7, lr;
	s5 =	simm.s32 $0xFFFFFFFF;
	p2 =	slt.u32 s8, $0xFFFFF086  }
0x1c: {  	p1 =	slt.u32 s9, $0xF7A;
	s5 =	simm.s32 @!p2 $0x0  }
0x1d: {  	s5 =	simm.s32 @p1 $0x1;
	p0 =	seq.s32 s7, s2  }
0x1e: {  	s7 =	smul.u32 @!p0 $0xF7A, s2;
	p2 =	seq.s32 @!p0 s5, $0x0  }
0x1f: {  	s9 =	smul.u32 $0xF7A, s1;
	s8 =	simm.s32 @!p0 $0x1BF5;
	p2 =	por !p2, p0  }
0x20: {  	[sflag:s8] =	ssyncset.s32 @!p0 $0xFFFFF086;
	s6 =	sadd.s32 @!p0 s3, s7;
	s7 =	simm.s32 @!p0 $0x108  }
0x21: {  	s3 =	sadd.s32 s3, s9;
	s6 =	sadd.s32 @!p0 $0x88, s6;
	s7 =	simm.s32 @p2 $0x1082  }
0x22: {  	[simem:s7], [sflag:s8] =	dma.local @!p0 [hbm:s6], $0xF7A  }
0x23: {  	s9 =	sor.u32 $0xD0000000, s2;
	s6 =	simm.s32 $0x108;
	_ =	swait.ge @!p0 [sflag:s8], $0x0  }
0x24: {  	s3 =	sadd.s32 $0x88, s3;
	s6 =	simm.s32 @!p1 $0x1082;
	[sflag:s4] =	ssyncset.s32 $0xFFFFF086  }
0x25: {  	[simem:s6], [sflag:s4] =	dma.local [hbm:s3], $0xF7A  }
0x26: {  	[smem:$0x3F96] =	sst s1;
	(tag) =	ssettag s2;
	_ =	strace s9  }
0x27: {  	s1 =	sld [smem:$0x3FA6]  }
0x28: {  	s2 =	sld [smem:$0x3FA7]  }
0x29: {  	s4 =	sld [smem:$0x3FA9]  }
0x2a: {  	p0 =	seq.s32 s5, $0x0;
	s5 =	sld [smem:$0x3FAA]  }
0x2b: {  	s6 =	sld [smem:$0x3FAB]  }
0x2c: {  	s7 =	sld [smem:$0x3FAC]  }
0x2d: {  	s3 =	simm.s32 $0x108;
	s8 =	sld [smem:$0x3FAD]  }
0x2e: {  	s3 =	simm.s32 @!p0 $0x1082;
	s9 =	sld [smem:$0x3FAE]  }
0x2f: {  	lr =	sadd.s32 s0, s3;
	s0 =	sld [smem:$0x3FA5]  }
0x30: {  	s3 =	sld [smem:$0x3FA8]  }
0x31: {  	[smem:$0x3FB1] =	sst s10  }
0x32: {  	s10 =	sld [smem:$0x3FAF];
	_ =	sdelay $0x3  }
0x33: {  	p0 =	seq.s32 s10, $0x1;
	s10 =	sld [smem:$0x3FB1];
	_ =	sdelay $0x3  }
0x34: {  	[smem:$0x3FB1] =	sst s10  }
0x35: {  	s10 =	sld [smem:$0x3FB0];
	_ =	sdelay $0x3  }
0x36: {  	p1 =	seq.s32 s10, $0x1;
	s10 =	sld [smem:$0x3FB1];
	_ =	sdelay $0x3  }
0x37: {  	[smem:$0x3FB1] =	sst s10  }
0x38: {  	s10 =	sld [smem:$0x3FB2]  }
0x39: {  	_ = 	snop;
	(pc) =	sbr.ind lr, $3  }
0x3a: {  	_ = 	snop  }
0x3b: {  	_ = 	snop  }
0x3c: {  	p2 =	seq.s32 s10, $0x1;
	s10 =	sld [smem:$0x3FB1]  }
0x3d: {  	_ =	shalt  }
0x3e: {  	_ =	shalt  }
0x3f: {  	_ =	shalt  }
0x40: {  	_ =	shalt  }
0x41: {  	_ =	shalt  }
0x42: {  	_ =	shalt  }
0x43: {  	_ =	shalt  }
0x44: {  	_ =	shalt  }
0x45: {  	_ =	shalt  }
0x46: {  	_ =	shalt  }
0x47: {  	_ =	shalt  }
0x48: {  	_ =	shalt  }
0x49: {  	_ =	shalt  }
0x4a: {  	_ =	shalt  }
0x4b: {  	_ =	shalt  }
0x4c: {  	_ =	shalt  }
0x4d: {  	_ =	shalt  }
0x4e: {  	_ =	shalt  }
0x4f: {  	_ =	shalt  }
0x50: {  	_ =	shalt  }
0x51: {  	_ =	shalt  }
0x52: {  	_ =	shalt  }
0x53: {  	_ =	shalt  }
0x54: {  	_ =	shalt  }
0x55: {  	_ =	shalt  }
0x56: {  	_ =	shalt  }
0x57: {  	_ =	shalt  }
0x58: {  	_ =	shalt  }
0x59: {  	_ =	shalt  }
0x5a: {  	_ =	shalt  }
0x5b: {  	_ =	shalt  }
0x5c: {  	_ =	shalt  }
0x5d: {  	_ =	shalt  }
0x5e: {  	_ =	shalt  }
0x5f: {  	_ =	shalt  }
0x60: {  	_ =	shalt  }
0x61: {  	_ =	shalt  }
0x62: {  	_ =	shalt  }
0x63: {  	_ =	shalt  }
0x64: {  	_ =	shalt  }
0x65: {  	_ =	shalt  }
0x66: {  	_ =	shalt  }
0x67: {  	_ =	shalt  }
0x68: {  	_ =	shalt  }
0x69: {  	_ =	shalt  }
0x6a: {  	_ =	shalt  }
0x6b: {  	_ =	shalt  }
0x6c: {  	_ =	shalt  }
0x6d: {  	_ =	shalt  }
0x6e: {  	_ =	shalt  }
0x6f: {  	_ =	shalt  }
0x70: {  	_ =	shalt  }
0x71: {  	_ =	shalt  }
0x72: {  	_ =	shalt  }
0x73: {  	_ =	shalt  }
0x74: {  	_ =	shalt  }
0x75: {  	_ =	shalt  }
0x76: {  	_ =	shalt  }
0x77: {  	_ =	shalt  }
0x78: {  	_ =	shalt  }
0x79: {  	_ =	shalt  }
0x7a: {  	_ =	shalt  }
0x7b: {  	_ =	shalt  }
0x7c: {  	_ =	shalt  }
0x7d: {  	_ =	shalt  }
0x7e: {  	_ =	shalt  }
0x7f: {  	_ =	shalt  }
0x80: {  	_ =	shalt  }
0x81: {  	_ =	shalt  }
0x82: {  	_ =	shalt  }
0x83: {  	_ =	shalt  }
0x84: {  	_ =	shalt  }
0x85: {  	_ =	shalt  }
0x86: {  	_ =	shalt  }
0x87: {  	_ =	shalt  }
.Lfunc_end0:
.L_simem_size_0:
called_computation_lowered:
.L_overlay_start_0:
0x88: {  	s2 =	sld [smem:$0x3FD9]  }
0x89: {  	s3 =	sld [smem:$0x3FFE];
	_ =	sdelay $0x1  }
0x8a: {  	s1 =	srdreg.scid  }
0x8b: {  	s0 =	sand.u32 $0x1, s1  }
0x8c: {  	s16 =	sshll.u32 s0, $0xA;
	s2 =	sadd.s32 s3, s2  }
0x8d: {  	s2 =	sadd.s32 s2, s16  }
0x8e: {  	[smem:$0x3FBD] =	sst s2  }
0x8f: {  	_ = 	snop  }
0x90: {  	(tm) =	ssettm $0x1  }
0x91: {  	s17 =	sld [smem:$0x3FFB];
	_ =	sdelay $0x3  }
0x92: {  	_ =	strace s17  }
0x93: {  	s2 =	sld [smem:$0x3FFC];
	_ =	sdelay $0x3  }
0x94: {  	_ =	strace s2  }
0x95: {  	s2 =	sld [smem:$0x3FFD];
	_ =	sdelay $0x3  }
0x96: {  	_ =	strace s2  }
0x97: {  	_ =	strace $0x8FFFFFFF  }
0x98: {  	s18 =	sld [smem:$0x3FDB];
	_ =	sdelay $0x1  }
0x99: {  	s19 =	simm.s32 $_scs_section_size  }
0x9a: {  	s4 =	simm.s32 $_size__tile_overlayer_lowered;
	s5 =	simm.s32 $_tile_overlayer_lowered  }
0x9b: {  	s22 =	simm.s32 $0x1BFF;
	s21 =	sshll.u32 s5, $0x1;
	s2 =	sadd.s32 s19, s18  }
0x9c: {  	s6 =	simm.s32 $0x0;
	s20 =	sshll.u32 s4, $0x1;
	s4 =	sadd.s32 s21, s2  }
0x9d: {  	[timem:s6], [sflag:s22] =	dma.local [hbm:s4], s20  }
0x9e: {  	_ =	swait.ge [sflag:s22], s20  }
0x9f: {  	s3 =	ssub.s32 $0x0, s20;
	[sflag:s22] =	ssyncset.done $0x0  }
0xa0: {  	[sflag:s22] =	ssyncadd.s32 s3;
	_ =	sdelay $0x1  }
0xa1: {  	s23 =	simm.s32 $0x1B8B  }
0xa2: {  	_ =	swait.ge [sflag:s23], $0x1  }
0xa3: {  	[sflag:s23] =	ssyncset.done $0x0  }
0xa4: {  	s25 =	simm.s32 $0x1B8E;
	s24 =	sld [smem:$0x3FFE];
	[sflag:s23] =	ssyncadd.s32 $0xFFFFFFFF  }
0xa5: {  	s26 =	simm.s32 $execute0_lowered;
	[smem:$0x3FD2] =	sst s25  }
0xa6: {  	s4 =	sshll.u32 s26, $0x1;
	_ =	strace $0x80000046;
	[dreg:$0x1] =	wrdreg $0xFFFFFFFF  }
0xa7: {  	s28 =	simm.s32 $_size_execute0_lowered;
	s2 =	sadd.s32 s2, s4;
	[dreg:$0x0] =	wrdreg $0x0  }
0xa8: {  	s4 =	sshll.u32 s28, $0x1;
	[dreg:$0x2] =	wrdreg s2  }
0xa9: {  	[dreg:$0x3] =	wrdreg s4  }
0xaa: {  	[dreg:$0x4] =	wrdreg $0xC0  }
0xab: {  	_ =	task [dreg:s6], $0x5FFFF  }
0xac: {  	[dreg:$0x1] =	wrdreg $0xFFFFFFFF  }
0xad: {  	[dreg:$0x0] =	wrdreg $0x60  }
0xae: {  	[dreg:$0x2] =	wrdreg s24  }
0xaf: {  	[dreg:$0x3] =	wrdreg $0x125000  }
0xb0: {  	[dreg:$0x4] =	wrdreg $0x1CED00  }
0xb1: {  	[dreg:$0x5] =	wrdreg $0x9  }
0xb2: {  	_ =	task.clear_ibuf [dreg:s6], $0x6FFFF;
	_ =	strace $0x90000046  }
0xb3: {  	s29 =	simm.s32 $0x9;
	_ =	strace $0x80000048  }
0xb4: {  	_ =	swait.ge [sflag:s29], $0x1  }
0xb5: {  	[sflag:s29] =	ssyncadd.s32 $0xFFFFFFFF  }
0xb6: {  	_ =	strace $0x90000048  }
0xb7: {  	_ =	sfence  }
0xb8: {  	s30 =	sld [smem:$0x0];
	_ =	sdelay $0x2  }
0xb9: {  	s31 =	sshll.u32 s1, $0xD;
	s1 =	sshrl.u32 s1, $0x2  }
0xba: {  	s3 =	sand.u32 $0x4000, s31;
	s1 =	sadd.s32 s1, s30  }
0xbb: {  	s0 =	sor.u32 s3, s0;
	s1 =	sshll.u32 s1, $0x11  }
0xbc: {  	s0 =	sor.u32 s1, s0  }
0xbd: {  	s0 =	sadd.s32 $0x8F2B, s0  }
0xbe: {  	[sflag:s0] =	ssyncadd.remote.s32 $0x1  }
0xbf: {  	_ =	sfence.sel $0xFFFF  }
0xc0: {  	[dreg:$0x0] =	wrdreg $0xFFFFFFFF;
	(pc) =	sbr.abs _section_cstart, $3  }
0xc1: {  	[dreg:$0x1] =	wrdreg $0xFFFFFFFF  }
0xc2: {  	_ =	task.clear_ibuf [dreg:s6], $0x2FFFF;
	_ =	strace $0x9FFFFFFF  }
0xc3: {  	(tm) =	ssettm $0x7FFFFFFF  }
tec
execute0_lowered:
.L_overlay_start_1:
0x0: {  	(tag) =	ssettag $0x1  }
0x1: {  	s0 =	srdreg.scid  }
0x2: {  	s5 =	rddreg [dreg:$0x0];
	s4 =	stileid.u32  }
0x3: {  	s2 =	rddreg [dreg:$0x1];
	s1 =	smul.u32 $0x5000, s4  }
0x4: {  	s3 =	rddreg [dreg:$0x2];
	s7 =	smul.u32 $0xA000, s4  }
0x5: {  	s14 =	simm.s32 $0x0;
	s10 =	sand.u32 $0x1, s0;
	s8 =	smul.u32 $0x2800, s4  }
0x6: {  	s28 =	simm.s32 $0x1CCD0;
	s29 =	simm.s32 $0x7D;
	s0 =	smul.u32 $0x13880, s10  }
0x7: {  	s30 =	simm.s32 $0xA000;
	[smem:$0x7FF] =	sst s14;
	s6 =	smul.u32 $0xA0000, s10  }
0x8: {  	s31 =	simm.s32 $0xBF40;
	_ =	strace $0x80000047;
	s9 =	smul.u32 $0x28000, s10  }
0x9: {  	s12 =	ssub.s32 $0x2, s10;
	p0 =	seq.s32 s10, $0x1;
	s1 =	sshrl.u32 s1, $0x3  }
0xa: {  	s16 =	sshrl.u32 s12, $0x1;
	p1 =	por !p0, !p0;
	s0 =	sadd.s32 s0, s5  }
0xb: {  	s6 =	sadd.s32 s7, s6;
	s11 =	sadd.s32 s1, s5;
	s15 =	sadd.s32 s8, s9  }
0xc: {  	s9 =	smul.u32 $0x280, s4;
	s7 =	sadd.s32 s7, s2;
	s8 =	sadd.s32 s8, s3  }
0xd: {  	s13 =	sshrl.u32 s6, $0x3;
	s6 =	sshrl.u32 s15, $0x3;
	s17 =	sadd.s32 $0x29600, s11  }
0xe: {  	s18 =	sadd.s32 $0x33600, s11;
	s1 =	sadd.s32 s13, s5;
	[dreg:$0x4] =	wrdreg s17  }
0xf: {  	s5 =	sadd.s32 s6, s5;
	s6 =	ssub.s32 s12, s16;
	[dreg:$0x5] =	wrdreg s18  }
0x10: {  	s19 =	sor.u32 $0x20, s9;
	s13 =	sor.u32 $0x40, s9;
	s26 =	sor.u32 $0x60, s9  }
0x11: {  	s17 =	sadd.s32 $0x80, s9;
	s20 =	sshll.u32 s19, $0x6;
	s11 =	sshll.u32 s19, $0x4  }
0x12: {  	s23 =	sshll.u32 s13, $0x6;
	s25 =	sshll.u32 s13, $0x4;
	s21 =	sadd.s32 s20, s2  }
0x13: {  	s13 =	sshll.u32 s26, $0x6;
	s22 =	sadd.s32 s11, s3;
	[dreg:$0x6] =	wrdreg s21  }
0x14: {  	s12 =	sshll.u32 s26, $0x4;
	s24 =	sadd.s32 s23, s2;
	[dreg:$0x7] =	wrdreg s22  }
0x15: {  	s18 =	sshll.u32 s17, $0x6;
	s11 =	sadd.s32 s25, s3;
	[dreg:$0x8] =	wrdreg s24  }
0x16: {  	s19 =	sadd.s32 $0xA0, s9;
	s15 =	sadd.s32 s13, s2;
	[dreg:$0x9] =	wrdreg s11  }
0x17: {  	s16 =	sadd.s32 s12, s3;
	s20 =	sadd.s32 s18, s2;
	[dreg:$0xa] =	wrdreg s15  }
0x18: {  	s25 =	sadd.s32 $0xC0, s9;
	s12 =	sadd.s32 $0xE0, s9;
	[dreg:$0xb] =	wrdreg s16  }
0x19: {  	s18 =	sadd.s32 $0x100, s9;
	s11 =	sshll.u32 s17, $0x4;
	[dreg:$0xc] =	wrdreg s20  }
0x1a: {  	s22 =	sshll.u32 s19, $0x6;
	s24 =	sshll.u32 s19, $0x4;
	s4 =	sshll.u32 s25, $0x6  }
0x1b: {  	s15 =	sshll.u32 s12, $0x6;
	s19 =	sshll.u32 s18, $0x6;
	s21 =	sadd.s32 s11, s3  }
0x1c: {  	s20 =	sadd.s32 $0x120, s9;
	s23 =	sadd.s32 s22, s2;
	[dreg:$0xd] =	wrdreg s21  }
0x1d: {  	s26 =	sadd.s32 s24, s3;
	s10 =	sadd.s32 s4, s2;
	[dreg:$0xe] =	wrdreg s23  }
0x1e: {  	s11 =	sshll.u32 s25, $0x4;
	s16 =	sadd.s32 s15, s2;
	[dreg:$0xf] =	wrdreg s26  }
0x1f: {  	s25 =	sshll.u32 s20, $0x4;
	[dreg:$0x10] =	wrdreg s10;
	s13 =	sadd.s32 s11, s3  }
0x20: {  	s11 =	sshll.u32 s12, $0x4;
	[dreg:$0x12] =	wrdreg s16;
	s10 =	sshll.u32 s18, $0x4  }
0x21: {  	s21 =	sadd.s32 s19, s2;
	s23 =	sshll.u32 s20, $0x6;
	[dreg:$0x11] =	wrdreg s13  }
0x22: {  	s26 =	sadd.s32 $0x140, s9;
	s12 =	sadd.s32 s25, s3;
	[dreg:$0x14] =	wrdreg s21  }
0x23: {  	s19 =	sadd.s32 $0x180, s9;
	s17 =	sadd.s32 s11, s3;
	[dreg:$0x17] =	wrdreg s12  }
0x24: {  	s25 =	sadd.s32 $0x1A0, s9;
	s22 =	sadd.s32 s10, s3;
	[dreg:$0x13] =	wrdreg s17  }
0x25: {  	s24 =	sadd.s32 s23, s2;
	s13 =	sshll.u32 s26, $0x6;
	[dreg:$0x15] =	wrdreg s22  }
0x26: {  	s11 =	sshll.u32 s26, $0x4;
	s4 =	sshll.u32 s25, $0x6;
	[dreg:$0x16] =	wrdreg s24  }
0x27: {  	s15 =	sadd.s32 s13, s2;
	s16 =	sadd.s32 s11, s3;
	s17 =	sadd.s32 $0x160, s9  }
0x28: {  	s22 =	sshll.u32 s19, $0x6;
	s24 =	sshll.u32 s19, $0x4;
	[dreg:$0x18] =	wrdreg s15  }
0x29: {  	s11 =	sshll.u32 s25, $0x4;
	s12 =	sadd.s32 s4, s2;
	[dreg:$0x19] =	wrdreg s16  }
0x2a: {  	s18 =	sshll.u32 s17, $0x6;
	s10 =	sshll.u32 s17, $0x4;
	s23 =	sadd.s32 s22, s2  }
0x2b: {  	s26 =	sadd.s32 s24, s3;
	[dreg:$0x1e] =	wrdreg s12;
	s13 =	sadd.s32 s11, s3  }
0x2c: {  	s15 =	sadd.s32 $0x1C0, s9;
	s17 =	sadd.s32 $0x1E0, s9;
	[dreg:$0x1c] =	wrdreg s23  }
0x2d: {  	s20 =	sadd.s32 s18, s2;
	s21 =	sadd.s32 s10, s3;
	[dreg:$0x1d] =	wrdreg s26  }
0x2e: {  	[dreg:$0x1f] =	wrdreg s13;
	s16 =	sshll.u32 s15, $0x6;
	s10 =	sshll.u32 s15, $0x4  }
0x2f: {  	s22 =	sshll.u32 s17, $0x4;
	s23 =	sadd.s32 $0x200, s9;
	[dreg:$0x1a] =	wrdreg s20  }
0x30: {  	s13 =	sadd.s32 $0x240, s9;
	[dreg:$0x1b] =	wrdreg s21;
	s18 =	sadd.s32 s16, s2  }
0x31: {  	s19 =	sadd.s32 s10, s3;
	s20 =	sshll.u32 s17, $0x6;
	s24 =	sadd.s32 s22, s3  }
0x32: {  	s25 =	sshll.u32 s23, $0x6;
	s11 =	sshll.u32 s23, $0x4;
	[smem:$0x7EF] =	sst s18  }
0x33: {  	s17 =	sshll.u32 s13, $0x6;
	[smem:$0x7F0] =	sst s19;
	s21 =	sadd.s32 s20, s2  }
0x34: {  	[smem:$0x7F2] =	sst s24;
	s26 =	sadd.s32 s25, s2;
	s10 =	sadd.s32 s11, s3  }
0x35: {  	s11 =	sadd.s32 $0x220, s9;
	s18 =	sadd.s32 s17, s2;
	s19 =	sshll.u32 s13, $0x4  }
0x36: {  	s9 =	sadd.s32 $0x260, s9;
	s24 =	sadd.s32 $0x47600, s1;
	[smem:$0x7F1] =	sst s21  }
0x37: {  	s25 =	sadd.s32 $0x3D600, s5;
	s1 =	simm.s32 $0x2;
	[smem:$0x7F3] =	sst s26  }
0x38: {  	s5 =	simm.s32 $0x4;
	s13 =	simm.s32 $0x3;
	[smem:$0x7F4] =	sst s10  }
0x39: {  	s12 =	sshll.u32 s11, $0x6;
	s10 =	sshll.u32 s11, $0x4;
	[smem:$0x7F7] =	sst s18  }
0x3a: {  	s20 =	sadd.s32 s19, s3;
	s21 =	sshll.u32 s9, $0x6;
	[smem:$0x7FB] =	sst s24  }
0x3b: {  	s9 =	sshll.u32 s9, $0x4;
	[smem:$0x7FC] =	sst s25;
	s26 =	smax.u32 s6, $0x1  }
0x3c: {  	s25 =	simm.s32 $0x9;
	s6 =	simm.s32 $0x6;
	s11 =	simm.s32 $0xDE80  }
0x3d: {  	s15 =	sadd.s32 s12, s2;
	s16 =	sadd.s32 s10, s3;
	[smem:$0x7F8] =	sst s20  }
.Ltmp0:
0x3e: {  	s22 =	sadd.s32 s21, s2;
	[smem:$0x7FD] =	sst s26;
	(pc) =	sbr.rel .LBB2_1-.Ltmp0, $4  }
0x3f: {  	s23 =	sadd.s32 s9, s3;
	s21 =	sadd.s32 $0x2400, s0;
	[smem:$0x7F5] =	sst s15  }
0x40: {  	s26 =	simm.s32 $0x11D00;
	s0 =	simm.s32 $0xFDC0;
	[smem:$0x7F6] =	sst s16  }
0x41: {  	s9 =	simm.s32 $0x1;
	s10 =	simm.s32 $0x7;
	[smem:$0x7F9] =	sst s22  }
0x42: {  	v0 =	vimm.f32 $0.0e+00;
	v1 =	vimm.f32 $1.000000000e+00;
	s12 =	simm.s32 $0x8;
	[smem:$0x7FA] =	sst s23;
	s15 =	simm.s32 $0x0  }
.LBB2_8:
0x43: {  	s4 =	simm.s32 $0x5  }
0x44: {  	_ =	swait.ge [sflag:s4], $0x1F40  }
0x45: {  	[sflag:s4] =	ssyncset.done $0x0  }
0x46: {  	[sflag:s4] =	ssyncadd.s32 $0xFFFFE0C0  }
0x47: {  	_ =	swait.ge [sflag:s6], $0x1F40  }
0x48: {  	[sflag:s6] =	ssyncset.done $0x0  }
0x49: {  	[sflag:s6] =	ssyncadd.s32 $0xFFFFE0C0  }
0x4a: {  	_ =	swait.ge [sflag:s10], $0x1F40  }
0x4b: {  	[sflag:s10] =	ssyncset.done $0x0  }
0x4c: {  	[sflag:s10] =	ssyncadd.s32 $0xFFFFE0C0  }
0x4d: {  	_ =	swait.ge [sflag:s12], $0x1F40  }
0x4e: {  	[sflag:s12] =	ssyncset.done $0x0  }
0x4f: {  	[sflag:s12] =	ssyncadd.s32 $0xFFFFE0C0  }
0x50: {  	[bflag:$0x0] =	sbarrier.arrive $0xFFFF  }
0x51: {  	s20 =	stileid.u32;
	s16 =	sld [smem:$0x7FB]  }
0x52: {  	s4 =	sshll.u32 s20, $0x6  }
0x53: {  	s14 =	sshrl.u32 s7, $0x3;
	s4 =	sor.u32 $0x1C09, s4  }
0x54: {  	[hbm:s16], [sflag:s4] =	dma.local [spmem:s14], $0x1400  }
0x55: {  	_ =	swait.ge [sflag:s25], $0x1400  }
0x56: {  	s23 =	sld [smem:$0x7FC]  }
0x57: {  	[sflag:s25] =	ssyncset.done $0x0  }
0x58: {  	s22 =	sshrl.u32 s8, $0x3;
	[sflag:s25] =	ssyncadd.s32 $0xFFFFEC00  }
0x59: {  	[hbm:s23], [sflag:s4] =	dma.local [spmem:s22], $0x500  }
0x5a: {  	_ =	swait.ge [sflag:s25], $0x500  }
0x5b: {  	s24 =	sld [smem:$0x7FD];
	_ =	sdelay $0x1  }
0x5c: {  	s15 =	sadd.s32 $0x1, s15  }
0x5d: {  	p2 =	sne.s32 s15, s24  }
.Ltmp1:
0x5e: {  	_ = 	snop;
	(pc) =	sbr.rel @!p2 .LBB2_9-.Ltmp1, $3  }
0x5f: {  	_ =	sdelay $0x1  }
0x60: {  	[sflag:s25] =	ssyncset.done $0x0  }
0x61: {  	s14 =	simm.s32 $0x0;
	[sflag:s25] =	ssyncadd.s32 $0xFFFFFB00  }
.LBB2_1:
0x62: {  	s4 =	rddreg [dreg:$0x4]  }
0x63: {  	[tilespmem:s14], [sflag:$0x9] =	stream.linear.gather [hbm4b:s4+s14], $0x5000, $0x38;
	[tilespmem:$0x1F6D0] =	vst v63  }
0x64: {  	_ =	swait.ge [sflag:s25], $0x5000  }
0x65: {  	[sflag:s25] =	ssyncset.done $0x0  }
0x66: {  	s16 =	simm.s32 $0x5000;
	s24 =	rddreg [dreg:$0x5];
	[sflag:s25] =	ssyncadd.s32 $0xFFFFB000  }
0x67: {  	[tilespmem:s16], [sflag:$0x9] =	stream.linear.gather [hbm4b:s24+s14], $0x5000, $0x38;
	[tilespmem:$0x1F6D0] =	vst v63  }
0x68: {  	_ =	swait.ge [sflag:s25], $0x5000  }
0x69: {  	[sflag:s25] =	ssyncset.done $0x0  }
0x6a: {  	s17 =	simm.s32 $0x100;
	s16 =	simm.s32 $0x0;
	[sflag:s25] =	ssyncadd.s32 $0xFFFFB000  }
.LBB2_2:
0x6b: {  	p2 =	sne.s32 s17, $0x1F00;
	[tilespmem:s16+$0x11D30] =	vst v0;
	s18 =	smov.u32 s17;
	s17 =	sadd.s32 $0x100, s17  }
.Ltmp2:
0x6c: {  	[tilespmem:s16+$0x11D20] =	vst v0;
	(pc) =	sbr.rel @p2 .LBB2_2-.Ltmp2, $3  }
0x6d: {  	[tilespmem:s16+$0x11D00] =	vst v0  }
0x6e: {  	[tilespmem:s16+$0x11D10] =	vst v0;
	_ =	sdelay $0x1  }
0x6f: {  	s16 =	sshra.s32 s18, $0x2  }
0x70: {  	[tilespmem:s16+$0x11D30] =	vst v0  }
0x71: {  	[tilespmem:s16+$0x11D20] =	vst v0  }
0x72: {  	[tilespmem:s16+$0x11D00] =	vst v0  }
0x73: {  	[tilespmem:s16+$0x11D10] =	vst v0  }
0x74: {  	[tilespmem:$0x1CCD0] =	vst v0  }
0x75: {  	[tilespmem:$0x1CCE0] =	vst v0  }
0x76: {  	[tilespmem:$0x1CCF0] =	vst v0  }
0x77: {  	[tilespmem:$0x1CD00] =	vst v0  }
0x78: {  	[tilespmem:$0x1CD10] =	vst v0  }
0x79: {  	[tilespmem:$0x1CD20] =	vst v0  }
0x7a: {  	[tilespmem:$0x1CD30] =	vst v0  }
0x7b: {  	[tilespmem:$0x1CD40] =	vst v0  }
0x7c: {  	[tilespmem:$0x1CD50] =	vst v0  }
0x7d: {  	[tilespmem:$0x1CD60] =	vst v0  }
0x7e: {  	[tilespmem:$0x1CD70] =	vst v0  }
0x7f: {  	[tilespmem:$0x1CD80] =	vst v0  }
0x80: {  	[tilespmem:$0x1CD90] =	vst v0  }
0x81: {  	[tilespmem:$0x1CDA0] =	vst v0  }
0x82: {  	[tilespmem:$0x1CDB0] =	vst v0  }
0x83: {  	[tilespmem:$0x1CDC0] =	vst v0  }
0x84: {  	[tilespmem:$0x1CDD0] =	vst v0  }
0x85: {  	[tilespmem:$0x1CDE0] =	vst v0  }
0x86: {  	[tilespmem:$0x1CDF0] =	vst v0  }
0x87: {  	[tilespmem:$0x1CE00] =	vst v0  }
0x88: {  	[tilespmem:$0x1CE10] =	vst v0  }
0x89: {  	[tilespmem:$0x1CE20] =	vst v0  }
0x8a: {  	[tilespmem:$0x1CE30] =	vst v0  }
0x8b: {  	[tilespmem:$0x1CE40] =	vst v0  }
0x8c: {  	[tilespmem:$0x1CE50] =	vst v0  }
0x8d: {  	[tilespmem:$0x1CE60] =	vst v0  }
0x8e: {  	[tilespmem:$0x1CE70] =	vst v0  }
0x8f: {  	[tilespmem:$0x1CE80] =	vst v0  }
0x90: {  	[tilespmem:$0x1CE90] =	vst v0  }
0x91: {  	[tilespmem:$0x1CEA0] =	vst v0  }
0x92: {  	[tilespmem:$0x1CEB0] =	vst v0  }
0x93: {  	s16 =	simm.s32 $0x40;
	s17 =	simm.s32 $0x0;
	[tilespmem:$0x1CEC0] =	vst v0  }
.LBB2_4:
0x94: {  	p2 =	sne.s32 s16, $0x1F00;
	[tilespmem:s17+$0x1C500] =	vst v1;
	s17 =	smov.u32 s16;
	s16 =	sadd.s32 $0x40, s16  }
.Ltmp3:
0x95: {  	(pc) =	sbr.rel @p2 .LBB2_4-.Ltmp3, $2  }
0x96: {  	_ =	sdelay $0x2  }
0x97: {  	s17 =	sshra.s32 s17, $0x2  }
0x98: {  	[tilespmem:s17+$0x1C500] =	vst v1  }
0x99: {  	[spmem:s7] =	stream.linear.scatter [tilespmem:s26], [sflag:$0x9], $0x800, $0x38;
	[tilespmem:$0x1F6D0] =	vst v63  }
0x9a: {  	_ =	swait.ge [sflag:s25], $0x800  }
0x9b: {  	[sflag:s25] =	ssyncset.done $0x0  }
0x9c: {  	[sflag:s25] =	ssyncadd.s32 $0xFFFFF800  }
0x9d: {  	[spmem:s8] =	stream.linear.scatter [tilespmem:s28], [sflag:$0x9], $0x200, $0x38;
	[tilespmem:$0x1F6D0] =	vst v63  }
0x9e: {  	_ =	swait.ge [sflag:s25], $0x200  }
0x9f: {  	[sflag:s25] =	ssyncset.done $0x0  }
0xa0: {  	s4 =	rddreg [dreg:$0x6];
	[sflag:s25] =	ssyncadd.s32 $0xFFFFFE00  }
0xa1: {  	[spmem:s4] =	stream.linear.scatter [tilespmem:s26], [sflag:$0x9], $0x800, $0x38;
	[tilespmem:$0x1F6D0] =	vst v63  }
0xa2: {  	_ =	swait.ge [sflag:s25], $0x800  }
0xa3: {  	[sflag:s25] =	ssyncset.done $0x0  }
0xa4: {  	s23 =	rddreg [dreg:$0x7];
	[sflag:s25] =	ssyncadd.s32 $0xFFFFF800  }
0xa5: {  	[spmem:s23] =	stream.linear.scatter [tilespmem:s28], [sflag:$0x9], $0x200, $0x38;
	[tilespmem:$0x1F6D0] =	vst v63  }
0xa6: {  	_ =	swait.ge [sflag:s25], $0x200  }
0xa7: {  	[sflag:s25] =	ssyncset.done $0x0  }
0xa8: {  	s24 =	rddreg [dreg:$0x8];
	[sflag:s25] =	ssyncadd.s32 $0xFFFFFE00  }
0xa9: {  	[spmem:s24] =	stream.linear.scatter [tilespmem:s26], [sflag:$0x9], $0x800, $0x38;
	[tilespmem:$0x1F6D0] =	vst v63  }
0xaa: {  	_ =	swait.ge [sflag:s25], $0x800  }
0xab: {  	[sflag:s25] =	ssyncset.done $0x0  }
0xac: {  	s16 =	rddreg [dreg:$0x9];
	[sflag:s25] =	ssyncadd.s32 $0xFFFFF800  }
0xad: {  	[spmem:s16] =	stream.linear.scatter [tilespmem:s28], [sflag:$0x9], $0x200, $0x38;
	[tilespmem:$0x1F6D0] =	vst v63  }
0xae: {  	_ =	swait.ge [sflag:s25], $0x200  }
0xaf: {  	[sflag:s25] =	ssyncset.done $0x0  }
0xb0: {  	s17 =	rddreg [dreg:$0xa];
	[sflag:s25] =	ssyncadd.s32 $0xFFFFFE00  }
0xb1: {  	[spmem:s17] =	stream.linear.scatter [tilespmem:s26], [sflag:$0x9], $0x800, $0x38;
	[tilespmem:$0x1F6D0] =	vst v63  }
0xb2: {  	_ =	swait.ge [sflag:s25], $0x800  }
0xb3: {  	[sflag:s25] =	ssyncset.done $0x0  }
0xb4: {  	s18 =	rddreg [dreg:$0xb];
	[sflag:s25] =	ssyncadd.s32 $0xFFFFF800  }
0xb5: {  	[spmem:s18] =	stream.linear.scatter [tilespmem:s28], [sflag:$0x9], $0x200, $0x38;
	[tilespmem:$0x1F6D0] =	vst v63  }
0xb6: {  	_ =	swait.ge [sflag:s25], $0x200  }
0xb7: {  	[sflag:s25] =	ssyncset.done $0x0  }
0xb8: {  	s19 =	rddreg [dreg:$0xc];
	[sflag:s25] =	ssyncadd.s32 $0xFFFFFE00  }
0xb9: {  	[spmem:s19] =	stream.linear.scatter [tilespmem:s26], [sflag:$0x9], $0x800, $0x38;
	[tilespmem:$0x1F6D0] =	vst v63  }
0xba: {  	_ =	swait.ge [sflag:s25], $0x800  }
0xbb: {  	[sflag:s25] =	ssyncset.done $0x0  }
0xbc: {  	s20 =	rddreg [dreg:$0xd];
	[sflag:s25] =	ssyncadd.s32 $0xFFFFF800  }
0xbd: {  	[spmem:s20] =	stream.linear.scatter [tilespmem:s28], [sflag:$0x9], $0x200, $0x38;
	[tilespmem:$0x1F6D0] =	vst v63  }
0xbe: {  	_ =	swait.ge [sflag:s25], $0x200  }
0xbf: {  	[sflag:s25] =	ssyncset.done $0x0  }
0xc0: {  	s22 =	rddreg [dreg:$0xe];
	[sflag:s25] =	ssyncadd.s32 $0xFFFFFE00  }
0xc1: {  	[spmem:s22] =	stream.linear.scatter [tilespmem:s26], [sflag:$0x9], $0x800, $0x38;
	[tilespmem:$0x1F6D0] =	vst v63  }
0xc2: {  	_ =	swait.ge [sflag:s25], $0x800  }
0xc3: {  	[sflag:s25] =	ssyncset.done $0x0  }
0xc4: {  	s23 =	rddreg [dreg:$0xf];
	[sflag:s25] =	ssyncadd.s32 $0xFFFFF800  }
0xc5: {  	[spmem:s23] =	stream.linear.scatter [tilespmem:s28], [sflag:$0x9], $0x200, $0x38;
	[tilespmem:$0x1F6D0] =	vst v63  }
0xc6: {  	_ =	swait.ge [sflag:s25], $0x200  }
0xc7: {  	[sflag:s25] =	ssyncset.done $0x0  }
0xc8: {  	s24 =	rddreg [dreg:$0x10];
	[sflag:s25] =	ssyncadd.s32 $0xFFFFFE00  }
0xc9: {  	[spmem:s24] =	stream.linear.scatter [tilespmem:s26], [sflag:$0x9], $0x800, $0x38;
	[tilespmem:$0x1F6D0] =	vst v63  }
0xca: {  	_ =	swait.ge [sflag:s25], $0x800  }
0xcb: {  	[sflag:s25] =	ssyncset.done $0x0  }
0xcc: {  	s16 =	rddreg [dreg:$0x11];
	[sflag:s25] =	ssyncadd.s32 $0xFFFFF800  }
0xcd: {  	[spmem:s16] =	stream.linear.scatter [tilespmem:s28], [sflag:$0x9], $0x200, $0x38;
	[tilespmem:$0x1F6D0] =	vst v63  }
0xce: {  	_ =	swait.ge [sflag:s25], $0x200  }
0xcf: {  	[sflag:s25] =	ssyncset.done $0x0  }
0xd0: {  	s17 =	rddreg [dreg:$0x12];
	[sflag:s25] =	ssyncadd.s32 $0xFFFFFE00  }
0xd1: {  	[spmem:s17] =	stream.linear.scatter [tilespmem:s26], [sflag:$0x9], $0x800, $0x38;
	[tilespmem:$0x1F6D0] =	vst v63  }
0xd2: {  	_ =	swait.ge [sflag:s25], $0x800  }
0xd3: {  	[sflag:s25] =	ssyncset.done $0x0  }
0xd4: {  	s18 =	rddreg [dreg:$0x13];
	[sflag:s25] =	ssyncadd.s32 $0xFFFFF800  }
0xd5: {  	[spmem:s18] =	stream.linear.scatter [tilespmem:s28], [sflag:$0x9], $0x200, $0x38;
	[tilespmem:$0x1F6D0] =	vst v63  }
0xd6: {  	_ =	swait.ge [sflag:s25], $0x200  }
0xd7: {  	[sflag:s25] =	ssyncset.done $0x0  }
0xd8: {  	s19 =	rddreg [dreg:$0x14];
	[sflag:s25] =	ssyncadd.s32 $0xFFFFFE00  }
0xd9: {  	[spmem:s19] =	stream.linear.scatter [tilespmem:s26], [sflag:$0x9], $0x800, $0x38;
	[tilespmem:$0x1F6D0] =	vst v63  }
0xda: {  	_ =	swait.ge [sflag:s25], $0x800  }
0xdb: {  	[sflag:s25] =	ssyncset.done $0x0  }
0xdc: {  	s20 =	rddreg [dreg:$0x15];
	[sflag:s25] =	ssyncadd.s32 $0xFFFFF800  }
0xdd: {  	[spmem:s20] =	stream.linear.scatter [tilespmem:s28], [sflag:$0x9], $0x200, $0x38;
	[tilespmem:$0x1F6D0] =	vst v63  }
0xde: {  	_ =	swait.ge [sflag:s25], $0x200  }
0xdf: {  	[sflag:s25] =	ssyncset.done $0x0  }
0xe0: {  	s22 =	rddreg [dreg:$0x16];
	[sflag:s25] =	ssyncadd.s32 $0xFFFFFE00  }
0xe1: {  	[spmem:s22] =	stream.linear.scatter [tilespmem:s26], [sflag:$0x9], $0x800, $0x38;
	[tilespmem:$0x1F6D0] =	vst v63  }
0xe2: {  	_ =	swait.ge [sflag:s25], $0x800  }
0xe3: {  	[sflag:s25] =	ssyncset.done $0x0  }
0xe4: {  	s23 =	rddreg [dreg:$0x17];
	[sflag:s25] =	ssyncadd.s32 $0xFFFFF800  }
0xe5: {  	[spmem:s23] =	stream.linear.scatter [tilespmem:s28], [sflag:$0x9], $0x200, $0x38;
	[tilespmem:$0x1F6D0] =	vst v63  }
0xe6: {  	_ =	swait.ge [sflag:s25], $0x200  }
0xe7: {  	[sflag:s25] =	ssyncset.done $0x0  }
0xe8: {  	s24 =	rddreg [dreg:$0x18];
	[sflag:s25] =	ssyncadd.s32 $0xFFFFFE00  }
0xe9: {  	[spmem:s24] =	stream.linear.scatter [tilespmem:s26], [sflag:$0x9], $0x800, $0x38;
	[tilespmem:$0x1F6D0] =	vst v63  }
0xea: {  	_ =	swait.ge [sflag:s25], $0x800  }
0xeb: {  	[sflag:s25] =	ssyncset.done $0x0  }
0xec: {  	s16 =	rddreg [dreg:$0x19];
	[sflag:s25] =	ssyncadd.s32 $0xFFFFF800  }
0xed: {  	[spmem:s16] =	stream.linear.scatter [tilespmem:s28], [sflag:$0x9], $0x200, $0x38;
	[tilespmem:$0x1F6D0] =	vst v63  }
0xee: {  	_ =	swait.ge [sflag:s25], $0x200  }
0xef: {  	[sflag:s25] =	ssyncset.done $0x0  }
0xf0: {  	s17 =	rddreg [dreg:$0x1a];
	[sflag:s25] =	ssyncadd.s32 $0xFFFFFE00  }
0xf1: {  	[spmem:s17] =	stream.linear.scatter [tilespmem:s26], [sflag:$0x9], $0x800, $0x38;
	[tilespmem:$0x1F6D0] =	vst v63  }
0xf2: {  	_ =	swait.ge [sflag:s25], $0x800  }
0xf3: {  	[sflag:s25] =	ssyncset.done $0x0  }
0xf4: {  	s18 =	rddreg [dreg:$0x1b];
	[sflag:s25] =	ssyncadd.s32 $0xFFFFF800  }
0xf5: {  	[spmem:s18] =	stream.linear.scatter [tilespmem:s28], [sflag:$0x9], $0x200, $0x38;
	[tilespmem:$0x1F6D0] =	vst v63  }
0xf6: {  	_ =	swait.ge [sflag:s25], $0x200  }
0xf7: {  	[sflag:s25] =	ssyncset.done $0x0  }
0xf8: {  	s19 =	rddreg [dreg:$0x1c];
	[sflag:s25] =	ssyncadd.s32 $0xFFFFFE00  }
0xf9: {  	[spmem:s19] =	stream.linear.scatter [tilespmem:s26], [sflag:$0x9], $0x800, $0x38;
	[tilespmem:$0x1F6D0] =	vst v63  }
0xfa: {  	_ =	swait.ge [sflag:s25], $0x800  }
0xfb: {  	[sflag:s25] =	ssyncset.done $0x0  }
0xfc: {  	s20 =	rddreg [dreg:$0x1d];
	[sflag:s25] =	ssyncadd.s32 $0xFFFFF800  }
0xfd: {  	[spmem:s20] =	stream.linear.scatter [tilespmem:s28], [sflag:$0x9], $0x200, $0x38;
	[tilespmem:$0x1F6D0] =	vst v63  }
0xfe: {  	_ =	swait.ge [sflag:s25], $0x200  }
0xff: {  	[sflag:s25] =	ssyncset.done $0x0  }
0x100: {  	s22 =	rddreg [dreg:$0x1e];
	[sflag:s25] =	ssyncadd.s32 $0xFFFFFE00  }
0x101: {  	[spmem:s22] =	stream.linear.scatter [tilespmem:s26], [sflag:$0x9], $0x800, $0x38;
	[tilespmem:$0x1F6D0] =	vst v63  }
0x102: {  	_ =	swait.ge [sflag:s25], $0x800  }
0x103: {  	[sflag:s25] =	ssyncset.done $0x0  }
0x104: {  	s23 =	rddreg [dreg:$0x1f];
	[sflag:s25] =	ssyncadd.s32 $0xFFFFF800  }
0x105: {  	[spmem:s23] =	stream.linear.scatter [tilespmem:s28], [sflag:$0x9], $0x200, $0x38;
	[tilespmem:$0x1F6D0] =	vst v63  }
0x106: {  	_ =	swait.ge [sflag:s25], $0x200  }
0x107: {  	s24 =	sld [smem:$0x7EF]  }
0x108: {  	[sflag:s25] =	ssyncset.done $0x0  }
0x109: {  	[sflag:s25] =	ssyncadd.s32 $0xFFFFFE00  }
0x10a: {  	[spmem:s24] =	stream.linear.scatter [tilespmem:s26], [sflag:$0x9], $0x800, $0x38;
	[tilespmem:$0x1F6D0] =	vst v63  }
0x10b: {  	_ =	swait.ge [sflag:s25], $0x800  }
0x10c: {  	s16 =	sld [smem:$0x7F0]  }
0x10d: {  	[sflag:s25] =	ssyncset.done $0x0  }
0x10e: {  	[sflag:s25] =	ssyncadd.s32 $0xFFFFF800  }
0x10f: {  	[spmem:s16] =	stream.linear.scatter [tilespmem:s28], [sflag:$0x9], $0x200, $0x38;
	[tilespmem:$0x1F6D0] =	vst v63  }
0x110: {  	_ =	swait.ge [sflag:s25], $0x200  }
0x111: {  	s17 =	sld [smem:$0x7F1]  }
0x112: {  	[sflag:s25] =	ssyncset.done $0x0  }
0x113: {  	[sflag:s25] =	ssyncadd.s32 $0xFFFFFE00  }
0x114: {  	[spmem:s17] =	stream.linear.scatter [tilespmem:s26], [sflag:$0x9], $0x800, $0x38;
	[tilespmem:$0x1F6D0] =	vst v63  }
0x115: {  	_ =	swait.ge [sflag:s25], $0x800  }
0x116: {  	s18 =	sld [smem:$0x7F2]  }
0x117: {  	[sflag:s25] =	ssyncset.done $0x0  }
0x118: {  	[sflag:s25] =	ssyncadd.s32 $0xFFFFF800  }
0x119: {  	[spmem:s18] =	stream.linear.scatter [tilespmem:s28], [sflag:$0x9], $0x200, $0x38;
	[tilespmem:$0x1F6D0] =	vst v63  }
0x11a: {  	_ =	swait.ge [sflag:s25], $0x200  }
0x11b: {  	s19 =	sld [smem:$0x7F3]  }
0x11c: {  	[sflag:s25] =	ssyncset.done $0x0  }
0x11d: {  	[sflag:s25] =	ssyncadd.s32 $0xFFFFFE00  }
0x11e: {  	[spmem:s19] =	stream.linear.scatter [tilespmem:s26], [sflag:$0x9], $0x800, $0x38;
	[tilespmem:$0x1F6D0] =	vst v63  }
0x11f: {  	_ =	swait.ge [sflag:s25], $0x800  }
0x120: {  	s20 =	sld [smem:$0x7F4]  }
0x121: {  	[sflag:s25] =	ssyncset.done $0x0  }
0x122: {  	[sflag:s25] =	ssyncadd.s32 $0xFFFFF800  }
0x123: {  	[spmem:s20] =	stream.linear.scatter [tilespmem:s28], [sflag:$0x9], $0x200, $0x38;
	[tilespmem:$0x1F6D0] =	vst v63  }
0x124: {  	_ =	swait.ge [sflag:s25], $0x200  }
0x125: {  	s22 =	sld [smem:$0x7F5]  }
0x126: {  	[sflag:s25] =	ssyncset.done $0x0  }
0x127: {  	[sflag:s25] =	ssyncadd.s32 $0xFFFFFE00  }
0x128: {  	[spmem:s22] =	stream.linear.scatter [tilespmem:s26], [sflag:$0x9], $0x800, $0x38;
	[tilespmem:$0x1F6D0] =	vst v63  }
0x129: {  	_ =	swait.ge [sflag:s25], $0x800  }
0x12a: {  	s23 =	sld [smem:$0x7F6]  }
0x12b: {  	[sflag:s25] =	ssyncset.done $0x0  }
0x12c: {  	[sflag:s25] =	ssyncadd.s32 $0xFFFFF800  }
0x12d: {  	[spmem:s23] =	stream.linear.scatter [tilespmem:s28], [sflag:$0x9], $0x200, $0x38;
	[tilespmem:$0x1F6D0] =	vst v63  }
0x12e: {  	_ =	swait.ge [sflag:s25], $0x200  }
0x12f: {  	s24 =	sld [smem:$0x7F7]  }
0x130: {  	[sflag:s25] =	ssyncset.done $0x0  }
0x131: {  	[sflag:s25] =	ssyncadd.s32 $0xFFFFFE00  }
0x132: {  	[spmem:s24] =	stream.linear.scatter [tilespmem:s26], [sflag:$0x9], $0x800, $0x38;
	[tilespmem:$0x1F6D0] =	vst v63  }
0x133: {  	_ =	swait.ge [sflag:s25], $0x800  }
0x134: {  	s16 =	sld [smem:$0x7F8]  }
0x135: {  	[sflag:s25] =	ssyncset.done $0x0  }
0x136: {  	[sflag:s25] =	ssyncadd.s32 $0xFFFFF800  }
0x137: {  	[spmem:s16] =	stream.linear.scatter [tilespmem:s28], [sflag:$0x9], $0x200, $0x38;
	[tilespmem:$0x1F6D0] =	vst v63  }
0x138: {  	_ =	swait.ge [sflag:s25], $0x200  }
0x139: {  	s17 =	sld [smem:$0x7F9]  }
0x13a: {  	[sflag:s25] =	ssyncset.done $0x0  }
0x13b: {  	[sflag:s25] =	ssyncadd.s32 $0xFFFFFE00  }
0x13c: {  	[spmem:s17] =	stream.linear.scatter [tilespmem:s26], [sflag:$0x9], $0x800, $0x38;
	[tilespmem:$0x1F6D0] =	vst v63  }
0x13d: {  	_ =	swait.ge [sflag:s25], $0x800  }
0x13e: {  	s18 =	sld [smem:$0x7FA]  }
0x13f: {  	[sflag:s25] =	ssyncset.done $0x0  }
0x140: {  	[sflag:s25] =	ssyncadd.s32 $0xFFFFF800  }
0x141: {  	[spmem:s18] =	stream.linear.scatter [tilespmem:s28], [sflag:$0x9], $0x200, $0x38;
	[tilespmem:$0x1F6D0] =	vst v63  }
0x142: {  	_ =	swait.ge [sflag:s25], $0x200  }
0x143: {  	[sflag:s25] =	ssyncset.done $0x0  }
0x144: {  	[sflag:s25] =	ssyncadd.s32 $0xFFFFFE00  }
0x145: {  	[bflag:$0x0] =	sbarrier.arrive $0xFFFF  }
0x146: {  	[tilespmem:s30], [sflag:$0x1] =	stream.indirect.gather [hbm4b:s21+s29], $0x40, s14, s29, $0xb8;
	[tilespmem:$0x1F6D0] =	vst v63  }
0x147: {  	s19 =	simm.s32 $0x80;
	s16 =	simm.s32 @p0 $0x1  }
0x148: {  	[tilespmem:s31], [sflag:$0x2] =	stream.indirect.gather [hbm4b:s21+s29], $0x40, s19, s29, $0xb8;
	[tilespmem:$0x1F6D0] =	vst v63  }
0x149: {  	_ =	swait.ge @p0 [sflag:s16], $0x1F40  }
0x14a: {  	s17 =	simm.s32 @p0 $0x5000;
	[sflag:s16] =	ssyncset.done @p0 $0x0  }
0x14b: {  	s18 =	simm.s32 @p0 $0xA000;
	[sflag:s16] =	ssyncadd.s32 @p0 $0xFFFFE0C0;
	s16 =	simm.s32 @p0 $0x7D  }
0x14c: {  	[spmem:s2] =	stream.indirect.scatter.add.f32 @p0 [tilespmem:s18], [sflag:$0x5], $0x40, s17, s16, $0xb8;
	[tilespmem:$0x1F6D0] =	vst v63  }
0x14d: {  	s20 =	simm.s32 @!p0 $0x5000;
	s19 =	simm.s32 @p0 $0xDE80;
	s17 =	simm.s32 @p0 $0x100  }
0x14e: {  	[tilespmem:s19], [sflag:$0x3] =	stream.indirect.gather @p0 [hbm4b:s21+s16], $0x40, s17, s16, $0xb8;
	[tilespmem:$0x1F6D0] =	vst v63  }
0x14f: {  	s22 =	simm.s32 @!p0 $0x1C500;
	s23 =	simm.s32 @!p0 $0x9;
	s17 =	simm.s32 @!p0 $0x7D  }
0x150: {  	[spmem:s3] =	stream.indirect.scatter.add.f32 @!p0 [tilespmem:s22], [sflag:$0x9], $0x10, s20, s17, $0xb8;
	[tilespmem:$0x1F6D0] =	vst v63  }
0x151: {  	_ =	swait.ge @!p0 [sflag:s23], $0x7D0  }
0x152: {  	[sflag:s23] =	ssyncset.done @!p0 $0x0  }
0x153: {  	s24 =	simm.s32 @!p0 $0x1;
	[sflag:s23] =	ssyncadd.s32 @!p0 $0xFFFFF830  }
0x154: {  	_ =	swait.ge @!p0 [sflag:s24], $0x1F40  }
0x155: {  	[sflag:s24] =	ssyncset.done @!p0 $0x0  }
0x156: {  	[sflag:s24] =	ssyncadd.s32 @!p0 $0xFFFFE0C0;
	s24 =	simm.s32 @!p0 $0xA000  }
0x157: {  	[spmem:s2] =	stream.indirect.scatter.add.f32 @!p0 [tilespmem:s24], [sflag:$0x5], $0x40, s20, s17, $0xb8;
	[tilespmem:$0x1F6D0] =	vst v63  }
0x158: {  	s4 =	simm.s32 @!p0 $0xDE80;
	s20 =	simm.s32 @!p0 $0x100  }
0x159: {  	[tilespmem:s4], [sflag:$0x3] =	stream.indirect.gather @!p0 [hbm4b:s21+s17], $0x40, s20, s17, $0xb8;
	[tilespmem:$0x1F6D0] =	vst v63  }
0x15a: {  	s20 =	simm.s32 @!p0 $0x5080  }
0x15b: {  	[spmem:s3] =	stream.indirect.scatter.add.f32 @!p0 [tilespmem:s22], [sflag:$0x9], $0x10, s20, s17, $0xb8;
	[tilespmem:$0x1F6D0] =	vst v63  }
0x15c: {  	_ =	swait.ge @!p0 [sflag:s23], $0x7D0  }
0x15d: {  	[sflag:s23] =	ssyncset.done @!p0 $0x0  }
0x15e: {  	[sflag:s23] =	ssyncadd.s32 @!p0 $0xFFFFF830  }
0x15f: {  	_ =	swait.ge [sflag:s1], $0x1F40  }
0x160: {  	[sflag:s1] =	ssyncset.done $0x0  }
0x161: {  	s20 =	simm.s32 $0x5080;
	[sflag:s1] =	ssyncadd.s32 $0xFFFFE0C0  }
0x162: {  	[spmem:s2] =	stream.indirect.scatter.add.f32 [tilespmem:s31], [sflag:$0x6], $0x40, s20, s29, $0xb8;
	[tilespmem:$0x1F6D0] =	vst v63  }
0x163: {  	s20 =	simm.s32 $0x180  }
0x164: {  	[tilespmem:s0], [sflag:$0x4] =	stream.indirect.gather [hbm4b:s21+s29], $0x40, s20, s29, $0xb8;
	[tilespmem:$0x1F6D0] =	vst v63  }
0x165: {  	s20 =	simm.s32 @p0 $0x3  }
0x166: {  	_ =	swait.ge @p0 [sflag:s20], $0x1F40  }
0x167: {  	[sflag:s20] =	ssyncset.done @p0 $0x0  }
0x168: {  	[sflag:s20] =	ssyncadd.s32 @p0 $0xFFFFE0C0;
	s20 =	simm.s32 @p0 $0x5100  }
0x169: {  	[spmem:s2] =	stream.indirect.scatter.add.f32 @p0 [tilespmem:s19], [sflag:$0x7], $0x40, s20, s16, $0xb8;
	[tilespmem:$0x1F6D0] =	vst v63  }
0x16a: {  	s19 =	simm.s32 @p0 $0x5  }
0x16b: {  	_ =	swait.ge @p0 [sflag:s19], $0x1F40  }
0x16c: {  	[sflag:s19] =	ssyncset.done @p0 $0x0  }
0x16d: {  	[sflag:s19] =	ssyncadd.s32 @p0 $0xFFFFE0C0;
	s19 =	simm.s32 @p0 $0x200  }
0x16e: {  	[tilespmem:s18], [sflag:$0x1] =	stream.indirect.gather @p0 [hbm4b:s21+s16], $0x40, s19, s16, $0xb8;
	[tilespmem:$0x1F6D0] =	vst v63  }
0x16f: {  	s16 =	simm.s32 @!p0 $0x5100  }
0x170: {  	[spmem:s3] =	stream.indirect.scatter.add.f32 @!p0 [tilespmem:s22], [sflag:$0x9], $0x10, s16, s17, $0xb8;
	[tilespmem:$0x1F6D0] =	vst v63  }
0x171: {  	_ =	swait.ge @!p0 [sflag:s23], $0x7D0  }
0x172: {  	[sflag:s23] =	ssyncset.done @!p0 $0x0  }
0x173: {  	s18 =	simm.s32 @!p0 $0x3;
	[sflag:s23] =	ssyncadd.s32 @!p0 $0xFFFFF830  }
0x174: {  	_ =	swait.ge @!p0 [sflag:s18], $0x1F40  }
0x175: {  	[sflag:s18] =	ssyncset.done @!p0 $0x0  }
0x176: {  	[sflag:s18] =	ssyncadd.s32 @!p0 $0xFFFFE0C0  }
0x177: {  	[spmem:s2] =	stream.indirect.scatter.add.f32 @!p0 [tilespmem:s4], [sflag:$0x7], $0x40, s16, s17, $0xb8;
	[tilespmem:$0x1F6D0] =	vst v63  }
0x178: {  	s4 =	simm.s32 @!p0 $0x5  }
0x179: {  	_ =	swait.ge @!p0 [sflag:s4], $0x1F40  }
0x17a: {  	[sflag:s4] =	ssyncset.done @!p0 $0x0  }
0x17b: {  	[sflag:s4] =	ssyncadd.s32 @!p0 $0xFFFFE0C0;
	s4 =	simm.s32 @!p0 $0x200  }
0x17c: {  	[tilespmem:s24], [sflag:$0x1] =	stream.indirect.gather @!p0 [hbm4b:s21+s17], $0x40, s4, s17, $0xb8;
	[tilespmem:$0x1F6D0] =	vst v63  }
0x17d: {  	s4 =	simm.s32 @!p0 $0x5180  }
0x17e: {  	[spmem:s3] =	stream.indirect.scatter.add.f32 @!p0 [tilespmem:s22], [sflag:$0x9], $0x10, s4, s17, $0xb8;
	[tilespmem:$0x1F6D0] =	vst v63  }
0x17f: {  	_ =	swait.ge @!p0 [sflag:s23], $0x7D0  }
0x180: {  	[sflag:s23] =	ssyncset.done @!p0 $0x0  }
0x181: {  	[sflag:s23] =	ssyncadd.s32 @!p0 $0xFFFFF830  }
0x182: {  	_ =	swait.ge [sflag:s5], $0x1F40  }
0x183: {  	[sflag:s5] =	ssyncset.done $0x0  }
0x184: {  	s23 =	simm.s32 $0x5180;
	[sflag:s5] =	ssyncadd.s32 $0xFFFFE0C0  }
0x185: {  	[spmem:s2] =	stream.indirect.scatter.add.f32 [tilespmem:s0], [sflag:$0x8], $0x40, s23, s29, $0xb8;
	[tilespmem:$0x1F6D0] =	vst v63  }
0x186: {  	_ =	swait.ge [sflag:s6], $0x1F40  }
0x187: {  	s16 =	simm.s32 $0x1;
	[sflag:s6] =	ssyncset.done $0x0  }
0x188: {  	s24 =	simm.s32 $0x280;
	s17 =	simm.s32 $0x0;
	[sflag:s6] =	ssyncadd.s32 $0xFFFFE0C0  }
0x189: {  	[tilespmem:s31], [sflag:$0x2] =	stream.indirect.gather [hbm4b:s21+s29], $0x40, s24, s29, $0xb8;
	[tilespmem:$0x1F6D0] =	vst v63  }
.LBB2_6:
0x18a: {  	p3 =	slt.u32 s16, $0x14;
	p2 =	por p1, p1  }
0x18b: {  	p2 =	por @!p3 p0, p0  }
0x18c: {  	s4 =	sshra.s32 @p2 s17, $0x2;
	s19 =	simm.s32 @p2 $0x7D  }
0x18d: {  	s20 =	simm.s32 @p2 $0x1C500;
	s22 =	simm.s32 @p2 $0x9;
	s18 =	sadd.s32 @p2 $0x5200, s4  }
0x18e: {  	[spmem:s3] =	stream.indirect.scatter.add.f32 @p2 [tilespmem:s20], [sflag:$0x9], $0x10, s18, s19, $0xb8;
	[tilespmem:$0x1F6D0] =	vst v63  }
0x18f: {  	_ =	swait.ge @p2 [sflag:s22], $0x7D0  }
0x190: {  	[sflag:s22] =	ssyncset.done @p2 $0x0  }
0x191: {  	[sflag:s22] =	ssyncadd.s32 @p2 $0xFFFFF830  }
0x192: {  	_ =	swait.ge [sflag:s9], $0x1F40  }
0x193: {  	s18 =	sshra.s32 s17, $0x2;
	[sflag:s9] =	ssyncset.done $0x0  }
0x194: {  	s23 =	sadd.s32 $0x5200, s18;
	[sflag:s9] =	ssyncadd.s32 $0xFFFFE0C0  }
0x195: {  	[spmem:s2] =	stream.indirect.scatter.add.f32 [tilespmem:s30], [sflag:$0x5], $0x40, s23, s29, $0xb8;
	[tilespmem:$0x1F6D0] =	vst v63  }
0x196: {  	_ =	swait.ge [sflag:s10], $0x1F40  }
0x197: {  	[sflag:s10] =	ssyncset.done $0x0  }
0x198: {  	s24 =	sadd.s32 $0x300, s18;
	[sflag:s10] =	ssyncadd.s32 $0xFFFFE0C0  }
0x199: {  	[tilespmem:s11], [sflag:$0x3] =	stream.indirect.gather [hbm4b:s21+s29], $0x40, s24, s29, $0xb8;
	[tilespmem:$0x1F6D0] =	vst v63  }
0x19a: {  	s23 =	sadd.s32 @p2 $0x5280, s4  }
0x19b: {  	[spmem:s3] =	stream.indirect.scatter.add.f32 @p2 [tilespmem:s20], [sflag:$0x9], $0x10, s23, s19, $0xb8;
	[tilespmem:$0x1F6D0] =	vst v63  }
0x19c: {  	_ =	swait.ge @p2 [sflag:s22], $0x7D0  }
0x19d: {  	[sflag:s22] =	ssyncset.done @p2 $0x0  }
0x19e: {  	[sflag:s22] =	ssyncadd.s32 @p2 $0xFFFFF830  }
0x19f: {  	_ =	swait.ge [sflag:s1], $0x1F40  }
0x1a0: {  	[sflag:s1] =	ssyncset.done $0x0  }
0x1a1: {  	s14 =	sadd.s32 $0x5280, s18;
	[sflag:s1] =	ssyncadd.s32 $0xFFFFE0C0  }
0x1a2: {  	[spmem:s2] =	stream.indirect.scatter.add.f32 [tilespmem:s31], [sflag:$0x6], $0x40, s14, s29, $0xb8;
	[tilespmem:$0x1F6D0] =	vst v63  }
0x1a3: {  	_ =	swait.ge [sflag:s12], $0x1F40  }
0x1a4: {  	[sflag:s12] =	ssyncset.done $0x0  }
0x1a5: {  	s24 =	sadd.s32 $0x380, s18;
	[sflag:s12] =	ssyncadd.s32 $0xFFFFE0C0  }
0x1a6: {  	[tilespmem:s0], [sflag:$0x4] =	stream.indirect.gather [hbm4b:s21+s29], $0x40, s24, s29, $0xb8;
	[tilespmem:$0x1F6D0] =	vst v63  }
0x1a7: {  	s23 =	sadd.s32 @p2 $0x5300, s4  }
0x1a8: {  	[spmem:s3] =	stream.indirect.scatter.add.f32 @p2 [tilespmem:s20], [sflag:$0x9], $0x10, s23, s19, $0xb8;
	[tilespmem:$0x1F6D0] =	vst v63  }
0x1a9: {  	_ =	swait.ge @p2 [sflag:s22], $0x7D0  }
0x1aa: {  	[sflag:s22] =	ssyncset.done @p2 $0x0  }
0x1ab: {  	[sflag:s22] =	ssyncadd.s32 @p2 $0xFFFFF830  }
0x1ac: {  	_ =	swait.ge [sflag:s13], $0x1F40  }
0x1ad: {  	p3 =	seq.s32 s17, $0x13000;
	[sflag:s13] =	ssyncset.done $0x0  }
0x1ae: {  	s14 =	sadd.s32 $0x5300, s18;
	s23 =	simm.s32 @!p3 $0x5;
	[sflag:s13] =	ssyncadd.s32 $0xFFFFE0C0  }
0x1af: {  	[spmem:s2] =	stream.indirect.scatter.add.f32 [tilespmem:s11], [sflag:$0x7], $0x40, s14, s29, $0xb8;
	[tilespmem:$0x1F6D0] =	vst v63  }
0x1b0: {  	_ =	swait.ge @!p3 [sflag:s23], $0x1F40  }
0x1b1: {  	[sflag:s23] =	ssyncset.done @!p3 $0x0  }
0x1b2: {  	[sflag:s23] =	ssyncadd.s32 @!p3 $0xFFFFE0C0;
	s23 =	sshra.s32 @!p3 s17, $0x2  }
0x1b3: {  	s24 =	simm.s32 @!p3 $0x7D;
	s14 =	simm.s32 @!p3 $0xA000;
	s23 =	sadd.s32 @!p3 $0x400, s23  }
0x1b4: {  	[tilespmem:s14], [sflag:$0x1] =	stream.indirect.gather @!p3 [hbm4b:s21+s24], $0x40, s23, s24, $0xb8;
	[tilespmem:$0x1F6D0] =	vst v63  }
0x1b5: {  	s4 =	sadd.s32 @p2 $0x5380, s4  }
0x1b6: {  	[spmem:s3] =	stream.indirect.scatter.add.f32 @p2 [tilespmem:s20], [sflag:$0x9], $0x10, s4, s19, $0xb8;
	[tilespmem:$0x1F6D0] =	vst v63  }
0x1b7: {  	_ =	swait.ge @p2 [sflag:s22], $0x7D0  }
0x1b8: {  	[sflag:s22] =	ssyncset.done @p2 $0x0  }
.Ltmp4:
0x1b9: {  	[sflag:s22] =	ssyncadd.s32 @p2 $0xFFFFF830;
	(pc) =	sbr.rel @p3 .LBB2_8-.Ltmp4, $4  }
0x1ba: {  	_ =	swait.ge [sflag:s5], $0x1F40  }
0x1bb: {  	[sflag:s5] =	ssyncset.done $0x0  }
0x1bc: {  	s24 =	sadd.s32 $0x5380, s18;
	[sflag:s5] =	ssyncadd.s32 $0xFFFFE0C0  }
0x1bd: {  	[spmem:s2] =	stream.indirect.scatter.add.f32 [tilespmem:s0], [sflag:$0x8], $0x40, s24, s29, $0xb8;
	[tilespmem:$0x1F6D0] =	vst v63  }
.Ltmp5:
0x1be: {  	(pc) =	sbr.rel .LBB2_6-.Ltmp5, $4  }
0x1bf: {  	_ =	swait.ge [sflag:s6], $0x1F40  }
0x1c0: {  	s4 =	sadd.s32 $0x480, s18;
	[sflag:s6] =	ssyncset.done $0x0  }
0x1c1: {  	s16 =	sadd.s32 $0x1, s16;
	s17 =	sadd.s32 $0x800, s17;
	[sflag:s6] =	ssyncadd.s32 $0xFFFFE0C0  }
0x1c2: {  	[tilespmem:s31], [sflag:$0x2] =	stream.indirect.gather [hbm4b:s21+s29], $0x40, s4, s29, $0xb8;
	[tilespmem:$0x1F6D0] =	vst v63  }
.LBB2_9:
0x1c3: {  	_ =	sfence.sel $0x180000  }
0x1c4: {  	[bflag:$0x0] =	sbarrier.arrive $0xFFFF  }
0x1c5: {  	_ =	strace $0x90000047  }
0x1c6: {  	s0 =	stileid.u32;
	[bflag:$0x2] =	sbarrier.arrive $0xFFFF  }
0x1c7: {  	p0 =	sne.s32 s0, $0x0;
	s0 =	rddreg [dreg:$0x3]  }
0x1c8: {  	s0 =	sadd.s32 @!p0 $0x100000, s0  }
0x1c9: {  	[sflag:s0] =	ssyncadd.tile.s32 @!p0 $0x1;
	_ =	shalt  }
.Lfunc_end2:
_tile_overlayer_lowered:
.L_overlay_start_2:
0x1ca: {  	(tag) =	ssettag $0x2  }
0x1cb: {  	s0 =	rddreg [dreg:$0x0];
	s2 =	stileid.u32  }
0x1cc: {  	s1 =	rddreg [dreg:$0x1];
	p0 =	sne.s32 s2, $0x0  }
0x1cd: {  	s3 =	rddreg [dreg:$0x2];
	[bflag:$0x3] =	sbarrier.arrive $0xFFFF;
	s2 =	simm.s32 @!p0 $0x1C09  }
0x1ce: {  	[timem:s3], [sflag:s2] =	dma.local @!p0 [hbm:s0], s1  }
0x1cf: {  	s0 =	simm.s32 @!p0 $0x9  }
0x1d0: {  	_ =	swait.ge @!p0 [sflag:s0], s1  }
0x1d1: {  	s1 =	ssub.s32 @!p0 $0x0, s1;
	[sflag:s0] =	ssyncset.done @!p0 $0x0  }
0x1d2: {  	[sflag:s0] =	ssyncadd.s32 @!p0 s1  }
0x1d3: {  	[bflag:$0x3] =	sbarrier.arrive $0xFFFF  }
0x1d4: {  	_ =	shalt  }

</sc_bundles>
